<compile_context>
chip_gen: v7x
topology: tpu7x:2x2x1
jax: 0.10.2.dev20260603
libtpu: 0.0.44.dev20260713+nightly
codegen_flags: <defaults>
</compile_context>

<pallas_src>
import jax
import jax.numpy as jnp
from jax import lax
from jax.experimental import pallas as pl
from jax.experimental.pallas import tpu as pltpu
from jax.experimental.pallas import tpu_sc as plsc

_L = 16
_NC = 2
_NS = 16
_NW = _NC * _NS

_N = 100000
_NPAD = 100352
_NPS = _NPAD // _NS

_E = 6400000
_RT = _E // 128
_R = 16
_K = 97
_NBIG = 10
_QS = _K * _R + 8
_TAIL = 8


def _mlp_body(x_ref, w1_ref, b1_ref, w2_ref, b2_ref, h_ref):
    xv = x_ref[...]
    acc = jnp.zeros_like(xv) + b2_ref[0]
    for j in range(4):
        acc = acc + w2_ref[j] * jnp.maximum(w1_ref[j] * xv + b1_ref[j], 0.0)
    h_ref[...] = acc


def _sc_body(h_hbm, z_hbm, e_hbm, psum_hbm, pcnt_hbm,
             h_vm, src_vm, dst_vm, val_vm, one_vm,
             sum_sh, cnt_sh, sem_in, sem_sc):
    cid = lax.axis_index("c")
    sid = lax.axis_index("s")
    wid = cid * _NS + sid
    nbase = sid * _NPS
    rbase = wid * _QS + 8 * jnp.minimum(wid, _NBIG)
    kw = jnp.where(wid < _NBIG, _K + 1, _K)

    pltpu.sync_copy(h_hbm, h_vm)
    pltpu.sync_copy(z_hbm.at[pl.ds(nbase, _NPS)], sum_sh.at[pl.ds(nbase, _NPS)])
    pltpu.sync_copy(z_hbm.at[pl.ds(nbase, _NPS)], cnt_sh.at[pl.ds(nbase, _NPS)])

    one16 = jnp.ones((_L,), jnp.float32)
    for v in range(128 // _L):
        one_vm[pl.ds(v * _L, _L)] = one16

    plsc.subcore_barrier()

    def fire_input(k):
        b2 = lax.rem(k, 2)
        b3 = lax.rem(k, 3)
        pltpu.async_copy(e_hbm.at[0, pl.ds(rbase + k * _R, _R)],
                         src_vm.at[b2], sem_in)
        pltpu.async_copy(e_hbm.at[1, pl.ds(rbase + k * _R, _R)],
                         dst_vm.at[b3], sem_in)

    def wait_input(k):
        b2 = lax.rem(k, 2)
        b3 = lax.rem(k, 3)
        pltpu.make_async_copy(e_hbm.at[0, pl.ds(rbase + k * _R, _R)],
                              src_vm.at[b2], sem_in).wait()
        pltpu.make_async_copy(e_hbm.at[1, pl.ds(rbase + k * _R, _R)],
                              dst_vm.at[b3], sem_in).wait()

    def gather_row(b2, b3, r):
        for v in range(128 // _L):
            sv = src_vm[b2, r, pl.ds(v * _L, _L)]
            val_vm[b3, r, pl.ds(v * _L, _L)] = plsc.load_gather(h_vm, [sv])

    def fire_row(b3, r):
        pltpu.async_copy(val_vm.at[b3, r], sum_sh.at[dst_vm.at[b3, r]],
                         sem_sc, add=True)
        pltpu.async_copy(one_vm, cnt_sh.at[dst_vm.at[b3, r]],
                         sem_sc, add=True)

    def drain_row(b3, r):
        pltpu.make_async_copy(val_vm.at[b3, r], sum_sh.at[dst_vm.at[b3, r]],
                              sem_sc).wait()
        pltpu.make_async_copy(one_vm, cnt_sh.at[dst_vm.at[b3, r]],
                              sem_sc).wait()

    def drain_chunk(k):
        b3 = lax.rem(k, 3)

        def drain_group(g, dcarry):
            for j in range(8):
                drain_row(b3, g * 8 + j)
            return dcarry
        lax.fori_loop(0, _R // 8, drain_group, 0)

    fire_input(0)

    def chunk_body(k, carry):
        b2 = lax.rem(k, 2)
        b3 = lax.rem(k, 3)
        wait_input(k)

        @pl.when(k >= 2)
        def _():
            drain_chunk(k - 2)

        @pl.when(k + 1 < kw)
        def _():
            fire_input(k + 1)

        @plsc.parallel_loop(0, _R, unroll=2)
        def _gather_all(r):
            gather_row(b2, b3, r)

        def fire_group(g, fcarry):
            for j in range(8):
                fire_row(b3, g * 8 + j)
            return fcarry
        lax.fori_loop(0, _R // 8, fire_group, 0)
        return carry
    lax.fori_loop(0, kw, chunk_body, 0)

    b2t = lax.rem(kw, 2)
    b3t = lax.rem(kw, 3)

    @pl.when(wid >= _NBIG)
    def _():
        pltpu.sync_copy(e_hbm.at[0, pl.ds(rbase + _K * _R, _TAIL)],
                        src_vm.at[b2t, pl.ds(0, _TAIL)])
        pltpu.sync_copy(e_hbm.at[1, pl.ds(rbase + _K * _R, _TAIL)],
                        dst_vm.at[b3t, pl.ds(0, _TAIL)])
        for r in range(_TAIL):
            gather_row(b2t, b3t, r)
            fire_row(b3t, r)

    drain_chunk(kw - 2)
    drain_chunk(kw - 1)

    @pl.when(wid >= _NBIG)
    def _():
        for r in range(_TAIL):
            drain_row(b3t, r)

    plsc.subcore_barrier()

    pltpu.sync_copy(sum_sh.at[pl.ds(nbase, _NPS)],
                    psum_hbm.at[cid, pl.ds(nbase, _NPS)])
    pltpu.sync_copy(cnt_sh.at[pl.ds(nbase, _NPS)],
                    pcnt_hbm.at[cid, pl.ds(nbase, _NPS)])


def _make_sc_call():
    mesh = plsc.VectorSubcoreMesh(core_axis_name="c", subcore_axis_name="s",
                                  num_cores=_NC, num_subcores=_NS)
    return pl.kernel(
        _sc_body,
        out_type=(
            jax.ShapeDtypeStruct((_NC, _NPAD), jnp.float32),
            jax.ShapeDtypeStruct((_NC, _NPAD), jnp.float32),
        ),
        mesh=mesh,
        compiler_params=pltpu.CompilerParams(needs_layout_passes=False),
        scratch_types=[
            pltpu.VMEM((_NPAD,), jnp.float32),
            pltpu.VMEM((2, _R, 128), jnp.int32),
            pltpu.VMEM((3, _R, 128), jnp.int32),
            pltpu.VMEM((3, _R, 128), jnp.float32),
            pltpu.VMEM((128,), jnp.float32),
            pltpu.VMEM_SHARED((_NPAD,), jnp.float32),
            pltpu.VMEM_SHARED((_NPAD,), jnp.float32),
            pltpu.SemaphoreType.DMA,
            pltpu.SemaphoreType.DMA,
        ],
    )


def _combine_body(ps_ref, pc_ref, w_ref, o_ref):
    s = ps_ref[0] + ps_ref[1]
    c = pc_ref[0] + pc_ref[1]
    o_ref[...] = (s / jnp.maximum(c, 1.0)) * w_ref[0]


def kernel(x, edge_index, W1, b1, W2, b2, Wsage):
    xpad = jnp.zeros((_NPAD,), jnp.float32).at[:_N].set(x[:, 0])
    e3 = edge_index.reshape(2, _RT, 128)

    h = pl.pallas_call(
        _mlp_body,
        out_shape=jax.ShapeDtypeStruct((_NPAD // 128, 128), jnp.float32),
        in_specs=[
            pl.BlockSpec(memory_space=pltpu.VMEM),
            pl.BlockSpec(memory_space=pltpu.SMEM),
            pl.BlockSpec(memory_space=pltpu.SMEM),
            pl.BlockSpec(memory_space=pltpu.SMEM),
            pl.BlockSpec(memory_space=pltpu.SMEM),
        ],
        out_specs=pl.BlockSpec(memory_space=pltpu.VMEM),
    )(xpad.reshape(_NPAD // 128, 128), W1[:, 0], b1, W2[0], b2)

    zeros = jnp.zeros((_NPAD,), jnp.float32)
    psum, pcnt = _make_sc_call()(h.reshape(_NPAD), zeros, e3)

    comb = pl.pallas_call(
        _combine_body,
        out_shape=jax.ShapeDtypeStruct((_NPAD // 128, 128), jnp.float32),
        in_specs=[
            pl.BlockSpec(memory_space=pltpu.VMEM),
            pl.BlockSpec(memory_space=pltpu.VMEM),
            pl.BlockSpec(memory_space=pltpu.SMEM),
        ],
        out_specs=pl.BlockSpec(memory_space=pltpu.VMEM),
    )(psum.reshape(_NC, _NPAD // 128, 128),
      pcnt.reshape(_NC, _NPAD // 128, 128),
      Wsage[0])

    return comb.reshape(_NPAD)[:_N].reshape(_N, 1)

# --- scband reference (transcript-rebuilt; emitter-appended) ---
"""Pipeline reference for scband-gcn-6923487281238 (READ-ONLY COPY).

The authoritative reference and input builder live on the scoring server;
editing this copy changes nothing except your own understanding.
"""

import jax, jax.numpy as jnp
import numpy as np

N = 100000
E = 6400000

def setup_inputs(seed: int = 0) -> dict:
    key = jax.random.key(seed)
    k1, k2, k3, k4, k5, k6, k7 = jax.random.split(key, 7)
    x = jax.random.normal(k1, (N, 1), dtype=jnp.float32)
    edge_index = jax.random.randint(k2, (2, E), 0, N, dtype=jnp.int32)
    W1 = jax.random.normal(k3, (4, 1), dtype=jnp.float32) * 0.5
    b1 = jax.random.normal(k4, (4,), dtype=jnp.float32) * 0.1
    W2 = jax.random.normal(k5, (1, 4), dtype=jnp.float32) * 0.5
    b2 = jax.random.normal(k6, (1,), dtype=jnp.float32) * 0.1
    Wsage = jax.random.normal(k7, (1, 1), dtype=jnp.float32) * 0.5
    return {"x": x, "edge_index": edge_index, "W1": W1, "b1": b1, "W2": W2, "b2": b2, "Wsage": Wsage}


def reference(x, edge_index, W1, b1, W2, b2, Wsage):
    # lin1 -> relu -> lin2
    h = jax.nn.relu(x @ W1.T + b1)
    h = h @ W2.T + b2
    # SAGEConv(1, 1, root_weight=False, bias=False), default mean aggregation
    src = edge_index[0]
    dst = edge_index[1]
    msg = jnp.take(h, src, axis=0)  # gather source node features per edge
    agg_sum = jax.ops.segment_sum(msg, dst, num_segments=N)
    cnt = jax.ops.segment_sum(jnp.ones((E, 1), dtype=jnp.float32), dst, num_segments=N)
    agg_mean = agg_sum / jnp.maximum(cnt, 1.0)
    out = agg_mean @ Wsage.T  # lin_l, no bias, no root weight
    return out

if __name__ == "__main__":
    import jax
    _d = setup_inputs()
    print(jax.jit(kernel)(*tuple(_d.values())))

</pallas_src>

<mosaic_0001>
#map = affine_map<(d0, d1) -> (0)>
#map1 = affine_map<(d0, d1) -> (0, 0, 0)>
#map2 = affine_map<(d0, d1) -> (0, 0)>
module attributes {stable_mosaic.version = 14 : i64} {
  func.func @_sc_body(%arg0: i32, %arg1: i32, %arg2: memref<100352xf32, #tpu.memory_space<hbm>>, %arg3: memref<100352xf32, #tpu.memory_space<hbm>>, %arg4: memref<2x50000x128xi32, #tpu.memory_space<hbm>>, %arg5: memref<2x100352xf32, #tpu.memory_space<hbm>>, %arg6: memref<2x100352xf32, #tpu.memory_space<hbm>>, %arg7: memref<100352xf32, #tpu.memory_space<vmem>>, %arg8: memref<2x16x128xi32, #tpu.memory_space<vmem>>, %arg9: memref<3x16x128xi32, #tpu.memory_space<vmem>>, %arg10: memref<3x16x128xf32, #tpu.memory_space<vmem>>, %arg11: memref<128xf32, #tpu.memory_space<vmem>>, %arg12: memref<100352xf32, #tpu.memory_space<vmem_shared>>, %arg13: memref<100352xf32, #tpu.memory_space<vmem_shared>>, %arg14: memref<!tpu.dma_semaphore, #tpu.memory_space<semaphore_mem>>, %arg15: memref<!tpu.dma_semaphore, #tpu.memory_space<semaphore_mem>>) attributes {dimension_semantics = [#tpu.dimension_semantics<core_parallel>, #tpu.dimension_semantics<subcore_parallel>], iteration_bounds = array<i64: 2, 16>, scalar_prefetch = 0 : i64, scratch_operands = 9 : i64, tpu.core_type = #tpu.core_type<sc_vector_subcore>, window_params = [{transform_indices = #map}, {transform_indices = #map}, {transform_indices = #map1}, {transform_indices = #map2}, {transform_indices = #map2}]} {
    %mul3A = arith.constant 16 : i32
    %mul3A_0 = arith.muli %arg0, %mul3A : i32
    %add3A = arith.addi %mul3A_0, %arg1 : i32
    %mul3A_1 = arith.constant 6272 : i32
    %mul3A_2 = arith.muli %arg1, %mul3A_1 : i32
    %mul3A_3 = arith.constant 1560 : i32
    %mul3A_4 = arith.muli %add3A, %mul3A_3 : i32
    %min3A = arith.constant 10 : i32
    %min3A_5 = arith.minsi %add3A, %min3A : i32
    %mul3A_6 = arith.constant 8 : i32
    %mul3A_7 = arith.muli %mul3A_6, %min3A_5 : i32
    %add3A_8 = arith.addi %mul3A_4, %mul3A_7 : i32
    %lt3A = arith.constant 10 : i32
    %lt3A_9 = arith.cmpi slt, %add3A, %lt3A : i32
    %jit3A = arith.constant 98 : i32
    %jit3A_10 = arith.constant 97 : i32
    %select_n3A = arith.select %lt3A_9, %jit3A, %jit3A_10 : i32
    "tpu.region"() ({
      %run_scoped3A = tpu.sem_alloc : memref<!tpu.dma_semaphore, #tpu.memory_space<semaphore_mem>>
      tpu.enqueue_dma source(%arg2 : memref<100352xf32, #tpu.memory_space<hbm>>) target(%arg7 : memref<100352xf32, #tpu.memory_space<vmem>>) target_semaphore(%run_scoped3A : memref<!tpu.dma_semaphore, #tpu.memory_space<semaphore_mem>>)
      tpu.wait_dma2 semaphore(%run_scoped3A : memref<!tpu.dma_semaphore, #tpu.memory_space<semaphore_mem>>) src(%arg2 : memref<100352xf32, #tpu.memory_space<hbm>>) dst(%arg7 : memref<100352xf32, #tpu.memory_space<vmem>>)
      tpu.yield
    }) : () -> ()
    "tpu.region"() ({
      %run_scoped3A = tpu.sem_alloc : memref<!tpu.dma_semaphore, #tpu.memory_space<semaphore_mem>>
      %dma_start3A_104 = tpu.memref_slice %arg12[%mul3A_2] : memref<100352xf32, #tpu.memory_space<vmem_shared>> -> memref<6272xf32, #tpu.memory_space<vmem_shared>>
      %dma_start3A_105 = tpu.memref_slice %arg3[%mul3A_2] : memref<100352xf32, #tpu.memory_space<hbm>> -> memref<6272xf32, #tpu.memory_space<hbm>>
      tpu.enqueue_dma source(%dma_start3A_105 : memref<6272xf32, #tpu.memory_space<hbm>>) target(%dma_start3A_104 : memref<6272xf32, #tpu.memory_space<vmem_shared>>) target_semaphore(%run_scoped3A : memref<!tpu.dma_semaphore, #tpu.memory_space<semaphore_mem>>)
      %dma_wait3A = tpu.memref_slice %arg12[%mul3A_2] : memref<100352xf32, #tpu.memory_space<vmem_shared>> -> memref<6272xf32, #tpu.memory_space<vmem_shared>>
      %dma_wait3A_106 = tpu.memref_slice %arg3[%mul3A_2] : memref<100352xf32, #tpu.memory_space<hbm>> -> memref<6272xf32, #tpu.memory_space<hbm>>
      tpu.wait_dma2 semaphore(%run_scoped3A : memref<!tpu.dma_semaphore, #tpu.memory_space<semaphore_mem>>) src(%dma_wait3A_106 : memref<6272xf32, #tpu.memory_space<hbm>>) dst(%dma_wait3A : memref<6272xf32, #tpu.memory_space<vmem_shared>>)
      tpu.yield
    }) : () -> ()
    "tpu.region"() ({
      %run_scoped3A = tpu.sem_alloc : memref<!tpu.dma_semaphore, #tpu.memory_space<semaphore_mem>>
      %dma_start3A_104 = tpu.memref_slice %arg13[%mul3A_2] : memref<100352xf32, #tpu.memory_space<vmem_shared>> -> memref<6272xf32, #tpu.memory_space<vmem_shared>>
      %dma_start3A_105 = tpu.memref_slice %arg3[%mul3A_2] : memref<100352xf32, #tpu.memory_space<hbm>> -> memref<6272xf32, #tpu.memory_space<hbm>>
      tpu.enqueue_dma source(%dma_start3A_105 : memref<6272xf32, #tpu.memory_space<hbm>>) target(%dma_start3A_104 : memref<6272xf32, #tpu.memory_space<vmem_shared>>) target_semaphore(%run_scoped3A : memref<!tpu.dma_semaphore, #tpu.memory_space<semaphore_mem>>)
      %dma_wait3A = tpu.memref_slice %arg13[%mul3A_2] : memref<100352xf32, #tpu.memory_space<vmem_shared>> -> memref<6272xf32, #tpu.memory_space<vmem_shared>>
      %dma_wait3A_106 = tpu.memref_slice %arg3[%mul3A_2] : memref<100352xf32, #tpu.memory_space<hbm>> -> memref<6272xf32, #tpu.memory_space<hbm>>
      tpu.wait_dma2 semaphore(%run_scoped3A : memref<!tpu.dma_semaphore, #tpu.memory_space<semaphore_mem>>) src(%dma_wait3A_106 : memref<6272xf32, #tpu.memory_space<hbm>>) dst(%dma_wait3A : memref<6272xf32, #tpu.memory_space<vmem_shared>>)
      tpu.yield
    }) : () -> ()
    %broadcast_in_dim3A = arith.constant 1.000000e+00 : f32
    %broadcast_in_dim3A_11 = vector.broadcast %broadcast_in_dim3A : f32 to vector<16xf32>
    %swap3A = arith.constant 0 : index
    %swap3A_12 = tpu.vector_load %arg11[%swap3A] {strides = array<i32>} : memref<128xf32, #tpu.memory_space<vmem>>, vector<16xf32>,
    tpu.vector_store %arg11[%swap3A], %broadcast_in_dim3A_11 {strides = array<i32>} : memref<128xf32, #tpu.memory_space<vmem>>, vector<16xf32>,
    %swap3A_13 = arith.constant 16 : index
    %swap3A_14 = tpu.vector_load %arg11[%swap3A_13] {strides = array<i32>} : memref<128xf32, #tpu.memory_space<vmem>>, vector<16xf32>,
    tpu.vector_store %arg11[%swap3A_13], %broadcast_in_dim3A_11 {strides = array<i32>} : memref<128xf32, #tpu.memory_space<vmem>>, vector<16xf32>,
    %swap3A_15 = arith.constant 32 : index
    %swap3A_16 = tpu.vector_load %arg11[%swap3A_15] {strides = array<i32>} : memref<128xf32, #tpu.memory_space<vmem>>, vector<16xf32>,
    tpu.vector_store %arg11[%swap3A_15], %broadcast_in_dim3A_11 {strides = array<i32>} : memref<128xf32, #tpu.memory_space<vmem>>, vector<16xf32>,
    %swap3A_17 = arith.constant 48 : index
    %swap3A_18 = tpu.vector_load %arg11[%swap3A_17] {strides = array<i32>} : memref<128xf32, #tpu.memory_space<vmem>>, vector<16xf32>,
    tpu.vector_store %arg11[%swap3A_17], %broadcast_in_dim3A_11 {strides = array<i32>} : memref<128xf32, #tpu.memory_space<vmem>>, vector<16xf32>,
    %swap3A_19 = arith.constant 64 : index
    %swap3A_20 = tpu.vector_load %arg11[%swap3A_19] {strides = array<i32>} : memref<128xf32, #tpu.memory_space<vmem>>, vector<16xf32>,
    tpu.vector_store %arg11[%swap3A_19], %broadcast_in_dim3A_11 {strides = array<i32>} : memref<128xf32, #tpu.memory_space<vmem>>, vector<16xf32>,
    %swap3A_21 = arith.constant 80 : index
    %swap3A_22 = tpu.vector_load %arg11[%swap3A_21] {strides = array<i32>} : memref<128xf32, #tpu.memory_space<vmem>>, vector<16xf32>,
    tpu.vector_store %arg11[%swap3A_21], %broadcast_in_dim3A_11 {strides = array<i32>} : memref<128xf32, #tpu.memory_space<vmem>>, vector<16xf32>,
    %swap3A_23 = arith.constant 96 : index
    %swap3A_24 = tpu.vector_load %arg11[%swap3A_23] {strides = array<i32>} : memref<128xf32, #tpu.memory_space<vmem>>, vector<16xf32>,
    tpu.vector_store %arg11[%swap3A_23], %broadcast_in_dim3A_11 {strides = array<i32>} : memref<128xf32, #tpu.memory_space<vmem>>, vector<16xf32>,
    %swap3A_25 = arith.constant 112 : index
    %swap3A_26 = tpu.vector_load %arg11[%swap3A_25] {strides = array<i32>} : memref<128xf32, #tpu.memory_space<vmem>>, vector<16xf32>,
    tpu.vector_store %arg11[%swap3A_25], %broadcast_in_dim3A_11 {strides = array<i32>} : memref<128xf32, #tpu.memory_space<vmem>>, vector<16xf32>,
    %barrier3A = arith.constant 0 : index
    tpu.barrier barrier_id(%barrier3A)
    %rem3A = arith.constant 0 : i32
    %rem3A_27 = arith.constant 2 : i32
    %rem3A_28 = arith.remsi %rem3A, %rem3A_27 : i32
    %rem3A_29 = arith.constant 0 : i32
    %rem3A_30 = arith.constant 3 : i32
    %rem3A_31 = arith.remsi %rem3A_29, %rem3A_30 : i32
    %add3A_32 = arith.constant 0 : i32
    %add3A_33 = arith.addi %add3A_8, %add3A_32 : i32
    %dma_start3A = arith.constant 0 : i32
    %dma_start3A_34 = arith.constant 0 : i32
    %dma_start3A_35 = arith.constant 0 : i32
    %dma_start3A_36 = tpu.memref_slice %arg8[%rem3A_28, %dma_start3A_34, %dma_start3A_35] : memref<2x16x128xi32, #tpu.memory_space<vmem>> -> memref<1x16x128xi32, #tpu.memory_space<vmem>>
    %dma_start3A_37 = tpu.memref_squeeze %dma_start3A_36 : memref<1x16x128xi32, #tpu.memory_space<vmem>> -> memref<16x128xi32, #tpu.memory_space<vmem>>
    %dma_start3A_38 = arith.constant 0 : i32
    %dma_start3A_39 = tpu.memref_slice %arg4[%dma_start3A, %add3A_33, %dma_start3A_38] : memref<2x50000x128xi32, #tpu.memory_space<hbm>> -> memref<1x16x128xi32, #tpu.memory_space<hbm>>
    %dma_start3A_40 = tpu.memref_squeeze %dma_start3A_39 : memref<1x16x128xi32, #tpu.memory_space<hbm>> -> memref<16x128xi32, #tpu.memory_space<hbm>>
    %dma_start3A_41 = arith.constant 0 : i32
    %dma_start3A_42 = arith.constant 0 : i32
    %dma_start3A_43 = tpu.memref_slice %arg8[%rem3A_28, %dma_start3A_41, %dma_start3A_42] : memref<2x16x128xi32, #tpu.memory_space<vmem>> -> memref<1x16x128xi32, #tpu.memory_space<vmem>>
    %dma_start3A_44 = tpu.memref_squeeze %dma_start3A_43 : memref<1x16x128xi32, #tpu.memory_space<vmem>> -> memref<16x128xi32, #tpu.memory_space<vmem>>
    %dma_start3A_45 = arith.constant 0 : i32
    %dma_start3A_46 = tpu.memref_slice %arg4[%dma_start3A, %add3A_33, %dma_start3A_45] : memref<2x50000x128xi32, #tpu.memory_space<hbm>> -> memref<1x16x128xi32, #tpu.memory_space<hbm>>
    %dma_start3A_47 = tpu.memref_squeeze %dma_start3A_46 : memref<1x16x128xi32, #tpu.memory_space<hbm>> -> memref<16x128xi32, #tpu.memory_space<hbm>>
    tpu.enqueue_dma source(%dma_start3A_47 : memref<16x128xi32, #tpu.memory_space<hbm>>) target(%dma_start3A_44 : memref<16x128xi32, #tpu.memory_space<vmem>>) target_semaphore(%arg14 : memref<!tpu.dma_semaphore, #tpu.memory_space<semaphore_mem>>)
    %add3A_48 = arith.constant 0 : i32
    %add3A_49 = arith.addi %add3A_8, %add3A_48 : i32
    %dma_start3A_50 = arith.constant 1 : i32
    %dma_start3A_51 = arith.constant 0 : i32
    %dma_start3A_52 = arith.constant 0 : i32
    %dma_start3A_53 = tpu.memref_slice %arg9[%rem3A_31, %dma_start3A_51, %dma_start3A_52] : memref<3x16x128xi32, #tpu.memory_space<vmem>> -> memref<1x16x128xi32, #tpu.memory_space<vmem>>
    %dma_start3A_54 = tpu.memref_squeeze %dma_start3A_53 : memref<1x16x128xi32, #tpu.memory_space<vmem>> -> memref<16x128xi32, #tpu.memory_space<vmem>>
    %dma_start3A_55 = arith.constant 0 : i32
    %dma_start3A_56 = tpu.memref_slice %arg4[%dma_start3A_50, %add3A_49, %dma_start3A_55] : memref<2x50000x128xi32, #tpu.memory_space<hbm>> -> memref<1x16x128xi32, #tpu.memory_space<hbm>>
    %dma_start3A_57 = tpu.memref_squeeze %dma_start3A_56 : memref<1x16x128xi32, #tpu.memory_space<hbm>> -> memref<16x128xi32, #tpu.memory_space<hbm>>
    %dma_start3A_58 = arith.constant 0 : i32
    %dma_start3A_59 = arith.constant 0 : i32
    %dma_start3A_60 = tpu.memref_slice %arg9[%rem3A_31, %dma_start3A_58, %dma_start3A_59] : memref<3x16x128xi32, #tpu.memory_space<vmem>> -> memref<1x16x128xi32, #tpu.memory_space<vmem>>
    %dma_start3A_61 = tpu.memref_squeeze %dma_start3A_60 : memref<1x16x128xi32, #tpu.memory_space<vmem>> -> memref<16x128xi32, #tpu.memory_space<vmem>>
    %dma_start3A_62 = arith.constant 0 : i32
    %dma_start3A_63 = tpu.memref_slice %arg4[%dma_start3A_50, %add3A_49, %dma_start3A_62] : memref<2x50000x128xi32, #tpu.memory_space<hbm>> -> memref<1x16x128xi32, #tpu.memory_space<hbm>>
    %dma_start3A_64 = tpu.memref_squeeze %dma_start3A_63 : memref<1x16x128xi32, #tpu.memory_space<hbm>> -> memref<16x128xi32, #tpu.memory_space<hbm>>
    tpu.enqueue_dma source(%dma_start3A_64 : memref<16x128xi32, #tpu.memory_space<hbm>>) target(%dma_start3A_61 : memref<16x128xi32, #tpu.memory_space<vmem>>) target_semaphore(%arg14 : memref<!tpu.dma_semaphore, #tpu.memory_space<semaphore_mem>>)
    %while3A = arith.constant 0 : i32
    %while3A_65 = arith.constant 0 : i32
    %while3A_66 = arith.subi %select_n3A, %while3A_65 : i32
    %while3A_67 = arith.addi %while3A_65, %while3A_66 : i32
    %while3A_68 = arith.constant 1 : i32
    %while3A_69 = arith.divsi %while3A_66, %while3A_68 : i32
    %while3A_70 = arith.muli %while3A_69, %while3A_68 : i32
    %while3A_71 = arith.addi %while3A_65, %while3A_70 : i32
    %while3A_72 = arith.constant 1 : i32
    scf.for %while3A_104 = %while3A_65 to %while3A_71 step %while3A_72  : i32 {
      %rem3A_105 = arith.constant 2 : i32
      %rem3A_106 = arith.remsi %while3A_104, %rem3A_105 : i32
      %rem3A_107 = arith.constant 3 : i32
      %rem3A_108 = arith.remsi %while3A_104, %rem3A_107 : i32
      %rem3A_109 = arith.constant 2 : i32
      %rem3A_110 = arith.remsi %while3A_104, %rem3A_109 : i32
      %rem3A_111 = arith.constant 3 : i32
      %rem3A_112 = arith.remsi %while3A_104, %rem3A_111 : i32
      %mul3A_113 = arith.constant 16 : i32
      %mul3A_114 = arith.muli %while3A_104, %mul3A_113 : i32
      %add3A_115 = arith.addi %add3A_8, %mul3A_114 : i32
      %dma_wait3A = arith.constant 0 : i32
      %dma_wait3A_116 = arith.constant 0 : i32
      %dma_wait3A_117 = arith.constant 0 : i32
      %dma_wait3A_118 = tpu.memref_slice %arg8[%rem3A_110, %dma_wait3A_116, %dma_wait3A_117] : memref<2x16x128xi32, #tpu.memory_space<vmem>> -> memref<1x16x128xi32, #tpu.memory_space<vmem>>
      %dma_wait3A_119 = tpu.memref_squeeze %dma_wait3A_118 : memref<1x16x128xi32, #tpu.memory_space<vmem>> -> memref<16x128xi32, #tpu.memory_space<vmem>>
      %dma_wait3A_120 = arith.constant 0 : i32
      %dma_wait3A_121 = tpu.memref_slice %arg4[%dma_wait3A, %add3A_115, %dma_wait3A_120] : memref<2x50000x128xi32, #tpu.memory_space<hbm>> -> memref<1x16x128xi32, #tpu.memory_space<hbm>>
      %dma_wait3A_122 = tpu.memref_squeeze %dma_wait3A_121 : memref<1x16x128xi32, #tpu.memory_space<hbm>> -> memref<16x128xi32, #tpu.memory_space<hbm>>
      %dma_wait3A_123 = arith.constant 0 : i32
      %dma_wait3A_124 = arith.constant 0 : i32
      %dma_wait3A_125 = tpu.memref_slice %arg8[%rem3A_110, %dma_wait3A_123, %dma_wait3A_124] : memref<2x16x128xi32, #tpu.memory_space<vmem>> -> memref<1x16x128xi32, #tpu.memory_space<vmem>>
      %dma_wait3A_126 = tpu.memref_squeeze %dma_wait3A_125 : memref<1x16x128xi32, #tpu.memory_space<vmem>> -> memref<16x128xi32, #tpu.memory_space<vmem>>
      %dma_wait3A_127 = arith.constant 0 : i32
      %dma_wait3A_128 = tpu.memref_slice %arg4[%dma_wait3A, %add3A_115, %dma_wait3A_127] : memref<2x50000x128xi32, #tpu.memory_space<hbm>> -> memref<1x16x128xi32, #tpu.memory_space<hbm>>
      %dma_wait3A_129 = tpu.memref_squeeze %dma_wait3A_128 : memref<1x16x128xi32, #tpu.memory_space<hbm>> -> memref<16x128xi32, #tpu.memory_space<hbm>>
      tpu.wait_dma2 semaphore(%arg14 : memref<!tpu.dma_semaphore, #tpu.memory_space<semaphore_mem>>) src(%dma_wait3A_129 : memref<16x128xi32, #tpu.memory_space<hbm>>) dst(%dma_wait3A_126 : memref<16x128xi32, #tpu.memory_space<vmem>>)
      %mul3A_130 = arith.constant 16 : i32
      %mul3A_131 = arith.muli %while3A_104, %mul3A_130 : i32
      %add3A_132 = arith.addi %add3A_8, %mul3A_131 : i32
      %dma_wait3A_133 = arith.constant 1 : i32
      %dma_wait3A_134 = arith.constant 0 : i32
      %dma_wait3A_135 = arith.constant 0 : i32
      %dma_wait3A_136 = tpu.memref_slice %arg9[%rem3A_112, %dma_wait3A_134, %dma_wait3A_135] : memref<3x16x128xi32, #tpu.memory_space<vmem>> -> memref<1x16x128xi32, #tpu.memory_space<vmem>>
      %dma_wait3A_137 = tpu.memref_squeeze %dma_wait3A_136 : memref<1x16x128xi32, #tpu.memory_space<vmem>> -> memref<16x128xi32, #tpu.memory_space<vmem>>
      %dma_wait3A_138 = arith.constant 0 : i32
      %dma_wait3A_139 = tpu.memref_slice %arg4[%dma_wait3A_133, %add3A_132, %dma_wait3A_138] : memref<2x50000x128xi32, #tpu.memory_space<hbm>> -> memref<1x16x128xi32, #tpu.memory_space<hbm>>
      %dma_wait3A_140 = tpu.memref_squeeze %dma_wait3A_139 : memref<1x16x128xi32, #tpu.memory_space<hbm>> -> memref<16x128xi32, #tpu.memory_space<hbm>>
      %dma_wait3A_141 = arith.constant 0 : i32
      %dma_wait3A_142 = arith.constant 0 : i32
      %dma_wait3A_143 = tpu.memref_slice %arg9[%rem3A_112, %dma_wait3A_141, %dma_wait3A_142] : memref<3x16x128xi32, #tpu.memory_space<vmem>> -> memref<1x16x128xi32, #tpu.memory_space<vmem>>
      %dma_wait3A_144 = tpu.memref_squeeze %dma_wait3A_143 : memref<1x16x128xi32, #tpu.memory_space<vmem>> -> memref<16x128xi32, #tpu.memory_space<vmem>>
      %dma_wait3A_145 = arith.constant 0 : i32
      %dma_wait3A_146 = tpu.memref_slice %arg4[%dma_wait3A_133, %add3A_132, %dma_wait3A_145] : memref<2x50000x128xi32, #tpu.memory_space<hbm>> -> memref<1x16x128xi32, #tpu.memory_space<hbm>>
      %dma_wait3A_147 = tpu.memref_squeeze %dma_wait3A_146 : memref<1x16x128xi32, #tpu.memory_space<hbm>> -> memref<16x128xi32, #tpu.memory_space<hbm>>
      tpu.wait_dma2 semaphore(%arg14 : memref<!tpu.dma_semaphore, #tpu.memory_space<semaphore_mem>>) src(%dma_wait3A_147 : memref<16x128xi32, #tpu.memory_space<hbm>>) dst(%dma_wait3A_144 : memref<16x128xi32, #tpu.memory_space<vmem>>)
      %ge3A_148 = arith.constant 2 : i32
      %ge3A_149 = arith.cmpi sge, %while3A_104, %ge3A_148 : i32
      %convert_element_type3A_150 = arith.extui %ge3A_149 : i1 to i32
      %cond3A_151 = arith.constant 0 : i32
      %cond3A_152 = arith.cmpi ne, %convert_element_type3A_150, %cond3A_151 : i32
      scf.if %cond3A_152 {
        %sub3A_167 = arith.constant 2 : i32
        %sub3A_168 = arith.subi %while3A_104, %sub3A_167 : i32
        %rem3A_169 = arith.constant 3 : i32
        %rem3A_170 = arith.remsi %sub3A_168, %rem3A_169 : i32
        %scan3A_171 = arith.constant 0 : i32
        %scan3A_172 = arith.constant 0 : i32
        %scan3A_173 = arith.constant 2 : i32
        %scan3A_174 = arith.addi %scan3A_172, %scan3A_173 : i32
        %scan3A_175 = arith.constant 1 : i32
        scf.for %scan3A_177 = %scan3A_172 to %scan3A_174 step %scan3A_175  : i32 {
          %mul3A_178 = arith.constant 8 : i32
          %mul3A_179 = arith.muli %scan3A_177, %mul3A_178 : i32
          %add3A_180 = arith.constant 0 : i32
          %add3A_181 = arith.addi %mul3A_179, %add3A_180 : i32
          %dma_wait3A_182 = arith.constant 0 : i32
          %dma_wait3A_183 = tpu.memref_slice %arg10[%rem3A_170, %add3A_181, %dma_wait3A_182] : memref<3x16x128xf32, #tpu.memory_space<vmem>> -> memref<1x1x128xf32, #tpu.memory_space<vmem>>
          %dma_wait3A_184 = tpu.memref_squeeze %dma_wait3A_183 : memref<1x1x128xf32, #tpu.memory_space<vmem>> -> memref<128xf32, #tpu.memory_space<vmem>>
          %dma_wait3A_185 = arith.constant 0 : i32
          %dma_wait3A_186 = tpu.memref_slice %arg9[%rem3A_170, %add3A_181, %dma_wait3A_185] : memref<3x16x128xi32, #tpu.memory_space<vmem>> -> memref<1x1x128xi32, #tpu.memory_space<vmem>>
          %dma_wait3A_187 = tpu.memref_squeeze %dma_wait3A_186 : memref<1x1x128xi32, #tpu.memory_space<vmem>> -> memref<128xi32, #tpu.memory_space<vmem>>
          %dma_wait3A_188 = arith.constant 0 : i32
          %dma_wait3A_189 = tpu.memref_slice %arg12[%dma_wait3A_188] : memref<100352xf32, #tpu.memory_space<vmem_shared>> -> memref<100352xf32, #tpu.memory_space<vmem_shared>>
          tpu.wait_indirect_dma semaphore(%arg15 : memref<!tpu.dma_semaphore, #tpu.memory_space<semaphore_mem>>) src(%dma_wait3A_184 : memref<128xf32, #tpu.memory_space<vmem>>) dst(%dma_wait3A_189 : memref<100352xf32, #tpu.memory_space<vmem_shared>>)
          %dma_wait3A_190 = arith.constant 0 : i32
          %dma_wait3A_191 = tpu.memref_slice %arg9[%rem3A_170, %add3A_181, %dma_wait3A_190] : memref<3x16x128xi32, #tpu.memory_space<vmem>> -> memref<1x1x128xi32, #tpu.memory_space<vmem>>
          %dma_wait3A_192 = tpu.memref_squeeze %dma_wait3A_191 : memref<1x1x128xi32, #tpu.memory_space<vmem>> -> memref<128xi32, #tpu.memory_space<vmem>>
          %dma_wait3A_193 = arith.constant 0 : i32
          %dma_wait3A_194 = tpu.memref_slice %arg13[%dma_wait3A_193] : memref<100352xf32, #tpu.memory_space<vmem_shared>> -> memref<100352xf32, #tpu.memory_space<vmem_shared>>
          tpu.wait_indirect_dma semaphore(%arg15 : memref<!tpu.dma_semaphore, #tpu.memory_space<semaphore_mem>>) src(%arg11 : memref<128xf32, #tpu.memory_space<vmem>>) dst(%dma_wait3A_194 : memref<100352xf32, #tpu.memory_space<vmem_shared>>)
          %mul3A_195 = arith.constant 8 : i32
          %mul3A_196 = arith.muli %scan3A_177, %mul3A_195 : i32
          %add3A_197 = arith.constant 1 : i32
          %add3A_198 = arith.addi %mul3A_196, %add3A_197 : i32
          %dma_wait3A_199 = arith.constant 0 : i32
          %dma_wait3A_200 = tpu.memref_slice %arg10[%rem3A_170, %add3A_198, %dma_wait3A_199] : memref<3x16x128xf32, #tpu.memory_space<vmem>> -> memref<1x1x128xf32, #tpu.memory_space<vmem>>
          %dma_wait3A_201 = tpu.memref_squeeze %dma_wait3A_200 : memref<1x1x128xf32, #tpu.memory_space<vmem>> -> memref<128xf32, #tpu.memory_space<vmem>>
          %dma_wait3A_202 = arith.constant 0 : i32
          %dma_wait3A_203 = tpu.memref_slice %arg9[%rem3A_170, %add3A_198, %dma_wait3A_202] : memref<3x16x128xi32, #tpu.memory_space<vmem>> -> memref<1x1x128xi32, #tpu.memory_space<vmem>>
          %dma_wait3A_204 = tpu.memref_squeeze %dma_wait3A_203 : memref<1x1x128xi32, #tpu.memory_space<vmem>> -> memref<128xi32, #tpu.memory_space<vmem>>
          %dma_wait3A_205 = arith.constant 0 : i32
          %dma_wait3A_206 = tpu.memref_slice %arg12[%dma_wait3A_205] : memref<100352xf32, #tpu.memory_space<vmem_shared>> -> memref<100352xf32, #tpu.memory_space<vmem_shared>>
          tpu.wait_indirect_dma semaphore(%arg15 : memref<!tpu.dma_semaphore, #tpu.memory_space<semaphore_mem>>) src(%dma_wait3A_201 : memref<128xf32, #tpu.memory_space<vmem>>) dst(%dma_wait3A_206 : memref<100352xf32, #tpu.memory_space<vmem_shared>>)
          %dma_wait3A_207 = arith.constant 0 : i32
          %dma_wait3A_208 = tpu.memref_slice %arg9[%rem3A_170, %add3A_198, %dma_wait3A_207] : memref<3x16x128xi32, #tpu.memory_space<vmem>> -> memref<1x1x128xi32, #tpu.memory_space<vmem>>
          %dma_wait3A_209 = tpu.memref_squeeze %dma_wait3A_208 : memref<1x1x128xi32, #tpu.memory_space<vmem>> -> memref<128xi32, #tpu.memory_space<vmem>>
          %dma_wait3A_210 = arith.constant 0 : i32
          %dma_wait3A_211 = tpu.memref_slice %arg13[%dma_wait3A_210] : memref<100352xf32, #tpu.memory_space<vmem_shared>> -> memref<100352xf32, #tpu.memory_space<vmem_shared>>
          tpu.wait_indirect_dma semaphore(%arg15 : memref<!tpu.dma_semaphore, #tpu.memory_space<semaphore_mem>>) src(%arg11 : memref<128xf32, #tpu.memory_space<vmem>>) dst(%dma_wait3A_211 : memref<100352xf32, #tpu.memory_space<vmem_shared>>)
          %mul3A_212 = arith.constant 8 : i32
          %mul3A_213 = arith.muli %scan3A_177, %mul3A_212 : i32
          %add3A_214 = arith.constant 2 : i32
          %add3A_215 = arith.addi %mul3A_213, %add3A_214 : i32
          %dma_wait3A_216 = arith.constant 0 : i32
          %dma_wait3A_217 = tpu.memref_slice %arg10[%rem3A_170, %add3A_215, %dma_wait3A_216] : memref<3x16x128xf32, #tpu.memory_space<vmem>> -> memref<1x1x128xf32, #tpu.memory_space<vmem>>
          %dma_wait3A_218 = tpu.memref_squeeze %dma_wait3A_217 : memref<1x1x128xf32, #tpu.memory_space<vmem>> -> memref<128xf32, #tpu.memory_space<vmem>>
          %dma_wait3A_219 = arith.constant 0 : i32
          %dma_wait3A_220 = tpu.memref_slice %arg9[%rem3A_170, %add3A_215, %dma_wait3A_219] : memref<3x16x128xi32, #tpu.memory_space<vmem>> -> memref<1x1x128xi32, #tpu.memory_space<vmem>>
          %dma_wait3A_221 = tpu.memref_squeeze %dma_wait3A_220 : memref<1x1x128xi32, #tpu.memory_space<vmem>> -> memref<128xi32, #tpu.memory_space<vmem>>
          %dma_wait3A_222 = arith.constant 0 : i32
          %dma_wait3A_223 = tpu.memref_slice %arg12[%dma_wait3A_222] : memref<100352xf32, #tpu.memory_space<vmem_shared>> -> memref<100352xf32, #tpu.memory_space<vmem_shared>>
          tpu.wait_indirect_dma semaphore(%arg15 : memref<!tpu.dma_semaphore, #tpu.memory_space<semaphore_mem>>) src(%dma_wait3A_218 : memref<128xf32, #tpu.memory_space<vmem>>) dst(%dma_wait3A_223 : memref<100352xf32, #tpu.memory_space<vmem_shared>>)
          %dma_wait3A_224 = arith.constant 0 : i32
          %dma_wait3A_225 = tpu.memref_slice %arg9[%rem3A_170, %add3A_215, %dma_wait3A_224] : memref<3x16x128xi32, #tpu.memory_space<vmem>> -> memref<1x1x128xi32, #tpu.memory_space<vmem>>
          %dma_wait3A_226 = tpu.memref_squeeze %dma_wait3A_225 : memref<1x1x128xi32, #tpu.memory_space<vmem>> -> memref<128xi32, #tpu.memory_space<vmem>>
          %dma_wait3A_227 = arith.constant 0 : i32
          %dma_wait3A_228 = tpu.memref_slice %arg13[%dma_wait3A_227] : memref<100352xf32, #tpu.memory_space<vmem_shared>> -> memref<100352xf32, #tpu.memory_space<vmem_shared>>
          tpu.wait_indirect_dma semaphore(%arg15 : memref<!tpu.dma_semaphore, #tpu.memory_space<semaphore_mem>>) src(%arg11 : memref<128xf32, #tpu.memory_space<vmem>>) dst(%dma_wait3A_228 : memref<100352xf32, #tpu.memory_space<vmem_shared>>)
          %mul3A_229 = arith.constant 8 : i32
          %mul3A_230 = arith.muli %scan3A_177, %mul3A_229 : i32
          %add3A_231 = arith.constant 3 : i32
          %add3A_232 = arith.addi %mul3A_230, %add3A_231 : i32
          %dma_wait3A_233 = arith.constant 0 : i32
          %dma_wait3A_234 = tpu.memref_slice %arg10[%rem3A_170, %add3A_232, %dma_wait3A_233] : memref<3x16x128xf32, #tpu.memory_space<vmem>> -> memref<1x1x128xf32, #tpu.memory_space<vmem>>
          %dma_wait3A_235 = tpu.memref_squeeze %dma_wait3A_234 : memref<1x1x128xf32, #tpu.memory_space<vmem>> -> memref<128xf32, #tpu.memory_space<vmem>>
          %dma_wait3A_236 = arith.constant 0 : i32
          %dma_wait3A_237 = tpu.memref_slice %arg9[%rem3A_170, %add3A_232, %dma_wait3A_236] : memref<3x16x128xi32, #tpu.memory_space<vmem>> -> memref<1x1x128xi32, #tpu.memory_space<vmem>>
          %dma_wait3A_238 = tpu.memref_squeeze %dma_wait3A_237 : memref<1x1x128xi32, #tpu.memory_space<vmem>> -> memref<128xi32, #tpu.memory_space<vmem>>
          %dma_wait3A_239 = arith.constant 0 : i32
          %dma_wait3A_240 = tpu.memref_slice %arg12[%dma_wait3A_239] : memref<100352xf32, #tpu.memory_space<vmem_shared>> -> memref<100352xf32, #tpu.memory_space<vmem_shared>>
          tpu.wait_indirect_dma semaphore(%arg15 : memref<!tpu.dma_semaphore, #tpu.memory_space<semaphore_mem>>) src(%dma_wait3A_235 : memref<128xf32, #tpu.memory_space<vmem>>) dst(%dma_wait3A_240 : memref<100352xf32, #tpu.memory_space<vmem_shared>>)
          %dma_wait3A_241 = arith.constant 0 : i32
          %dma_wait3A_242 = tpu.memref_slice %arg9[%rem3A_170, %add3A_232, %dma_wait3A_241] : memref<3x16x128xi32, #tpu.memory_space<vmem>> -> memref<1x1x128xi32, #tpu.memory_space<vmem>>
          %dma_wait3A_243 = tpu.memref_squeeze %dma_wait3A_242 : memref<1x1x128xi32, #tpu.memory_space<vmem>> -> memref<128xi32, #tpu.memory_space<vmem>>
          %dma_wait3A_244 = arith.constant 0 : i32
          %dma_wait3A_245 = tpu.memref_slice %arg13[%dma_wait3A_244] : memref<100352xf32, #tpu.memory_space<vmem_shared>> -> memref<100352xf32, #tpu.memory_space<vmem_shared>>
          tpu.wait_indirect_dma semaphore(%arg15 : memref<!tpu.dma_semaphore, #tpu.memory_space<semaphore_mem>>) src(%arg11 : memref<128xf32, #tpu.memory_space<vmem>>) dst(%dma_wait3A_245 : memref<100352xf32, #tpu.memory_space<vmem_shared>>)
          %mul3A_246 = arith.constant 8 : i32
          %mul3A_247 = arith.muli %scan3A_177, %mul3A_246 : i32
          %add3A_248 = arith.constant 4 : i32
          %add3A_249 = arith.addi %mul3A_247, %add3A_248 : i32
          %dma_wait3A_250 = arith.constant 0 : i32
          %dma_wait3A_251 = tpu.memref_slice %arg10[%rem3A_170, %add3A_249, %dma_wait3A_250] : memref<3x16x128xf32, #tpu.memory_space<vmem>> -> memref<1x1x128xf32, #tpu.memory_space<vmem>>
          %dma_wait3A_252 = tpu.memref_squeeze %dma_wait3A_251 : memref<1x1x128xf32, #tpu.memory_space<vmem>> -> memref<128xf32, #tpu.memory_space<vmem>>
          %dma_wait3A_253 = arith.constant 0 : i32
          %dma_wait3A_254 = tpu.memref_slice %arg9[%rem3A_170, %add3A_249, %dma_wait3A_253] : memref<3x16x128xi32, #tpu.memory_space<vmem>> -> memref<1x1x128xi32, #tpu.memory_space<vmem>>
          %dma_wait3A_255 = tpu.memref_squeeze %dma_wait3A_254 : memref<1x1x128xi32, #tpu.memory_space<vmem>> -> memref<128xi32, #tpu.memory_space<vmem>>
          %dma_wait3A_256 = arith.constant 0 : i32
          %dma_wait3A_257 = tpu.memref_slice %arg12[%dma_wait3A_256] : memref<100352xf32, #tpu.memory_space<vmem_shared>> -> memref<100352xf32, #tpu.memory_space<vmem_shared>>
          tpu.wait_indirect_dma semaphore(%arg15 : memref<!tpu.dma_semaphore, #tpu.memory_space<semaphore_mem>>) src(%dma_wait3A_252 : memref<128xf32, #tpu.memory_space<vmem>>) dst(%dma_wait3A_257 : memref<100352xf32, #tpu.memory_space<vmem_shared>>)
          %dma_wait3A_258 = arith.constant 0 : i32
          %dma_wait3A_259 = tpu.memref_slice %arg9[%rem3A_170, %add3A_249, %dma_wait3A_258] : memref<3x16x128xi32, #tpu.memory_space<vmem>> -> memref<1x1x128xi32, #tpu.memory_space<vmem>>
          %dma_wait3A_260 = tpu.memref_squeeze %dma_wait3A_259 : memref<1x1x128xi32, #tpu.memory_space<vmem>> -> memref<128xi32, #tpu.memory_space<vmem>>
          %dma_wait3A_261 = arith.constant 0 : i32
          %dma_wait3A_262 = tpu.memref_slice %arg13[%dma_wait3A_261] : memref<100352xf32, #tpu.memory_space<vmem_shared>> -> memref<100352xf32, #tpu.memory_space<vmem_shared>>
          tpu.wait_indirect_dma semaphore(%arg15 : memref<!tpu.dma_semaphore, #tpu.memory_space<semaphore_mem>>) src(%arg11 : memref<128xf32, #tpu.memory_space<vmem>>) dst(%dma_wait3A_262 : memref<100352xf32, #tpu.memory_space<vmem_shared>>)
          %mul3A_263 = arith.constant 8 : i32
          %mul3A_264 = arith.muli %scan3A_177, %mul3A_263 : i32
          %add3A_265 = arith.constant 5 : i32
          %add3A_266 = arith.addi %mul3A_264, %add3A_265 : i32
          %dma_wait3A_267 = arith.constant 0 : i32
          %dma_wait3A_268 = tpu.memref_slice %arg10[%rem3A_170, %add3A_266, %dma_wait3A_267] : memref<3x16x128xf32, #tpu.memory_space<vmem>> -> memref<1x1x128xf32, #tpu.memory_space<vmem>>
          %dma_wait3A_269 = tpu.memref_squeeze %dma_wait3A_268 : memref<1x1x128xf32, #tpu.memory_space<vmem>> -> memref<128xf32, #tpu.memory_space<vmem>>
          %dma_wait3A_270 = arith.constant 0 : i32
          %dma_wait3A_271 = tpu.memref_slice %arg9[%rem3A_170, %add3A_266, %dma_wait3A_270] : memref<3x16x128xi32, #tpu.memory_space<vmem>> -> memref<1x1x128xi32, #tpu.memory_space<vmem>>
          %dma_wait3A_272 = tpu.memref_squeeze %dma_wait3A_271 : memref<1x1x128xi32, #tpu.memory_space<vmem>> -> memref<128xi32, #tpu.memory_space<vmem>>
          %dma_wait3A_273 = arith.constant 0 : i32
          %dma_wait3A_274 = tpu.memref_slice %arg12[%dma_wait3A_273] : memref<100352xf32, #tpu.memory_space<vmem_shared>> -> memref<100352xf32, #tpu.memory_space<vmem_shared>>
          tpu.wait_indirect_dma semaphore(%arg15 : memref<!tpu.dma_semaphore, #tpu.memory_space<semaphore_mem>>) src(%dma_wait3A_269 : memref<128xf32, #tpu.memory_space<vmem>>) dst(%dma_wait3A_274 : memref<100352xf32, #tpu.memory_space<vmem_shared>>)
          %dma_wait3A_275 = arith.constant 0 : i32
          %dma_wait3A_276 = tpu.memref_slice %arg9[%rem3A_170, %add3A_266, %dma_wait3A_275] : memref<3x16x128xi32, #tpu.memory_space<vmem>> -> memref<1x1x128xi32, #tpu.memory_space<vmem>>
          %dma_wait3A_277 = tpu.memref_squeeze %dma_wait3A_276 : memref<1x1x128xi32, #tpu.memory_space<vmem>> -> memref<128xi32, #tpu.memory_space<vmem>>
          %dma_wait3A_278 = arith.constant 0 : i32
          %dma_wait3A_279 = tpu.memref_slice %arg13[%dma_wait3A_278] : memref<100352xf32, #tpu.memory_space<vmem_shared>> -> memref<100352xf32, #tpu.memory_space<vmem_shared>>
          tpu.wait_indirect_dma semaphore(%arg15 : memref<!tpu.dma_semaphore, #tpu.memory_space<semaphore_mem>>) src(%arg11 : memref<128xf32, #tpu.memory_space<vmem>>) dst(%dma_wait3A_279 : memref<100352xf32, #tpu.memory_space<vmem_shared>>)
          %mul3A_280 = arith.constant 8 : i32
          %mul3A_281 = arith.muli %scan3A_177, %mul3A_280 : i32
          %add3A_282 = arith.constant 6 : i32
          %add3A_283 = arith.addi %mul3A_281, %add3A_282 : i32
          %dma_wait3A_284 = arith.constant 0 : i32
          %dma_wait3A_285 = tpu.memref_slice %arg10[%rem3A_170, %add3A_283, %dma_wait3A_284] : memref<3x16x128xf32, #tpu.memory_space<vmem>> -> memref<1x1x128xf32, #tpu.memory_space<vmem>>
          %dma_wait3A_286 = tpu.memref_squeeze %dma_wait3A_285 : memref<1x1x128xf32, #tpu.memory_space<vmem>> -> memref<128xf32, #tpu.memory_space<vmem>>
          %dma_wait3A_287 = arith.constant 0 : i32
          %dma_wait3A_288 = tpu.memref_slice %arg9[%rem3A_170, %add3A_283, %dma_wait3A_287] : memref<3x16x128xi32, #tpu.memory_space<vmem>> -> memref<1x1x128xi32, #tpu.memory_space<vmem>>
          %dma_wait3A_289 = tpu.memref_squeeze %dma_wait3A_288 : memref<1x1x128xi32, #tpu.memory_space<vmem>> -> memref<128xi32, #tpu.memory_space<vmem>>
          %dma_wait3A_290 = arith.constant 0 : i32
          %dma_wait3A_291 = tpu.memref_slice %arg12[%dma_wait3A_290] : memref<100352xf32, #tpu.memory_space<vmem_shared>> -> memref<100352xf32, #tpu.memory_space<vmem_shared>>
          tpu.wait_indirect_dma semaphore(%arg15 : memref<!tpu.dma_semaphore, #tpu.memory_space<semaphore_mem>>) src(%dma_wait3A_286 : memref<128xf32, #tpu.memory_space<vmem>>) dst(%dma_wait3A_291 : memref<100352xf32, #tpu.memory_space<vmem_shared>>)
          %dma_wait3A_292 = arith.constant 0 : i32
          %dma_wait3A_293 = tpu.memref_slice %arg9[%rem3A_170, %add3A_283, %dma_wait3A_292] : memref<3x16x128xi32, #tpu.memory_space<vmem>> -> memref<1x1x128xi32, #tpu.memory_space<vmem>>
          %dma_wait3A_294 = tpu.memref_squeeze %dma_wait3A_293 : memref<1x1x128xi32, #tpu.memory_space<vmem>> -> memref<128xi32, #tpu.memory_space<vmem>>
          %dma_wait3A_295 = arith.constant 0 : i32
          %dma_wait3A_296 = tpu.memref_slice %arg13[%dma_wait3A_295] : memref<100352xf32, #tpu.memory_space<vmem_shared>> -> memref<100352xf32, #tpu.memory_space<vmem_shared>>
          tpu.wait_indirect_dma semaphore(%arg15 : memref<!tpu.dma_semaphore, #tpu.memory_space<semaphore_mem>>) src(%arg11 : memref<128xf32, #tpu.memory_space<vmem>>) dst(%dma_wait3A_296 : memref<100352xf32, #tpu.memory_space<vmem_shared>>)
          %mul3A_297 = arith.constant 8 : i32
          %mul3A_298 = arith.muli %scan3A_177, %mul3A_297 : i32
          %add3A_299 = arith.constant 7 : i32
          %add3A_300 = arith.addi %mul3A_298, %add3A_299 : i32
          %dma_wait3A_301 = arith.constant 0 : i32
          %dma_wait3A_302 = tpu.memref_slice %arg10[%rem3A_170, %add3A_300, %dma_wait3A_301] : memref<3x16x128xf32, #tpu.memory_space<vmem>> -> memref<1x1x128xf32, #tpu.memory_space<vmem>>
          %dma_wait3A_303 = tpu.memref_squeeze %dma_wait3A_302 : memref<1x1x128xf32, #tpu.memory_space<vmem>> -> memref<128xf32, #tpu.memory_space<vmem>>
          %dma_wait3A_304 = arith.constant 0 : i32
          %dma_wait3A_305 = tpu.memref_slice %arg9[%rem3A_170, %add3A_300, %dma_wait3A_304] : memref<3x16x128xi32, #tpu.memory_space<vmem>> -> memref<1x1x128xi32, #tpu.memory_space<vmem>>
          %dma_wait3A_306 = tpu.memref_squeeze %dma_wait3A_305 : memref<1x1x128xi32, #tpu.memory_space<vmem>> -> memref<128xi32, #tpu.memory_space<vmem>>
          %dma_wait3A_307 = arith.constant 0 : i32
          %dma_wait3A_308 = tpu.memref_slice %arg12[%dma_wait3A_307] : memref<100352xf32, #tpu.memory_space<vmem_shared>> -> memref<100352xf32, #tpu.memory_space<vmem_shared>>
          tpu.wait_indirect_dma semaphore(%arg15 : memref<!tpu.dma_semaphore, #tpu.memory_space<semaphore_mem>>) src(%dma_wait3A_303 : memref<128xf32, #tpu.memory_space<vmem>>) dst(%dma_wait3A_308 : memref<100352xf32, #tpu.memory_space<vmem_shared>>)
          %dma_wait3A_309 = arith.constant 0 : i32
          %dma_wait3A_310 = tpu.memref_slice %arg9[%rem3A_170, %add3A_300, %dma_wait3A_309] : memref<3x16x128xi32, #tpu.memory_space<vmem>> -> memref<1x1x128xi32, #tpu.memory_space<vmem>>
          %dma_wait3A_311 = tpu.memref_squeeze %dma_wait3A_310 : memref<1x1x128xi32, #tpu.memory_space<vmem>> -> memref<128xi32, #tpu.memory_space<vmem>>
          %dma_wait3A_312 = arith.constant 0 : i32
          %dma_wait3A_313 = tpu.memref_slice %arg13[%dma_wait3A_312] : memref<100352xf32, #tpu.memory_space<vmem_shared>> -> memref<100352xf32, #tpu.memory_space<vmem_shared>>
          tpu.wait_indirect_dma semaphore(%arg15 : memref<!tpu.dma_semaphore, #tpu.memory_space<semaphore_mem>>) src(%arg11 : memref<128xf32, #tpu.memory_space<vmem>>) dst(%dma_wait3A_313 : memref<100352xf32, #tpu.memory_space<vmem_shared>>)
        }
        %scan3A_176 = arith.constant 2 : i32
      } else {
      }
      %add3A_153 = arith.constant 1 : i32
      %add3A_154 = arith.addi %while3A_104, %add3A_153 : i32
      %lt3A_155 = arith.cmpi slt, %add3A_154, %select_n3A : i32
      %convert_element_type3A_156 = arith.extui %lt3A_155 : i1 to i32
      %cond3A_157 = arith.constant 0 : i32
      %cond3A_158 = arith.cmpi ne, %convert_element_type3A_156, %cond3A_157 : i32
      scf.if %cond3A_158 {
        %add3A_167 = arith.constant 1 : i32
        %add3A_168 = arith.addi %while3A_104, %add3A_167 : i32
        %rem3A_169 = arith.constant 2 : i32
        %rem3A_170 = arith.remsi %add3A_168, %rem3A_169 : i32
        %rem3A_171 = arith.constant 3 : i32
        %rem3A_172 = arith.remsi %add3A_168, %rem3A_171 : i32
        %mul3A_173 = arith.constant 16 : i32
        %mul3A_174 = arith.muli %add3A_168, %mul3A_173 : i32
        %add3A_175 = arith.addi %add3A_8, %mul3A_174 : i32
        %dma_start3A_176 = arith.constant 0 : i32
        %dma_start3A_177 = arith.constant 0 : i32
        %dma_start3A_178 = arith.constant 0 : i32
        %dma_start3A_179 = tpu.memref_slice %arg8[%rem3A_170, %dma_start3A_177, %dma_start3A_178] : memref<2x16x128xi32, #tpu.memory_space<vmem>> -> memref<1x16x128xi32, #tpu.memory_space<vmem>>
        %dma_start3A_180 = tpu.memref_squeeze %dma_start3A_179 : memref<1x16x128xi32, #tpu.memory_space<vmem>> -> memref<16x128xi32, #tpu.memory_space<vmem>>
        %dma_start3A_181 = arith.constant 0 : i32
        %dma_start3A_182 = tpu.memref_slice %arg4[%dma_start3A_176, %add3A_175, %dma_start3A_181] : memref<2x50000x128xi32, #tpu.memory_space<hbm>> -> memref<1x16x128xi32, #tpu.memory_space<hbm>>
        %dma_start3A_183 = tpu.memref_squeeze %dma_start3A_182 : memref<1x16x128xi32, #tpu.memory_space<hbm>> -> memref<16x128xi32, #tpu.memory_space<hbm>>
        %dma_start3A_184 = arith.constant 0 : i32
        %dma_start3A_185 = arith.constant 0 : i32
        %dma_start3A_186 = tpu.memref_slice %arg8[%rem3A_170, %dma_start3A_184, %dma_start3A_185] : memref<2x16x128xi32, #tpu.memory_space<vmem>> -> memref<1x16x128xi32, #tpu.memory_space<vmem>>
        %dma_start3A_187 = tpu.memref_squeeze %dma_start3A_186 : memref<1x16x128xi32, #tpu.memory_space<vmem>> -> memref<16x128xi32, #tpu.memory_space<vmem>>
        %dma_start3A_188 = arith.constant 0 : i32
        %dma_start3A_189 = tpu.memref_slice %arg4[%dma_start3A_176, %add3A_175, %dma_start3A_188] : memref<2x50000x128xi32, #tpu.memory_space<hbm>> -> memref<1x16x128xi32, #tpu.memory_space<hbm>>
        %dma_start3A_190 = tpu.memref_squeeze %dma_start3A_189 : memref<1x16x128xi32, #tpu.memory_space<hbm>> -> memref<16x128xi32, #tpu.memory_space<hbm>>
        tpu.enqueue_dma source(%dma_start3A_190 : memref<16x128xi32, #tpu.memory_space<hbm>>) target(%dma_start3A_187 : memref<16x128xi32, #tpu.memory_space<vmem>>) target_semaphore(%arg14 : memref<!tpu.dma_semaphore, #tpu.memory_space<semaphore_mem>>)
        %mul3A_191 = arith.constant 16 : i32
        %mul3A_192 = arith.muli %add3A_168, %mul3A_191 : i32
        %add3A_193 = arith.addi %add3A_8, %mul3A_192 : i32
        %dma_start3A_194 = arith.constant 1 : i32
        %dma_start3A_195 = arith.constant 0 : i32
        %dma_start3A_196 = arith.constant 0 : i32
        %dma_start3A_197 = tpu.memref_slice %arg9[%rem3A_172, %dma_start3A_195, %dma_start3A_196] : memref<3x16x128xi32, #tpu.memory_space<vmem>> -> memref<1x16x128xi32, #tpu.memory_space<vmem>>
        %dma_start3A_198 = tpu.memref_squeeze %dma_start3A_197 : memref<1x16x128xi32, #tpu.memory_space<vmem>> -> memref<16x128xi32, #tpu.memory_space<vmem>>
        %dma_start3A_199 = arith.constant 0 : i32
        %dma_start3A_200 = tpu.memref_slice %arg4[%dma_start3A_194, %add3A_193, %dma_start3A_199] : memref<2x50000x128xi32, #tpu.memory_space<hbm>> -> memref<1x16x128xi32, #tpu.memory_space<hbm>>
        %dma_start3A_201 = tpu.memref_squeeze %dma_start3A_200 : memref<1x16x128xi32, #tpu.memory_space<hbm>> -> memref<16x128xi32, #tpu.memory_space<hbm>>
        %dma_start3A_202 = arith.constant 0 : i32
        %dma_start3A_203 = arith.constant 0 : i32
        %dma_start3A_204 = tpu.memref_slice %arg9[%rem3A_172, %dma_start3A_202, %dma_start3A_203] : memref<3x16x128xi32, #tpu.memory_space<vmem>> -> memref<1x16x128xi32, #tpu.memory_space<vmem>>
        %dma_start3A_205 = tpu.memref_squeeze %dma_start3A_204 : memref<1x16x128xi32, #tpu.memory_space<vmem>> -> memref<16x128xi32, #tpu.memory_space<vmem>>
        %dma_start3A_206 = arith.constant 0 : i32
        %dma_start3A_207 = tpu.memref_slice %arg4[%dma_start3A_194, %add3A_193, %dma_start3A_206] : memref<2x50000x128xi32, #tpu.memory_space<hbm>> -> memref<1x16x128xi32, #tpu.memory_space<hbm>>
        %dma_start3A_208 = tpu.memref_squeeze %dma_start3A_207 : memref<1x16x128xi32, #tpu.memory_space<hbm>> -> memref<16x128xi32, #tpu.memory_space<hbm>>
        tpu.enqueue_dma source(%dma_start3A_208 : memref<16x128xi32, #tpu.memory_space<hbm>>) target(%dma_start3A_205 : memref<16x128xi32, #tpu.memory_space<vmem>>) target_semaphore(%arg14 : memref<!tpu.dma_semaphore, #tpu.memory_space<semaphore_mem>>)
      } else {
      }
      %parallel_loop3A = arith.constant 0 : i32
      %parallel_loop3A_159 = arith.constant 16 : i32
      %parallel_loop3A_160 = arith.constant 1 : i32
      scf.for %parallel_loop3A_167 = %parallel_loop3A to %parallel_loop3A_159 step %parallel_loop3A_160  : i32 {
        %parallel_loop3A_168 = arith.index_cast %rem3A_106 : i32 to index
        %parallel_loop3A_169 = arith.index_cast %parallel_loop3A_167 : i32 to index
        %parallel_loop3A_170 = arith.constant 0 : index
        %parallel_loop3A_171 = tpu.vector_load %arg8[%parallel_loop3A_168, %parallel_loop3A_169, %parallel_loop3A_170] {strides = array<i32>} : memref<2x16x128xi32, #tpu.memory_space<vmem>>, vector<16xi32>,
        %parallel_loop3A_172 = tpu.vector_load_idx %arg7[%parallel_loop3A_171] : memref<100352xf32, #tpu.memory_space<vmem>>[vector<16xi32>], vector<16xf32>,
        %parallel_loop3A_173 = arith.index_cast %rem3A_108 : i32 to index
        %parallel_loop3A_174 = arith.index_cast %parallel_loop3A_167 : i32 to index
        %parallel_loop3A_175 = arith.constant 0 : index
        %parallel_loop3A_176 = tpu.vector_load %arg10[%parallel_loop3A_173, %parallel_loop3A_174, %parallel_loop3A_175] {strides = array<i32>} : memref<3x16x128xf32, #tpu.memory_space<vmem>>, vector<16xf32>,
        tpu.vector_store %arg10[%parallel_loop3A_173, %parallel_loop3A_174, %parallel_loop3A_175], %parallel_loop3A_172 {strides = array<i32>} : memref<3x16x128xf32, #tpu.memory_space<vmem>>, vector<16xf32>,
        %parallel_loop3A_177 = arith.index_cast %rem3A_106 : i32 to index
        %parallel_loop3A_178 = arith.index_cast %parallel_loop3A_167 : i32 to index
        %parallel_loop3A_179 = arith.constant 16 : index
        %parallel_loop3A_180 = tpu.vector_load %arg8[%parallel_loop3A_177, %parallel_loop3A_178, %parallel_loop3A_179] {strides = array<i32>} : memref<2x16x128xi32, #tpu.memory_space<vmem>>, vector<16xi32>,
        %parallel_loop3A_181 = tpu.vector_load_idx %arg7[%parallel_loop3A_180] : memref<100352xf32, #tpu.memory_space<vmem>>[vector<16xi32>], vector<16xf32>,
        %parallel_loop3A_182 = arith.index_cast %rem3A_108 : i32 to index
        %parallel_loop3A_183 = arith.index_cast %parallel_loop3A_167 : i32 to index
        %parallel_loop3A_184 = arith.constant 16 : index
        %parallel_loop3A_185 = tpu.vector_load %arg10[%parallel_loop3A_182, %parallel_loop3A_183, %parallel_loop3A_184] {strides = array<i32>} : memref<3x16x128xf32, #tpu.memory_space<vmem>>, vector<16xf32>,
        tpu.vector_store %arg10[%parallel_loop3A_182, %parallel_loop3A_183, %parallel_loop3A_184], %parallel_loop3A_181 {strides = array<i32>} : memref<3x16x128xf32, #tpu.memory_space<vmem>>, vector<16xf32>,
        %parallel_loop3A_186 = arith.index_cast %rem3A_106 : i32 to index
        %parallel_loop3A_187 = arith.index_cast %parallel_loop3A_167 : i32 to index
        %parallel_loop3A_188 = arith.constant 32 : index
        %parallel_loop3A_189 = tpu.vector_load %arg8[%parallel_loop3A_186, %parallel_loop3A_187, %parallel_loop3A_188] {strides = array<i32>} : memref<2x16x128xi32, #tpu.memory_space<vmem>>, vector<16xi32>,
        %parallel_loop3A_190 = tpu.vector_load_idx %arg7[%parallel_loop3A_189] : memref<100352xf32, #tpu.memory_space<vmem>>[vector<16xi32>], vector<16xf32>,
        %parallel_loop3A_191 = arith.index_cast %rem3A_108 : i32 to index
        %parallel_loop3A_192 = arith.index_cast %parallel_loop3A_167 : i32 to index
        %parallel_loop3A_193 = arith.constant 32 : index
        %parallel_loop3A_194 = tpu.vector_load %arg10[%parallel_loop3A_191, %parallel_loop3A_192, %parallel_loop3A_193] {strides = array<i32>} : memref<3x16x128xf32, #tpu.memory_space<vmem>>, vector<16xf32>,
        tpu.vector_store %arg10[%parallel_loop3A_191, %parallel_loop3A_192, %parallel_loop3A_193], %parallel_loop3A_190 {strides = array<i32>} : memref<3x16x128xf32, #tpu.memory_space<vmem>>, vector<16xf32>,
        %parallel_loop3A_195 = arith.index_cast %rem3A_106 : i32 to index
        %parallel_loop3A_196 = arith.index_cast %parallel_loop3A_167 : i32 to index
        %parallel_loop3A_197 = arith.constant 48 : index
        %parallel_loop3A_198 = tpu.vector_load %arg8[%parallel_loop3A_195, %parallel_loop3A_196, %parallel_loop3A_197] {strides = array<i32>} : memref<2x16x128xi32, #tpu.memory_space<vmem>>, vector<16xi32>,
        %parallel_loop3A_199 = tpu.vector_load_idx %arg7[%parallel_loop3A_198] : memref<100352xf32, #tpu.memory_space<vmem>>[vector<16xi32>], vector<16xf32>,
        %parallel_loop3A_200 = arith.index_cast %rem3A_108 : i32 to index
        %parallel_loop3A_201 = arith.index_cast %parallel_loop3A_167 : i32 to index
        %parallel_loop3A_202 = arith.constant 48 : index
        %parallel_loop3A_203 = tpu.vector_load %arg10[%parallel_loop3A_200, %parallel_loop3A_201, %parallel_loop3A_202] {strides = array<i32>} : memref<3x16x128xf32, #tpu.memory_space<vmem>>, vector<16xf32>,
        tpu.vector_store %arg10[%parallel_loop3A_200, %parallel_loop3A_201, %parallel_loop3A_202], %parallel_loop3A_199 {strides = array<i32>} : memref<3x16x128xf32, #tpu.memory_space<vmem>>, vector<16xf32>,
        %parallel_loop3A_204 = arith.index_cast %rem3A_106 : i32 to index
        %parallel_loop3A_205 = arith.index_cast %parallel_loop3A_167 : i32 to index
        %parallel_loop3A_206 = arith.constant 64 : index
        %parallel_loop3A_207 = tpu.vector_load %arg8[%parallel_loop3A_204, %parallel_loop3A_205, %parallel_loop3A_206] {strides = array<i32>} : memref<2x16x128xi32, #tpu.memory_space<vmem>>, vector<16xi32>,
        %parallel_loop3A_208 = tpu.vector_load_idx %arg7[%parallel_loop3A_207] : memref<100352xf32, #tpu.memory_space<vmem>>[vector<16xi32>], vector<16xf32>,
        %parallel_loop3A_209 = arith.index_cast %rem3A_108 : i32 to index
        %parallel_loop3A_210 = arith.index_cast %parallel_loop3A_167 : i32 to index
        %parallel_loop3A_211 = arith.constant 64 : index
        %parallel_loop3A_212 = tpu.vector_load %arg10[%parallel_loop3A_209, %parallel_loop3A_210, %parallel_loop3A_211] {strides = array<i32>} : memref<3x16x128xf32, #tpu.memory_space<vmem>>, vector<16xf32>,
        tpu.vector_store %arg10[%parallel_loop3A_209, %parallel_loop3A_210, %parallel_loop3A_211], %parallel_loop3A_208 {strides = array<i32>} : memref<3x16x128xf32, #tpu.memory_space<vmem>>, vector<16xf32>,
        %parallel_loop3A_213 = arith.index_cast %rem3A_106 : i32 to index
        %parallel_loop3A_214 = arith.index_cast %parallel_loop3A_167 : i32 to index
        %parallel_loop3A_215 = arith.constant 80 : index
        %parallel_loop3A_216 = tpu.vector_load %arg8[%parallel_loop3A_213, %parallel_loop3A_214, %parallel_loop3A_215] {strides = array<i32>} : memref<2x16x128xi32, #tpu.memory_space<vmem>>, vector<16xi32>,
        %parallel_loop3A_217 = tpu.vector_load_idx %arg7[%parallel_loop3A_216] : memref<100352xf32, #tpu.memory_space<vmem>>[vector<16xi32>], vector<16xf32>,
        %parallel_loop3A_218 = arith.index_cast %rem3A_108 : i32 to index
        %parallel_loop3A_219 = arith.index_cast %parallel_loop3A_167 : i32 to index
        %parallel_loop3A_220 = arith.constant 80 : index
        %parallel_loop3A_221 = tpu.vector_load %arg10[%parallel_loop3A_218, %parallel_loop3A_219, %parallel_loop3A_220] {strides = array<i32>} : memref<3x16x128xf32, #tpu.memory_space<vmem>>, vector<16xf32>,
        tpu.vector_store %arg10[%parallel_loop3A_218, %parallel_loop3A_219, %parallel_loop3A_220], %parallel_loop3A_217 {strides = array<i32>} : memref<3x16x128xf32, #tpu.memory_space<vmem>>, vector<16xf32>,
        %parallel_loop3A_222 = arith.index_cast %rem3A_106 : i32 to index
        %parallel_loop3A_223 = arith.index_cast %parallel_loop3A_167 : i32 to index
        %parallel_loop3A_224 = arith.constant 96 : index
        %parallel_loop3A_225 = tpu.vector_load %arg8[%parallel_loop3A_222, %parallel_loop3A_223, %parallel_loop3A_224] {strides = array<i32>} : memref<2x16x128xi32, #tpu.memory_space<vmem>>, vector<16xi32>,
        %parallel_loop3A_226 = tpu.vector_load_idx %arg7[%parallel_loop3A_225] : memref<100352xf32, #tpu.memory_space<vmem>>[vector<16xi32>], vector<16xf32>,
        %parallel_loop3A_227 = arith.index_cast %rem3A_108 : i32 to index
        %parallel_loop3A_228 = arith.index_cast %parallel_loop3A_167 : i32 to index
        %parallel_loop3A_229 = arith.constant 96 : index
        %parallel_loop3A_230 = tpu.vector_load %arg10[%parallel_loop3A_227, %parallel_loop3A_228, %parallel_loop3A_229] {strides = array<i32>} : memref<3x16x128xf32, #tpu.memory_space<vmem>>, vector<16xf32>,
        tpu.vector_store %arg10[%parallel_loop3A_227, %parallel_loop3A_228, %parallel_loop3A_229], %parallel_loop3A_226 {strides = array<i32>} : memref<3x16x128xf32, #tpu.memory_space<vmem>>, vector<16xf32>,
        %parallel_loop3A_231 = arith.index_cast %rem3A_106 : i32 to index
        %parallel_loop3A_232 = arith.index_cast %parallel_loop3A_167 : i32 to index
        %parallel_loop3A_233 = arith.constant 112 : index
        %parallel_loop3A_234 = tpu.vector_load %arg8[%parallel_loop3A_231, %parallel_loop3A_232, %parallel_loop3A_233] {strides = array<i32>} : memref<2x16x128xi32, #tpu.memory_space<vmem>>, vector<16xi32>,
        %parallel_loop3A_235 = tpu.vector_load_idx %arg7[%parallel_loop3A_234] : memref<100352xf32, #tpu.memory_space<vmem>>[vector<16xi32>], vector<16xf32>,
        %parallel_loop3A_236 = arith.index_cast %rem3A_108 : i32 to index
        %parallel_loop3A_237 = arith.index_cast %parallel_loop3A_167 : i32 to index
        %parallel_loop3A_238 = arith.constant 112 : index
        %parallel_loop3A_239 = tpu.vector_load %arg10[%parallel_loop3A_236, %parallel_loop3A_237, %parallel_loop3A_238] {strides = array<i32>} : memref<3x16x128xf32, #tpu.memory_space<vmem>>, vector<16xf32>,
        tpu.vector_store %arg10[%parallel_loop3A_236, %parallel_loop3A_237, %parallel_loop3A_238], %parallel_loop3A_235 {strides = array<i32>} : memref<3x16x128xf32, #tpu.memory_space<vmem>>, vector<16xf32>,
      } {sc.loop_unroll_factor = 2 : i64, sc.parallel_access}
      %scan3A_161 = arith.constant 0 : i32
      %scan3A_162 = arith.constant 0 : i32
      %scan3A_163 = arith.constant 2 : i32
      %scan3A_164 = arith.addi %scan3A_162, %scan3A_163 : i32
      %scan3A_165 = arith.constant 1 : i32
      scf.for %scan3A_167 = %scan3A_162 to %scan3A_164 step %scan3A_165  : i32 {
        %mul3A_168 = arith.constant 8 : i32
        %mul3A_169 = arith.muli %scan3A_167, %mul3A_168 : i32
        %add3A_170 = arith.constant 0 : i32
        %add3A_171 = arith.addi %mul3A_169, %add3A_170 : i32
        %dma_start3A_172 = arith.constant 0 : i32
        %dma_start3A_173 = tpu.memref_slice %arg10[%rem3A_108, %add3A_171, %dma_start3A_172] : memref<3x16x128xf32, #tpu.memory_space<vmem>> -> memref<1x1x128xf32, #tpu.memory_space<vmem>>
        %dma_start3A_174 = tpu.memref_squeeze %dma_start3A_173 : memref<1x1x128xf32, #tpu.memory_space<vmem>> -> memref<128xf32, #tpu.memory_space<vmem>>
        %dma_start3A_175 = arith.constant 0 : i32
        %dma_start3A_176 = tpu.memref_slice %arg9[%rem3A_108, %add3A_171, %dma_start3A_175] : memref<3x16x128xi32, #tpu.memory_space<vmem>> -> memref<1x1x128xi32, #tpu.memory_space<vmem>>
        %dma_start3A_177 = tpu.memref_squeeze %dma_start3A_176 : memref<1x1x128xi32, #tpu.memory_space<vmem>> -> memref<128xi32, #tpu.memory_space<vmem>>
        %dma_start3A_178 = arith.constant 0 : i32
        %dma_start3A_179 = tpu.memref_slice %arg12[%dma_start3A_178] : memref<100352xf32, #tpu.memory_space<vmem_shared>> -> memref<100352xf32, #tpu.memory_space<vmem_shared>>
        tpu.enqueue_indirect_dma source(%dma_start3A_174 : memref<128xf32, #tpu.memory_space<vmem>>) target(%dma_start3A_179 : memref<100352xf32, #tpu.memory_space<vmem_shared>>) offsets(%dma_start3A_177 : memref<128xi32, #tpu.memory_space<vmem>>) semaphore(%arg15 : memref<!tpu.dma_semaphore, #tpu.memory_space<semaphore_mem>>) {add = true}
        %dma_start3A_180 = arith.constant 0 : i32
        %dma_start3A_181 = tpu.memref_slice %arg9[%rem3A_108, %add3A_171, %dma_start3A_180] : memref<3x16x128xi32, #tpu.memory_space<vmem>> -> memref<1x1x128xi32, #tpu.memory_space<vmem>>
        %dma_start3A_182 = tpu.memref_squeeze %dma_start3A_181 : memref<1x1x128xi32, #tpu.memory_space<vmem>> -> memref<128xi32, #tpu.memory_space<vmem>>
        %dma_start3A_183 = arith.constant 0 : i32
        %dma_start3A_184 = tpu.memref_slice %arg13[%dma_start3A_183] : memref<100352xf32, #tpu.memory_space<vmem_shared>> -> memref<100352xf32, #tpu.memory_space<vmem_shared>>
        tpu.enqueue_indirect_dma source(%arg11 : memref<128xf32, #tpu.memory_space<vmem>>) target(%dma_start3A_184 : memref<100352xf32, #tpu.memory_space<vmem_shared>>) offsets(%dma_start3A_182 : memref<128xi32, #tpu.memory_space<vmem>>) semaphore(%arg15 : memref<!tpu.dma_semaphore, #tpu.memory_space<semaphore_mem>>) {add = true}
        %mul3A_185 = arith.constant 8 : i32
        %mul3A_186 = arith.muli %scan3A_167, %mul3A_185 : i32
        %add3A_187 = arith.constant 1 : i32
        %add3A_188 = arith.addi %mul3A_186, %add3A_187 : i32
        %dma_start3A_189 = arith.constant 0 : i32
        %dma_start3A_190 = tpu.memref_slice %arg10[%rem3A_108, %add3A_188, %dma_start3A_189] : memref<3x16x128xf32, #tpu.memory_space<vmem>> -> memref<1x1x128xf32, #tpu.memory_space<vmem>>
        %dma_start3A_191 = tpu.memref_squeeze %dma_start3A_190 : memref<1x1x128xf32, #tpu.memory_space<vmem>> -> memref<128xf32, #tpu.memory_space<vmem>>
        %dma_start3A_192 = arith.constant 0 : i32
        %dma_start3A_193 = tpu.memref_slice %arg9[%rem3A_108, %add3A_188, %dma_start3A_192] : memref<3x16x128xi32, #tpu.memory_space<vmem>> -> memref<1x1x128xi32, #tpu.memory_space<vmem>>
        %dma_start3A_194 = tpu.memref_squeeze %dma_start3A_193 : memref<1x1x128xi32, #tpu.memory_space<vmem>> -> memref<128xi32, #tpu.memory_space<vmem>>
        %dma_start3A_195 = arith.constant 0 : i32
        %dma_start3A_196 = tpu.memref_slice %arg12[%dma_start3A_195] : memref<100352xf32, #tpu.memory_space<vmem_shared>> -> memref<100352xf32, #tpu.memory_space<vmem_shared>>
        tpu.enqueue_indirect_dma source(%dma_start3A_191 : memref<128xf32, #tpu.memory_space<vmem>>) target(%dma_start3A_196 : memref<100352xf32, #tpu.memory_space<vmem_shared>>) offsets(%dma_start3A_194 : memref<128xi32, #tpu.memory_space<vmem>>) semaphore(%arg15 : memref<!tpu.dma_semaphore, #tpu.memory_space<semaphore_mem>>) {add = true}
        %dma_start3A_197 = arith.constant 0 : i32
        %dma_start3A_198 = tpu.memref_slice %arg9[%rem3A_108, %add3A_188, %dma_start3A_197] : memref<3x16x128xi32, #tpu.memory_space<vmem>> -> memref<1x1x128xi32, #tpu.memory_space<vmem>>
        %dma_start3A_199 = tpu.memref_squeeze %dma_start3A_198 : memref<1x1x128xi32, #tpu.memory_space<vmem>> -> memref<128xi32, #tpu.memory_space<vmem>>
        %dma_start3A_200 = arith.constant 0 : i32
        %dma_start3A_201 = tpu.memref_slice %arg13[%dma_start3A_200] : memref<100352xf32, #tpu.memory_space<vmem_shared>> -> memref<100352xf32, #tpu.memory_space<vmem_shared>>
        tpu.enqueue_indirect_dma source(%arg11 : memref<128xf32, #tpu.memory_space<vmem>>) target(%dma_start3A_201 : memref<100352xf32, #tpu.memory_space<vmem_shared>>) offsets(%dma_start3A_199 : memref<128xi32, #tpu.memory_space<vmem>>) semaphore(%arg15 : memref<!tpu.dma_semaphore, #tpu.memory_space<semaphore_mem>>) {add = true}
        %mul3A_202 = arith.constant 8 : i32
        %mul3A_203 = arith.muli %scan3A_167, %mul3A_202 : i32
        %add3A_204 = arith.constant 2 : i32
        %add3A_205 = arith.addi %mul3A_203, %add3A_204 : i32
        %dma_start3A_206 = arith.constant 0 : i32
        %dma_start3A_207 = tpu.memref_slice %arg10[%rem3A_108, %add3A_205, %dma_start3A_206] : memref<3x16x128xf32, #tpu.memory_space<vmem>> -> memref<1x1x128xf32, #tpu.memory_space<vmem>>
        %dma_start3A_208 = tpu.memref_squeeze %dma_start3A_207 : memref<1x1x128xf32, #tpu.memory_space<vmem>> -> memref<128xf32, #tpu.memory_space<vmem>>
        %dma_start3A_209 = arith.constant 0 : i32
        %dma_start3A_210 = tpu.memref_slice %arg9[%rem3A_108, %add3A_205, %dma_start3A_209] : memref<3x16x128xi32, #tpu.memory_space<vmem>> -> memref<1x1x128xi32, #tpu.memory_space<vmem>>
        %dma_start3A_211 = tpu.memref_squeeze %dma_start3A_210 : memref<1x1x128xi32, #tpu.memory_space<vmem>> -> memref<128xi32, #tpu.memory_space<vmem>>
        %dma_start3A_212 = arith.constant 0 : i32
        %dma_start3A_213 = tpu.memref_slice %arg12[%dma_start3A_212] : memref<100352xf32, #tpu.memory_space<vmem_shared>> -> memref<100352xf32, #tpu.memory_space<vmem_shared>>
        tpu.enqueue_indirect_dma source(%dma_start3A_208 : memref<128xf32, #tpu.memory_space<vmem>>) target(%dma_start3A_213 : memref<100352xf32, #tpu.memory_space<vmem_shared>>) offsets(%dma_start3A_211 : memref<128xi32, #tpu.memory_space<vmem>>) semaphore(%arg15 : memref<!tpu.dma_semaphore, #tpu.memory_space<semaphore_mem>>) {add = true}
        %dma_start3A_214 = arith.constant 0 : i32
        %dma_start3A_215 = tpu.memref_slice %arg9[%rem3A_108, %add3A_205, %dma_start3A_214] : memref<3x16x128xi32, #tpu.memory_space<vmem>> -> memref<1x1x128xi32, #tpu.memory_space<vmem>>
        %dma_start3A_216 = tpu.memref_squeeze %dma_start3A_215 : memref<1x1x128xi32, #tpu.memory_space<vmem>> -> memref<128xi32, #tpu.memory_space<vmem>>
        %dma_start3A_217 = arith.constant 0 : i32
        %dma_start3A_218 = tpu.memref_slice %arg13[%dma_start3A_217] : memref<100352xf32, #tpu.memory_space<vmem_shared>> -> memref<100352xf32, #tpu.memory_space<vmem_shared>>
        tpu.enqueue_indirect_dma source(%arg11 : memref<128xf32, #tpu.memory_space<vmem>>) target(%dma_start3A_218 : memref<100352xf32, #tpu.memory_space<vmem_shared>>) offsets(%dma_start3A_216 : memref<128xi32, #tpu.memory_space<vmem>>) semaphore(%arg15 : memref<!tpu.dma_semaphore, #tpu.memory_space<semaphore_mem>>) {add = true}
        %mul3A_219 = arith.constant 8 : i32
        %mul3A_220 = arith.muli %scan3A_167, %mul3A_219 : i32
        %add3A_221 = arith.constant 3 : i32
        %add3A_222 = arith.addi %mul3A_220, %add3A_221 : i32
        %dma_start3A_223 = arith.constant 0 : i32
        %dma_start3A_224 = tpu.memref_slice %arg10[%rem3A_108, %add3A_222, %dma_start3A_223] : memref<3x16x128xf32, #tpu.memory_space<vmem>> -> memref<1x1x128xf32, #tpu.memory_space<vmem>>
        %dma_start3A_225 = tpu.memref_squeeze %dma_start3A_224 : memref<1x1x128xf32, #tpu.memory_space<vmem>> -> memref<128xf32, #tpu.memory_space<vmem>>
        %dma_start3A_226 = arith.constant 0 : i32
        %dma_start3A_227 = tpu.memref_slice %arg9[%rem3A_108, %add3A_222, %dma_start3A_226] : memref<3x16x128xi32, #tpu.memory_space<vmem>> -> memref<1x1x128xi32, #tpu.memory_space<vmem>>
        %dma_start3A_228 = tpu.memref_squeeze %dma_start3A_227 : memref<1x1x128xi32, #tpu.memory_space<vmem>> -> memref<128xi32, #tpu.memory_space<vmem>>
        %dma_start3A_229 = arith.constant 0 : i32
        %dma_start3A_230 = tpu.memref_slice %arg12[%dma_start3A_229] : memref<100352xf32, #tpu.memory_space<vmem_shared>> -> memref<100352xf32, #tpu.memory_space<vmem_shared>>
        tpu.enqueue_indirect_dma source(%dma_start3A_225 : memref<128xf32, #tpu.memory_space<vmem>>) target(%dma_start3A_230 : memref<100352xf32, #tpu.memory_space<vmem_shared>>) offsets(%dma_start3A_228 : memref<128xi32, #tpu.memory_space<vmem>>) semaphore(%arg15 : memref<!tpu.dma_semaphore, #tpu.memory_space<semaphore_mem>>) {add = true}
        %dma_start3A_231 = arith.constant 0 : i32
        %dma_start3A_232 = tpu.memref_slice %arg9[%rem3A_108, %add3A_222, %dma_start3A_231] : memref<3x16x128xi32, #tpu.memory_space<vmem>> -> memref<1x1x128xi32, #tpu.memory_space<vmem>>
        %dma_start3A_233 = tpu.memref_squeeze %dma_start3A_232 : memref<1x1x128xi32, #tpu.memory_space<vmem>> -> memref<128xi32, #tpu.memory_space<vmem>>
        %dma_start3A_234 = arith.constant 0 : i32
        %dma_start3A_235 = tpu.memref_slice %arg13[%dma_start3A_234] : memref<100352xf32, #tpu.memory_space<vmem_shared>> -> memref<100352xf32, #tpu.memory_space<vmem_shared>>
        tpu.enqueue_indirect_dma source(%arg11 : memref<128xf32, #tpu.memory_space<vmem>>) target(%dma_start3A_235 : memref<100352xf32, #tpu.memory_space<vmem_shared>>) offsets(%dma_start3A_233 : memref<128xi32, #tpu.memory_space<vmem>>) semaphore(%arg15 : memref<!tpu.dma_semaphore, #tpu.memory_space<semaphore_mem>>) {add = true}
        %mul3A_236 = arith.constant 8 : i32
        %mul3A_237 = arith.muli %scan3A_167, %mul3A_236 : i32
        %add3A_238 = arith.constant 4 : i32
        %add3A_239 = arith.addi %mul3A_237, %add3A_238 : i32
        %dma_start3A_240 = arith.constant 0 : i32
        %dma_start3A_241 = tpu.memref_slice %arg10[%rem3A_108, %add3A_239, %dma_start3A_240] : memref<3x16x128xf32, #tpu.memory_space<vmem>> -> memref<1x1x128xf32, #tpu.memory_space<vmem>>
        %dma_start3A_242 = tpu.memref_squeeze %dma_start3A_241 : memref<1x1x128xf32, #tpu.memory_space<vmem>> -> memref<128xf32, #tpu.memory_space<vmem>>
        %dma_start3A_243 = arith.constant 0 : i32
        %dma_start3A_244 = tpu.memref_slice %arg9[%rem3A_108, %add3A_239, %dma_start3A_243] : memref<3x16x128xi32, #tpu.memory_space<vmem>> -> memref<1x1x128xi32, #tpu.memory_space<vmem>>
        %dma_start3A_245 = tpu.memref_squeeze %dma_start3A_244 : memref<1x1x128xi32, #tpu.memory_space<vmem>> -> memref<128xi32, #tpu.memory_space<vmem>>
        %dma_start3A_246 = arith.constant 0 : i32
        %dma_start3A_247 = tpu.memref_slice %arg12[%dma_start3A_246] : memref<100352xf32, #tpu.memory_space<vmem_shared>> -> memref<100352xf32, #tpu.memory_space<vmem_shared>>
        tpu.enqueue_indirect_dma source(%dma_start3A_242 : memref<128xf32, #tpu.memory_space<vmem>>) target(%dma_start3A_247 : memref<100352xf32, #tpu.memory_space<vmem_shared>>) offsets(%dma_start3A_245 : memref<128xi32, #tpu.memory_space<vmem>>) semaphore(%arg15 : memref<!tpu.dma_semaphore, #tpu.memory_space<semaphore_mem>>) {add = true}
        %dma_start3A_248 = arith.constant 0 : i32
        %dma_start3A_249 = tpu.memref_slice %arg9[%rem3A_108, %add3A_239, %dma_start3A_248] : memref<3x16x128xi32, #tpu.memory_space<vmem>> -> memref<1x1x128xi32, #tpu.memory_space<vmem>>
        %dma_start3A_250 = tpu.memref_squeeze %dma_start3A_249 : memref<1x1x128xi32, #tpu.memory_space<vmem>> -> memref<128xi32, #tpu.memory_space<vmem>>
        %dma_start3A_251 = arith.constant 0 : i32
        %dma_start3A_252 = tpu.memref_slice %arg13[%dma_start3A_251] : memref<100352xf32, #tpu.memory_space<vmem_shared>> -> memref<100352xf32, #tpu.memory_space<vmem_shared>>
        tpu.enqueue_indirect_dma source(%arg11 : memref<128xf32, #tpu.memory_space<vmem>>) target(%dma_start3A_252 : memref<100352xf32, #tpu.memory_space<vmem_shared>>) offsets(%dma_start3A_250 : memref<128xi32, #tpu.memory_space<vmem>>) semaphore(%arg15 : memref<!tpu.dma_semaphore, #tpu.memory_space<semaphore_mem>>) {add = true}
        %mul3A_253 = arith.constant 8 : i32
        %mul3A_254 = arith.muli %scan3A_167, %mul3A_253 : i32
        %add3A_255 = arith.constant 5 : i32
        %add3A_256 = arith.addi %mul3A_254, %add3A_255 : i32
        %dma_start3A_257 = arith.constant 0 : i32
        %dma_start3A_258 = tpu.memref_slice %arg10[%rem3A_108, %add3A_256, %dma_start3A_257] : memref<3x16x128xf32, #tpu.memory_space<vmem>> -> memref<1x1x128xf32, #tpu.memory_space<vmem>>
        %dma_start3A_259 = tpu.memref_squeeze %dma_start3A_258 : memref<1x1x128xf32, #tpu.memory_space<vmem>> -> memref<128xf32, #tpu.memory_space<vmem>>
        %dma_start3A_260 = arith.constant 0 : i32
        %dma_start3A_261 = tpu.memref_slice %arg9[%rem3A_108, %add3A_256, %dma_start3A_260] : memref<3x16x128xi32, #tpu.memory_space<vmem>> -> memref<1x1x128xi32, #tpu.memory_space<vmem>>
        %dma_start3A_262 = tpu.memref_squeeze %dma_start3A_261 : memref<1x1x128xi32, #tpu.memory_space<vmem>> -> memref<128xi32, #tpu.memory_space<vmem>>
        %dma_start3A_263 = arith.constant 0 : i32
        %dma_start3A_264 = tpu.memref_slice %arg12[%dma_start3A_263] : memref<100352xf32, #tpu.memory_space<vmem_shared>> -> memref<100352xf32, #tpu.memory_space<vmem_shared>>
        tpu.enqueue_indirect_dma source(%dma_start3A_259 : memref<128xf32, #tpu.memory_space<vmem>>) target(%dma_start3A_264 : memref<100352xf32, #tpu.memory_space<vmem_shared>>) offsets(%dma_start3A_262 : memref<128xi32, #tpu.memory_space<vmem>>) semaphore(%arg15 : memref<!tpu.dma_semaphore, #tpu.memory_space<semaphore_mem>>) {add = true}
        %dma_start3A_265 = arith.constant 0 : i32
        %dma_start3A_266 = tpu.memref_slice %arg9[%rem3A_108, %add3A_256, %dma_start3A_265] : memref<3x16x128xi32, #tpu.memory_space<vmem>> -> memref<1x1x128xi32, #tpu.memory_space<vmem>>
        %dma_start3A_267 = tpu.memref_squeeze %dma_start3A_266 : memref<1x1x128xi32, #tpu.memory_space<vmem>> -> memref<128xi32, #tpu.memory_space<vmem>>
        %dma_start3A_268 = arith.constant 0 : i32
        %dma_start3A_269 = tpu.memref_slice %arg13[%dma_start3A_268] : memref<100352xf32, #tpu.memory_space<vmem_shared>> -> memref<100352xf32, #tpu.memory_space<vmem_shared>>
        tpu.enqueue_indirect_dma source(%arg11 : memref<128xf32, #tpu.memory_space<vmem>>) target(%dma_start3A_269 : memref<100352xf32, #tpu.memory_space<vmem_shared>>) offsets(%dma_start3A_267 : memref<128xi32, #tpu.memory_space<vmem>>) semaphore(%arg15 : memref<!tpu.dma_semaphore, #tpu.memory_space<semaphore_mem>>) {add = true}
        %mul3A_270 = arith.constant 8 : i32
        %mul3A_271 = arith.muli %scan3A_167, %mul3A_270 : i32
        %add3A_272 = arith.constant 6 : i32
        %add3A_273 = arith.addi %mul3A_271, %add3A_272 : i32
        %dma_start3A_274 = arith.constant 0 : i32
        %dma_start3A_275 = tpu.memref_slice %arg10[%rem3A_108, %add3A_273, %dma_start3A_274] : memref<3x16x128xf32, #tpu.memory_space<vmem>> -> memref<1x1x128xf32, #tpu.memory_space<vmem>>
        %dma_start3A_276 = tpu.memref_squeeze %dma_start3A_275 : memref<1x1x128xf32, #tpu.memory_space<vmem>> -> memref<128xf32, #tpu.memory_space<vmem>>
        %dma_start3A_277 = arith.constant 0 : i32
        %dma_start3A_278 = tpu.memref_slice %arg9[%rem3A_108, %add3A_273, %dma_start3A_277] : memref<3x16x128xi32, #tpu.memory_space<vmem>> -> memref<1x1x128xi32, #tpu.memory_space<vmem>>
        %dma_start3A_279 = tpu.memref_squeeze %dma_start3A_278 : memref<1x1x128xi32, #tpu.memory_space<vmem>> -> memref<128xi32, #tpu.memory_space<vmem>>
        %dma_start3A_280 = arith.constant 0 : i32
        %dma_start3A_281 = tpu.memref_slice %arg12[%dma_start3A_280] : memref<100352xf32, #tpu.memory_space<vmem_shared>> -> memref<100352xf32, #tpu.memory_space<vmem_shared>>
        tpu.enqueue_indirect_dma source(%dma_start3A_276 : memref<128xf32, #tpu.memory_space<vmem>>) target(%dma_start3A_281 : memref<100352xf32, #tpu.memory_space<vmem_shared>>) offsets(%dma_start3A_279 : memref<128xi32, #tpu.memory_space<vmem>>) semaphore(%arg15 : memref<!tpu.dma_semaphore, #tpu.memory_space<semaphore_mem>>) {add = true}
        %dma_start3A_282 = arith.constant 0 : i32
        %dma_start3A_283 = tpu.memref_slice %arg9[%rem3A_108, %add3A_273, %dma_start3A_282] : memref<3x16x128xi32, #tpu.memory_space<vmem>> -> memref<1x1x128xi32, #tpu.memory_space<vmem>>
        %dma_start3A_284 = tpu.memref_squeeze %dma_start3A_283 : memref<1x1x128xi32, #tpu.memory_space<vmem>> -> memref<128xi32, #tpu.memory_space<vmem>>
        %dma_start3A_285 = arith.constant 0 : i32
        %dma_start3A_286 = tpu.memref_slice %arg13[%dma_start3A_285] : memref<100352xf32, #tpu.memory_space<vmem_shared>> -> memref<100352xf32, #tpu.memory_space<vmem_shared>>
        tpu.enqueue_indirect_dma source(%arg11 : memref<128xf32, #tpu.memory_space<vmem>>) target(%dma_start3A_286 : memref<100352xf32, #tpu.memory_space<vmem_shared>>) offsets(%dma_start3A_284 : memref<128xi32, #tpu.memory_space<vmem>>) semaphore(%arg15 : memref<!tpu.dma_semaphore, #tpu.memory_space<semaphore_mem>>) {add = true}
        %mul3A_287 = arith.constant 8 : i32
        %mul3A_288 = arith.muli %scan3A_167, %mul3A_287 : i32
        %add3A_289 = arith.constant 7 : i32
        %add3A_290 = arith.addi %mul3A_288, %add3A_289 : i32
        %dma_start3A_291 = arith.constant 0 : i32
        %dma_start3A_292 = tpu.memref_slice %arg10[%rem3A_108, %add3A_290, %dma_start3A_291] : memref<3x16x128xf32, #tpu.memory_space<vmem>> -> memref<1x1x128xf32, #tpu.memory_space<vmem>>
        %dma_start3A_293 = tpu.memref_squeeze %dma_start3A_292 : memref<1x1x128xf32, #tpu.memory_space<vmem>> -> memref<128xf32, #tpu.memory_space<vmem>>
        %dma_start3A_294 = arith.constant 0 : i32
        %dma_start3A_295 = tpu.memref_slice %arg9[%rem3A_108, %add3A_290, %dma_start3A_294] : memref<3x16x128xi32, #tpu.memory_space<vmem>> -> memref<1x1x128xi32, #tpu.memory_space<vmem>>
        %dma_start3A_296 = tpu.memref_squeeze %dma_start3A_295 : memref<1x1x128xi32, #tpu.memory_space<vmem>> -> memref<128xi32, #tpu.memory_space<vmem>>
        %dma_start3A_297 = arith.constant 0 : i32
        %dma_start3A_298 = tpu.memref_slice %arg12[%dma_start3A_297] : memref<100352xf32, #tpu.memory_space<vmem_shared>> -> memref<100352xf32, #tpu.memory_space<vmem_shared>>
        tpu.enqueue_indirect_dma source(%dma_start3A_293 : memref<128xf32, #tpu.memory_space<vmem>>) target(%dma_start3A_298 : memref<100352xf32, #tpu.memory_space<vmem_shared>>) offsets(%dma_start3A_296 : memref<128xi32, #tpu.memory_space<vmem>>) semaphore(%arg15 : memref<!tpu.dma_semaphore, #tpu.memory_space<semaphore_mem>>) {add = true}
        %dma_start3A_299 = arith.constant 0 : i32
        %dma_start3A_300 = tpu.memref_slice %arg9[%rem3A_108, %add3A_290, %dma_start3A_299] : memref<3x16x128xi32, #tpu.memory_space<vmem>> -> memref<1x1x128xi32, #tpu.memory_space<vmem>>
        %dma_start3A_301 = tpu.memref_squeeze %dma_start3A_300 : memref<1x1x128xi32, #tpu.memory_space<vmem>> -> memref<128xi32, #tpu.memory_space<vmem>>
        %dma_start3A_302 = arith.constant 0 : i32
        %dma_start3A_303 = tpu.memref_slice %arg13[%dma_start3A_302] : memref<100352xf32, #tpu.memory_space<vmem_shared>> -> memref<100352xf32, #tpu.memory_space<vmem_shared>>
        tpu.enqueue_indirect_dma source(%arg11 : memref<128xf32, #tpu.memory_space<vmem>>) target(%dma_start3A_303 : memref<100352xf32, #tpu.memory_space<vmem_shared>>) offsets(%dma_start3A_301 : memref<128xi32, #tpu.memory_space<vmem>>) semaphore(%arg15 : memref<!tpu.dma_semaphore, #tpu.memory_space<semaphore_mem>>) {add = true}
      }
      %scan3A_166 = arith.constant 2 : i32
    }
    %while3A_73 = arith.constant 1 : i32
    scf.for %while3A_104 = %while3A_71 to %while3A_67 step %while3A_73  : i32 {
      %rem3A_105 = arith.constant 2 : i32
      %rem3A_106 = arith.remsi %while3A_104, %rem3A_105 : i32
      %rem3A_107 = arith.constant 3 : i32
      %rem3A_108 = arith.remsi %while3A_104, %rem3A_107 : i32
      %rem3A_109 = arith.constant 2 : i32
      %rem3A_110 = arith.remsi %while3A_104, %rem3A_109 : i32
      %rem3A_111 = arith.constant 3 : i32
      %rem3A_112 = arith.remsi %while3A_104, %rem3A_111 : i32
      %mul3A_113 = arith.constant 16 : i32
      %mul3A_114 = arith.muli %while3A_104, %mul3A_113 : i32
      %add3A_115 = arith.addi %add3A_8, %mul3A_114 : i32
      %dma_wait3A = arith.constant 0 : i32
      %dma_wait3A_116 = arith.constant 0 : i32
      %dma_wait3A_117 = arith.constant 0 : i32
      %dma_wait3A_118 = tpu.memref_slice %arg8[%rem3A_110, %dma_wait3A_116, %dma_wait3A_117] : memref<2x16x128xi32, #tpu.memory_space<vmem>> -> memref<1x16x128xi32, #tpu.memory_space<vmem>>
      %dma_wait3A_119 = tpu.memref_squeeze %dma_wait3A_118 : memref<1x16x128xi32, #tpu.memory_space<vmem>> -> memref<16x128xi32, #tpu.memory_space<vmem>>
      %dma_wait3A_120 = arith.constant 0 : i32
      %dma_wait3A_121 = tpu.memref_slice %arg4[%dma_wait3A, %add3A_115, %dma_wait3A_120] : memref<2x50000x128xi32, #tpu.memory_space<hbm>> -> memref<1x16x128xi32, #tpu.memory_space<hbm>>
      %dma_wait3A_122 = tpu.memref_squeeze %dma_wait3A_121 : memref<1x16x128xi32, #tpu.memory_space<hbm>> -> memref<16x128xi32, #tpu.memory_space<hbm>>
      %dma_wait3A_123 = arith.constant 0 : i32
      %dma_wait3A_124 = arith.constant 0 : i32
      %dma_wait3A_125 = tpu.memref_slice %arg8[%rem3A_110, %dma_wait3A_123, %dma_wait3A_124] : memref<2x16x128xi32, #tpu.memory_space<vmem>> -> memref<1x16x128xi32, #tpu.memory_space<vmem>>
      %dma_wait3A_126 = tpu.memref_squeeze %dma_wait3A_125 : memref<1x16x128xi32, #tpu.memory_space<vmem>> -> memref<16x128xi32, #tpu.memory_space<vmem>>
      %dma_wait3A_127 = arith.constant 0 : i32
      %dma_wait3A_128 = tpu.memref_slice %arg4[%dma_wait3A, %add3A_115, %dma_wait3A_127] : memref<2x50000x128xi32, #tpu.memory_space<hbm>> -> memref<1x16x128xi32, #tpu.memory_space<hbm>>
      %dma_wait3A_129 = tpu.memref_squeeze %dma_wait3A_128 : memref<1x16x128xi32, #tpu.memory_space<hbm>> -> memref<16x128xi32, #tpu.memory_space<hbm>>
      tpu.wait_dma2 semaphore(%arg14 : memref<!tpu.dma_semaphore, #tpu.memory_space<semaphore_mem>>) src(%dma_wait3A_129 : memref<16x128xi32, #tpu.memory_space<hbm>>) dst(%dma_wait3A_126 : memref<16x128xi32, #tpu.memory_space<vmem>>)
      %mul3A_130 = arith.constant 16 : i32
      %mul3A_131 = arith.muli %while3A_104, %mul3A_130 : i32
      %add3A_132 = arith.addi %add3A_8, %mul3A_131 : i32
      %dma_wait3A_133 = arith.constant 1 : i32
      %dma_wait3A_134 = arith.constant 0 : i32
      %dma_wait3A_135 = arith.constant 0 : i32
      %dma_wait3A_136 = tpu.memref_slice %arg9[%rem3A_112, %dma_wait3A_134, %dma_wait3A_135] : memref<3x16x128xi32, #tpu.memory_space<vmem>> -> memref<1x16x128xi32, #tpu.memory_space<vmem>>
      %dma_wait3A_137 = tpu.memref_squeeze %dma_wait3A_136 : memref<1x16x128xi32, #tpu.memory_space<vmem>> -> memref<16x128xi32, #tpu.memory_space<vmem>>
      %dma_wait3A_138 = arith.constant 0 : i32
      %dma_wait3A_139 = tpu.memref_slice %arg4[%dma_wait3A_133, %add3A_132, %dma_wait3A_138] : memref<2x50000x128xi32, #tpu.memory_space<hbm>> -> memref<1x16x128xi32, #tpu.memory_space<hbm>>
      %dma_wait3A_140 = tpu.memref_squeeze %dma_wait3A_139 : memref<1x16x128xi32, #tpu.memory_space<hbm>> -> memref<16x128xi32, #tpu.memory_space<hbm>>
      %dma_wait3A_141 = arith.constant 0 : i32
      %dma_wait3A_142 = arith.constant 0 : i32
      %dma_wait3A_143 = tpu.memref_slice %arg9[%rem3A_112, %dma_wait3A_141, %dma_wait3A_142] : memref<3x16x128xi32, #tpu.memory_space<vmem>> -> memref<1x16x128xi32, #tpu.memory_space<vmem>>
      %dma_wait3A_144 = tpu.memref_squeeze %dma_wait3A_143 : memref<1x16x128xi32, #tpu.memory_space<vmem>> -> memref<16x128xi32, #tpu.memory_space<vmem>>
      %dma_wait3A_145 = arith.constant 0 : i32
      %dma_wait3A_146 = tpu.memref_slice %arg4[%dma_wait3A_133, %add3A_132, %dma_wait3A_145] : memref<2x50000x128xi32, #tpu.memory_space<hbm>> -> memref<1x16x128xi32, #tpu.memory_space<hbm>>
      %dma_wait3A_147 = tpu.memref_squeeze %dma_wait3A_146 : memref<1x16x128xi32, #tpu.memory_space<hbm>> -> memref<16x128xi32, #tpu.memory_space<hbm>>
      tpu.wait_dma2 semaphore(%arg14 : memref<!tpu.dma_semaphore, #tpu.memory_space<semaphore_mem>>) src(%dma_wait3A_147 : memref<16x128xi32, #tpu.memory_space<hbm>>) dst(%dma_wait3A_144 : memref<16x128xi32, #tpu.memory_space<vmem>>)
      %ge3A_148 = arith.constant 2 : i32
      %ge3A_149 = arith.cmpi sge, %while3A_104, %ge3A_148 : i32
      %convert_element_type3A_150 = arith.extui %ge3A_149 : i1 to i32
      %cond3A_151 = arith.constant 0 : i32
      %cond3A_152 = arith.cmpi ne, %convert_element_type3A_150, %cond3A_151 : i32
      scf.if %cond3A_152 {
        %sub3A_167 = arith.constant 2 : i32
        %sub3A_168 = arith.subi %while3A_104, %sub3A_167 : i32
        %rem3A_169 = arith.constant 3 : i32
        %rem3A_170 = arith.remsi %sub3A_168, %rem3A_169 : i32
        %scan3A_171 = arith.constant 0 : i32
        %scan3A_172 = arith.constant 0 : i32
        %scan3A_173 = arith.constant 2 : i32
        %scan3A_174 = arith.addi %scan3A_172, %scan3A_173 : i32
        %scan3A_175 = arith.constant 1 : i32
        scf.for %scan3A_177 = %scan3A_172 to %scan3A_174 step %scan3A_175  : i32 {
          %mul3A_178 = arith.constant 8 : i32
          %mul3A_179 = arith.muli %scan3A_177, %mul3A_178 : i32
          %add3A_180 = arith.constant 0 : i32
          %add3A_181 = arith.addi %mul3A_179, %add3A_180 : i32
          %dma_wait3A_182 = arith.constant 0 : i32
          %dma_wait3A_183 = tpu.memref_slice %arg10[%rem3A_170, %add3A_181, %dma_wait3A_182] : memref<3x16x128xf32, #tpu.memory_space<vmem>> -> memref<1x1x128xf32, #tpu.memory_space<vmem>>
          %dma_wait3A_184 = tpu.memref_squeeze %dma_wait3A_183 : memref<1x1x128xf32, #tpu.memory_space<vmem>> -> memref<128xf32, #tpu.memory_space<vmem>>
          %dma_wait3A_185 = arith.constant 0 : i32
          %dma_wait3A_186 = tpu.memref_slice %arg9[%rem3A_170, %add3A_181, %dma_wait3A_185] : memref<3x16x128xi32, #tpu.memory_space<vmem>> -> memref<1x1x128xi32, #tpu.memory_space<vmem>>
          %dma_wait3A_187 = tpu.memref_squeeze %dma_wait3A_186 : memref<1x1x128xi32, #tpu.memory_space<vmem>> -> memref<128xi32, #tpu.memory_space<vmem>>
          %dma_wait3A_188 = arith.constant 0 : i32
          %dma_wait3A_189 = tpu.memref_slice %arg12[%dma_wait3A_188] : memref<100352xf32, #tpu.memory_space<vmem_shared>> -> memref<100352xf32, #tpu.memory_space<vmem_shared>>
          tpu.wait_indirect_dma semaphore(%arg15 : memref<!tpu.dma_semaphore, #tpu.memory_space<semaphore_mem>>) src(%dma_wait3A_184 : memref<128xf32, #tpu.memory_space<vmem>>) dst(%dma_wait3A_189 : memref<100352xf32, #tpu.memory_space<vmem_shared>>)
          %dma_wait3A_190 = arith.constant 0 : i32
          %dma_wait3A_191 = tpu.memref_slice %arg9[%rem3A_170, %add3A_181, %dma_wait3A_190] : memref<3x16x128xi32, #tpu.memory_space<vmem>> -> memref<1x1x128xi32, #tpu.memory_space<vmem>>
          %dma_wait3A_192 = tpu.memref_squeeze %dma_wait3A_191 : memref<1x1x128xi32, #tpu.memory_space<vmem>> -> memref<128xi32, #tpu.memory_space<vmem>>
          %dma_wait3A_193 = arith.constant 0 : i32
          %dma_wait3A_194 = tpu.memref_slice %arg13[%dma_wait3A_193] : memref<100352xf32, #tpu.memory_space<vmem_shared>> -> memref<100352xf32, #tpu.memory_space<vmem_shared>>
          tpu.wait_indirect_dma semaphore(%arg15 : memref<!tpu.dma_semaphore, #tpu.memory_space<semaphore_mem>>) src(%arg11 : memref<128xf32, #tpu.memory_space<vmem>>) dst(%dma_wait3A_194 : memref<100352xf32, #tpu.memory_space<vmem_shared>>)
          %mul3A_195 = arith.constant 8 : i32
          %mul3A_196 = arith.muli %scan3A_177, %mul3A_195 : i32
          %add3A_197 = arith.constant 1 : i32
          %add3A_198 = arith.addi %mul3A_196, %add3A_197 : i32
          %dma_wait3A_199 = arith.constant 0 : i32
          %dma_wait3A_200 = tpu.memref_slice %arg10[%rem3A_170, %add3A_198, %dma_wait3A_199] : memref<3x16x128xf32, #tpu.memory_space<vmem>> -> memref<1x1x128xf32, #tpu.memory_space<vmem>>
          %dma_wait3A_201 = tpu.memref_squeeze %dma_wait3A_200 : memref<1x1x128xf32, #tpu.memory_space<vmem>> -> memref<128xf32, #tpu.memory_space<vmem>>
          %dma_wait3A_202 = arith.constant 0 : i32
          %dma_wait3A_203 = tpu.memref_slice %arg9[%rem3A_170, %add3A_198, %dma_wait3A_202] : memref<3x16x128xi32, #tpu.memory_space<vmem>> -> memref<1x1x128xi32, #tpu.memory_space<vmem>>
          %dma_wait3A_204 = tpu.memref_squeeze %dma_wait3A_203 : memref<1x1x128xi32, #tpu.memory_space<vmem>> -> memref<128xi32, #tpu.memory_space<vmem>>
          %dma_wait3A_205 = arith.constant 0 : i32
          %dma_wait3A_206 = tpu.memref_slice %arg12[%dma_wait3A_205] : memref<100352xf32, #tpu.memory_space<vmem_shared>> -> memref<100352xf32, #tpu.memory_space<vmem_shared>>
          tpu.wait_indirect_dma semaphore(%arg15 : memref<!tpu.dma_semaphore, #tpu.memory_space<semaphore_mem>>) src(%dma_wait3A_201 : memref<128xf32, #tpu.memory_space<vmem>>) dst(%dma_wait3A_206 : memref<100352xf32, #tpu.memory_space<vmem_shared>>)
          %dma_wait3A_207 = arith.constant 0 : i32
          %dma_wait3A_208 = tpu.memref_slice %arg9[%rem3A_170, %add3A_198, %dma_wait3A_207] : memref<3x16x128xi32, #tpu.memory_space<vmem>> -> memref<1x1x128xi32, #tpu.memory_space<vmem>>
          %dma_wait3A_209 = tpu.memref_squeeze %dma_wait3A_208 : memref<1x1x128xi32, #tpu.memory_space<vmem>> -> memref<128xi32, #tpu.memory_space<vmem>>
          %dma_wait3A_210 = arith.constant 0 : i32
          %dma_wait3A_211 = tpu.memref_slice %arg13[%dma_wait3A_210] : memref<100352xf32, #tpu.memory_space<vmem_shared>> -> memref<100352xf32, #tpu.memory_space<vmem_shared>>
          tpu.wait_indirect_dma semaphore(%arg15 : memref<!tpu.dma_semaphore, #tpu.memory_space<semaphore_mem>>) src(%arg11 : memref<128xf32, #tpu.memory_space<vmem>>) dst(%dma_wait3A_211 : memref<100352xf32, #tpu.memory_space<vmem_shared>>)
          %mul3A_212 = arith.constant 8 : i32
          %mul3A_213 = arith.muli %scan3A_177, %mul3A_212 : i32
          %add3A_214 = arith.constant 2 : i32
          %add3A_215 = arith.addi %mul3A_213, %add3A_214 : i32
          %dma_wait3A_216 = arith.constant 0 : i32
          %dma_wait3A_217 = tpu.memref_slice %arg10[%rem3A_170, %add3A_215, %dma_wait3A_216] : memref<3x16x128xf32, #tpu.memory_space<vmem>> -> memref<1x1x128xf32, #tpu.memory_space<vmem>>
          %dma_wait3A_218 = tpu.memref_squeeze %dma_wait3A_217 : memref<1x1x128xf32, #tpu.memory_space<vmem>> -> memref<128xf32, #tpu.memory_space<vmem>>
          %dma_wait3A_219 = arith.constant 0 : i32
          %dma_wait3A_220 = tpu.memref_slice %arg9[%rem3A_170, %add3A_215, %dma_wait3A_219] : memref<3x16x128xi32, #tpu.memory_space<vmem>> -> memref<1x1x128xi32, #tpu.memory_space<vmem>>
          %dma_wait3A_221 = tpu.memref_squeeze %dma_wait3A_220 : memref<1x1x128xi32, #tpu.memory_space<vmem>> -> memref<128xi32, #tpu.memory_space<vmem>>
          %dma_wait3A_222 = arith.constant 0 : i32
          %dma_wait3A_223 = tpu.memref_slice %arg12[%dma_wait3A_222] : memref<100352xf32, #tpu.memory_space<vmem_shared>> -> memref<100352xf32, #tpu.memory_space<vmem_shared>>
          tpu.wait_indirect_dma semaphore(%arg15 : memref<!tpu.dma_semaphore, #tpu.memory_space<semaphore_mem>>) src(%dma_wait3A_218 : memref<128xf32, #tpu.memory_space<vmem>>) dst(%dma_wait3A_223 : memref<100352xf32, #tpu.memory_space<vmem_shared>>)
          %dma_wait3A_224 = arith.constant 0 : i32
          %dma_wait3A_225 = tpu.memref_slice %arg9[%rem3A_170, %add3A_215, %dma_wait3A_224] : memref<3x16x128xi32, #tpu.memory_space<vmem>> -> memref<1x1x128xi32, #tpu.memory_space<vmem>>
          %dma_wait3A_226 = tpu.memref_squeeze %dma_wait3A_225 : memref<1x1x128xi32, #tpu.memory_space<vmem>> -> memref<128xi32, #tpu.memory_space<vmem>>
          %dma_wait3A_227 = arith.constant 0 : i32
          %dma_wait3A_228 = tpu.memref_slice %arg13[%dma_wait3A_227] : memref<100352xf32, #tpu.memory_space<vmem_shared>> -> memref<100352xf32, #tpu.memory_space<vmem_shared>>
          tpu.wait_indirect_dma semaphore(%arg15 : memref<!tpu.dma_semaphore, #tpu.memory_space<semaphore_mem>>) src(%arg11 : memref<128xf32, #tpu.memory_space<vmem>>) dst(%dma_wait3A_228 : memref<100352xf32, #tpu.memory_space<vmem_shared>>)
          %mul3A_229 = arith.constant 8 : i32
          %mul3A_230 = arith.muli %scan3A_177, %mul3A_229 : i32
          %add3A_231 = arith.constant 3 : i32
          %add3A_232 = arith.addi %mul3A_230, %add3A_231 : i32
          %dma_wait3A_233 = arith.constant 0 : i32
          %dma_wait3A_234 = tpu.memref_slice %arg10[%rem3A_170, %add3A_232, %dma_wait3A_233] : memref<3x16x128xf32, #tpu.memory_space<vmem>> -> memref<1x1x128xf32, #tpu.memory_space<vmem>>
          %dma_wait3A_235 = tpu.memref_squeeze %dma_wait3A_234 : memref<1x1x128xf32, #tpu.memory_space<vmem>> -> memref<128xf32, #tpu.memory_space<vmem>>
          %dma_wait3A_236 = arith.constant 0 : i32
          %dma_wait3A_237 = tpu.memref_slice %arg9[%rem3A_170, %add3A_232, %dma_wait3A_236] : memref<3x16x128xi32, #tpu.memory_space<vmem>> -> memref<1x1x128xi32, #tpu.memory_space<vmem>>
          %dma_wait3A_238 = tpu.memref_squeeze %dma_wait3A_237 : memref<1x1x128xi32, #tpu.memory_space<vmem>> -> memref<128xi32, #tpu.memory_space<vmem>>
          %dma_wait3A_239 = arith.constant 0 : i32
          %dma_wait3A_240 = tpu.memref_slice %arg12[%dma_wait3A_239] : memref<100352xf32, #tpu.memory_space<vmem_shared>> -> memref<100352xf32, #tpu.memory_space<vmem_shared>>
          tpu.wait_indirect_dma semaphore(%arg15 : memref<!tpu.dma_semaphore, #tpu.memory_space<semaphore_mem>>) src(%dma_wait3A_235 : memref<128xf32, #tpu.memory_space<vmem>>) dst(%dma_wait3A_240 : memref<100352xf32, #tpu.memory_space<vmem_shared>>)
          %dma_wait3A_241 = arith.constant 0 : i32
          %dma_wait3A_242 = tpu.memref_slice %arg9[%rem3A_170, %add3A_232, %dma_wait3A_241] : memref<3x16x128xi32, #tpu.memory_space<vmem>> -> memref<1x1x128xi32, #tpu.memory_space<vmem>>
          %dma_wait3A_243 = tpu.memref_squeeze %dma_wait3A_242 : memref<1x1x128xi32, #tpu.memory_space<vmem>> -> memref<128xi32, #tpu.memory_space<vmem>>
          %dma_wait3A_244 = arith.constant 0 : i32
          %dma_wait3A_245 = tpu.memref_slice %arg13[%dma_wait3A_244] : memref<100352xf32, #tpu.memory_space<vmem_shared>> -> memref<100352xf32, #tpu.memory_space<vmem_shared>>
          tpu.wait_indirect_dma semaphore(%arg15 : memref<!tpu.dma_semaphore, #tpu.memory_space<semaphore_mem>>) src(%arg11 : memref<128xf32, #tpu.memory_space<vmem>>) dst(%dma_wait3A_245 : memref<100352xf32, #tpu.memory_space<vmem_shared>>)
          %mul3A_246 = arith.constant 8 : i32
          %mul3A_247 = arith.muli %scan3A_177, %mul3A_246 : i32
          %add3A_248 = arith.constant 4 : i32
          %add3A_249 = arith.addi %mul3A_247, %add3A_248 : i32
          %dma_wait3A_250 = arith.constant 0 : i32
          %dma_wait3A_251 = tpu.memref_slice %arg10[%rem3A_170, %add3A_249, %dma_wait3A_250] : memref<3x16x128xf32, #tpu.memory_space<vmem>> -> memref<1x1x128xf32, #tpu.memory_space<vmem>>
          %dma_wait3A_252 = tpu.memref_squeeze %dma_wait3A_251 : memref<1x1x128xf32, #tpu.memory_space<vmem>> -> memref<128xf32, #tpu.memory_space<vmem>>
          %dma_wait3A_253 = arith.constant 0 : i32
          %dma_wait3A_254 = tpu.memref_slice %arg9[%rem3A_170, %add3A_249, %dma_wait3A_253] : memref<3x16x128xi32, #tpu.memory_space<vmem>> -> memref<1x1x128xi32, #tpu.memory_space<vmem>>
          %dma_wait3A_255 = tpu.memref_squeeze %dma_wait3A_254 : memref<1x1x128xi32, #tpu.memory_space<vmem>> -> memref<128xi32, #tpu.memory_space<vmem>>
          %dma_wait3A_256 = arith.constant 0 : i32
          %dma_wait3A_257 = tpu.memref_slice %arg12[%dma_wait3A_256] : memref<100352xf32, #tpu.memory_space<vmem_shared>> -> memref<100352xf32, #tpu.memory_space<vmem_shared>>
          tpu.wait_indirect_dma semaphore(%arg15 : memref<!tpu.dma_semaphore, #tpu.memory_space<semaphore_mem>>) src(%dma_wait3A_252 : memref<128xf32, #tpu.memory_space<vmem>>) dst(%dma_wait3A_257 : memref<100352xf32, #tpu.memory_space<vmem_shared>>)
          %dma_wait3A_258 = arith.constant 0 : i32
          %dma_wait3A_259 = tpu.memref_slice %arg9[%rem3A_170, %add3A_249, %dma_wait3A_258] : memref<3x16x128xi32, #tpu.memory_space<vmem>> -> memref<1x1x128xi32, #tpu.memory_space<vmem>>
          %dma_wait3A_260 = tpu.memref_squeeze %dma_wait3A_259 : memref<1x1x128xi32, #tpu.memory_space<vmem>> -> memref<128xi32, #tpu.memory_space<vmem>>
          %dma_wait3A_261 = arith.constant 0 : i32
          %dma_wait3A_262 = tpu.memref_slice %arg13[%dma_wait3A_261] : memref<100352xf32, #tpu.memory_space<vmem_shared>> -> memref<100352xf32, #tpu.memory_space<vmem_shared>>
          tpu.wait_indirect_dma semaphore(%arg15 : memref<!tpu.dma_semaphore, #tpu.memory_space<semaphore_mem>>) src(%arg11 : memref<128xf32, #tpu.memory_space<vmem>>) dst(%dma_wait3A_262 : memref<100352xf32, #tpu.memory_space<vmem_shared>>)
          %mul3A_263 = arith.constant 8 : i32
          %mul3A_264 = arith.muli %scan3A_177, %mul3A_263 : i32
          %add3A_265 = arith.constant 5 : i32
          %add3A_266 = arith.addi %mul3A_264, %add3A_265 : i32
          %dma_wait3A_267 = arith.constant 0 : i32
          %dma_wait3A_268 = tpu.memref_slice %arg10[%rem3A_170, %add3A_266, %dma_wait3A_267] : memref<3x16x128xf32, #tpu.memory_space<vmem>> -> memref<1x1x128xf32, #tpu.memory_space<vmem>>
          %dma_wait3A_269 = tpu.memref_squeeze %dma_wait3A_268 : memref<1x1x128xf32, #tpu.memory_space<vmem>> -> memref<128xf32, #tpu.memory_space<vmem>>
          %dma_wait3A_270 = arith.constant 0 : i32
          %dma_wait3A_271 = tpu.memref_slice %arg9[%rem3A_170, %add3A_266, %dma_wait3A_270] : memref<3x16x128xi32, #tpu.memory_space<vmem>> -> memref<1x1x128xi32, #tpu.memory_space<vmem>>
          %dma_wait3A_272 = tpu.memref_squeeze %dma_wait3A_271 : memref<1x1x128xi32, #tpu.memory_space<vmem>> -> memref<128xi32, #tpu.memory_space<vmem>>
          %dma_wait3A_273 = arith.constant 0 : i32
          %dma_wait3A_274 = tpu.memref_slice %arg12[%dma_wait3A_273] : memref<100352xf32, #tpu.memory_space<vmem_shared>> -> memref<100352xf32, #tpu.memory_space<vmem_shared>>
          tpu.wait_indirect_dma semaphore(%arg15 : memref<!tpu.dma_semaphore, #tpu.memory_space<semaphore_mem>>) src(%dma_wait3A_269 : memref<128xf32, #tpu.memory_space<vmem>>) dst(%dma_wait3A_274 : memref<100352xf32, #tpu.memory_space<vmem_shared>>)
          %dma_wait3A_275 = arith.constant 0 : i32
          %dma_wait3A_276 = tpu.memref_slice %arg9[%rem3A_170, %add3A_266, %dma_wait3A_275] : memref<3x16x128xi32, #tpu.memory_space<vmem>> -> memref<1x1x128xi32, #tpu.memory_space<vmem>>
          %dma_wait3A_277 = tpu.memref_squeeze %dma_wait3A_276 : memref<1x1x128xi32, #tpu.memory_space<vmem>> -> memref<128xi32, #tpu.memory_space<vmem>>
          %dma_wait3A_278 = arith.constant 0 : i32
          %dma_wait3A_279 = tpu.memref_slice %arg13[%dma_wait3A_278] : memref<100352xf32, #tpu.memory_space<vmem_shared>> -> memref<100352xf32, #tpu.memory_space<vmem_shared>>
          tpu.wait_indirect_dma semaphore(%arg15 : memref<!tpu.dma_semaphore, #tpu.memory_space<semaphore_mem>>) src(%arg11 : memref<128xf32, #tpu.memory_space<vmem>>) dst(%dma_wait3A_279 : memref<100352xf32, #tpu.memory_space<vmem_shared>>)
          %mul3A_280 = arith.constant 8 : i32
          %mul3A_281 = arith.muli %scan3A_177, %mul3A_280 : i32
          %add3A_282 = arith.constant 6 : i32
          %add3A_283 = arith.addi %mul3A_281, %add3A_282 : i32
          %dma_wait3A_284 = arith.constant 0 : i32
          %dma_wait3A_285 = tpu.memref_slice %arg10[%rem3A_170, %add3A_283, %dma_wait3A_284] : memref<3x16x128xf32, #tpu.memory_space<vmem>> -> memref<1x1x128xf32, #tpu.memory_space<vmem>>
          %dma_wait3A_286 = tpu.memref_squeeze %dma_wait3A_285 : memref<1x1x128xf32, #tpu.memory_space<vmem>> -> memref<128xf32, #tpu.memory_space<vmem>>
          %dma_wait3A_287 = arith.constant 0 : i32
          %dma_wait3A_288 = tpu.memref_slice %arg9[%rem3A_170, %add3A_283, %dma_wait3A_287] : memref<3x16x128xi32, #tpu.memory_space<vmem>> -> memref<1x1x128xi32, #tpu.memory_space<vmem>>
          %dma_wait3A_289 = tpu.memref_squeeze %dma_wait3A_288 : memref<1x1x128xi32, #tpu.memory_space<vmem>> -> memref<128xi32, #tpu.memory_space<vmem>>
          %dma_wait3A_290 = arith.constant 0 : i32
          %dma_wait3A_291 = tpu.memref_slice %arg12[%dma_wait3A_290] : memref<100352xf32, #tpu.memory_space<vmem_shared>> -> memref<100352xf32, #tpu.memory_space<vmem_shared>>
          tpu.wait_indirect_dma semaphore(%arg15 : memref<!tpu.dma_semaphore, #tpu.memory_space<semaphore_mem>>) src(%dma_wait3A_286 : memref<128xf32, #tpu.memory_space<vmem>>) dst(%dma_wait3A_291 : memref<100352xf32, #tpu.memory_space<vmem_shared>>)
          %dma_wait3A_292 = arith.constant 0 : i32
          %dma_wait3A_293 = tpu.memref_slice %arg9[%rem3A_170, %add3A_283, %dma_wait3A_292] : memref<3x16x128xi32, #tpu.memory_space<vmem>> -> memref<1x1x128xi32, #tpu.memory_space<vmem>>
          %dma_wait3A_294 = tpu.memref_squeeze %dma_wait3A_293 : memref<1x1x128xi32, #tpu.memory_space<vmem>> -> memref<128xi32, #tpu.memory_space<vmem>>
          %dma_wait3A_295 = arith.constant 0 : i32
          %dma_wait3A_296 = tpu.memref_slice %arg13[%dma_wait3A_295] : memref<100352xf32, #tpu.memory_space<vmem_shared>> -> memref<100352xf32, #tpu.memory_space<vmem_shared>>
          tpu.wait_indirect_dma semaphore(%arg15 : memref<!tpu.dma_semaphore, #tpu.memory_space<semaphore_mem>>) src(%arg11 : memref<128xf32, #tpu.memory_space<vmem>>) dst(%dma_wait3A_296 : memref<100352xf32, #tpu.memory_space<vmem_shared>>)
          %mul3A_297 = arith.constant 8 : i32
          %mul3A_298 = arith.muli %scan3A_177, %mul3A_297 : i32
          %add3A_299 = arith.constant 7 : i32
          %add3A_300 = arith.addi %mul3A_298, %add3A_299 : i32
          %dma_wait3A_301 = arith.constant 0 : i32
          %dma_wait3A_302 = tpu.memref_slice %arg10[%rem3A_170, %add3A_300, %dma_wait3A_301] : memref<3x16x128xf32, #tpu.memory_space<vmem>> -> memref<1x1x128xf32, #tpu.memory_space<vmem>>
          %dma_wait3A_303 = tpu.memref_squeeze %dma_wait3A_302 : memref<1x1x128xf32, #tpu.memory_space<vmem>> -> memref<128xf32, #tpu.memory_space<vmem>>
          %dma_wait3A_304 = arith.constant 0 : i32
          %dma_wait3A_305 = tpu.memref_slice %arg9[%rem3A_170, %add3A_300, %dma_wait3A_304] : memref<3x16x128xi32, #tpu.memory_space<vmem>> -> memref<1x1x128xi32, #tpu.memory_space<vmem>>
          %dma_wait3A_306 = tpu.memref_squeeze %dma_wait3A_305 : memref<1x1x128xi32, #tpu.memory_space<vmem>> -> memref<128xi32, #tpu.memory_space<vmem>>
          %dma_wait3A_307 = arith.constant 0 : i32
          %dma_wait3A_308 = tpu.memref_slice %arg12[%dma_wait3A_307] : memref<100352xf32, #tpu.memory_space<vmem_shared>> -> memref<100352xf32, #tpu.memory_space<vmem_shared>>
          tpu.wait_indirect_dma semaphore(%arg15 : memref<!tpu.dma_semaphore, #tpu.memory_space<semaphore_mem>>) src(%dma_wait3A_303 : memref<128xf32, #tpu.memory_space<vmem>>) dst(%dma_wait3A_308 : memref<100352xf32, #tpu.memory_space<vmem_shared>>)
          %dma_wait3A_309 = arith.constant 0 : i32
          %dma_wait3A_310 = tpu.memref_slice %arg9[%rem3A_170, %add3A_300, %dma_wait3A_309] : memref<3x16x128xi32, #tpu.memory_space<vmem>> -> memref<1x1x128xi32, #tpu.memory_space<vmem>>
          %dma_wait3A_311 = tpu.memref_squeeze %dma_wait3A_310 : memref<1x1x128xi32, #tpu.memory_space<vmem>> -> memref<128xi32, #tpu.memory_space<vmem>>
          %dma_wait3A_312 = arith.constant 0 : i32
          %dma_wait3A_313 = tpu.memref_slice %arg13[%dma_wait3A_312] : memref<100352xf32, #tpu.memory_space<vmem_shared>> -> memref<100352xf32, #tpu.memory_space<vmem_shared>>
          tpu.wait_indirect_dma semaphore(%arg15 : memref<!tpu.dma_semaphore, #tpu.memory_space<semaphore_mem>>) src(%arg11 : memref<128xf32, #tpu.memory_space<vmem>>) dst(%dma_wait3A_313 : memref<100352xf32, #tpu.memory_space<vmem_shared>>)
        }
        %scan3A_176 = arith.constant 2 : i32
      } else {
      }
      %add3A_153 = arith.constant 1 : i32
      %add3A_154 = arith.addi %while3A_104, %add3A_153 : i32
      %lt3A_155 = arith.cmpi slt, %add3A_154, %select_n3A : i32
      %convert_element_type3A_156 = arith.extui %lt3A_155 : i1 to i32
      %cond3A_157 = arith.constant 0 : i32
      %cond3A_158 = arith.cmpi ne, %convert_element_type3A_156, %cond3A_157 : i32
      scf.if %cond3A_158 {
        %add3A_167 = arith.constant 1 : i32
        %add3A_168 = arith.addi %while3A_104, %add3A_167 : i32
        %rem3A_169 = arith.constant 2 : i32
        %rem3A_170 = arith.remsi %add3A_168, %rem3A_169 : i32
        %rem3A_171 = arith.constant 3 : i32
        %rem3A_172 = arith.remsi %add3A_168, %rem3A_171 : i32
        %mul3A_173 = arith.constant 16 : i32
        %mul3A_174 = arith.muli %add3A_168, %mul3A_173 : i32
        %add3A_175 = arith.addi %add3A_8, %mul3A_174 : i32
        %dma_start3A_176 = arith.constant 0 : i32
        %dma_start3A_177 = arith.constant 0 : i32
        %dma_start3A_178 = arith.constant 0 : i32
        %dma_start3A_179 = tpu.memref_slice %arg8[%rem3A_170, %dma_start3A_177, %dma_start3A_178] : memref<2x16x128xi32, #tpu.memory_space<vmem>> -> memref<1x16x128xi32, #tpu.memory_space<vmem>>
        %dma_start3A_180 = tpu.memref_squeeze %dma_start3A_179 : memref<1x16x128xi32, #tpu.memory_space<vmem>> -> memref<16x128xi32, #tpu.memory_space<vmem>>
        %dma_start3A_181 = arith.constant 0 : i32
        %dma_start3A_182 = tpu.memref_slice %arg4[%dma_start3A_176, %add3A_175, %dma_start3A_181] : memref<2x50000x128xi32, #tpu.memory_space<hbm>> -> memref<1x16x128xi32, #tpu.memory_space<hbm>>
        %dma_start3A_183 = tpu.memref_squeeze %dma_start3A_182 : memref<1x16x128xi32, #tpu.memory_space<hbm>> -> memref<16x128xi32, #tpu.memory_space<hbm>>
        %dma_start3A_184 = arith.constant 0 : i32
        %dma_start3A_185 = arith.constant 0 : i32
        %dma_start3A_186 = tpu.memref_slice %arg8[%rem3A_170, %dma_start3A_184, %dma_start3A_185] : memref<2x16x128xi32, #tpu.memory_space<vmem>> -> memref<1x16x128xi32, #tpu.memory_space<vmem>>
        %dma_start3A_187 = tpu.memref_squeeze %dma_start3A_186 : memref<1x16x128xi32, #tpu.memory_space<vmem>> -> memref<16x128xi32, #tpu.memory_space<vmem>>
        %dma_start3A_188 = arith.constant 0 : i32
        %dma_start3A_189 = tpu.memref_slice %arg4[%dma_start3A_176, %add3A_175, %dma_start3A_188] : memref<2x50000x128xi32, #tpu.memory_space<hbm>> -> memref<1x16x128xi32, #tpu.memory_space<hbm>>
        %dma_start3A_190 = tpu.memref_squeeze %dma_start3A_189 : memref<1x16x128xi32, #tpu.memory_space<hbm>> -> memref<16x128xi32, #tpu.memory_space<hbm>>
        tpu.enqueue_dma source(%dma_start3A_190 : memref<16x128xi32, #tpu.memory_space<hbm>>) target(%dma_start3A_187 : memref<16x128xi32, #tpu.memory_space<vmem>>) target_semaphore(%arg14 : memref<!tpu.dma_semaphore, #tpu.memory_space<semaphore_mem>>)
        %mul3A_191 = arith.constant 16 : i32
        %mul3A_192 = arith.muli %add3A_168, %mul3A_191 : i32
        %add3A_193 = arith.addi %add3A_8, %mul3A_192 : i32
        %dma_start3A_194 = arith.constant 1 : i32
        %dma_start3A_195 = arith.constant 0 : i32
        %dma_start3A_196 = arith.constant 0 : i32
        %dma_start3A_197 = tpu.memref_slice %arg9[%rem3A_172, %dma_start3A_195, %dma_start3A_196] : memref<3x16x128xi32, #tpu.memory_space<vmem>> -> memref<1x16x128xi32, #tpu.memory_space<vmem>>
        %dma_start3A_198 = tpu.memref_squeeze %dma_start3A_197 : memref<1x16x128xi32, #tpu.memory_space<vmem>> -> memref<16x128xi32, #tpu.memory_space<vmem>>
        %dma_start3A_199 = arith.constant 0 : i32
        %dma_start3A_200 = tpu.memref_slice %arg4[%dma_start3A_194, %add3A_193, %dma_start3A_199] : memref<2x50000x128xi32, #tpu.memory_space<hbm>> -> memref<1x16x128xi32, #tpu.memory_space<hbm>>
        %dma_start3A_201 = tpu.memref_squeeze %dma_start3A_200 : memref<1x16x128xi32, #tpu.memory_space<hbm>> -> memref<16x128xi32, #tpu.memory_space<hbm>>
        %dma_start3A_202 = arith.constant 0 : i32
        %dma_start3A_203 = arith.constant 0 : i32
        %dma_start3A_204 = tpu.memref_slice %arg9[%rem3A_172, %dma_start3A_202, %dma_start3A_203] : memref<3x16x128xi32, #tpu.memory_space<vmem>> -> memref<1x16x128xi32, #tpu.memory_space<vmem>>
        %dma_start3A_205 = tpu.memref_squeeze %dma_start3A_204 : memref<1x16x128xi32, #tpu.memory_space<vmem>> -> memref<16x128xi32, #tpu.memory_space<vmem>>
        %dma_start3A_206 = arith.constant 0 : i32
        %dma_start3A_207 = tpu.memref_slice %arg4[%dma_start3A_194, %add3A_193, %dma_start3A_206] : memref<2x50000x128xi32, #tpu.memory_space<hbm>> -> memref<1x16x128xi32, #tpu.memory_space<hbm>>
        %dma_start3A_208 = tpu.memref_squeeze %dma_start3A_207 : memref<1x16x128xi32, #tpu.memory_space<hbm>> -> memref<16x128xi32, #tpu.memory_space<hbm>>
        tpu.enqueue_dma source(%dma_start3A_208 : memref<16x128xi32, #tpu.memory_space<hbm>>) target(%dma_start3A_205 : memref<16x128xi32, #tpu.memory_space<vmem>>) target_semaphore(%arg14 : memref<!tpu.dma_semaphore, #tpu.memory_space<semaphore_mem>>)
      } else {
      }
      %parallel_loop3A = arith.constant 0 : i32
      %parallel_loop3A_159 = arith.constant 16 : i32
      %parallel_loop3A_160 = arith.constant 1 : i32
      scf.for %parallel_loop3A_167 = %parallel_loop3A to %parallel_loop3A_159 step %parallel_loop3A_160  : i32 {
        %parallel_loop3A_168 = arith.index_cast %rem3A_106 : i32 to index
        %parallel_loop3A_169 = arith.index_cast %parallel_loop3A_167 : i32 to index
        %parallel_loop3A_170 = arith.constant 0 : index
        %parallel_loop3A_171 = tpu.vector_load %arg8[%parallel_loop3A_168, %parallel_loop3A_169, %parallel_loop3A_170] {strides = array<i32>} : memref<2x16x128xi32, #tpu.memory_space<vmem>>, vector<16xi32>,
        %parallel_loop3A_172 = tpu.vector_load_idx %arg7[%parallel_loop3A_171] : memref<100352xf32, #tpu.memory_space<vmem>>[vector<16xi32>], vector<16xf32>,
        %parallel_loop3A_173 = arith.index_cast %rem3A_108 : i32 to index
        %parallel_loop3A_174 = arith.index_cast %parallel_loop3A_167 : i32 to index
        %parallel_loop3A_175 = arith.constant 0 : index
        %parallel_loop3A_176 = tpu.vector_load %arg10[%parallel_loop3A_173, %parallel_loop3A_174, %parallel_loop3A_175] {strides = array<i32>} : memref<3x16x128xf32, #tpu.memory_space<vmem>>, vector<16xf32>,
        tpu.vector_store %arg10[%parallel_loop3A_173, %parallel_loop3A_174, %parallel_loop3A_175], %parallel_loop3A_172 {strides = array<i32>} : memref<3x16x128xf32, #tpu.memory_space<vmem>>, vector<16xf32>,
        %parallel_loop3A_177 = arith.index_cast %rem3A_106 : i32 to index
        %parallel_loop3A_178 = arith.index_cast %parallel_loop3A_167 : i32 to index
        %parallel_loop3A_179 = arith.constant 16 : index
        %parallel_loop3A_180 = tpu.vector_load %arg8[%parallel_loop3A_177, %parallel_loop3A_178, %parallel_loop3A_179] {strides = array<i32>} : memref<2x16x128xi32, #tpu.memory_space<vmem>>, vector<16xi32>,
        %parallel_loop3A_181 = tpu.vector_load_idx %arg7[%parallel_loop3A_180] : memref<100352xf32, #tpu.memory_space<vmem>>[vector<16xi32>], vector<16xf32>,
        %parallel_loop3A_182 = arith.index_cast %rem3A_108 : i32 to index
        %parallel_loop3A_183 = arith.index_cast %parallel_loop3A_167 : i32 to index
        %parallel_loop3A_184 = arith.constant 16 : index
        %parallel_loop3A_185 = tpu.vector_load %arg10[%parallel_loop3A_182, %parallel_loop3A_183, %parallel_loop3A_184] {strides = array<i32>} : memref<3x16x128xf32, #tpu.memory_space<vmem>>, vector<16xf32>,
        tpu.vector_store %arg10[%parallel_loop3A_182, %parallel_loop3A_183, %parallel_loop3A_184], %parallel_loop3A_181 {strides = array<i32>} : memref<3x16x128xf32, #tpu.memory_space<vmem>>, vector<16xf32>,
        %parallel_loop3A_186 = arith.index_cast %rem3A_106 : i32 to index
        %parallel_loop3A_187 = arith.index_cast %parallel_loop3A_167 : i32 to index
        %parallel_loop3A_188 = arith.constant 32 : index
        %parallel_loop3A_189 = tpu.vector_load %arg8[%parallel_loop3A_186, %parallel_loop3A_187, %parallel_loop3A_188] {strides = array<i32>} : memref<2x16x128xi32, #tpu.memory_space<vmem>>, vector<16xi32>,
        %parallel_loop3A_190 = tpu.vector_load_idx %arg7[%parallel_loop3A_189] : memref<100352xf32, #tpu.memory_space<vmem>>[vector<16xi32>], vector<16xf32>,
        %parallel_loop3A_191 = arith.index_cast %rem3A_108 : i32 to index
        %parallel_loop3A_192 = arith.index_cast %parallel_loop3A_167 : i32 to index
        %parallel_loop3A_193 = arith.constant 32 : index
        %parallel_loop3A_194 = tpu.vector_load %arg10[%parallel_loop3A_191, %parallel_loop3A_192, %parallel_loop3A_193] {strides = array<i32>} : memref<3x16x128xf32, #tpu.memory_space<vmem>>, vector<16xf32>,
        tpu.vector_store %arg10[%parallel_loop3A_191, %parallel_loop3A_192, %parallel_loop3A_193], %parallel_loop3A_190 {strides = array<i32>} : memref<3x16x128xf32, #tpu.memory_space<vmem>>, vector<16xf32>,
        %parallel_loop3A_195 = arith.index_cast %rem3A_106 : i32 to index
        %parallel_loop3A_196 = arith.index_cast %parallel_loop3A_167 : i32 to index
        %parallel_loop3A_197 = arith.constant 48 : index
        %parallel_loop3A_198 = tpu.vector_load %arg8[%parallel_loop3A_195, %parallel_loop3A_196, %parallel_loop3A_197] {strides = array<i32>} : memref<2x16x128xi32, #tpu.memory_space<vmem>>, vector<16xi32>,
        %parallel_loop3A_199 = tpu.vector_load_idx %arg7[%parallel_loop3A_198] : memref<100352xf32, #tpu.memory_space<vmem>>[vector<16xi32>], vector<16xf32>,
        %parallel_loop3A_200 = arith.index_cast %rem3A_108 : i32 to index
        %parallel_loop3A_201 = arith.index_cast %parallel_loop3A_167 : i32 to index
        %parallel_loop3A_202 = arith.constant 48 : index
        %parallel_loop3A_203 = tpu.vector_load %arg10[%parallel_loop3A_200, %parallel_loop3A_201, %parallel_loop3A_202] {strides = array<i32>} : memref<3x16x128xf32, #tpu.memory_space<vmem>>, vector<16xf32>,
        tpu.vector_store %arg10[%parallel_loop3A_200, %parallel_loop3A_201, %parallel_loop3A_202], %parallel_loop3A_199 {strides = array<i32>} : memref<3x16x128xf32, #tpu.memory_space<vmem>>, vector<16xf32>,
        %parallel_loop3A_204 = arith.index_cast %rem3A_106 : i32 to index
        %parallel_loop3A_205 = arith.index_cast %parallel_loop3A_167 : i32 to index
        %parallel_loop3A_206 = arith.constant 64 : index
        %parallel_loop3A_207 = tpu.vector_load %arg8[%parallel_loop3A_204, %parallel_loop3A_205, %parallel_loop3A_206] {strides = array<i32>} : memref<2x16x128xi32, #tpu.memory_space<vmem>>, vector<16xi32>,
        %parallel_loop3A_208 = tpu.vector_load_idx %arg7[%parallel_loop3A_207] : memref<100352xf32, #tpu.memory_space<vmem>>[vector<16xi32>], vector<16xf32>,
        %parallel_loop3A_209 = arith.index_cast %rem3A_108 : i32 to index
        %parallel_loop3A_210 = arith.index_cast %parallel_loop3A_167 : i32 to index
        %parallel_loop3A_211 = arith.constant 64 : index
        %parallel_loop3A_212 = tpu.vector_load %arg10[%parallel_loop3A_209, %parallel_loop3A_210, %parallel_loop3A_211] {strides = array<i32>} : memref<3x16x128xf32, #tpu.memory_space<vmem>>, vector<16xf32>,
        tpu.vector_store %arg10[%parallel_loop3A_209, %parallel_loop3A_210, %parallel_loop3A_211], %parallel_loop3A_208 {strides = array<i32>} : memref<3x16x128xf32, #tpu.memory_space<vmem>>, vector<16xf32>,
        %parallel_loop3A_213 = arith.index_cast %rem3A_106 : i32 to index
        %parallel_loop3A_214 = arith.index_cast %parallel_loop3A_167 : i32 to index
        %parallel_loop3A_215 = arith.constant 80 : index
        %parallel_loop3A_216 = tpu.vector_load %arg8[%parallel_loop3A_213, %parallel_loop3A_214, %parallel_loop3A_215] {strides = array<i32>} : memref<2x16x128xi32, #tpu.memory_space<vmem>>, vector<16xi32>,
        %parallel_loop3A_217 = tpu.vector_load_idx %arg7[%parallel_loop3A_216] : memref<100352xf32, #tpu.memory_space<vmem>>[vector<16xi32>], vector<16xf32>,
        %parallel_loop3A_218 = arith.index_cast %rem3A_108 : i32 to index
        %parallel_loop3A_219 = arith.index_cast %parallel_loop3A_167 : i32 to index
        %parallel_loop3A_220 = arith.constant 80 : index
        %parallel_loop3A_221 = tpu.vector_load %arg10[%parallel_loop3A_218, %parallel_loop3A_219, %parallel_loop3A_220] {strides = array<i32>} : memref<3x16x128xf32, #tpu.memory_space<vmem>>, vector<16xf32>,
        tpu.vector_store %arg10[%parallel_loop3A_218, %parallel_loop3A_219, %parallel_loop3A_220], %parallel_loop3A_217 {strides = array<i32>} : memref<3x16x128xf32, #tpu.memory_space<vmem>>, vector<16xf32>,
        %parallel_loop3A_222 = arith.index_cast %rem3A_106 : i32 to index
        %parallel_loop3A_223 = arith.index_cast %parallel_loop3A_167 : i32 to index
        %parallel_loop3A_224 = arith.constant 96 : index
        %parallel_loop3A_225 = tpu.vector_load %arg8[%parallel_loop3A_222, %parallel_loop3A_223, %parallel_loop3A_224] {strides = array<i32>} : memref<2x16x128xi32, #tpu.memory_space<vmem>>, vector<16xi32>,
        %parallel_loop3A_226 = tpu.vector_load_idx %arg7[%parallel_loop3A_225] : memref<100352xf32, #tpu.memory_space<vmem>>[vector<16xi32>], vector<16xf32>,
        %parallel_loop3A_227 = arith.index_cast %rem3A_108 : i32 to index
        %parallel_loop3A_228 = arith.index_cast %parallel_loop3A_167 : i32 to index
        %parallel_loop3A_229 = arith.constant 96 : index
        %parallel_loop3A_230 = tpu.vector_load %arg10[%parallel_loop3A_227, %parallel_loop3A_228, %parallel_loop3A_229] {strides = array<i32>} : memref<3x16x128xf32, #tpu.memory_space<vmem>>, vector<16xf32>,
        tpu.vector_store %arg10[%parallel_loop3A_227, %parallel_loop3A_228, %parallel_loop3A_229], %parallel_loop3A_226 {strides = array<i32>} : memref<3x16x128xf32, #tpu.memory_space<vmem>>, vector<16xf32>,
        %parallel_loop3A_231 = arith.index_cast %rem3A_106 : i32 to index
        %parallel_loop3A_232 = arith.index_cast %parallel_loop3A_167 : i32 to index
        %parallel_loop3A_233 = arith.constant 112 : index
        %parallel_loop3A_234 = tpu.vector_load %arg8[%parallel_loop3A_231, %parallel_loop3A_232, %parallel_loop3A_233] {strides = array<i32>} : memref<2x16x128xi32, #tpu.memory_space<vmem>>, vector<16xi32>,
        %parallel_loop3A_235 = tpu.vector_load_idx %arg7[%parallel_loop3A_234] : memref<100352xf32, #tpu.memory_space<vmem>>[vector<16xi32>], vector<16xf32>,
        %parallel_loop3A_236 = arith.index_cast %rem3A_108 : i32 to index
        %parallel_loop3A_237 = arith.index_cast %parallel_loop3A_167 : i32 to index
        %parallel_loop3A_238 = arith.constant 112 : index
        %parallel_loop3A_239 = tpu.vector_load %arg10[%parallel_loop3A_236, %parallel_loop3A_237, %parallel_loop3A_238] {strides = array<i32>} : memref<3x16x128xf32, #tpu.memory_space<vmem>>, vector<16xf32>,
        tpu.vector_store %arg10[%parallel_loop3A_236, %parallel_loop3A_237, %parallel_loop3A_238], %parallel_loop3A_235 {strides = array<i32>} : memref<3x16x128xf32, #tpu.memory_space<vmem>>, vector<16xf32>,
      } {sc.loop_unroll_factor = 2 : i64, sc.parallel_access}
      %scan3A_161 = arith.constant 0 : i32
      %scan3A_162 = arith.constant 0 : i32
      %scan3A_163 = arith.constant 2 : i32
      %scan3A_164 = arith.addi %scan3A_162, %scan3A_163 : i32
      %scan3A_165 = arith.constant 1 : i32
      scf.for %scan3A_167 = %scan3A_162 to %scan3A_164 step %scan3A_165  : i32 {
        %mul3A_168 = arith.constant 8 : i32
        %mul3A_169 = arith.muli %scan3A_167, %mul3A_168 : i32
        %add3A_170 = arith.constant 0 : i32
        %add3A_171 = arith.addi %mul3A_169, %add3A_170 : i32
        %dma_start3A_172 = arith.constant 0 : i32
        %dma_start3A_173 = tpu.memref_slice %arg10[%rem3A_108, %add3A_171, %dma_start3A_172] : memref<3x16x128xf32, #tpu.memory_space<vmem>> -> memref<1x1x128xf32, #tpu.memory_space<vmem>>
        %dma_start3A_174 = tpu.memref_squeeze %dma_start3A_173 : memref<1x1x128xf32, #tpu.memory_space<vmem>> -> memref<128xf32, #tpu.memory_space<vmem>>
        %dma_start3A_175 = arith.constant 0 : i32
        %dma_start3A_176 = tpu.memref_slice %arg9[%rem3A_108, %add3A_171, %dma_start3A_175] : memref<3x16x128xi32, #tpu.memory_space<vmem>> -> memref<1x1x128xi32, #tpu.memory_space<vmem>>
        %dma_start3A_177 = tpu.memref_squeeze %dma_start3A_176 : memref<1x1x128xi32, #tpu.memory_space<vmem>> -> memref<128xi32, #tpu.memory_space<vmem>>
        %dma_start3A_178 = arith.constant 0 : i32
        %dma_start3A_179 = tpu.memref_slice %arg12[%dma_start3A_178] : memref<100352xf32, #tpu.memory_space<vmem_shared>> -> memref<100352xf32, #tpu.memory_space<vmem_shared>>
        tpu.enqueue_indirect_dma source(%dma_start3A_174 : memref<128xf32, #tpu.memory_space<vmem>>) target(%dma_start3A_179 : memref<100352xf32, #tpu.memory_space<vmem_shared>>) offsets(%dma_start3A_177 : memref<128xi32, #tpu.memory_space<vmem>>) semaphore(%arg15 : memref<!tpu.dma_semaphore, #tpu.memory_space<semaphore_mem>>) {add = true}
        %dma_start3A_180 = arith.constant 0 : i32
        %dma_start3A_181 = tpu.memref_slice %arg9[%rem3A_108, %add3A_171, %dma_start3A_180] : memref<3x16x128xi32, #tpu.memory_space<vmem>> -> memref<1x1x128xi32, #tpu.memory_space<vmem>>
        %dma_start3A_182 = tpu.memref_squeeze %dma_start3A_181 : memref<1x1x128xi32, #tpu.memory_space<vmem>> -> memref<128xi32, #tpu.memory_space<vmem>>
        %dma_start3A_183 = arith.constant 0 : i32
        %dma_start3A_184 = tpu.memref_slice %arg13[%dma_start3A_183] : memref<100352xf32, #tpu.memory_space<vmem_shared>> -> memref<100352xf32, #tpu.memory_space<vmem_shared>>
        tpu.enqueue_indirect_dma source(%arg11 : memref<128xf32, #tpu.memory_space<vmem>>) target(%dma_start3A_184 : memref<100352xf32, #tpu.memory_space<vmem_shared>>) offsets(%dma_start3A_182 : memref<128xi32, #tpu.memory_space<vmem>>) semaphore(%arg15 : memref<!tpu.dma_semaphore, #tpu.memory_space<semaphore_mem>>) {add = true}
        %mul3A_185 = arith.constant 8 : i32
        %mul3A_186 = arith.muli %scan3A_167, %mul3A_185 : i32
        %add3A_187 = arith.constant 1 : i32
        %add3A_188 = arith.addi %mul3A_186, %add3A_187 : i32
        %dma_start3A_189 = arith.constant 0 : i32
        %dma_start3A_190 = tpu.memref_slice %arg10[%rem3A_108, %add3A_188, %dma_start3A_189] : memref<3x16x128xf32, #tpu.memory_space<vmem>> -> memref<1x1x128xf32, #tpu.memory_space<vmem>>
        %dma_start3A_191 = tpu.memref_squeeze %dma_start3A_190 : memref<1x1x128xf32, #tpu.memory_space<vmem>> -> memref<128xf32, #tpu.memory_space<vmem>>
        %dma_start3A_192 = arith.constant 0 : i32
        %dma_start3A_193 = tpu.memref_slice %arg9[%rem3A_108, %add3A_188, %dma_start3A_192] : memref<3x16x128xi32, #tpu.memory_space<vmem>> -> memref<1x1x128xi32, #tpu.memory_space<vmem>>
        %dma_start3A_194 = tpu.memref_squeeze %dma_start3A_193 : memref<1x1x128xi32, #tpu.memory_space<vmem>> -> memref<128xi32, #tpu.memory_space<vmem>>
        %dma_start3A_195 = arith.constant 0 : i32
        %dma_start3A_196 = tpu.memref_slice %arg12[%dma_start3A_195] : memref<100352xf32, #tpu.memory_space<vmem_shared>> -> memref<100352xf32, #tpu.memory_space<vmem_shared>>
        tpu.enqueue_indirect_dma source(%dma_start3A_191 : memref<128xf32, #tpu.memory_space<vmem>>) target(%dma_start3A_196 : memref<100352xf32, #tpu.memory_space<vmem_shared>>) offsets(%dma_start3A_194 : memref<128xi32, #tpu.memory_space<vmem>>) semaphore(%arg15 : memref<!tpu.dma_semaphore, #tpu.memory_space<semaphore_mem>>) {add = true}
        %dma_start3A_197 = arith.constant 0 : i32
        %dma_start3A_198 = tpu.memref_slice %arg9[%rem3A_108, %add3A_188, %dma_start3A_197] : memref<3x16x128xi32, #tpu.memory_space<vmem>> -> memref<1x1x128xi32, #tpu.memory_space<vmem>>
        %dma_start3A_199 = tpu.memref_squeeze %dma_start3A_198 : memref<1x1x128xi32, #tpu.memory_space<vmem>> -> memref<128xi32, #tpu.memory_space<vmem>>
        %dma_start3A_200 = arith.constant 0 : i32
        %dma_start3A_201 = tpu.memref_slice %arg13[%dma_start3A_200] : memref<100352xf32, #tpu.memory_space<vmem_shared>> -> memref<100352xf32, #tpu.memory_space<vmem_shared>>
        tpu.enqueue_indirect_dma source(%arg11 : memref<128xf32, #tpu.memory_space<vmem>>) target(%dma_start3A_201 : memref<100352xf32, #tpu.memory_space<vmem_shared>>) offsets(%dma_start3A_199 : memref<128xi32, #tpu.memory_space<vmem>>) semaphore(%arg15 : memref<!tpu.dma_semaphore, #tpu.memory_space<semaphore_mem>>) {add = true}
        %mul3A_202 = arith.constant 8 : i32
        %mul3A_203 = arith.muli %scan3A_167, %mul3A_202 : i32
        %add3A_204 = arith.constant 2 : i32
        %add3A_205 = arith.addi %mul3A_203, %add3A_204 : i32
        %dma_start3A_206 = arith.constant 0 : i32
        %dma_start3A_207 = tpu.memref_slice %arg10[%rem3A_108, %add3A_205, %dma_start3A_206] : memref<3x16x128xf32, #tpu.memory_space<vmem>> -> memref<1x1x128xf32, #tpu.memory_space<vmem>>
        %dma_start3A_208 = tpu.memref_squeeze %dma_start3A_207 : memref<1x1x128xf32, #tpu.memory_space<vmem>> -> memref<128xf32, #tpu.memory_space<vmem>>
        %dma_start3A_209 = arith.constant 0 : i32
        %dma_start3A_210 = tpu.memref_slice %arg9[%rem3A_108, %add3A_205, %dma_start3A_209] : memref<3x16x128xi32, #tpu.memory_space<vmem>> -> memref<1x1x128xi32, #tpu.memory_space<vmem>>
        %dma_start3A_211 = tpu.memref_squeeze %dma_start3A_210 : memref<1x1x128xi32, #tpu.memory_space<vmem>> -> memref<128xi32, #tpu.memory_space<vmem>>
        %dma_start3A_212 = arith.constant 0 : i32
        %dma_start3A_213 = tpu.memref_slice %arg12[%dma_start3A_212] : memref<100352xf32, #tpu.memory_space<vmem_shared>> -> memref<100352xf32, #tpu.memory_space<vmem_shared>>
        tpu.enqueue_indirect_dma source(%dma_start3A_208 : memref<128xf32, #tpu.memory_space<vmem>>) target(%dma_start3A_213 : memref<100352xf32, #tpu.memory_space<vmem_shared>>) offsets(%dma_start3A_211 : memref<128xi32, #tpu.memory_space<vmem>>) semaphore(%arg15 : memref<!tpu.dma_semaphore, #tpu.memory_space<semaphore_mem>>) {add = true}
        %dma_start3A_214 = arith.constant 0 : i32
        %dma_start3A_215 = tpu.memref_slice %arg9[%rem3A_108, %add3A_205, %dma_start3A_214] : memref<3x16x128xi32, #tpu.memory_space<vmem>> -> memref<1x1x128xi32, #tpu.memory_space<vmem>>
        %dma_start3A_216 = tpu.memref_squeeze %dma_start3A_215 : memref<1x1x128xi32, #tpu.memory_space<vmem>> -> memref<128xi32, #tpu.memory_space<vmem>>
        %dma_start3A_217 = arith.constant 0 : i32
        %dma_start3A_218 = tpu.memref_slice %arg13[%dma_start3A_217] : memref<100352xf32, #tpu.memory_space<vmem_shared>> -> memref<100352xf32, #tpu.memory_space<vmem_shared>>
        tpu.enqueue_indirect_dma source(%arg11 : memref<128xf32, #tpu.memory_space<vmem>>) target(%dma_start3A_218 : memref<100352xf32, #tpu.memory_space<vmem_shared>>) offsets(%dma_start3A_216 : memref<128xi32, #tpu.memory_space<vmem>>) semaphore(%arg15 : memref<!tpu.dma_semaphore, #tpu.memory_space<semaphore_mem>>) {add = true}
        %mul3A_219 = arith.constant 8 : i32
        %mul3A_220 = arith.muli %scan3A_167, %mul3A_219 : i32
        %add3A_221 = arith.constant 3 : i32
        %add3A_222 = arith.addi %mul3A_220, %add3A_221 : i32
        %dma_start3A_223 = arith.constant 0 : i32
        %dma_start3A_224 = tpu.memref_slice %arg10[%rem3A_108, %add3A_222, %dma_start3A_223] : memref<3x16x128xf32, #tpu.memory_space<vmem>> -> memref<1x1x128xf32, #tpu.memory_space<vmem>>
        %dma_start3A_225 = tpu.memref_squeeze %dma_start3A_224 : memref<1x1x128xf32, #tpu.memory_space<vmem>> -> memref<128xf32, #tpu.memory_space<vmem>>
        %dma_start3A_226 = arith.constant 0 : i32
        %dma_start3A_227 = tpu.memref_slice %arg9[%rem3A_108, %add3A_222, %dma_start3A_226] : memref<3x16x128xi32, #tpu.memory_space<vmem>> -> memref<1x1x128xi32, #tpu.memory_space<vmem>>
        %dma_start3A_228 = tpu.memref_squeeze %dma_start3A_227 : memref<1x1x128xi32, #tpu.memory_space<vmem>> -> memref<128xi32, #tpu.memory_space<vmem>>
        %dma_start3A_229 = arith.constant 0 : i32
        %dma_start3A_230 = tpu.memref_slice %arg12[%dma_start3A_229] : memref<100352xf32, #tpu.memory_space<vmem_shared>> -> memref<100352xf32, #tpu.memory_space<vmem_shared>>
        tpu.enqueue_indirect_dma source(%dma_start3A_225 : memref<128xf32, #tpu.memory_space<vmem>>) target(%dma_start3A_230 : memref<100352xf32, #tpu.memory_space<vmem_shared>>) offsets(%dma_start3A_228 : memref<128xi32, #tpu.memory_space<vmem>>) semaphore(%arg15 : memref<!tpu.dma_semaphore, #tpu.memory_space<semaphore_mem>>) {add = true}
        %dma_start3A_231 = arith.constant 0 : i32
        %dma_start3A_232 = tpu.memref_slice %arg9[%rem3A_108, %add3A_222, %dma_start3A_231] : memref<3x16x128xi32, #tpu.memory_space<vmem>> -> memref<1x1x128xi32, #tpu.memory_space<vmem>>
        %dma_start3A_233 = tpu.memref_squeeze %dma_start3A_232 : memref<1x1x128xi32, #tpu.memory_space<vmem>> -> memref<128xi32, #tpu.memory_space<vmem>>
        %dma_start3A_234 = arith.constant 0 : i32
        %dma_start3A_235 = tpu.memref_slice %arg13[%dma_start3A_234] : memref<100352xf32, #tpu.memory_space<vmem_shared>> -> memref<100352xf32, #tpu.memory_space<vmem_shared>>
        tpu.enqueue_indirect_dma source(%arg11 : memref<128xf32, #tpu.memory_space<vmem>>) target(%dma_start3A_235 : memref<100352xf32, #tpu.memory_space<vmem_shared>>) offsets(%dma_start3A_233 : memref<128xi32, #tpu.memory_space<vmem>>) semaphore(%arg15 : memref<!tpu.dma_semaphore, #tpu.memory_space<semaphore_mem>>) {add = true}
        %mul3A_236 = arith.constant 8 : i32
        %mul3A_237 = arith.muli %scan3A_167, %mul3A_236 : i32
        %add3A_238 = arith.constant 4 : i32
        %add3A_239 = arith.addi %mul3A_237, %add3A_238 : i32
        %dma_start3A_240 = arith.constant 0 : i32
        %dma_start3A_241 = tpu.memref_slice %arg10[%rem3A_108, %add3A_239, %dma_start3A_240] : memref<3x16x128xf32, #tpu.memory_space<vmem>> -> memref<1x1x128xf32, #tpu.memory_space<vmem>>
        %dma_start3A_242 = tpu.memref_squeeze %dma_start3A_241 : memref<1x1x128xf32, #tpu.memory_space<vmem>> -> memref<128xf32, #tpu.memory_space<vmem>>
        %dma_start3A_243 = arith.constant 0 : i32
        %dma_start3A_244 = tpu.memref_slice %arg9[%rem3A_108, %add3A_239, %dma_start3A_243] : memref<3x16x128xi32, #tpu.memory_space<vmem>> -> memref<1x1x128xi32, #tpu.memory_space<vmem>>
        %dma_start3A_245 = tpu.memref_squeeze %dma_start3A_244 : memref<1x1x128xi32, #tpu.memory_space<vmem>> -> memref<128xi32, #tpu.memory_space<vmem>>
        %dma_start3A_246 = arith.constant 0 : i32
        %dma_start3A_247 = tpu.memref_slice %arg12[%dma_start3A_246] : memref<100352xf32, #tpu.memory_space<vmem_shared>> -> memref<100352xf32, #tpu.memory_space<vmem_shared>>
        tpu.enqueue_indirect_dma source(%dma_start3A_242 : memref<128xf32, #tpu.memory_space<vmem>>) target(%dma_start3A_247 : memref<100352xf32, #tpu.memory_space<vmem_shared>>) offsets(%dma_start3A_245 : memref<128xi32, #tpu.memory_space<vmem>>) semaphore(%arg15 : memref<!tpu.dma_semaphore, #tpu.memory_space<semaphore_mem>>) {add = true}
        %dma_start3A_248 = arith.constant 0 : i32
        %dma_start3A_249 = tpu.memref_slice %arg9[%rem3A_108, %add3A_239, %dma_start3A_248] : memref<3x16x128xi32, #tpu.memory_space<vmem>> -> memref<1x1x128xi32, #tpu.memory_space<vmem>>
        %dma_start3A_250 = tpu.memref_squeeze %dma_start3A_249 : memref<1x1x128xi32, #tpu.memory_space<vmem>> -> memref<128xi32, #tpu.memory_space<vmem>>
        %dma_start3A_251 = arith.constant 0 : i32
        %dma_start3A_252 = tpu.memref_slice %arg13[%dma_start3A_251] : memref<100352xf32, #tpu.memory_space<vmem_shared>> -> memref<100352xf32, #tpu.memory_space<vmem_shared>>
        tpu.enqueue_indirect_dma source(%arg11 : memref<128xf32, #tpu.memory_space<vmem>>) target(%dma_start3A_252 : memref<100352xf32, #tpu.memory_space<vmem_shared>>) offsets(%dma_start3A_250 : memref<128xi32, #tpu.memory_space<vmem>>) semaphore(%arg15 : memref<!tpu.dma_semaphore, #tpu.memory_space<semaphore_mem>>) {add = true}
        %mul3A_253 = arith.constant 8 : i32
        %mul3A_254 = arith.muli %scan3A_167, %mul3A_253 : i32
        %add3A_255 = arith.constant 5 : i32
        %add3A_256 = arith.addi %mul3A_254, %add3A_255 : i32
        %dma_start3A_257 = arith.constant 0 : i32
        %dma_start3A_258 = tpu.memref_slice %arg10[%rem3A_108, %add3A_256, %dma_start3A_257] : memref<3x16x128xf32, #tpu.memory_space<vmem>> -> memref<1x1x128xf32, #tpu.memory_space<vmem>>
        %dma_start3A_259 = tpu.memref_squeeze %dma_start3A_258 : memref<1x1x128xf32, #tpu.memory_space<vmem>> -> memref<128xf32, #tpu.memory_space<vmem>>
        %dma_start3A_260 = arith.constant 0 : i32
        %dma_start3A_261 = tpu.memref_slice %arg9[%rem3A_108, %add3A_256, %dma_start3A_260] : memref<3x16x128xi32, #tpu.memory_space<vmem>> -> memref<1x1x128xi32, #tpu.memory_space<vmem>>
        %dma_start3A_262 = tpu.memref_squeeze %dma_start3A_261 : memref<1x1x128xi32, #tpu.memory_space<vmem>> -> memref<128xi32, #tpu.memory_space<vmem>>
        %dma_start3A_263 = arith.constant 0 : i32
        %dma_start3A_264 = tpu.memref_slice %arg12[%dma_start3A_263] : memref<100352xf32, #tpu.memory_space<vmem_shared>> -> memref<100352xf32, #tpu.memory_space<vmem_shared>>
        tpu.enqueue_indirect_dma source(%dma_start3A_259 : memref<128xf32, #tpu.memory_space<vmem>>) target(%dma_start3A_264 : memref<100352xf32, #tpu.memory_space<vmem_shared>>) offsets(%dma_start3A_262 : memref<128xi32, #tpu.memory_space<vmem>>) semaphore(%arg15 : memref<!tpu.dma_semaphore, #tpu.memory_space<semaphore_mem>>) {add = true}
        %dma_start3A_265 = arith.constant 0 : i32
        %dma_start3A_266 = tpu.memref_slice %arg9[%rem3A_108, %add3A_256, %dma_start3A_265] : memref<3x16x128xi32, #tpu.memory_space<vmem>> -> memref<1x1x128xi32, #tpu.memory_space<vmem>>
        %dma_start3A_267 = tpu.memref_squeeze %dma_start3A_266 : memref<1x1x128xi32, #tpu.memory_space<vmem>> -> memref<128xi32, #tpu.memory_space<vmem>>
        %dma_start3A_268 = arith.constant 0 : i32
        %dma_start3A_269 = tpu.memref_slice %arg13[%dma_start3A_268] : memref<100352xf32, #tpu.memory_space<vmem_shared>> -> memref<100352xf32, #tpu.memory_space<vmem_shared>>
        tpu.enqueue_indirect_dma source(%arg11 : memref<128xf32, #tpu.memory_space<vmem>>) target(%dma_start3A_269 : memref<100352xf32, #tpu.memory_space<vmem_shared>>) offsets(%dma_start3A_267 : memref<128xi32, #tpu.memory_space<vmem>>) semaphore(%arg15 : memref<!tpu.dma_semaphore, #tpu.memory_space<semaphore_mem>>) {add = true}
        %mul3A_270 = arith.constant 8 : i32
        %mul3A_271 = arith.muli %scan3A_167, %mul3A_270 : i32
        %add3A_272 = arith.constant 6 : i32
        %add3A_273 = arith.addi %mul3A_271, %add3A_272 : i32
        %dma_start3A_274 = arith.constant 0 : i32
        %dma_start3A_275 = tpu.memref_slice %arg10[%rem3A_108, %add3A_273, %dma_start3A_274] : memref<3x16x128xf32, #tpu.memory_space<vmem>> -> memref<1x1x128xf32, #tpu.memory_space<vmem>>
        %dma_start3A_276 = tpu.memref_squeeze %dma_start3A_275 : memref<1x1x128xf32, #tpu.memory_space<vmem>> -> memref<128xf32, #tpu.memory_space<vmem>>
        %dma_start3A_277 = arith.constant 0 : i32
        %dma_start3A_278 = tpu.memref_slice %arg9[%rem3A_108, %add3A_273, %dma_start3A_277] : memref<3x16x128xi32, #tpu.memory_space<vmem>> -> memref<1x1x128xi32, #tpu.memory_space<vmem>>
        %dma_start3A_279 = tpu.memref_squeeze %dma_start3A_278 : memref<1x1x128xi32, #tpu.memory_space<vmem>> -> memref<128xi32, #tpu.memory_space<vmem>>
        %dma_start3A_280 = arith.constant 0 : i32
        %dma_start3A_281 = tpu.memref_slice %arg12[%dma_start3A_280] : memref<100352xf32, #tpu.memory_space<vmem_shared>> -> memref<100352xf32, #tpu.memory_space<vmem_shared>>
        tpu.enqueue_indirect_dma source(%dma_start3A_276 : memref<128xf32, #tpu.memory_space<vmem>>) target(%dma_start3A_281 : memref<100352xf32, #tpu.memory_space<vmem_shared>>) offsets(%dma_start3A_279 : memref<128xi32, #tpu.memory_space<vmem>>) semaphore(%arg15 : memref<!tpu.dma_semaphore, #tpu.memory_space<semaphore_mem>>) {add = true}
        %dma_start3A_282 = arith.constant 0 : i32
        %dma_start3A_283 = tpu.memref_slice %arg9[%rem3A_108, %add3A_273, %dma_start3A_282] : memref<3x16x128xi32, #tpu.memory_space<vmem>> -> memref<1x1x128xi32, #tpu.memory_space<vmem>>
        %dma_start3A_284 = tpu.memref_squeeze %dma_start3A_283 : memref<1x1x128xi32, #tpu.memory_space<vmem>> -> memref<128xi32, #tpu.memory_space<vmem>>
        %dma_start3A_285 = arith.constant 0 : i32
        %dma_start3A_286 = tpu.memref_slice %arg13[%dma_start3A_285] : memref<100352xf32, #tpu.memory_space<vmem_shared>> -> memref<100352xf32, #tpu.memory_space<vmem_shared>>
        tpu.enqueue_indirect_dma source(%arg11 : memref<128xf32, #tpu.memory_space<vmem>>) target(%dma_start3A_286 : memref<100352xf32, #tpu.memory_space<vmem_shared>>) offsets(%dma_start3A_284 : memref<128xi32, #tpu.memory_space<vmem>>) semaphore(%arg15 : memref<!tpu.dma_semaphore, #tpu.memory_space<semaphore_mem>>) {add = true}
        %mul3A_287 = arith.constant 8 : i32
        %mul3A_288 = arith.muli %scan3A_167, %mul3A_287 : i32
        %add3A_289 = arith.constant 7 : i32
        %add3A_290 = arith.addi %mul3A_288, %add3A_289 : i32
        %dma_start3A_291 = arith.constant 0 : i32
        %dma_start3A_292 = tpu.memref_slice %arg10[%rem3A_108, %add3A_290, %dma_start3A_291] : memref<3x16x128xf32, #tpu.memory_space<vmem>> -> memref<1x1x128xf32, #tpu.memory_space<vmem>>
        %dma_start3A_293 = tpu.memref_squeeze %dma_start3A_292 : memref<1x1x128xf32, #tpu.memory_space<vmem>> -> memref<128xf32, #tpu.memory_space<vmem>>
        %dma_start3A_294 = arith.constant 0 : i32
        %dma_start3A_295 = tpu.memref_slice %arg9[%rem3A_108, %add3A_290, %dma_start3A_294] : memref<3x16x128xi32, #tpu.memory_space<vmem>> -> memref<1x1x128xi32, #tpu.memory_space<vmem>>
        %dma_start3A_296 = tpu.memref_squeeze %dma_start3A_295 : memref<1x1x128xi32, #tpu.memory_space<vmem>> -> memref<128xi32, #tpu.memory_space<vmem>>
        %dma_start3A_297 = arith.constant 0 : i32
        %dma_start3A_298 = tpu.memref_slice %arg12[%dma_start3A_297] : memref<100352xf32, #tpu.memory_space<vmem_shared>> -> memref<100352xf32, #tpu.memory_space<vmem_shared>>
        tpu.enqueue_indirect_dma source(%dma_start3A_293 : memref<128xf32, #tpu.memory_space<vmem>>) target(%dma_start3A_298 : memref<100352xf32, #tpu.memory_space<vmem_shared>>) offsets(%dma_start3A_296 : memref<128xi32, #tpu.memory_space<vmem>>) semaphore(%arg15 : memref<!tpu.dma_semaphore, #tpu.memory_space<semaphore_mem>>) {add = true}
        %dma_start3A_299 = arith.constant 0 : i32
        %dma_start3A_300 = tpu.memref_slice %arg9[%rem3A_108, %add3A_290, %dma_start3A_299] : memref<3x16x128xi32, #tpu.memory_space<vmem>> -> memref<1x1x128xi32, #tpu.memory_space<vmem>>
        %dma_start3A_301 = tpu.memref_squeeze %dma_start3A_300 : memref<1x1x128xi32, #tpu.memory_space<vmem>> -> memref<128xi32, #tpu.memory_space<vmem>>
        %dma_start3A_302 = arith.constant 0 : i32
        %dma_start3A_303 = tpu.memref_slice %arg13[%dma_start3A_302] : memref<100352xf32, #tpu.memory_space<vmem_shared>> -> memref<100352xf32, #tpu.memory_space<vmem_shared>>
        tpu.enqueue_indirect_dma source(%arg11 : memref<128xf32, #tpu.memory_space<vmem>>) target(%dma_start3A_303 : memref<100352xf32, #tpu.memory_space<vmem_shared>>) offsets(%dma_start3A_301 : memref<128xi32, #tpu.memory_space<vmem>>) semaphore(%arg15 : memref<!tpu.dma_semaphore, #tpu.memory_space<semaphore_mem>>) {add = true}
      }
      %scan3A_166 = arith.constant 2 : i32
    }
    %rem3A_74 = arith.constant 2 : i32
    %rem3A_75 = arith.remsi %select_n3A, %rem3A_74 : i32
    %rem3A_76 = arith.constant 3 : i32
    %rem3A_77 = arith.remsi %select_n3A, %rem3A_76 : i32
    %ge3A = arith.constant 10 : i32
    %ge3A_78 = arith.cmpi sge, %add3A, %ge3A : i32
    %convert_element_type3A = arith.extui %ge3A_78 : i1 to i32
    %cond3A = arith.constant 0 : i32
    %cond3A_79 = arith.cmpi ne, %convert_element_type3A, %cond3A : i32
    scf.if %cond3A_79 {
      %add3A_104 = arith.constant 1552 : i32
      %add3A_105 = arith.addi %add3A_8, %add3A_104 : i32
      %run_scoped3A = arith.constant 0 : i32
      "tpu.region"() ({
        %run_scoped3A_939 = tpu.sem_alloc : memref<!tpu.dma_semaphore, #tpu.memory_space<semaphore_mem>>
        %dma_start3A_940 = arith.constant 0 : i32
        %dma_start3A_941 = arith.constant 0 : i32
        %dma_start3A_942 = tpu.memref_slice %arg8[%rem3A_75, %dma_start3A_940, %dma_start3A_941] : memref<2x16x128xi32, #tpu.memory_space<vmem>> -> memref<1x8x128xi32, #tpu.memory_space<vmem>>
        %dma_start3A_943 = tpu.memref_squeeze %dma_start3A_942 : memref<1x8x128xi32, #tpu.memory_space<vmem>> -> memref<8x128xi32, #tpu.memory_space<vmem>>
        %dma_start3A_944 = arith.constant 0 : i32
        %dma_start3A_945 = tpu.memref_slice %arg4[%run_scoped3A, %add3A_105, %dma_start3A_944] : memref<2x50000x128xi32, #tpu.memory_space<hbm>> -> memref<1x8x128xi32, #tpu.memory_space<hbm>>
        %dma_start3A_946 = tpu.memref_squeeze %dma_start3A_945 : memref<1x8x128xi32, #tpu.memory_space<hbm>> -> memref<8x128xi32, #tpu.memory_space<hbm>>
        %dma_start3A_947 = arith.constant 0 : i32
        %dma_start3A_948 = arith.constant 0 : i32
        %dma_start3A_949 = tpu.memref_slice %arg8[%rem3A_75, %dma_start3A_947, %dma_start3A_948] : memref<2x16x128xi32, #tpu.memory_space<vmem>> -> memref<1x8x128xi32, #tpu.memory_space<vmem>>
        %dma_start3A_950 = tpu.memref_squeeze %dma_start3A_949 : memref<1x8x128xi32, #tpu.memory_space<vmem>> -> memref<8x128xi32, #tpu.memory_space<vmem>>
        %dma_start3A_951 = arith.constant 0 : i32
        %dma_start3A_952 = tpu.memref_slice %arg4[%run_scoped3A, %add3A_105, %dma_start3A_951] : memref<2x50000x128xi32, #tpu.memory_space<hbm>> -> memref<1x8x128xi32, #tpu.memory_space<hbm>>
        %dma_start3A_953 = tpu.memref_squeeze %dma_start3A_952 : memref<1x8x128xi32, #tpu.memory_space<hbm>> -> memref<8x128xi32, #tpu.memory_space<hbm>>
        tpu.enqueue_dma source(%dma_start3A_953 : memref<8x128xi32, #tpu.memory_space<hbm>>) target(%dma_start3A_950 : memref<8x128xi32, #tpu.memory_space<vmem>>) target_semaphore(%run_scoped3A_939 : memref<!tpu.dma_semaphore, #tpu.memory_space<semaphore_mem>>)
        %dma_wait3A = arith.constant 0 : i32
        %dma_wait3A_954 = arith.constant 0 : i32
        %dma_wait3A_955 = tpu.memref_slice %arg8[%rem3A_75, %dma_wait3A, %dma_wait3A_954] : memref<2x16x128xi32, #tpu.memory_space<vmem>> -> memref<1x8x128xi32, #tpu.memory_space<vmem>>
        %dma_wait3A_956 = tpu.memref_squeeze %dma_wait3A_955 : memref<1x8x128xi32, #tpu.memory_space<vmem>> -> memref<8x128xi32, #tpu.memory_space<vmem>>
        %dma_wait3A_957 = arith.constant 0 : i32
        %dma_wait3A_958 = tpu.memref_slice %arg4[%run_scoped3A, %add3A_105, %dma_wait3A_957] : memref<2x50000x128xi32, #tpu.memory_space<hbm>> -> memref<1x8x128xi32, #tpu.memory_space<hbm>>
        %dma_wait3A_959 = tpu.memref_squeeze %dma_wait3A_958 : memref<1x8x128xi32, #tpu.memory_space<hbm>> -> memref<8x128xi32, #tpu.memory_space<hbm>>
        %dma_wait3A_960 = arith.constant 0 : i32
        %dma_wait3A_961 = arith.constant 0 : i32
        %dma_wait3A_962 = tpu.memref_slice %arg8[%rem3A_75, %dma_wait3A_960, %dma_wait3A_961] : memref<2x16x128xi32, #tpu.memory_space<vmem>> -> memref<1x8x128xi32, #tpu.memory_space<vmem>>
        %dma_wait3A_963 = tpu.memref_squeeze %dma_wait3A_962 : memref<1x8x128xi32, #tpu.memory_space<vmem>> -> memref<8x128xi32, #tpu.memory_space<vmem>>
        %dma_wait3A_964 = arith.constant 0 : i32
        %dma_wait3A_965 = tpu.memref_slice %arg4[%run_scoped3A, %add3A_105, %dma_wait3A_964] : memref<2x50000x128xi32, #tpu.memory_space<hbm>> -> memref<1x8x128xi32, #tpu.memory_space<hbm>>
        %dma_wait3A_966 = tpu.memref_squeeze %dma_wait3A_965 : memref<1x8x128xi32, #tpu.memory_space<hbm>> -> memref<8x128xi32, #tpu.memory_space<hbm>>
        tpu.wait_dma2 semaphore(%run_scoped3A_939 : memref<!tpu.dma_semaphore, #tpu.memory_space<semaphore_mem>>) src(%dma_wait3A_966 : memref<8x128xi32, #tpu.memory_space<hbm>>) dst(%dma_wait3A_963 : memref<8x128xi32, #tpu.memory_space<vmem>>)
        tpu.yield
      }) : () -> ()
      %add3A_106 = arith.constant 1552 : i32
      %add3A_107 = arith.addi %add3A_8, %add3A_106 : i32
      %run_scoped3A_108 = arith.constant 1 : i32
      "tpu.region"() ({
        %run_scoped3A_939 = tpu.sem_alloc : memref<!tpu.dma_semaphore, #tpu.memory_space<semaphore_mem>>
        %dma_start3A_940 = arith.constant 0 : i32
        %dma_start3A_941 = arith.constant 0 : i32
        %dma_start3A_942 = tpu.memref_slice %arg9[%rem3A_77, %dma_start3A_940, %dma_start3A_941] : memref<3x16x128xi32, #tpu.memory_space<vmem>> -> memref<1x8x128xi32, #tpu.memory_space<vmem>>
        %dma_start3A_943 = tpu.memref_squeeze %dma_start3A_942 : memref<1x8x128xi32, #tpu.memory_space<vmem>> -> memref<8x128xi32, #tpu.memory_space<vmem>>
        %dma_start3A_944 = arith.constant 0 : i32
        %dma_start3A_945 = tpu.memref_slice %arg4[%run_scoped3A_108, %add3A_107, %dma_start3A_944] : memref<2x50000x128xi32, #tpu.memory_space<hbm>> -> memref<1x8x128xi32, #tpu.memory_space<hbm>>
        %dma_start3A_946 = tpu.memref_squeeze %dma_start3A_945 : memref<1x8x128xi32, #tpu.memory_space<hbm>> -> memref<8x128xi32, #tpu.memory_space<hbm>>
        %dma_start3A_947 = arith.constant 0 : i32
        %dma_start3A_948 = arith.constant 0 : i32
        %dma_start3A_949 = tpu.memref_slice %arg9[%rem3A_77, %dma_start3A_947, %dma_start3A_948] : memref<3x16x128xi32, #tpu.memory_space<vmem>> -> memref<1x8x128xi32, #tpu.memory_space<vmem>>
        %dma_start3A_950 = tpu.memref_squeeze %dma_start3A_949 : memref<1x8x128xi32, #tpu.memory_space<vmem>> -> memref<8x128xi32, #tpu.memory_space<vmem>>
        %dma_start3A_951 = arith.constant 0 : i32
        %dma_start3A_952 = tpu.memref_slice %arg4[%run_scoped3A_108, %add3A_107, %dma_start3A_951] : memref<2x50000x128xi32, #tpu.memory_space<hbm>> -> memref<1x8x128xi32, #tpu.memory_space<hbm>>
        %dma_start3A_953 = tpu.memref_squeeze %dma_start3A_952 : memref<1x8x128xi32, #tpu.memory_space<hbm>> -> memref<8x128xi32, #tpu.memory_space<hbm>>
        tpu.enqueue_dma source(%dma_start3A_953 : memref<8x128xi32, #tpu.memory_space<hbm>>) target(%dma_start3A_950 : memref<8x128xi32, #tpu.memory_space<vmem>>) target_semaphore(%run_scoped3A_939 : memref<!tpu.dma_semaphore, #tpu.memory_space<semaphore_mem>>)
        %dma_wait3A = arith.constant 0 : i32
        %dma_wait3A_954 = arith.constant 0 : i32
        %dma_wait3A_955 = tpu.memref_slice %arg9[%rem3A_77, %dma_wait3A, %dma_wait3A_954] : memref<3x16x128xi32, #tpu.memory_space<vmem>> -> memref<1x8x128xi32, #tpu.memory_space<vmem>>
        %dma_wait3A_956 = tpu.memref_squeeze %dma_wait3A_955 : memref<1x8x128xi32, #tpu.memory_space<vmem>> -> memref<8x128xi32, #tpu.memory_space<vmem>>
        %dma_wait3A_957 = arith.constant 0 : i32
        %dma_wait3A_958 = tpu.memref_slice %arg4[%run_scoped3A_108, %add3A_107, %dma_wait3A_957] : memref<2x50000x128xi32, #tpu.memory_space<hbm>> -> memref<1x8x128xi32, #tpu.memory_space<hbm>>
        %dma_wait3A_959 = tpu.memref_squeeze %dma_wait3A_958 : memref<1x8x128xi32, #tpu.memory_space<hbm>> -> memref<8x128xi32, #tpu.memory_space<hbm>>
        %dma_wait3A_960 = arith.constant 0 : i32
        %dma_wait3A_961 = arith.constant 0 : i32
        %dma_wait3A_962 = tpu.memref_slice %arg9[%rem3A_77, %dma_wait3A_960, %dma_wait3A_961] : memref<3x16x128xi32, #tpu.memory_space<vmem>> -> memref<1x8x128xi32, #tpu.memory_space<vmem>>
        %dma_wait3A_963 = tpu.memref_squeeze %dma_wait3A_962 : memref<1x8x128xi32, #tpu.memory_space<vmem>> -> memref<8x128xi32, #tpu.memory_space<vmem>>
        %dma_wait3A_964 = arith.constant 0 : i32
        %dma_wait3A_965 = tpu.memref_slice %arg4[%run_scoped3A_108, %add3A_107, %dma_wait3A_964] : memref<2x50000x128xi32, #tpu.memory_space<hbm>> -> memref<1x8x128xi32, #tpu.memory_space<hbm>>
        %dma_wait3A_966 = tpu.memref_squeeze %dma_wait3A_965 : memref<1x8x128xi32, #tpu.memory_space<hbm>> -> memref<8x128xi32, #tpu.memory_space<hbm>>
        tpu.wait_dma2 semaphore(%run_scoped3A_939 : memref<!tpu.dma_semaphore, #tpu.memory_space<semaphore_mem>>) src(%dma_wait3A_966 : memref<8x128xi32, #tpu.memory_space<hbm>>) dst(%dma_wait3A_963 : memref<8x128xi32, #tpu.memory_space<vmem>>)
        tpu.yield
      }) : () -> ()
      %get3A = arith.constant 0 : i32
      %get3A_109 = arith.index_cast %rem3A_75 : i32 to index
      %get3A_110 = arith.index_cast %get3A : i32 to index
      %get3A_111 = arith.constant 0 : index
      %get3A_112 = tpu.vector_load %arg8[%get3A_109, %get3A_110, %get3A_111] {strides = array<i32>} : memref<2x16x128xi32, #tpu.memory_space<vmem>>, vector<16xi32>,
      %gather3A = tpu.vector_load_idx %arg7[%get3A_112] : memref<100352xf32, #tpu.memory_space<vmem>>[vector<16xi32>], vector<16xf32>,
      %swap3A_113 = arith.constant 0 : i32
      %swap3A_114 = arith.index_cast %rem3A_77 : i32 to index
      %swap3A_115 = arith.index_cast %swap3A_113 : i32 to index
      %swap3A_116 = arith.constant 0 : index
      %swap3A_117 = tpu.vector_load %arg10[%swap3A_114, %swap3A_115, %swap3A_116] {strides = array<i32>} : memref<3x16x128xf32, #tpu.memory_space<vmem>>, vector<16xf32>,
      tpu.vector_store %arg10[%swap3A_114, %swap3A_115, %swap3A_116], %gather3A {strides = array<i32>} : memref<3x16x128xf32, #tpu.memory_space<vmem>>, vector<16xf32>,
      %get3A_118 = arith.constant 0 : i32
      %get3A_119 = arith.index_cast %rem3A_75 : i32 to index
      %get3A_120 = arith.index_cast %get3A_118 : i32 to index
      %get3A_121 = arith.constant 16 : index
      %get3A_122 = tpu.vector_load %arg8[%get3A_119, %get3A_120, %get3A_121] {strides = array<i32>} : memref<2x16x128xi32, #tpu.memory_space<vmem>>, vector<16xi32>,
      %gather3A_123 = tpu.vector_load_idx %arg7[%get3A_122] : memref<100352xf32, #tpu.memory_space<vmem>>[vector<16xi32>], vector<16xf32>,
      %swap3A_124 = arith.constant 0 : i32
      %swap3A_125 = arith.index_cast %rem3A_77 : i32 to index
      %swap3A_126 = arith.index_cast %swap3A_124 : i32 to index
      %swap3A_127 = arith.constant 16 : index
      %swap3A_128 = tpu.vector_load %arg10[%swap3A_125, %swap3A_126, %swap3A_127] {strides = array<i32>} : memref<3x16x128xf32, #tpu.memory_space<vmem>>, vector<16xf32>,
      tpu.vector_store %arg10[%swap3A_125, %swap3A_126, %swap3A_127], %gather3A_123 {strides = array<i32>} : memref<3x16x128xf32, #tpu.memory_space<vmem>>, vector<16xf32>,
      %get3A_129 = arith.constant 0 : i32
      %get3A_130 = arith.index_cast %rem3A_75 : i32 to index
      %get3A_131 = arith.index_cast %get3A_129 : i32 to index
      %get3A_132 = arith.constant 32 : index
      %get3A_133 = tpu.vector_load %arg8[%get3A_130, %get3A_131, %get3A_132] {strides = array<i32>} : memref<2x16x128xi32, #tpu.memory_space<vmem>>, vector<16xi32>,
      %gather3A_134 = tpu.vector_load_idx %arg7[%get3A_133] : memref<100352xf32, #tpu.memory_space<vmem>>[vector<16xi32>], vector<16xf32>,
      %swap3A_135 = arith.constant 0 : i32
      %swap3A_136 = arith.index_cast %rem3A_77 : i32 to index
      %swap3A_137 = arith.index_cast %swap3A_135 : i32 to index
      %swap3A_138 = arith.constant 32 : index
      %swap3A_139 = tpu.vector_load %arg10[%swap3A_136, %swap3A_137, %swap3A_138] {strides = array<i32>} : memref<3x16x128xf32, #tpu.memory_space<vmem>>, vector<16xf32>,
      tpu.vector_store %arg10[%swap3A_136, %swap3A_137, %swap3A_138], %gather3A_134 {strides = array<i32>} : memref<3x16x128xf32, #tpu.memory_space<vmem>>, vector<16xf32>,
      %get3A_140 = arith.constant 0 : i32
      %get3A_141 = arith.index_cast %rem3A_75 : i32 to index
      %get3A_142 = arith.index_cast %get3A_140 : i32 to index
      %get3A_143 = arith.constant 48 : index
      %get3A_144 = tpu.vector_load %arg8[%get3A_141, %get3A_142, %get3A_143] {strides = array<i32>} : memref<2x16x128xi32, #tpu.memory_space<vmem>>, vector<16xi32>,
      %gather3A_145 = tpu.vector_load_idx %arg7[%get3A_144] : memref<100352xf32, #tpu.memory_space<vmem>>[vector<16xi32>], vector<16xf32>,
      %swap3A_146 = arith.constant 0 : i32
      %swap3A_147 = arith.index_cast %rem3A_77 : i32 to index
      %swap3A_148 = arith.index_cast %swap3A_146 : i32 to index
      %swap3A_149 = arith.constant 48 : index
      %swap3A_150 = tpu.vector_load %arg10[%swap3A_147, %swap3A_148, %swap3A_149] {strides = array<i32>} : memref<3x16x128xf32, #tpu.memory_space<vmem>>, vector<16xf32>,
      tpu.vector_store %arg10[%swap3A_147, %swap3A_148, %swap3A_149], %gather3A_145 {strides = array<i32>} : memref<3x16x128xf32, #tpu.memory_space<vmem>>, vector<16xf32>,
      %get3A_151 = arith.constant 0 : i32
      %get3A_152 = arith.index_cast %rem3A_75 : i32 to index
      %get3A_153 = arith.index_cast %get3A_151 : i32 to index
      %get3A_154 = arith.constant 64 : index
      %get3A_155 = tpu.vector_load %arg8[%get3A_152, %get3A_153, %get3A_154] {strides = array<i32>} : memref<2x16x128xi32, #tpu.memory_space<vmem>>, vector<16xi32>,
      %gather3A_156 = tpu.vector_load_idx %arg7[%get3A_155] : memref<100352xf32, #tpu.memory_space<vmem>>[vector<16xi32>], vector<16xf32>,
      %swap3A_157 = arith.constant 0 : i32
      %swap3A_158 = arith.index_cast %rem3A_77 : i32 to index
      %swap3A_159 = arith.index_cast %swap3A_157 : i32 to index
      %swap3A_160 = arith.constant 64 : index
      %swap3A_161 = tpu.vector_load %arg10[%swap3A_158, %swap3A_159, %swap3A_160] {strides = array<i32>} : memref<3x16x128xf32, #tpu.memory_space<vmem>>, vector<16xf32>,
      tpu.vector_store %arg10[%swap3A_158, %swap3A_159, %swap3A_160], %gather3A_156 {strides = array<i32>} : memref<3x16x128xf32, #tpu.memory_space<vmem>>, vector<16xf32>,
      %get3A_162 = arith.constant 0 : i32
      %get3A_163 = arith.index_cast %rem3A_75 : i32 to index
      %get3A_164 = arith.index_cast %get3A_162 : i32 to index
      %get3A_165 = arith.constant 80 : index
      %get3A_166 = tpu.vector_load %arg8[%get3A_163, %get3A_164, %get3A_165] {strides = array<i32>} : memref<2x16x128xi32, #tpu.memory_space<vmem>>, vector<16xi32>,
      %gather3A_167 = tpu.vector_load_idx %arg7[%get3A_166] : memref<100352xf32, #tpu.memory_space<vmem>>[vector<16xi32>], vector<16xf32>,
      %swap3A_168 = arith.constant 0 : i32
      %swap3A_169 = arith.index_cast %rem3A_77 : i32 to index
      %swap3A_170 = arith.index_cast %swap3A_168 : i32 to index
      %swap3A_171 = arith.constant 80 : index
      %swap3A_172 = tpu.vector_load %arg10[%swap3A_169, %swap3A_170, %swap3A_171] {strides = array<i32>} : memref<3x16x128xf32, #tpu.memory_space<vmem>>, vector<16xf32>,
      tpu.vector_store %arg10[%swap3A_169, %swap3A_170, %swap3A_171], %gather3A_167 {strides = array<i32>} : memref<3x16x128xf32, #tpu.memory_space<vmem>>, vector<16xf32>,
      %get3A_173 = arith.constant 0 : i32
      %get3A_174 = arith.index_cast %rem3A_75 : i32 to index
      %get3A_175 = arith.index_cast %get3A_173 : i32 to index
      %get3A_176 = arith.constant 96 : index
      %get3A_177 = tpu.vector_load %arg8[%get3A_174, %get3A_175, %get3A_176] {strides = array<i32>} : memref<2x16x128xi32, #tpu.memory_space<vmem>>, vector<16xi32>,
      %gather3A_178 = tpu.vector_load_idx %arg7[%get3A_177] : memref<100352xf32, #tpu.memory_space<vmem>>[vector<16xi32>], vector<16xf32>,
      %swap3A_179 = arith.constant 0 : i32
      %swap3A_180 = arith.index_cast %rem3A_77 : i32 to index
      %swap3A_181 = arith.index_cast %swap3A_179 : i32 to index
      %swap3A_182 = arith.constant 96 : index
      %swap3A_183 = tpu.vector_load %arg10[%swap3A_180, %swap3A_181, %swap3A_182] {strides = array<i32>} : memref<3x16x128xf32, #tpu.memory_space<vmem>>, vector<16xf32>,
      tpu.vector_store %arg10[%swap3A_180, %swap3A_181, %swap3A_182], %gather3A_178 {strides = array<i32>} : memref<3x16x128xf32, #tpu.memory_space<vmem>>, vector<16xf32>,
      %get3A_184 = arith.constant 0 : i32
      %get3A_185 = arith.index_cast %rem3A_75 : i32 to index
      %get3A_186 = arith.index_cast %get3A_184 : i32 to index
      %get3A_187 = arith.constant 112 : index
      %get3A_188 = tpu.vector_load %arg8[%get3A_185, %get3A_186, %get3A_187] {strides = array<i32>} : memref<2x16x128xi32, #tpu.memory_space<vmem>>, vector<16xi32>,
      %gather3A_189 = tpu.vector_load_idx %arg7[%get3A_188] : memref<100352xf32, #tpu.memory_space<vmem>>[vector<16xi32>], vector<16xf32>,
      %swap3A_190 = arith.constant 0 : i32
      %swap3A_191 = arith.index_cast %rem3A_77 : i32 to index
      %swap3A_192 = arith.index_cast %swap3A_190 : i32 to index
      %swap3A_193 = arith.constant 112 : index
      %swap3A_194 = tpu.vector_load %arg10[%swap3A_191, %swap3A_192, %swap3A_193] {strides = array<i32>} : memref<3x16x128xf32, #tpu.memory_space<vmem>>, vector<16xf32>,
      tpu.vector_store %arg10[%swap3A_191, %swap3A_192, %swap3A_193], %gather3A_189 {strides = array<i32>} : memref<3x16x128xf32, #tpu.memory_space<vmem>>, vector<16xf32>,
      %dma_start3A_195 = arith.constant 0 : i32
      %dma_start3A_196 = arith.constant 0 : i32
      %dma_start3A_197 = arith.constant 0 : i32
      %dma_start3A_198 = tpu.memref_slice %arg10[%rem3A_77, %dma_start3A_195, %dma_start3A_197] : memref<3x16x128xf32, #tpu.memory_space<vmem>> -> memref<1x1x128xf32, #tpu.memory_space<vmem>>
      %dma_start3A_199 = tpu.memref_squeeze %dma_start3A_198 : memref<1x1x128xf32, #tpu.memory_space<vmem>> -> memref<128xf32, #tpu.memory_space<vmem>>
      %dma_start3A_200 = arith.constant 0 : i32
      %dma_start3A_201 = tpu.memref_slice %arg9[%rem3A_77, %dma_start3A_196, %dma_start3A_200] : memref<3x16x128xi32, #tpu.memory_space<vmem>> -> memref<1x1x128xi32, #tpu.memory_space<vmem>>
      %dma_start3A_202 = tpu.memref_squeeze %dma_start3A_201 : memref<1x1x128xi32, #tpu.memory_space<vmem>> -> memref<128xi32, #tpu.memory_space<vmem>>
      %dma_start3A_203 = arith.constant 0 : i32
      %dma_start3A_204 = tpu.memref_slice %arg12[%dma_start3A_203] : memref<100352xf32, #tpu.memory_space<vmem_shared>> -> memref<100352xf32, #tpu.memory_space<vmem_shared>>
      tpu.enqueue_indirect_dma source(%dma_start3A_199 : memref<128xf32, #tpu.memory_space<vmem>>) target(%dma_start3A_204 : memref<100352xf32, #tpu.memory_space<vmem_shared>>) offsets(%dma_start3A_202 : memref<128xi32, #tpu.memory_space<vmem>>) semaphore(%arg15 : memref<!tpu.dma_semaphore, #tpu.memory_space<semaphore_mem>>) {add = true}
      %dma_start3A_205 = arith.constant 0 : i32
      %dma_start3A_206 = arith.constant 0 : i32
      %dma_start3A_207 = tpu.memref_slice %arg9[%rem3A_77, %dma_start3A_205, %dma_start3A_206] : memref<3x16x128xi32, #tpu.memory_space<vmem>> -> memref<1x1x128xi32, #tpu.memory_space<vmem>>
      %dma_start3A_208 = tpu.memref_squeeze %dma_start3A_207 : memref<1x1x128xi32, #tpu.memory_space<vmem>> -> memref<128xi32, #tpu.memory_space<vmem>>
      %dma_start3A_209 = arith.constant 0 : i32
      %dma_start3A_210 = tpu.memref_slice %arg13[%dma_start3A_209] : memref<100352xf32, #tpu.memory_space<vmem_shared>> -> memref<100352xf32, #tpu.memory_space<vmem_shared>>
      tpu.enqueue_indirect_dma source(%arg11 : memref<128xf32, #tpu.memory_space<vmem>>) target(%dma_start3A_210 : memref<100352xf32, #tpu.memory_space<vmem_shared>>) offsets(%dma_start3A_208 : memref<128xi32, #tpu.memory_space<vmem>>) semaphore(%arg15 : memref<!tpu.dma_semaphore, #tpu.memory_space<semaphore_mem>>) {add = true}
      %get3A_211 = arith.constant 1 : i32
      %get3A_212 = arith.index_cast %rem3A_75 : i32 to index
      %get3A_213 = arith.index_cast %get3A_211 : i32 to index
      %get3A_214 = arith.constant 0 : index
      %get3A_215 = tpu.vector_load %arg8[%get3A_212, %get3A_213, %get3A_214] {strides = array<i32>} : memref<2x16x128xi32, #tpu.memory_space<vmem>>, vector<16xi32>,
      %gather3A_216 = tpu.vector_load_idx %arg7[%get3A_215] : memref<100352xf32, #tpu.memory_space<vmem>>[vector<16xi32>], vector<16xf32>,
      %swap3A_217 = arith.constant 1 : i32
      %swap3A_218 = arith.index_cast %rem3A_77 : i32 to index
      %swap3A_219 = arith.index_cast %swap3A_217 : i32 to index
      %swap3A_220 = arith.constant 0 : index
      %swap3A_221 = tpu.vector_load %arg10[%swap3A_218, %swap3A_219, %swap3A_220] {strides = array<i32>} : memref<3x16x128xf32, #tpu.memory_space<vmem>>, vector<16xf32>,
      tpu.vector_store %arg10[%swap3A_218, %swap3A_219, %swap3A_220], %gather3A_216 {strides = array<i32>} : memref<3x16x128xf32, #tpu.memory_space<vmem>>, vector<16xf32>,
      %get3A_222 = arith.constant 1 : i32
      %get3A_223 = arith.index_cast %rem3A_75 : i32 to index
      %get3A_224 = arith.index_cast %get3A_222 : i32 to index
      %get3A_225 = arith.constant 16 : index
      %get3A_226 = tpu.vector_load %arg8[%get3A_223, %get3A_224, %get3A_225] {strides = array<i32>} : memref<2x16x128xi32, #tpu.memory_space<vmem>>, vector<16xi32>,
      %gather3A_227 = tpu.vector_load_idx %arg7[%get3A_226] : memref<100352xf32, #tpu.memory_space<vmem>>[vector<16xi32>], vector<16xf32>,
      %swap3A_228 = arith.constant 1 : i32
      %swap3A_229 = arith.index_cast %rem3A_77 : i32 to index
      %swap3A_230 = arith.index_cast %swap3A_228 : i32 to index
      %swap3A_231 = arith.constant 16 : index
      %swap3A_232 = tpu.vector_load %arg10[%swap3A_229, %swap3A_230, %swap3A_231] {strides = array<i32>} : memref<3x16x128xf32, #tpu.memory_space<vmem>>, vector<16xf32>,
      tpu.vector_store %arg10[%swap3A_229, %swap3A_230, %swap3A_231], %gather3A_227 {strides = array<i32>} : memref<3x16x128xf32, #tpu.memory_space<vmem>>, vector<16xf32>,
      %get3A_233 = arith.constant 1 : i32
      %get3A_234 = arith.index_cast %rem3A_75 : i32 to index
      %get3A_235 = arith.index_cast %get3A_233 : i32 to index
      %get3A_236 = arith.constant 32 : index
      %get3A_237 = tpu.vector_load %arg8[%get3A_234, %get3A_235, %get3A_236] {strides = array<i32>} : memref<2x16x128xi32, #tpu.memory_space<vmem>>, vector<16xi32>,
      %gather3A_238 = tpu.vector_load_idx %arg7[%get3A_237] : memref<100352xf32, #tpu.memory_space<vmem>>[vector<16xi32>], vector<16xf32>,
      %swap3A_239 = arith.constant 1 : i32
      %swap3A_240 = arith.index_cast %rem3A_77 : i32 to index
      %swap3A_241 = arith.index_cast %swap3A_239 : i32 to index
      %swap3A_242 = arith.constant 32 : index
      %swap3A_243 = tpu.vector_load %arg10[%swap3A_240, %swap3A_241, %swap3A_242] {strides = array<i32>} : memref<3x16x128xf32, #tpu.memory_space<vmem>>, vector<16xf32>,
      tpu.vector_store %arg10[%swap3A_240, %swap3A_241, %swap3A_242], %gather3A_238 {strides = array<i32>} : memref<3x16x128xf32, #tpu.memory_space<vmem>>, vector<16xf32>,
      %get3A_244 = arith.constant 1 : i32
      %get3A_245 = arith.index_cast %rem3A_75 : i32 to index
      %get3A_246 = arith.index_cast %get3A_244 : i32 to index
      %get3A_247 = arith.constant 48 : index
      %get3A_248 = tpu.vector_load %arg8[%get3A_245, %get3A_246, %get3A_247] {strides = array<i32>} : memref<2x16x128xi32, #tpu.memory_space<vmem>>, vector<16xi32>,
      %gather3A_249 = tpu.vector_load_idx %arg7[%get3A_248] : memref<100352xf32, #tpu.memory_space<vmem>>[vector<16xi32>], vector<16xf32>,
      %swap3A_250 = arith.constant 1 : i32
      %swap3A_251 = arith.index_cast %rem3A_77 : i32 to index
      %swap3A_252 = arith.index_cast %swap3A_250 : i32 to index
      %swap3A_253 = arith.constant 48 : index
      %swap3A_254 = tpu.vector_load %arg10[%swap3A_251, %swap3A_252, %swap3A_253] {strides = array<i32>} : memref<3x16x128xf32, #tpu.memory_space<vmem>>, vector<16xf32>,
      tpu.vector_store %arg10[%swap3A_251, %swap3A_252, %swap3A_253], %gather3A_249 {strides = array<i32>} : memref<3x16x128xf32, #tpu.memory_space<vmem>>, vector<16xf32>,
      %get3A_255 = arith.constant 1 : i32
      %get3A_256 = arith.index_cast %rem3A_75 : i32 to index
      %get3A_257 = arith.index_cast %get3A_255 : i32 to index
      %get3A_258 = arith.constant 64 : index
      %get3A_259 = tpu.vector_load %arg8[%get3A_256, %get3A_257, %get3A_258] {strides = array<i32>} : memref<2x16x128xi32, #tpu.memory_space<vmem>>, vector<16xi32>,
      %gather3A_260 = tpu.vector_load_idx %arg7[%get3A_259] : memref<100352xf32, #tpu.memory_space<vmem>>[vector<16xi32>], vector<16xf32>,
      %swap3A_261 = arith.constant 1 : i32
      %swap3A_262 = arith.index_cast %rem3A_77 : i32 to index
      %swap3A_263 = arith.index_cast %swap3A_261 : i32 to index
      %swap3A_264 = arith.constant 64 : index
      %swap3A_265 = tpu.vector_load %arg10[%swap3A_262, %swap3A_263, %swap3A_264] {strides = array<i32>} : memref<3x16x128xf32, #tpu.memory_space<vmem>>, vector<16xf32>,
      tpu.vector_store %arg10[%swap3A_262, %swap3A_263, %swap3A_264], %gather3A_260 {strides = array<i32>} : memref<3x16x128xf32, #tpu.memory_space<vmem>>, vector<16xf32>,
      %get3A_266 = arith.constant 1 : i32
      %get3A_267 = arith.index_cast %rem3A_75 : i32 to index
      %get3A_268 = arith.index_cast %get3A_266 : i32 to index
      %get3A_269 = arith.constant 80 : index
      %get3A_270 = tpu.vector_load %arg8[%get3A_267, %get3A_268, %get3A_269] {strides = array<i32>} : memref<2x16x128xi32, #tpu.memory_space<vmem>>, vector<16xi32>,
      %gather3A_271 = tpu.vector_load_idx %arg7[%get3A_270] : memref<100352xf32, #tpu.memory_space<vmem>>[vector<16xi32>], vector<16xf32>,
      %swap3A_272 = arith.constant 1 : i32
      %swap3A_273 = arith.index_cast %rem3A_77 : i32 to index
      %swap3A_274 = arith.index_cast %swap3A_272 : i32 to index
      %swap3A_275 = arith.constant 80 : index
      %swap3A_276 = tpu.vector_load %arg10[%swap3A_273, %swap3A_274, %swap3A_275] {strides = array<i32>} : memref<3x16x128xf32, #tpu.memory_space<vmem>>, vector<16xf32>,
      tpu.vector_store %arg10[%swap3A_273, %swap3A_274, %swap3A_275], %gather3A_271 {strides = array<i32>} : memref<3x16x128xf32, #tpu.memory_space<vmem>>, vector<16xf32>,
      %get3A_277 = arith.constant 1 : i32
      %get3A_278 = arith.index_cast %rem3A_75 : i32 to index
      %get3A_279 = arith.index_cast %get3A_277 : i32 to index
      %get3A_280 = arith.constant 96 : index
      %get3A_281 = tpu.vector_load %arg8[%get3A_278, %get3A_279, %get3A_280] {strides = array<i32>} : memref<2x16x128xi32, #tpu.memory_space<vmem>>, vector<16xi32>,
      %gather3A_282 = tpu.vector_load_idx %arg7[%get3A_281] : memref<100352xf32, #tpu.memory_space<vmem>>[vector<16xi32>], vector<16xf32>,
      %swap3A_283 = arith.constant 1 : i32
      %swap3A_284 = arith.index_cast %rem3A_77 : i32 to index
      %swap3A_285 = arith.index_cast %swap3A_283 : i32 to index
      %swap3A_286 = arith.constant 96 : index
      %swap3A_287 = tpu.vector_load %arg10[%swap3A_284, %swap3A_285, %swap3A_286] {strides = array<i32>} : memref<3x16x128xf32, #tpu.memory_space<vmem>>, vector<16xf32>,
      tpu.vector_store %arg10[%swap3A_284, %swap3A_285, %swap3A_286], %gather3A_282 {strides = array<i32>} : memref<3x16x128xf32, #tpu.memory_space<vmem>>, vector<16xf32>,
      %get3A_288 = arith.constant 1 : i32
      %get3A_289 = arith.index_cast %rem3A_75 : i32 to index
      %get3A_290 = arith.index_cast %get3A_288 : i32 to index
      %get3A_291 = arith.constant 112 : index
      %get3A_292 = tpu.vector_load %arg8[%get3A_289, %get3A_290, %get3A_291] {strides = array<i32>} : memref<2x16x128xi32, #tpu.memory_space<vmem>>, vector<16xi32>,
      %gather3A_293 = tpu.vector_load_idx %arg7[%get3A_292] : memref<100352xf32, #tpu.memory_space<vmem>>[vector<16xi32>], vector<16xf32>,
      %swap3A_294 = arith.constant 1 : i32
      %swap3A_295 = arith.index_cast %rem3A_77 : i32 to index
      %swap3A_296 = arith.index_cast %swap3A_294 : i32 to index
      %swap3A_297 = arith.constant 112 : index
      %swap3A_298 = tpu.vector_load %arg10[%swap3A_295, %swap3A_296, %swap3A_297] {strides = array<i32>} : memref<3x16x128xf32, #tpu.memory_space<vmem>>, vector<16xf32>,
      tpu.vector_store %arg10[%swap3A_295, %swap3A_296, %swap3A_297], %gather3A_293 {strides = array<i32>} : memref<3x16x128xf32, #tpu.memory_space<vmem>>, vector<16xf32>,
      %dma_start3A_299 = arith.constant 1 : i32
      %dma_start3A_300 = arith.constant 1 : i32
      %dma_start3A_301 = arith.constant 0 : i32
      %dma_start3A_302 = tpu.memref_slice %arg10[%rem3A_77, %dma_start3A_299, %dma_start3A_301] : memref<3x16x128xf32, #tpu.memory_space<vmem>> -> memref<1x1x128xf32, #tpu.memory_space<vmem>>
      %dma_start3A_303 = tpu.memref_squeeze %dma_start3A_302 : memref<1x1x128xf32, #tpu.memory_space<vmem>> -> memref<128xf32, #tpu.memory_space<vmem>>
      %dma_start3A_304 = arith.constant 0 : i32
      %dma_start3A_305 = tpu.memref_slice %arg9[%rem3A_77, %dma_start3A_300, %dma_start3A_304] : memref<3x16x128xi32, #tpu.memory_space<vmem>> -> memref<1x1x128xi32, #tpu.memory_space<vmem>>
      %dma_start3A_306 = tpu.memref_squeeze %dma_start3A_305 : memref<1x1x128xi32, #tpu.memory_space<vmem>> -> memref<128xi32, #tpu.memory_space<vmem>>
      %dma_start3A_307 = arith.constant 0 : i32
      %dma_start3A_308 = tpu.memref_slice %arg12[%dma_start3A_307] : memref<100352xf32, #tpu.memory_space<vmem_shared>> -> memref<100352xf32, #tpu.memory_space<vmem_shared>>
      tpu.enqueue_indirect_dma source(%dma_start3A_303 : memref<128xf32, #tpu.memory_space<vmem>>) target(%dma_start3A_308 : memref<100352xf32, #tpu.memory_space<vmem_shared>>) offsets(%dma_start3A_306 : memref<128xi32, #tpu.memory_space<vmem>>) semaphore(%arg15 : memref<!tpu.dma_semaphore, #tpu.memory_space<semaphore_mem>>) {add = true}
      %dma_start3A_309 = arith.constant 1 : i32
      %dma_start3A_310 = arith.constant 0 : i32
      %dma_start3A_311 = tpu.memref_slice %arg9[%rem3A_77, %dma_start3A_309, %dma_start3A_310] : memref<3x16x128xi32, #tpu.memory_space<vmem>> -> memref<1x1x128xi32, #tpu.memory_space<vmem>>
      %dma_start3A_312 = tpu.memref_squeeze %dma_start3A_311 : memref<1x1x128xi32, #tpu.memory_space<vmem>> -> memref<128xi32, #tpu.memory_space<vmem>>
      %dma_start3A_313 = arith.constant 0 : i32
      %dma_start3A_314 = tpu.memref_slice %arg13[%dma_start3A_313] : memref<100352xf32, #tpu.memory_space<vmem_shared>> -> memref<100352xf32, #tpu.memory_space<vmem_shared>>
      tpu.enqueue_indirect_dma source(%arg11 : memref<128xf32, #tpu.memory_space<vmem>>) target(%dma_start3A_314 : memref<100352xf32, #tpu.memory_space<vmem_shared>>) offsets(%dma_start3A_312 : memref<128xi32, #tpu.memory_space<vmem>>) semaphore(%arg15 : memref<!tpu.dma_semaphore, #tpu.memory_space<semaphore_mem>>) {add = true}
      %get3A_315 = arith.constant 2 : i32
      %get3A_316 = arith.index_cast %rem3A_75 : i32 to index
      %get3A_317 = arith.index_cast %get3A_315 : i32 to index
      %get3A_318 = arith.constant 0 : index
      %get3A_319 = tpu.vector_load %arg8[%get3A_316, %get3A_317, %get3A_318] {strides = array<i32>} : memref<2x16x128xi32, #tpu.memory_space<vmem>>, vector<16xi32>,
      %gather3A_320 = tpu.vector_load_idx %arg7[%get3A_319] : memref<100352xf32, #tpu.memory_space<vmem>>[vector<16xi32>], vector<16xf32>,
      %swap3A_321 = arith.constant 2 : i32
      %swap3A_322 = arith.index_cast %rem3A_77 : i32 to index
      %swap3A_323 = arith.index_cast %swap3A_321 : i32 to index
      %swap3A_324 = arith.constant 0 : index
      %swap3A_325 = tpu.vector_load %arg10[%swap3A_322, %swap3A_323, %swap3A_324] {strides = array<i32>} : memref<3x16x128xf32, #tpu.memory_space<vmem>>, vector<16xf32>,
      tpu.vector_store %arg10[%swap3A_322, %swap3A_323, %swap3A_324], %gather3A_320 {strides = array<i32>} : memref<3x16x128xf32, #tpu.memory_space<vmem>>, vector<16xf32>,
      %get3A_326 = arith.constant 2 : i32
      %get3A_327 = arith.index_cast %rem3A_75 : i32 to index
      %get3A_328 = arith.index_cast %get3A_326 : i32 to index
      %get3A_329 = arith.constant 16 : index
      %get3A_330 = tpu.vector_load %arg8[%get3A_327, %get3A_328, %get3A_329] {strides = array<i32>} : memref<2x16x128xi32, #tpu.memory_space<vmem>>, vector<16xi32>,
      %gather3A_331 = tpu.vector_load_idx %arg7[%get3A_330] : memref<100352xf32, #tpu.memory_space<vmem>>[vector<16xi32>], vector<16xf32>,
      %swap3A_332 = arith.constant 2 : i32
      %swap3A_333 = arith.index_cast %rem3A_77 : i32 to index
      %swap3A_334 = arith.index_cast %swap3A_332 : i32 to index
      %swap3A_335 = arith.constant 16 : index
      %swap3A_336 = tpu.vector_load %arg10[%swap3A_333, %swap3A_334, %swap3A_335] {strides = array<i32>} : memref<3x16x128xf32, #tpu.memory_space<vmem>>, vector<16xf32>,
      tpu.vector_store %arg10[%swap3A_333, %swap3A_334, %swap3A_335], %gather3A_331 {strides = array<i32>} : memref<3x16x128xf32, #tpu.memory_space<vmem>>, vector<16xf32>,
      %get3A_337 = arith.constant 2 : i32
      %get3A_338 = arith.index_cast %rem3A_75 : i32 to index
      %get3A_339 = arith.index_cast %get3A_337 : i32 to index
      %get3A_340 = arith.constant 32 : index
      %get3A_341 = tpu.vector_load %arg8[%get3A_338, %get3A_339, %get3A_340] {strides = array<i32>} : memref<2x16x128xi32, #tpu.memory_space<vmem>>, vector<16xi32>,
      %gather3A_342 = tpu.vector_load_idx %arg7[%get3A_341] : memref<100352xf32, #tpu.memory_space<vmem>>[vector<16xi32>], vector<16xf32>,
      %swap3A_343 = arith.constant 2 : i32
      %swap3A_344 = arith.index_cast %rem3A_77 : i32 to index
      %swap3A_345 = arith.index_cast %swap3A_343 : i32 to index
      %swap3A_346 = arith.constant 32 : index
      %swap3A_347 = tpu.vector_load %arg10[%swap3A_344, %swap3A_345, %swap3A_346] {strides = array<i32>} : memref<3x16x128xf32, #tpu.memory_space<vmem>>, vector<16xf32>,
      tpu.vector_store %arg10[%swap3A_344, %swap3A_345, %swap3A_346], %gather3A_342 {strides = array<i32>} : memref<3x16x128xf32, #tpu.memory_space<vmem>>, vector<16xf32>,
      %get3A_348 = arith.constant 2 : i32
      %get3A_349 = arith.index_cast %rem3A_75 : i32 to index
      %get3A_350 = arith.index_cast %get3A_348 : i32 to index
      %get3A_351 = arith.constant 48 : index
      %get3A_352 = tpu.vector_load %arg8[%get3A_349, %get3A_350, %get3A_351] {strides = array<i32>} : memref<2x16x128xi32, #tpu.memory_space<vmem>>, vector<16xi32>,
      %gather3A_353 = tpu.vector_load_idx %arg7[%get3A_352] : memref<100352xf32, #tpu.memory_space<vmem>>[vector<16xi32>], vector<16xf32>,
      %swap3A_354 = arith.constant 2 : i32
      %swap3A_355 = arith.index_cast %rem3A_77 : i32 to index
      %swap3A_356 = arith.index_cast %swap3A_354 : i32 to index
      %swap3A_357 = arith.constant 48 : index
      %swap3A_358 = tpu.vector_load %arg10[%swap3A_355, %swap3A_356, %swap3A_357] {strides = array<i32>} : memref<3x16x128xf32, #tpu.memory_space<vmem>>, vector<16xf32>,
      tpu.vector_store %arg10[%swap3A_355, %swap3A_356, %swap3A_357], %gather3A_353 {strides = array<i32>} : memref<3x16x128xf32, #tpu.memory_space<vmem>>, vector<16xf32>,
      %get3A_359 = arith.constant 2 : i32
      %get3A_360 = arith.index_cast %rem3A_75 : i32 to index
      %get3A_361 = arith.index_cast %get3A_359 : i32 to index
      %get3A_362 = arith.constant 64 : index
      %get3A_363 = tpu.vector_load %arg8[%get3A_360, %get3A_361, %get3A_362] {strides = array<i32>} : memref<2x16x128xi32, #tpu.memory_space<vmem>>, vector<16xi32>,
      %gather3A_364 = tpu.vector_load_idx %arg7[%get3A_363] : memref<100352xf32, #tpu.memory_space<vmem>>[vector<16xi32>], vector<16xf32>,
      %swap3A_365 = arith.constant 2 : i32
      %swap3A_366 = arith.index_cast %rem3A_77 : i32 to index
      %swap3A_367 = arith.index_cast %swap3A_365 : i32 to index
      %swap3A_368 = arith.constant 64 : index
      %swap3A_369 = tpu.vector_load %arg10[%swap3A_366, %swap3A_367, %swap3A_368] {strides = array<i32>} : memref<3x16x128xf32, #tpu.memory_space<vmem>>, vector<16xf32>,
      tpu.vector_store %arg10[%swap3A_366, %swap3A_367, %swap3A_368], %gather3A_364 {strides = array<i32>} : memref<3x16x128xf32, #tpu.memory_space<vmem>>, vector<16xf32>,
      %get3A_370 = arith.constant 2 : i32
      %get3A_371 = arith.index_cast %rem3A_75 : i32 to index
      %get3A_372 = arith.index_cast %get3A_370 : i32 to index
      %get3A_373 = arith.constant 80 : index
      %get3A_374 = tpu.vector_load %arg8[%get3A_371, %get3A_372, %get3A_373] {strides = array<i32>} : memref<2x16x128xi32, #tpu.memory_space<vmem>>, vector<16xi32>,
      %gather3A_375 = tpu.vector_load_idx %arg7[%get3A_374] : memref<100352xf32, #tpu.memory_space<vmem>>[vector<16xi32>], vector<16xf32>,
      %swap3A_376 = arith.constant 2 : i32
      %swap3A_377 = arith.index_cast %rem3A_77 : i32 to index
      %swap3A_378 = arith.index_cast %swap3A_376 : i32 to index
      %swap3A_379 = arith.constant 80 : index
      %swap3A_380 = tpu.vector_load %arg10[%swap3A_377, %swap3A_378, %swap3A_379] {strides = array<i32>} : memref<3x16x128xf32, #tpu.memory_space<vmem>>, vector<16xf32>,
      tpu.vector_store %arg10[%swap3A_377, %swap3A_378, %swap3A_379], %gather3A_375 {strides = array<i32>} : memref<3x16x128xf32, #tpu.memory_space<vmem>>, vector<16xf32>,
      %get3A_381 = arith.constant 2 : i32
      %get3A_382 = arith.index_cast %rem3A_75 : i32 to index
      %get3A_383 = arith.index_cast %get3A_381 : i32 to index
      %get3A_384 = arith.constant 96 : index
      %get3A_385 = tpu.vector_load %arg8[%get3A_382, %get3A_383, %get3A_384] {strides = array<i32>} : memref<2x16x128xi32, #tpu.memory_space<vmem>>, vector<16xi32>,
      %gather3A_386 = tpu.vector_load_idx %arg7[%get3A_385] : memref<100352xf32, #tpu.memory_space<vmem>>[vector<16xi32>], vector<16xf32>,
      %swap3A_387 = arith.constant 2 : i32
      %swap3A_388 = arith.index_cast %rem3A_77 : i32 to index
      %swap3A_389 = arith.index_cast %swap3A_387 : i32 to index
      %swap3A_390 = arith.constant 96 : index
      %swap3A_391 = tpu.vector_load %arg10[%swap3A_388, %swap3A_389, %swap3A_390] {strides = array<i32>} : memref<3x16x128xf32, #tpu.memory_space<vmem>>, vector<16xf32>,
      tpu.vector_store %arg10[%swap3A_388, %swap3A_389, %swap3A_390], %gather3A_386 {strides = array<i32>} : memref<3x16x128xf32, #tpu.memory_space<vmem>>, vector<16xf32>,
      %get3A_392 = arith.constant 2 : i32
      %get3A_393 = arith.index_cast %rem3A_75 : i32 to index
      %get3A_394 = arith.index_cast %get3A_392 : i32 to index
      %get3A_395 = arith.constant 112 : index
      %get3A_396 = tpu.vector_load %arg8[%get3A_393, %get3A_394, %get3A_395] {strides = array<i32>} : memref<2x16x128xi32, #tpu.memory_space<vmem>>, vector<16xi32>,
      %gather3A_397 = tpu.vector_load_idx %arg7[%get3A_396] : memref<100352xf32, #tpu.memory_space<vmem>>[vector<16xi32>], vector<16xf32>,
      %swap3A_398 = arith.constant 2 : i32
      %swap3A_399 = arith.index_cast %rem3A_77 : i32 to index
      %swap3A_400 = arith.index_cast %swap3A_398 : i32 to index
      %swap3A_401 = arith.constant 112 : index
      %swap3A_402 = tpu.vector_load %arg10[%swap3A_399, %swap3A_400, %swap3A_401] {strides = array<i32>} : memref<3x16x128xf32, #tpu.memory_space<vmem>>, vector<16xf32>,
      tpu.vector_store %arg10[%swap3A_399, %swap3A_400, %swap3A_401], %gather3A_397 {strides = array<i32>} : memref<3x16x128xf32, #tpu.memory_space<vmem>>, vector<16xf32>,
      %dma_start3A_403 = arith.constant 2 : i32
      %dma_start3A_404 = arith.constant 2 : i32
      %dma_start3A_405 = arith.constant 0 : i32
      %dma_start3A_406 = tpu.memref_slice %arg10[%rem3A_77, %dma_start3A_403, %dma_start3A_405] : memref<3x16x128xf32, #tpu.memory_space<vmem>> -> memref<1x1x128xf32, #tpu.memory_space<vmem>>
      %dma_start3A_407 = tpu.memref_squeeze %dma_start3A_406 : memref<1x1x128xf32, #tpu.memory_space<vmem>> -> memref<128xf32, #tpu.memory_space<vmem>>
      %dma_start3A_408 = arith.constant 0 : i32
      %dma_start3A_409 = tpu.memref_slice %arg9[%rem3A_77, %dma_start3A_404, %dma_start3A_408] : memref<3x16x128xi32, #tpu.memory_space<vmem>> -> memref<1x1x128xi32, #tpu.memory_space<vmem>>
      %dma_start3A_410 = tpu.memref_squeeze %dma_start3A_409 : memref<1x1x128xi32, #tpu.memory_space<vmem>> -> memref<128xi32, #tpu.memory_space<vmem>>
      %dma_start3A_411 = arith.constant 0 : i32
      %dma_start3A_412 = tpu.memref_slice %arg12[%dma_start3A_411] : memref<100352xf32, #tpu.memory_space<vmem_shared>> -> memref<100352xf32, #tpu.memory_space<vmem_shared>>
      tpu.enqueue_indirect_dma source(%dma_start3A_407 : memref<128xf32, #tpu.memory_space<vmem>>) target(%dma_start3A_412 : memref<100352xf32, #tpu.memory_space<vmem_shared>>) offsets(%dma_start3A_410 : memref<128xi32, #tpu.memory_space<vmem>>) semaphore(%arg15 : memref<!tpu.dma_semaphore, #tpu.memory_space<semaphore_mem>>) {add = true}
      %dma_start3A_413 = arith.constant 2 : i32
      %dma_start3A_414 = arith.constant 0 : i32
      %dma_start3A_415 = tpu.memref_slice %arg9[%rem3A_77, %dma_start3A_413, %dma_start3A_414] : memref<3x16x128xi32, #tpu.memory_space<vmem>> -> memref<1x1x128xi32, #tpu.memory_space<vmem>>
      %dma_start3A_416 = tpu.memref_squeeze %dma_start3A_415 : memref<1x1x128xi32, #tpu.memory_space<vmem>> -> memref<128xi32, #tpu.memory_space<vmem>>
      %dma_start3A_417 = arith.constant 0 : i32
      %dma_start3A_418 = tpu.memref_slice %arg13[%dma_start3A_417] : memref<100352xf32, #tpu.memory_space<vmem_shared>> -> memref<100352xf32, #tpu.memory_space<vmem_shared>>
      tpu.enqueue_indirect_dma source(%arg11 : memref<128xf32, #tpu.memory_space<vmem>>) target(%dma_start3A_418 : memref<100352xf32, #tpu.memory_space<vmem_shared>>) offsets(%dma_start3A_416 : memref<128xi32, #tpu.memory_space<vmem>>) semaphore(%arg15 : memref<!tpu.dma_semaphore, #tpu.memory_space<semaphore_mem>>) {add = true}
      %get3A_419 = arith.constant 3 : i32
      %get3A_420 = arith.index_cast %rem3A_75 : i32 to index
      %get3A_421 = arith.index_cast %get3A_419 : i32 to index
      %get3A_422 = arith.constant 0 : index
      %get3A_423 = tpu.vector_load %arg8[%get3A_420, %get3A_421, %get3A_422] {strides = array<i32>} : memref<2x16x128xi32, #tpu.memory_space<vmem>>, vector<16xi32>,
      %gather3A_424 = tpu.vector_load_idx %arg7[%get3A_423] : memref<100352xf32, #tpu.memory_space<vmem>>[vector<16xi32>], vector<16xf32>,
      %swap3A_425 = arith.constant 3 : i32
      %swap3A_426 = arith.index_cast %rem3A_77 : i32 to index
      %swap3A_427 = arith.index_cast %swap3A_425 : i32 to index
      %swap3A_428 = arith.constant 0 : index
      %swap3A_429 = tpu.vector_load %arg10[%swap3A_426, %swap3A_427, %swap3A_428] {strides = array<i32>} : memref<3x16x128xf32, #tpu.memory_space<vmem>>, vector<16xf32>,
      tpu.vector_store %arg10[%swap3A_426, %swap3A_427, %swap3A_428], %gather3A_424 {strides = array<i32>} : memref<3x16x128xf32, #tpu.memory_space<vmem>>, vector<16xf32>,
      %get3A_430 = arith.constant 3 : i32
      %get3A_431 = arith.index_cast %rem3A_75 : i32 to index
      %get3A_432 = arith.index_cast %get3A_430 : i32 to index
      %get3A_433 = arith.constant 16 : index
      %get3A_434 = tpu.vector_load %arg8[%get3A_431, %get3A_432, %get3A_433] {strides = array<i32>} : memref<2x16x128xi32, #tpu.memory_space<vmem>>, vector<16xi32>,
      %gather3A_435 = tpu.vector_load_idx %arg7[%get3A_434] : memref<100352xf32, #tpu.memory_space<vmem>>[vector<16xi32>], vector<16xf32>,
      %swap3A_436 = arith.constant 3 : i32
      %swap3A_437 = arith.index_cast %rem3A_77 : i32 to index
      %swap3A_438 = arith.index_cast %swap3A_436 : i32 to index
      %swap3A_439 = arith.constant 16 : index
      %swap3A_440 = tpu.vector_load %arg10[%swap3A_437, %swap3A_438, %swap3A_439] {strides = array<i32>} : memref<3x16x128xf32, #tpu.memory_space<vmem>>, vector<16xf32>,
      tpu.vector_store %arg10[%swap3A_437, %swap3A_438, %swap3A_439], %gather3A_435 {strides = array<i32>} : memref<3x16x128xf32, #tpu.memory_space<vmem>>, vector<16xf32>,
      %get3A_441 = arith.constant 3 : i32
      %get3A_442 = arith.index_cast %rem3A_75 : i32 to index
      %get3A_443 = arith.index_cast %get3A_441 : i32 to index
      %get3A_444 = arith.constant 32 : index
      %get3A_445 = tpu.vector_load %arg8[%get3A_442, %get3A_443, %get3A_444] {strides = array<i32>} : memref<2x16x128xi32, #tpu.memory_space<vmem>>, vector<16xi32>,
      %gather3A_446 = tpu.vector_load_idx %arg7[%get3A_445] : memref<100352xf32, #tpu.memory_space<vmem>>[vector<16xi32>], vector<16xf32>,
      %swap3A_447 = arith.constant 3 : i32
      %swap3A_448 = arith.index_cast %rem3A_77 : i32 to index
      %swap3A_449 = arith.index_cast %swap3A_447 : i32 to index
      %swap3A_450 = arith.constant 32 : index
      %swap3A_451 = tpu.vector_load %arg10[%swap3A_448, %swap3A_449, %swap3A_450] {strides = array<i32>} : memref<3x16x128xf32, #tpu.memory_space<vmem>>, vector<16xf32>,
      tpu.vector_store %arg10[%swap3A_448, %swap3A_449, %swap3A_450], %gather3A_446 {strides = array<i32>} : memref<3x16x128xf32, #tpu.memory_space<vmem>>, vector<16xf32>,
      %get3A_452 = arith.constant 3 : i32
      %get3A_453 = arith.index_cast %rem3A_75 : i32 to index
      %get3A_454 = arith.index_cast %get3A_452 : i32 to index
      %get3A_455 = arith.constant 48 : index
      %get3A_456 = tpu.vector_load %arg8[%get3A_453, %get3A_454, %get3A_455] {strides = array<i32>} : memref<2x16x128xi32, #tpu.memory_space<vmem>>, vector<16xi32>,
      %gather3A_457 = tpu.vector_load_idx %arg7[%get3A_456] : memref<100352xf32, #tpu.memory_space<vmem>>[vector<16xi32>], vector<16xf32>,
      %swap3A_458 = arith.constant 3 : i32
      %swap3A_459 = arith.index_cast %rem3A_77 : i32 to index
      %swap3A_460 = arith.index_cast %swap3A_458 : i32 to index
      %swap3A_461 = arith.constant 48 : index
      %swap3A_462 = tpu.vector_load %arg10[%swap3A_459, %swap3A_460, %swap3A_461] {strides = array<i32>} : memref<3x16x128xf32, #tpu.memory_space<vmem>>, vector<16xf32>,
      tpu.vector_store %arg10[%swap3A_459, %swap3A_460, %swap3A_461], %gather3A_457 {strides = array<i32>} : memref<3x16x128xf32, #tpu.memory_space<vmem>>, vector<16xf32>,
      %get3A_463 = arith.constant 3 : i32
      %get3A_464 = arith.index_cast %rem3A_75 : i32 to index
      %get3A_465 = arith.index_cast %get3A_463 : i32 to index
      %get3A_466 = arith.constant 64 : index
      %get3A_467 = tpu.vector_load %arg8[%get3A_464, %get3A_465, %get3A_466] {strides = array<i32>} : memref<2x16x128xi32, #tpu.memory_space<vmem>>, vector<16xi32>,
      %gather3A_468 = tpu.vector_load_idx %arg7[%get3A_467] : memref<100352xf32, #tpu.memory_space<vmem>>[vector<16xi32>], vector<16xf32>,
      %swap3A_469 = arith.constant 3 : i32
      %swap3A_470 = arith.index_cast %rem3A_77 : i32 to index
      %swap3A_471 = arith.index_cast %swap3A_469 : i32 to index
      %swap3A_472 = arith.constant 64 : index
      %swap3A_473 = tpu.vector_load %arg10[%swap3A_470, %swap3A_471, %swap3A_472] {strides = array<i32>} : memref<3x16x128xf32, #tpu.memory_space<vmem>>, vector<16xf32>,
      tpu.vector_store %arg10[%swap3A_470, %swap3A_471, %swap3A_472], %gather3A_468 {strides = array<i32>} : memref<3x16x128xf32, #tpu.memory_space<vmem>>, vector<16xf32>,
      %get3A_474 = arith.constant 3 : i32
      %get3A_475 = arith.index_cast %rem3A_75 : i32 to index
      %get3A_476 = arith.index_cast %get3A_474 : i32 to index
      %get3A_477 = arith.constant 80 : index
      %get3A_478 = tpu.vector_load %arg8[%get3A_475, %get3A_476, %get3A_477] {strides = array<i32>} : memref<2x16x128xi32, #tpu.memory_space<vmem>>, vector<16xi32>,
      %gather3A_479 = tpu.vector_load_idx %arg7[%get3A_478] : memref<100352xf32, #tpu.memory_space<vmem>>[vector<16xi32>], vector<16xf32>,
      %swap3A_480 = arith.constant 3 : i32
      %swap3A_481 = arith.index_cast %rem3A_77 : i32 to index
      %swap3A_482 = arith.index_cast %swap3A_480 : i32 to index
      %swap3A_483 = arith.constant 80 : index
      %swap3A_484 = tpu.vector_load %arg10[%swap3A_481, %swap3A_482, %swap3A_483] {strides = array<i32>} : memref<3x16x128xf32, #tpu.memory_space<vmem>>, vector<16xf32>,
      tpu.vector_store %arg10[%swap3A_481, %swap3A_482, %swap3A_483], %gather3A_479 {strides = array<i32>} : memref<3x16x128xf32, #tpu.memory_space<vmem>>, vector<16xf32>,
      %get3A_485 = arith.constant 3 : i32
      %get3A_486 = arith.index_cast %rem3A_75 : i32 to index
      %get3A_487 = arith.index_cast %get3A_485 : i32 to index
      %get3A_488 = arith.constant 96 : index
      %get3A_489 = tpu.vector_load %arg8[%get3A_486, %get3A_487, %get3A_488] {strides = array<i32>} : memref<2x16x128xi32, #tpu.memory_space<vmem>>, vector<16xi32>,
      %gather3A_490 = tpu.vector_load_idx %arg7[%get3A_489] : memref<100352xf32, #tpu.memory_space<vmem>>[vector<16xi32>], vector<16xf32>,
      %swap3A_491 = arith.constant 3 : i32
      %swap3A_492 = arith.index_cast %rem3A_77 : i32 to index
      %swap3A_493 = arith.index_cast %swap3A_491 : i32 to index
      %swap3A_494 = arith.constant 96 : index
      %swap3A_495 = tpu.vector_load %arg10[%swap3A_492, %swap3A_493, %swap3A_494] {strides = array<i32>} : memref<3x16x128xf32, #tpu.memory_space<vmem>>, vector<16xf32>,
      tpu.vector_store %arg10[%swap3A_492, %swap3A_493, %swap3A_494], %gather3A_490 {strides = array<i32>} : memref<3x16x128xf32, #tpu.memory_space<vmem>>, vector<16xf32>,
      %get3A_496 = arith.constant 3 : i32
      %get3A_497 = arith.index_cast %rem3A_75 : i32 to index
      %get3A_498 = arith.index_cast %get3A_496 : i32 to index
      %get3A_499 = arith.constant 112 : index
      %get3A_500 = tpu.vector_load %arg8[%get3A_497, %get3A_498, %get3A_499] {strides = array<i32>} : memref<2x16x128xi32, #tpu.memory_space<vmem>>, vector<16xi32>,
      %gather3A_501 = tpu.vector_load_idx %arg7[%get3A_500] : memref<100352xf32, #tpu.memory_space<vmem>>[vector<16xi32>], vector<16xf32>,
      %swap3A_502 = arith.constant 3 : i32
      %swap3A_503 = arith.index_cast %rem3A_77 : i32 to index
      %swap3A_504 = arith.index_cast %swap3A_502 : i32 to index
      %swap3A_505 = arith.constant 112 : index
      %swap3A_506 = tpu.vector_load %arg10[%swap3A_503, %swap3A_504, %swap3A_505] {strides = array<i32>} : memref<3x16x128xf32, #tpu.memory_space<vmem>>, vector<16xf32>,
      tpu.vector_store %arg10[%swap3A_503, %swap3A_504, %swap3A_505], %gather3A_501 {strides = array<i32>} : memref<3x16x128xf32, #tpu.memory_space<vmem>>, vector<16xf32>,
      %dma_start3A_507 = arith.constant 3 : i32
      %dma_start3A_508 = arith.constant 3 : i32
      %dma_start3A_509 = arith.constant 0 : i32
      %dma_start3A_510 = tpu.memref_slice %arg10[%rem3A_77, %dma_start3A_507, %dma_start3A_509] : memref<3x16x128xf32, #tpu.memory_space<vmem>> -> memref<1x1x128xf32, #tpu.memory_space<vmem>>
      %dma_start3A_511 = tpu.memref_squeeze %dma_start3A_510 : memref<1x1x128xf32, #tpu.memory_space<vmem>> -> memref<128xf32, #tpu.memory_space<vmem>>
      %dma_start3A_512 = arith.constant 0 : i32
      %dma_start3A_513 = tpu.memref_slice %arg9[%rem3A_77, %dma_start3A_508, %dma_start3A_512] : memref<3x16x128xi32, #tpu.memory_space<vmem>> -> memref<1x1x128xi32, #tpu.memory_space<vmem>>
      %dma_start3A_514 = tpu.memref_squeeze %dma_start3A_513 : memref<1x1x128xi32, #tpu.memory_space<vmem>> -> memref<128xi32, #tpu.memory_space<vmem>>
      %dma_start3A_515 = arith.constant 0 : i32
      %dma_start3A_516 = tpu.memref_slice %arg12[%dma_start3A_515] : memref<100352xf32, #tpu.memory_space<vmem_shared>> -> memref<100352xf32, #tpu.memory_space<vmem_shared>>
      tpu.enqueue_indirect_dma source(%dma_start3A_511 : memref<128xf32, #tpu.memory_space<vmem>>) target(%dma_start3A_516 : memref<100352xf32, #tpu.memory_space<vmem_shared>>) offsets(%dma_start3A_514 : memref<128xi32, #tpu.memory_space<vmem>>) semaphore(%arg15 : memref<!tpu.dma_semaphore, #tpu.memory_space<semaphore_mem>>) {add = true}
      %dma_start3A_517 = arith.constant 3 : i32
      %dma_start3A_518 = arith.constant 0 : i32
      %dma_start3A_519 = tpu.memref_slice %arg9[%rem3A_77, %dma_start3A_517, %dma_start3A_518] : memref<3x16x128xi32, #tpu.memory_space<vmem>> -> memref<1x1x128xi32, #tpu.memory_space<vmem>>
      %dma_start3A_520 = tpu.memref_squeeze %dma_start3A_519 : memref<1x1x128xi32, #tpu.memory_space<vmem>> -> memref<128xi32, #tpu.memory_space<vmem>>
      %dma_start3A_521 = arith.constant 0 : i32
      %dma_start3A_522 = tpu.memref_slice %arg13[%dma_start3A_521] : memref<100352xf32, #tpu.memory_space<vmem_shared>> -> memref<100352xf32, #tpu.memory_space<vmem_shared>>
      tpu.enqueue_indirect_dma source(%arg11 : memref<128xf32, #tpu.memory_space<vmem>>) target(%dma_start3A_522 : memref<100352xf32, #tpu.memory_space<vmem_shared>>) offsets(%dma_start3A_520 : memref<128xi32, #tpu.memory_space<vmem>>) semaphore(%arg15 : memref<!tpu.dma_semaphore, #tpu.memory_space<semaphore_mem>>) {add = true}
      %get3A_523 = arith.constant 4 : i32
      %get3A_524 = arith.index_cast %rem3A_75 : i32 to index
      %get3A_525 = arith.index_cast %get3A_523 : i32 to index
      %get3A_526 = arith.constant 0 : index
      %get3A_527 = tpu.vector_load %arg8[%get3A_524, %get3A_525, %get3A_526] {strides = array<i32>} : memref<2x16x128xi32, #tpu.memory_space<vmem>>, vector<16xi32>,
      %gather3A_528 = tpu.vector_load_idx %arg7[%get3A_527] : memref<100352xf32, #tpu.memory_space<vmem>>[vector<16xi32>], vector<16xf32>,
      %swap3A_529 = arith.constant 4 : i32
      %swap3A_530 = arith.index_cast %rem3A_77 : i32 to index
      %swap3A_531 = arith.index_cast %swap3A_529 : i32 to index
      %swap3A_532 = arith.constant 0 : index
      %swap3A_533 = tpu.vector_load %arg10[%swap3A_530, %swap3A_531, %swap3A_532] {strides = array<i32>} : memref<3x16x128xf32, #tpu.memory_space<vmem>>, vector<16xf32>,
      tpu.vector_store %arg10[%swap3A_530, %swap3A_531, %swap3A_532], %gather3A_528 {strides = array<i32>} : memref<3x16x128xf32, #tpu.memory_space<vmem>>, vector<16xf32>,
      %get3A_534 = arith.constant 4 : i32
      %get3A_535 = arith.index_cast %rem3A_75 : i32 to index
      %get3A_536 = arith.index_cast %get3A_534 : i32 to index
      %get3A_537 = arith.constant 16 : index
      %get3A_538 = tpu.vector_load %arg8[%get3A_535, %get3A_536, %get3A_537] {strides = array<i32>} : memref<2x16x128xi32, #tpu.memory_space<vmem>>, vector<16xi32>,
      %gather3A_539 = tpu.vector_load_idx %arg7[%get3A_538] : memref<100352xf32, #tpu.memory_space<vmem>>[vector<16xi32>], vector<16xf32>,
      %swap3A_540 = arith.constant 4 : i32
      %swap3A_541 = arith.index_cast %rem3A_77 : i32 to index
      %swap3A_542 = arith.index_cast %swap3A_540 : i32 to index
      %swap3A_543 = arith.constant 16 : index
      %swap3A_544 = tpu.vector_load %arg10[%swap3A_541, %swap3A_542, %swap3A_543] {strides = array<i32>} : memref<3x16x128xf32, #tpu.memory_space<vmem>>, vector<16xf32>,
      tpu.vector_store %arg10[%swap3A_541, %swap3A_542, %swap3A_543], %gather3A_539 {strides = array<i32>} : memref<3x16x128xf32, #tpu.memory_space<vmem>>, vector<16xf32>,
      %get3A_545 = arith.constant 4 : i32
      %get3A_546 = arith.index_cast %rem3A_75 : i32 to index
      %get3A_547 = arith.index_cast %get3A_545 : i32 to index
      %get3A_548 = arith.constant 32 : index
      %get3A_549 = tpu.vector_load %arg8[%get3A_546, %get3A_547, %get3A_548] {strides = array<i32>} : memref<2x16x128xi32, #tpu.memory_space<vmem>>, vector<16xi32>,
      %gather3A_550 = tpu.vector_load_idx %arg7[%get3A_549] : memref<100352xf32, #tpu.memory_space<vmem>>[vector<16xi32>], vector<16xf32>,
      %swap3A_551 = arith.constant 4 : i32
      %swap3A_552 = arith.index_cast %rem3A_77 : i32 to index
      %swap3A_553 = arith.index_cast %swap3A_551 : i32 to index
      %swap3A_554 = arith.constant 32 : index
      %swap3A_555 = tpu.vector_load %arg10[%swap3A_552, %swap3A_553, %swap3A_554] {strides = array<i32>} : memref<3x16x128xf32, #tpu.memory_space<vmem>>, vector<16xf32>,
      tpu.vector_store %arg10[%swap3A_552, %swap3A_553, %swap3A_554], %gather3A_550 {strides = array<i32>} : memref<3x16x128xf32, #tpu.memory_space<vmem>>, vector<16xf32>,
      %get3A_556 = arith.constant 4 : i32
      %get3A_557 = arith.index_cast %rem3A_75 : i32 to index
      %get3A_558 = arith.index_cast %get3A_556 : i32 to index
      %get3A_559 = arith.constant 48 : index
      %get3A_560 = tpu.vector_load %arg8[%get3A_557, %get3A_558, %get3A_559] {strides = array<i32>} : memref<2x16x128xi32, #tpu.memory_space<vmem>>, vector<16xi32>,
      %gather3A_561 = tpu.vector_load_idx %arg7[%get3A_560] : memref<100352xf32, #tpu.memory_space<vmem>>[vector<16xi32>], vector<16xf32>,
      %swap3A_562 = arith.constant 4 : i32
      %swap3A_563 = arith.index_cast %rem3A_77 : i32 to index
      %swap3A_564 = arith.index_cast %swap3A_562 : i32 to index
      %swap3A_565 = arith.constant 48 : index
      %swap3A_566 = tpu.vector_load %arg10[%swap3A_563, %swap3A_564, %swap3A_565] {strides = array<i32>} : memref<3x16x128xf32, #tpu.memory_space<vmem>>, vector<16xf32>,
      tpu.vector_store %arg10[%swap3A_563, %swap3A_564, %swap3A_565], %gather3A_561 {strides = array<i32>} : memref<3x16x128xf32, #tpu.memory_space<vmem>>, vector<16xf32>,
      %get3A_567 = arith.constant 4 : i32
      %get3A_568 = arith.index_cast %rem3A_75 : i32 to index
      %get3A_569 = arith.index_cast %get3A_567 : i32 to index
      %get3A_570 = arith.constant 64 : index
      %get3A_571 = tpu.vector_load %arg8[%get3A_568, %get3A_569, %get3A_570] {strides = array<i32>} : memref<2x16x128xi32, #tpu.memory_space<vmem>>, vector<16xi32>,
      %gather3A_572 = tpu.vector_load_idx %arg7[%get3A_571] : memref<100352xf32, #tpu.memory_space<vmem>>[vector<16xi32>], vector<16xf32>,
      %swap3A_573 = arith.constant 4 : i32
      %swap3A_574 = arith.index_cast %rem3A_77 : i32 to index
      %swap3A_575 = arith.index_cast %swap3A_573 : i32 to index
      %swap3A_576 = arith.constant 64 : index
      %swap3A_577 = tpu.vector_load %arg10[%swap3A_574, %swap3A_575, %swap3A_576] {strides = array<i32>} : memref<3x16x128xf32, #tpu.memory_space<vmem>>, vector<16xf32>,
      tpu.vector_store %arg10[%swap3A_574, %swap3A_575, %swap3A_576], %gather3A_572 {strides = array<i32>} : memref<3x16x128xf32, #tpu.memory_space<vmem>>, vector<16xf32>,
      %get3A_578 = arith.constant 4 : i32
      %get3A_579 = arith.index_cast %rem3A_75 : i32 to index
      %get3A_580 = arith.index_cast %get3A_578 : i32 to index
      %get3A_581 = arith.constant 80 : index
      %get3A_582 = tpu.vector_load %arg8[%get3A_579, %get3A_580, %get3A_581] {strides = array<i32>} : memref<2x16x128xi32, #tpu.memory_space<vmem>>, vector<16xi32>,
      %gather3A_583 = tpu.vector_load_idx %arg7[%get3A_582] : memref<100352xf32, #tpu.memory_space<vmem>>[vector<16xi32>], vector<16xf32>,
      %swap3A_584 = arith.constant 4 : i32
      %swap3A_585 = arith.index_cast %rem3A_77 : i32 to index
      %swap3A_586 = arith.index_cast %swap3A_584 : i32 to index
      %swap3A_587 = arith.constant 80 : index
      %swap3A_588 = tpu.vector_load %arg10[%swap3A_585, %swap3A_586, %swap3A_587] {strides = array<i32>} : memref<3x16x128xf32, #tpu.memory_space<vmem>>, vector<16xf32>,
      tpu.vector_store %arg10[%swap3A_585, %swap3A_586, %swap3A_587], %gather3A_583 {strides = array<i32>} : memref<3x16x128xf32, #tpu.memory_space<vmem>>, vector<16xf32>,
      %get3A_589 = arith.constant 4 : i32
      %get3A_590 = arith.index_cast %rem3A_75 : i32 to index
      %get3A_591 = arith.index_cast %get3A_589 : i32 to index
      %get3A_592 = arith.constant 96 : index
      %get3A_593 = tpu.vector_load %arg8[%get3A_590, %get3A_591, %get3A_592] {strides = array<i32>} : memref<2x16x128xi32, #tpu.memory_space<vmem>>, vector<16xi32>,
      %gather3A_594 = tpu.vector_load_idx %arg7[%get3A_593] : memref<100352xf32, #tpu.memory_space<vmem>>[vector<16xi32>], vector<16xf32>,
      %swap3A_595 = arith.constant 4 : i32
      %swap3A_596 = arith.index_cast %rem3A_77 : i32 to index
      %swap3A_597 = arith.index_cast %swap3A_595 : i32 to index
      %swap3A_598 = arith.constant 96 : index
      %swap3A_599 = tpu.vector_load %arg10[%swap3A_596, %swap3A_597, %swap3A_598] {strides = array<i32>} : memref<3x16x128xf32, #tpu.memory_space<vmem>>, vector<16xf32>,
      tpu.vector_store %arg10[%swap3A_596, %swap3A_597, %swap3A_598], %gather3A_594 {strides = array<i32>} : memref<3x16x128xf32, #tpu.memory_space<vmem>>, vector<16xf32>,
      %get3A_600 = arith.constant 4 : i32
      %get3A_601 = arith.index_cast %rem3A_75 : i32 to index
      %get3A_602 = arith.index_cast %get3A_600 : i32 to index
      %get3A_603 = arith.constant 112 : index
      %get3A_604 = tpu.vector_load %arg8[%get3A_601, %get3A_602, %get3A_603] {strides = array<i32>} : memref<2x16x128xi32, #tpu.memory_space<vmem>>, vector<16xi32>,
      %gather3A_605 = tpu.vector_load_idx %arg7[%get3A_604] : memref<100352xf32, #tpu.memory_space<vmem>>[vector<16xi32>], vector<16xf32>,
      %swap3A_606 = arith.constant 4 : i32
      %swap3A_607 = arith.index_cast %rem3A_77 : i32 to index
      %swap3A_608 = arith.index_cast %swap3A_606 : i32 to index
      %swap3A_609 = arith.constant 112 : index
      %swap3A_610 = tpu.vector_load %arg10[%swap3A_607, %swap3A_608, %swap3A_609] {strides = array<i32>} : memref<3x16x128xf32, #tpu.memory_space<vmem>>, vector<16xf32>,
      tpu.vector_store %arg10[%swap3A_607, %swap3A_608, %swap3A_609], %gather3A_605 {strides = array<i32>} : memref<3x16x128xf32, #tpu.memory_space<vmem>>, vector<16xf32>,
      %dma_start3A_611 = arith.constant 4 : i32
      %dma_start3A_612 = arith.constant 4 : i32
      %dma_start3A_613 = arith.constant 0 : i32
      %dma_start3A_614 = tpu.memref_slice %arg10[%rem3A_77, %dma_start3A_611, %dma_start3A_613] : memref<3x16x128xf32, #tpu.memory_space<vmem>> -> memref<1x1x128xf32, #tpu.memory_space<vmem>>
      %dma_start3A_615 = tpu.memref_squeeze %dma_start3A_614 : memref<1x1x128xf32, #tpu.memory_space<vmem>> -> memref<128xf32, #tpu.memory_space<vmem>>
      %dma_start3A_616 = arith.constant 0 : i32
      %dma_start3A_617 = tpu.memref_slice %arg9[%rem3A_77, %dma_start3A_612, %dma_start3A_616] : memref<3x16x128xi32, #tpu.memory_space<vmem>> -> memref<1x1x128xi32, #tpu.memory_space<vmem>>
      %dma_start3A_618 = tpu.memref_squeeze %dma_start3A_617 : memref<1x1x128xi32, #tpu.memory_space<vmem>> -> memref<128xi32, #tpu.memory_space<vmem>>
      %dma_start3A_619 = arith.constant 0 : i32
      %dma_start3A_620 = tpu.memref_slice %arg12[%dma_start3A_619] : memref<100352xf32, #tpu.memory_space<vmem_shared>> -> memref<100352xf32, #tpu.memory_space<vmem_shared>>
      tpu.enqueue_indirect_dma source(%dma_start3A_615 : memref<128xf32, #tpu.memory_space<vmem>>) target(%dma_start3A_620 : memref<100352xf32, #tpu.memory_space<vmem_shared>>) offsets(%dma_start3A_618 : memref<128xi32, #tpu.memory_space<vmem>>) semaphore(%arg15 : memref<!tpu.dma_semaphore, #tpu.memory_space<semaphore_mem>>) {add = true}
      %dma_start3A_621 = arith.constant 4 : i32
      %dma_start3A_622 = arith.constant 0 : i32
      %dma_start3A_623 = tpu.memref_slice %arg9[%rem3A_77, %dma_start3A_621, %dma_start3A_622] : memref<3x16x128xi32, #tpu.memory_space<vmem>> -> memref<1x1x128xi32, #tpu.memory_space<vmem>>
      %dma_start3A_624 = tpu.memref_squeeze %dma_start3A_623 : memref<1x1x128xi32, #tpu.memory_space<vmem>> -> memref<128xi32, #tpu.memory_space<vmem>>
      %dma_start3A_625 = arith.constant 0 : i32
      %dma_start3A_626 = tpu.memref_slice %arg13[%dma_start3A_625] : memref<100352xf32, #tpu.memory_space<vmem_shared>> -> memref<100352xf32, #tpu.memory_space<vmem_shared>>
      tpu.enqueue_indirect_dma source(%arg11 : memref<128xf32, #tpu.memory_space<vmem>>) target(%dma_start3A_626 : memref<100352xf32, #tpu.memory_space<vmem_shared>>) offsets(%dma_start3A_624 : memref<128xi32, #tpu.memory_space<vmem>>) semaphore(%arg15 : memref<!tpu.dma_semaphore, #tpu.memory_space<semaphore_mem>>) {add = true}
      %get3A_627 = arith.constant 5 : i32
      %get3A_628 = arith.index_cast %rem3A_75 : i32 to index
      %get3A_629 = arith.index_cast %get3A_627 : i32 to index
      %get3A_630 = arith.constant 0 : index
      %get3A_631 = tpu.vector_load %arg8[%get3A_628, %get3A_629, %get3A_630] {strides = array<i32>} : memref<2x16x128xi32, #tpu.memory_space<vmem>>, vector<16xi32>,
      %gather3A_632 = tpu.vector_load_idx %arg7[%get3A_631] : memref<100352xf32, #tpu.memory_space<vmem>>[vector<16xi32>], vector<16xf32>,
      %swap3A_633 = arith.constant 5 : i32
      %swap3A_634 = arith.index_cast %rem3A_77 : i32 to index
      %swap3A_635 = arith.index_cast %swap3A_633 : i32 to index
      %swap3A_636 = arith.constant 0 : index
      %swap3A_637 = tpu.vector_load %arg10[%swap3A_634, %swap3A_635, %swap3A_636] {strides = array<i32>} : memref<3x16x128xf32, #tpu.memory_space<vmem>>, vector<16xf32>,
      tpu.vector_store %arg10[%swap3A_634, %swap3A_635, %swap3A_636], %gather3A_632 {strides = array<i32>} : memref<3x16x128xf32, #tpu.memory_space<vmem>>, vector<16xf32>,
      %get3A_638 = arith.constant 5 : i32
      %get3A_639 = arith.index_cast %rem3A_75 : i32 to index
      %get3A_640 = arith.index_cast %get3A_638 : i32 to index
      %get3A_641 = arith.constant 16 : index
      %get3A_642 = tpu.vector_load %arg8[%get3A_639, %get3A_640, %get3A_641] {strides = array<i32>} : memref<2x16x128xi32, #tpu.memory_space<vmem>>, vector<16xi32>,
      %gather3A_643 = tpu.vector_load_idx %arg7[%get3A_642] : memref<100352xf32, #tpu.memory_space<vmem>>[vector<16xi32>], vector<16xf32>,
      %swap3A_644 = arith.constant 5 : i32
      %swap3A_645 = arith.index_cast %rem3A_77 : i32 to index
      %swap3A_646 = arith.index_cast %swap3A_644 : i32 to index
      %swap3A_647 = arith.constant 16 : index
      %swap3A_648 = tpu.vector_load %arg10[%swap3A_645, %swap3A_646, %swap3A_647] {strides = array<i32>} : memref<3x16x128xf32, #tpu.memory_space<vmem>>, vector<16xf32>,
      tpu.vector_store %arg10[%swap3A_645, %swap3A_646, %swap3A_647], %gather3A_643 {strides = array<i32>} : memref<3x16x128xf32, #tpu.memory_space<vmem>>, vector<16xf32>,
      %get3A_649 = arith.constant 5 : i32
      %get3A_650 = arith.index_cast %rem3A_75 : i32 to index
      %get3A_651 = arith.index_cast %get3A_649 : i32 to index
      %get3A_652 = arith.constant 32 : index
      %get3A_653 = tpu.vector_load %arg8[%get3A_650, %get3A_651, %get3A_652] {strides = array<i32>} : memref<2x16x128xi32, #tpu.memory_space<vmem>>, vector<16xi32>,
      %gather3A_654 = tpu.vector_load_idx %arg7[%get3A_653] : memref<100352xf32, #tpu.memory_space<vmem>>[vector<16xi32>], vector<16xf32>,
      %swap3A_655 = arith.constant 5 : i32
      %swap3A_656 = arith.index_cast %rem3A_77 : i32 to index
      %swap3A_657 = arith.index_cast %swap3A_655 : i32 to index
      %swap3A_658 = arith.constant 32 : index
      %swap3A_659 = tpu.vector_load %arg10[%swap3A_656, %swap3A_657, %swap3A_658] {strides = array<i32>} : memref<3x16x128xf32, #tpu.memory_space<vmem>>, vector<16xf32>,
      tpu.vector_store %arg10[%swap3A_656, %swap3A_657, %swap3A_658], %gather3A_654 {strides = array<i32>} : memref<3x16x128xf32, #tpu.memory_space<vmem>>, vector<16xf32>,
      %get3A_660 = arith.constant 5 : i32
      %get3A_661 = arith.index_cast %rem3A_75 : i32 to index
      %get3A_662 = arith.index_cast %get3A_660 : i32 to index
      %get3A_663 = arith.constant 48 : index
      %get3A_664 = tpu.vector_load %arg8[%get3A_661, %get3A_662, %get3A_663] {strides = array<i32>} : memref<2x16x128xi32, #tpu.memory_space<vmem>>, vector<16xi32>,
      %gather3A_665 = tpu.vector_load_idx %arg7[%get3A_664] : memref<100352xf32, #tpu.memory_space<vmem>>[vector<16xi32>], vector<16xf32>,
      %swap3A_666 = arith.constant 5 : i32
      %swap3A_667 = arith.index_cast %rem3A_77 : i32 to index
      %swap3A_668 = arith.index_cast %swap3A_666 : i32 to index
      %swap3A_669 = arith.constant 48 : index
      %swap3A_670 = tpu.vector_load %arg10[%swap3A_667, %swap3A_668, %swap3A_669] {strides = array<i32>} : memref<3x16x128xf32, #tpu.memory_space<vmem>>, vector<16xf32>,
      tpu.vector_store %arg10[%swap3A_667, %swap3A_668, %swap3A_669], %gather3A_665 {strides = array<i32>} : memref<3x16x128xf32, #tpu.memory_space<vmem>>, vector<16xf32>,
      %get3A_671 = arith.constant 5 : i32
      %get3A_672 = arith.index_cast %rem3A_75 : i32 to index
      %get3A_673 = arith.index_cast %get3A_671 : i32 to index
      %get3A_674 = arith.constant 64 : index
      %get3A_675 = tpu.vector_load %arg8[%get3A_672, %get3A_673, %get3A_674] {strides = array<i32>} : memref<2x16x128xi32, #tpu.memory_space<vmem>>, vector<16xi32>,
      %gather3A_676 = tpu.vector_load_idx %arg7[%get3A_675] : memref<100352xf32, #tpu.memory_space<vmem>>[vector<16xi32>], vector<16xf32>,
      %swap3A_677 = arith.constant 5 : i32
      %swap3A_678 = arith.index_cast %rem3A_77 : i32 to index
      %swap3A_679 = arith.index_cast %swap3A_677 : i32 to index
      %swap3A_680 = arith.constant 64 : index
      %swap3A_681 = tpu.vector_load %arg10[%swap3A_678, %swap3A_679, %swap3A_680] {strides = array<i32>} : memref<3x16x128xf32, #tpu.memory_space<vmem>>, vector<16xf32>,
      tpu.vector_store %arg10[%swap3A_678, %swap3A_679, %swap3A_680], %gather3A_676 {strides = array<i32>} : memref<3x16x128xf32, #tpu.memory_space<vmem>>, vector<16xf32>,
      %get3A_682 = arith.constant 5 : i32
      %get3A_683 = arith.index_cast %rem3A_75 : i32 to index
      %get3A_684 = arith.index_cast %get3A_682 : i32 to index
      %get3A_685 = arith.constant 80 : index
      %get3A_686 = tpu.vector_load %arg8[%get3A_683, %get3A_684, %get3A_685] {strides = array<i32>} : memref<2x16x128xi32, #tpu.memory_space<vmem>>, vector<16xi32>,
      %gather3A_687 = tpu.vector_load_idx %arg7[%get3A_686] : memref<100352xf32, #tpu.memory_space<vmem>>[vector<16xi32>], vector<16xf32>,
      %swap3A_688 = arith.constant 5 : i32
      %swap3A_689 = arith.index_cast %rem3A_77 : i32 to index
      %swap3A_690 = arith.index_cast %swap3A_688 : i32 to index
      %swap3A_691 = arith.constant 80 : index
      %swap3A_692 = tpu.vector_load %arg10[%swap3A_689, %swap3A_690, %swap3A_691] {strides = array<i32>} : memref<3x16x128xf32, #tpu.memory_space<vmem>>, vector<16xf32>,
      tpu.vector_store %arg10[%swap3A_689, %swap3A_690, %swap3A_691], %gather3A_687 {strides = array<i32>} : memref<3x16x128xf32, #tpu.memory_space<vmem>>, vector<16xf32>,
      %get3A_693 = arith.constant 5 : i32
      %get3A_694 = arith.index_cast %rem3A_75 : i32 to index
      %get3A_695 = arith.index_cast %get3A_693 : i32 to index
      %get3A_696 = arith.constant 96 : index
      %get3A_697 = tpu.vector_load %arg8[%get3A_694, %get3A_695, %get3A_696] {strides = array<i32>} : memref<2x16x128xi32, #tpu.memory_space<vmem>>, vector<16xi32>,
      %gather3A_698 = tpu.vector_load_idx %arg7[%get3A_697] : memref<100352xf32, #tpu.memory_space<vmem>>[vector<16xi32>], vector<16xf32>,
      %swap3A_699 = arith.constant 5 : i32
      %swap3A_700 = arith.index_cast %rem3A_77 : i32 to index
      %swap3A_701 = arith.index_cast %swap3A_699 : i32 to index
      %swap3A_702 = arith.constant 96 : index
      %swap3A_703 = tpu.vector_load %arg10[%swap3A_700, %swap3A_701, %swap3A_702] {strides = array<i32>} : memref<3x16x128xf32, #tpu.memory_space<vmem>>, vector<16xf32>,
      tpu.vector_store %arg10[%swap3A_700, %swap3A_701, %swap3A_702], %gather3A_698 {strides = array<i32>} : memref<3x16x128xf32, #tpu.memory_space<vmem>>, vector<16xf32>,
      %get3A_704 = arith.constant 5 : i32
      %get3A_705 = arith.index_cast %rem3A_75 : i32 to index
      %get3A_706 = arith.index_cast %get3A_704 : i32 to index
      %get3A_707 = arith.constant 112 : index
      %get3A_708 = tpu.vector_load %arg8[%get3A_705, %get3A_706, %get3A_707] {strides = array<i32>} : memref<2x16x128xi32, #tpu.memory_space<vmem>>, vector<16xi32>,
      %gather3A_709 = tpu.vector_load_idx %arg7[%get3A_708] : memref<100352xf32, #tpu.memory_space<vmem>>[vector<16xi32>], vector<16xf32>,
      %swap3A_710 = arith.constant 5 : i32
      %swap3A_711 = arith.index_cast %rem3A_77 : i32 to index
      %swap3A_712 = arith.index_cast %swap3A_710 : i32 to index
      %swap3A_713 = arith.constant 112 : index
      %swap3A_714 = tpu.vector_load %arg10[%swap3A_711, %swap3A_712, %swap3A_713] {strides = array<i32>} : memref<3x16x128xf32, #tpu.memory_space<vmem>>, vector<16xf32>,
      tpu.vector_store %arg10[%swap3A_711, %swap3A_712, %swap3A_713], %gather3A_709 {strides = array<i32>} : memref<3x16x128xf32, #tpu.memory_space<vmem>>, vector<16xf32>,
      %dma_start3A_715 = arith.constant 5 : i32
      %dma_start3A_716 = arith.constant 5 : i32
      %dma_start3A_717 = arith.constant 0 : i32
      %dma_start3A_718 = tpu.memref_slice %arg10[%rem3A_77, %dma_start3A_715, %dma_start3A_717] : memref<3x16x128xf32, #tpu.memory_space<vmem>> -> memref<1x1x128xf32, #tpu.memory_space<vmem>>
      %dma_start3A_719 = tpu.memref_squeeze %dma_start3A_718 : memref<1x1x128xf32, #tpu.memory_space<vmem>> -> memref<128xf32, #tpu.memory_space<vmem>>
      %dma_start3A_720 = arith.constant 0 : i32
      %dma_start3A_721 = tpu.memref_slice %arg9[%rem3A_77, %dma_start3A_716, %dma_start3A_720] : memref<3x16x128xi32, #tpu.memory_space<vmem>> -> memref<1x1x128xi32, #tpu.memory_space<vmem>>
      %dma_start3A_722 = tpu.memref_squeeze %dma_start3A_721 : memref<1x1x128xi32, #tpu.memory_space<vmem>> -> memref<128xi32, #tpu.memory_space<vmem>>
      %dma_start3A_723 = arith.constant 0 : i32
      %dma_start3A_724 = tpu.memref_slice %arg12[%dma_start3A_723] : memref<100352xf32, #tpu.memory_space<vmem_shared>> -> memref<100352xf32, #tpu.memory_space<vmem_shared>>
      tpu.enqueue_indirect_dma source(%dma_start3A_719 : memref<128xf32, #tpu.memory_space<vmem>>) target(%dma_start3A_724 : memref<100352xf32, #tpu.memory_space<vmem_shared>>) offsets(%dma_start3A_722 : memref<128xi32, #tpu.memory_space<vmem>>) semaphore(%arg15 : memref<!tpu.dma_semaphore, #tpu.memory_space<semaphore_mem>>) {add = true}
      %dma_start3A_725 = arith.constant 5 : i32
      %dma_start3A_726 = arith.constant 0 : i32
      %dma_start3A_727 = tpu.memref_slice %arg9[%rem3A_77, %dma_start3A_725, %dma_start3A_726] : memref<3x16x128xi32, #tpu.memory_space<vmem>> -> memref<1x1x128xi32, #tpu.memory_space<vmem>>
      %dma_start3A_728 = tpu.memref_squeeze %dma_start3A_727 : memref<1x1x128xi32, #tpu.memory_space<vmem>> -> memref<128xi32, #tpu.memory_space<vmem>>
      %dma_start3A_729 = arith.constant 0 : i32
      %dma_start3A_730 = tpu.memref_slice %arg13[%dma_start3A_729] : memref<100352xf32, #tpu.memory_space<vmem_shared>> -> memref<100352xf32, #tpu.memory_space<vmem_shared>>
      tpu.enqueue_indirect_dma source(%arg11 : memref<128xf32, #tpu.memory_space<vmem>>) target(%dma_start3A_730 : memref<100352xf32, #tpu.memory_space<vmem_shared>>) offsets(%dma_start3A_728 : memref<128xi32, #tpu.memory_space<vmem>>) semaphore(%arg15 : memref<!tpu.dma_semaphore, #tpu.memory_space<semaphore_mem>>) {add = true}
      %get3A_731 = arith.constant 6 : i32
      %get3A_732 = arith.index_cast %rem3A_75 : i32 to index
      %get3A_733 = arith.index_cast %get3A_731 : i32 to index
      %get3A_734 = arith.constant 0 : index
      %get3A_735 = tpu.vector_load %arg8[%get3A_732, %get3A_733, %get3A_734] {strides = array<i32>} : memref<2x16x128xi32, #tpu.memory_space<vmem>>, vector<16xi32>,
      %gather3A_736 = tpu.vector_load_idx %arg7[%get3A_735] : memref<100352xf32, #tpu.memory_space<vmem>>[vector<16xi32>], vector<16xf32>,
      %swap3A_737 = arith.constant 6 : i32
      %swap3A_738 = arith.index_cast %rem3A_77 : i32 to index
      %swap3A_739 = arith.index_cast %swap3A_737 : i32 to index
      %swap3A_740 = arith.constant 0 : index
      %swap3A_741 = tpu.vector_load %arg10[%swap3A_738, %swap3A_739, %swap3A_740] {strides = array<i32>} : memref<3x16x128xf32, #tpu.memory_space<vmem>>, vector<16xf32>,
      tpu.vector_store %arg10[%swap3A_738, %swap3A_739, %swap3A_740], %gather3A_736 {strides = array<i32>} : memref<3x16x128xf32, #tpu.memory_space<vmem>>, vector<16xf32>,
      %get3A_742 = arith.constant 6 : i32
      %get3A_743 = arith.index_cast %rem3A_75 : i32 to index
      %get3A_744 = arith.index_cast %get3A_742 : i32 to index
      %get3A_745 = arith.constant 16 : index
      %get3A_746 = tpu.vector_load %arg8[%get3A_743, %get3A_744, %get3A_745] {strides = array<i32>} : memref<2x16x128xi32, #tpu.memory_space<vmem>>, vector<16xi32>,
      %gather3A_747 = tpu.vector_load_idx %arg7[%get3A_746] : memref<100352xf32, #tpu.memory_space<vmem>>[vector<16xi32>], vector<16xf32>,
      %swap3A_748 = arith.constant 6 : i32
      %swap3A_749 = arith.index_cast %rem3A_77 : i32 to index
      %swap3A_750 = arith.index_cast %swap3A_748 : i32 to index
      %swap3A_751 = arith.constant 16 : index
      %swap3A_752 = tpu.vector_load %arg10[%swap3A_749, %swap3A_750, %swap3A_751] {strides = array<i32>} : memref<3x16x128xf32, #tpu.memory_space<vmem>>, vector<16xf32>,
      tpu.vector_store %arg10[%swap3A_749, %swap3A_750, %swap3A_751], %gather3A_747 {strides = array<i32>} : memref<3x16x128xf32, #tpu.memory_space<vmem>>, vector<16xf32>,
      %get3A_753 = arith.constant 6 : i32
      %get3A_754 = arith.index_cast %rem3A_75 : i32 to index
      %get3A_755 = arith.index_cast %get3A_753 : i32 to index
      %get3A_756 = arith.constant 32 : index
      %get3A_757 = tpu.vector_load %arg8[%get3A_754, %get3A_755, %get3A_756] {strides = array<i32>} : memref<2x16x128xi32, #tpu.memory_space<vmem>>, vector<16xi32>,
      %gather3A_758 = tpu.vector_load_idx %arg7[%get3A_757] : memref<100352xf32, #tpu.memory_space<vmem>>[vector<16xi32>], vector<16xf32>,
      %swap3A_759 = arith.constant 6 : i32
      %swap3A_760 = arith.index_cast %rem3A_77 : i32 to index
      %swap3A_761 = arith.index_cast %swap3A_759 : i32 to index
      %swap3A_762 = arith.constant 32 : index
      %swap3A_763 = tpu.vector_load %arg10[%swap3A_760, %swap3A_761, %swap3A_762] {strides = array<i32>} : memref<3x16x128xf32, #tpu.memory_space<vmem>>, vector<16xf32>,
      tpu.vector_store %arg10[%swap3A_760, %swap3A_761, %swap3A_762], %gather3A_758 {strides = array<i32>} : memref<3x16x128xf32, #tpu.memory_space<vmem>>, vector<16xf32>,
      %get3A_764 = arith.constant 6 : i32
      %get3A_765 = arith.index_cast %rem3A_75 : i32 to index
      %get3A_766 = arith.index_cast %get3A_764 : i32 to index
      %get3A_767 = arith.constant 48 : index
      %get3A_768 = tpu.vector_load %arg8[%get3A_765, %get3A_766, %get3A_767] {strides = array<i32>} : memref<2x16x128xi32, #tpu.memory_space<vmem>>, vector<16xi32>,
      %gather3A_769 = tpu.vector_load_idx %arg7[%get3A_768] : memref<100352xf32, #tpu.memory_space<vmem>>[vector<16xi32>], vector<16xf32>,
      %swap3A_770 = arith.constant 6 : i32
      %swap3A_771 = arith.index_cast %rem3A_77 : i32 to index
      %swap3A_772 = arith.index_cast %swap3A_770 : i32 to index
      %swap3A_773 = arith.constant 48 : index
      %swap3A_774 = tpu.vector_load %arg10[%swap3A_771, %swap3A_772, %swap3A_773] {strides = array<i32>} : memref<3x16x128xf32, #tpu.memory_space<vmem>>, vector<16xf32>,
      tpu.vector_store %arg10[%swap3A_771, %swap3A_772, %swap3A_773], %gather3A_769 {strides = array<i32>} : memref<3x16x128xf32, #tpu.memory_space<vmem>>, vector<16xf32>,
      %get3A_775 = arith.constant 6 : i32
      %get3A_776 = arith.index_cast %rem3A_75 : i32 to index
      %get3A_777 = arith.index_cast %get3A_775 : i32 to index
      %get3A_778 = arith.constant 64 : index
      %get3A_779 = tpu.vector_load %arg8[%get3A_776, %get3A_777, %get3A_778] {strides = array<i32>} : memref<2x16x128xi32, #tpu.memory_space<vmem>>, vector<16xi32>,
      %gather3A_780 = tpu.vector_load_idx %arg7[%get3A_779] : memref<100352xf32, #tpu.memory_space<vmem>>[vector<16xi32>], vector<16xf32>,
      %swap3A_781 = arith.constant 6 : i32
      %swap3A_782 = arith.index_cast %rem3A_77 : i32 to index
      %swap3A_783 = arith.index_cast %swap3A_781 : i32 to index
      %swap3A_784 = arith.constant 64 : index
      %swap3A_785 = tpu.vector_load %arg10[%swap3A_782, %swap3A_783, %swap3A_784] {strides = array<i32>} : memref<3x16x128xf32, #tpu.memory_space<vmem>>, vector<16xf32>,
      tpu.vector_store %arg10[%swap3A_782, %swap3A_783, %swap3A_784], %gather3A_780 {strides = array<i32>} : memref<3x16x128xf32, #tpu.memory_space<vmem>>, vector<16xf32>,
      %get3A_786 = arith.constant 6 : i32
      %get3A_787 = arith.index_cast %rem3A_75 : i32 to index
      %get3A_788 = arith.index_cast %get3A_786 : i32 to index
      %get3A_789 = arith.constant 80 : index
      %get3A_790 = tpu.vector_load %arg8[%get3A_787, %get3A_788, %get3A_789] {strides = array<i32>} : memref<2x16x128xi32, #tpu.memory_space<vmem>>, vector<16xi32>,
      %gather3A_791 = tpu.vector_load_idx %arg7[%get3A_790] : memref<100352xf32, #tpu.memory_space<vmem>>[vector<16xi32>], vector<16xf32>,
      %swap3A_792 = arith.constant 6 : i32
      %swap3A_793 = arith.index_cast %rem3A_77 : i32 to index
      %swap3A_794 = arith.index_cast %swap3A_792 : i32 to index
      %swap3A_795 = arith.constant 80 : index
      %swap3A_796 = tpu.vector_load %arg10[%swap3A_793, %swap3A_794, %swap3A_795] {strides = array<i32>} : memref<3x16x128xf32, #tpu.memory_space<vmem>>, vector<16xf32>,
      tpu.vector_store %arg10[%swap3A_793, %swap3A_794, %swap3A_795], %gather3A_791 {strides = array<i32>} : memref<3x16x128xf32, #tpu.memory_space<vmem>>, vector<16xf32>,
      %get3A_797 = arith.constant 6 : i32
      %get3A_798 = arith.index_cast %rem3A_75 : i32 to index
      %get3A_799 = arith.index_cast %get3A_797 : i32 to index
      %get3A_800 = arith.constant 96 : index
      %get3A_801 = tpu.vector_load %arg8[%get3A_798, %get3A_799, %get3A_800] {strides = array<i32>} : memref<2x16x128xi32, #tpu.memory_space<vmem>>, vector<16xi32>,
      %gather3A_802 = tpu.vector_load_idx %arg7[%get3A_801] : memref<100352xf32, #tpu.memory_space<vmem>>[vector<16xi32>], vector<16xf32>,
      %swap3A_803 = arith.constant 6 : i32
      %swap3A_804 = arith.index_cast %rem3A_77 : i32 to index
      %swap3A_805 = arith.index_cast %swap3A_803 : i32 to index
      %swap3A_806 = arith.constant 96 : index
      %swap3A_807 = tpu.vector_load %arg10[%swap3A_804, %swap3A_805, %swap3A_806] {strides = array<i32>} : memref<3x16x128xf32, #tpu.memory_space<vmem>>, vector<16xf32>,
      tpu.vector_store %arg10[%swap3A_804, %swap3A_805, %swap3A_806], %gather3A_802 {strides = array<i32>} : memref<3x16x128xf32, #tpu.memory_space<vmem>>, vector<16xf32>,
      %get3A_808 = arith.constant 6 : i32
      %get3A_809 = arith.index_cast %rem3A_75 : i32 to index
      %get3A_810 = arith.index_cast %get3A_808 : i32 to index
      %get3A_811 = arith.constant 112 : index
      %get3A_812 = tpu.vector_load %arg8[%get3A_809, %get3A_810, %get3A_811] {strides = array<i32>} : memref<2x16x128xi32, #tpu.memory_space<vmem>>, vector<16xi32>,
      %gather3A_813 = tpu.vector_load_idx %arg7[%get3A_812] : memref<100352xf32, #tpu.memory_space<vmem>>[vector<16xi32>], vector<16xf32>,
      %swap3A_814 = arith.constant 6 : i32
      %swap3A_815 = arith.index_cast %rem3A_77 : i32 to index
      %swap3A_816 = arith.index_cast %swap3A_814 : i32 to index
      %swap3A_817 = arith.constant 112 : index
      %swap3A_818 = tpu.vector_load %arg10[%swap3A_815, %swap3A_816, %swap3A_817] {strides = array<i32>} : memref<3x16x128xf32, #tpu.memory_space<vmem>>, vector<16xf32>,
      tpu.vector_store %arg10[%swap3A_815, %swap3A_816, %swap3A_817], %gather3A_813 {strides = array<i32>} : memref<3x16x128xf32, #tpu.memory_space<vmem>>, vector<16xf32>,
      %dma_start3A_819 = arith.constant 6 : i32
      %dma_start3A_820 = arith.constant 6 : i32
      %dma_start3A_821 = arith.constant 0 : i32
      %dma_start3A_822 = tpu.memref_slice %arg10[%rem3A_77, %dma_start3A_819, %dma_start3A_821] : memref<3x16x128xf32, #tpu.memory_space<vmem>> -> memref<1x1x128xf32, #tpu.memory_space<vmem>>
      %dma_start3A_823 = tpu.memref_squeeze %dma_start3A_822 : memref<1x1x128xf32, #tpu.memory_space<vmem>> -> memref<128xf32, #tpu.memory_space<vmem>>
      %dma_start3A_824 = arith.constant 0 : i32
      %dma_start3A_825 = tpu.memref_slice %arg9[%rem3A_77, %dma_start3A_820, %dma_start3A_824] : memref<3x16x128xi32, #tpu.memory_space<vmem>> -> memref<1x1x128xi32, #tpu.memory_space<vmem>>
      %dma_start3A_826 = tpu.memref_squeeze %dma_start3A_825 : memref<1x1x128xi32, #tpu.memory_space<vmem>> -> memref<128xi32, #tpu.memory_space<vmem>>
      %dma_start3A_827 = arith.constant 0 : i32
      %dma_start3A_828 = tpu.memref_slice %arg12[%dma_start3A_827] : memref<100352xf32, #tpu.memory_space<vmem_shared>> -> memref<100352xf32, #tpu.memory_space<vmem_shared>>
      tpu.enqueue_indirect_dma source(%dma_start3A_823 : memref<128xf32, #tpu.memory_space<vmem>>) target(%dma_start3A_828 : memref<100352xf32, #tpu.memory_space<vmem_shared>>) offsets(%dma_start3A_826 : memref<128xi32, #tpu.memory_space<vmem>>) semaphore(%arg15 : memref<!tpu.dma_semaphore, #tpu.memory_space<semaphore_mem>>) {add = true}
      %dma_start3A_829 = arith.constant 6 : i32
      %dma_start3A_830 = arith.constant 0 : i32
      %dma_start3A_831 = tpu.memref_slice %arg9[%rem3A_77, %dma_start3A_829, %dma_start3A_830] : memref<3x16x128xi32, #tpu.memory_space<vmem>> -> memref<1x1x128xi32, #tpu.memory_space<vmem>>
      %dma_start3A_832 = tpu.memref_squeeze %dma_start3A_831 : memref<1x1x128xi32, #tpu.memory_space<vmem>> -> memref<128xi32, #tpu.memory_space<vmem>>
      %dma_start3A_833 = arith.constant 0 : i32
      %dma_start3A_834 = tpu.memref_slice %arg13[%dma_start3A_833] : memref<100352xf32, #tpu.memory_space<vmem_shared>> -> memref<100352xf32, #tpu.memory_space<vmem_shared>>
      tpu.enqueue_indirect_dma source(%arg11 : memref<128xf32, #tpu.memory_space<vmem>>) target(%dma_start3A_834 : memref<100352xf32, #tpu.memory_space<vmem_shared>>) offsets(%dma_start3A_832 : memref<128xi32, #tpu.memory_space<vmem>>) semaphore(%arg15 : memref<!tpu.dma_semaphore, #tpu.memory_space<semaphore_mem>>) {add = true}
      %get3A_835 = arith.constant 7 : i32
      %get3A_836 = arith.index_cast %rem3A_75 : i32 to index
      %get3A_837 = arith.index_cast %get3A_835 : i32 to index
      %get3A_838 = arith.constant 0 : index
      %get3A_839 = tpu.vector_load %arg8[%get3A_836, %get3A_837, %get3A_838] {strides = array<i32>} : memref<2x16x128xi32, #tpu.memory_space<vmem>>, vector<16xi32>,
      %gather3A_840 = tpu.vector_load_idx %arg7[%get3A_839] : memref<100352xf32, #tpu.memory_space<vmem>>[vector<16xi32>], vector<16xf32>,
      %swap3A_841 = arith.constant 7 : i32
      %swap3A_842 = arith.index_cast %rem3A_77 : i32 to index
      %swap3A_843 = arith.index_cast %swap3A_841 : i32 to index
      %swap3A_844 = arith.constant 0 : index
      %swap3A_845 = tpu.vector_load %arg10[%swap3A_842, %swap3A_843, %swap3A_844] {strides = array<i32>} : memref<3x16x128xf32, #tpu.memory_space<vmem>>, vector<16xf32>,
      tpu.vector_store %arg10[%swap3A_842, %swap3A_843, %swap3A_844], %gather3A_840 {strides = array<i32>} : memref<3x16x128xf32, #tpu.memory_space<vmem>>, vector<16xf32>,
      %get3A_846 = arith.constant 7 : i32
      %get3A_847 = arith.index_cast %rem3A_75 : i32 to index
      %get3A_848 = arith.index_cast %get3A_846 : i32 to index
      %get3A_849 = arith.constant 16 : index
      %get3A_850 = tpu.vector_load %arg8[%get3A_847, %get3A_848, %get3A_849] {strides = array<i32>} : memref<2x16x128xi32, #tpu.memory_space<vmem>>, vector<16xi32>,
      %gather3A_851 = tpu.vector_load_idx %arg7[%get3A_850] : memref<100352xf32, #tpu.memory_space<vmem>>[vector<16xi32>], vector<16xf32>,
      %swap3A_852 = arith.constant 7 : i32
      %swap3A_853 = arith.index_cast %rem3A_77 : i32 to index
      %swap3A_854 = arith.index_cast %swap3A_852 : i32 to index
      %swap3A_855 = arith.constant 16 : index
      %swap3A_856 = tpu.vector_load %arg10[%swap3A_853, %swap3A_854, %swap3A_855] {strides = array<i32>} : memref<3x16x128xf32, #tpu.memory_space<vmem>>, vector<16xf32>,
      tpu.vector_store %arg10[%swap3A_853, %swap3A_854, %swap3A_855], %gather3A_851 {strides = array<i32>} : memref<3x16x128xf32, #tpu.memory_space<vmem>>, vector<16xf32>,
      %get3A_857 = arith.constant 7 : i32
      %get3A_858 = arith.index_cast %rem3A_75 : i32 to index
      %get3A_859 = arith.index_cast %get3A_857 : i32 to index
      %get3A_860 = arith.constant 32 : index
      %get3A_861 = tpu.vector_load %arg8[%get3A_858, %get3A_859, %get3A_860] {strides = array<i32>} : memref<2x16x128xi32, #tpu.memory_space<vmem>>, vector<16xi32>,
      %gather3A_862 = tpu.vector_load_idx %arg7[%get3A_861] : memref<100352xf32, #tpu.memory_space<vmem>>[vector<16xi32>], vector<16xf32>,
      %swap3A_863 = arith.constant 7 : i32
      %swap3A_864 = arith.index_cast %rem3A_77 : i32 to index
      %swap3A_865 = arith.index_cast %swap3A_863 : i32 to index
      %swap3A_866 = arith.constant 32 : index
      %swap3A_867 = tpu.vector_load %arg10[%swap3A_864, %swap3A_865, %swap3A_866] {strides = array<i32>} : memref<3x16x128xf32, #tpu.memory_space<vmem>>, vector<16xf32>,
      tpu.vector_store %arg10[%swap3A_864, %swap3A_865, %swap3A_866], %gather3A_862 {strides = array<i32>} : memref<3x16x128xf32, #tpu.memory_space<vmem>>, vector<16xf32>,
      %get3A_868 = arith.constant 7 : i32
      %get3A_869 = arith.index_cast %rem3A_75 : i32 to index
      %get3A_870 = arith.index_cast %get3A_868 : i32 to index
      %get3A_871 = arith.constant 48 : index
      %get3A_872 = tpu.vector_load %arg8[%get3A_869, %get3A_870, %get3A_871] {strides = array<i32>} : memref<2x16x128xi32, #tpu.memory_space<vmem>>, vector<16xi32>,
      %gather3A_873 = tpu.vector_load_idx %arg7[%get3A_872] : memref<100352xf32, #tpu.memory_space<vmem>>[vector<16xi32>], vector<16xf32>,
      %swap3A_874 = arith.constant 7 : i32
      %swap3A_875 = arith.index_cast %rem3A_77 : i32 to index
      %swap3A_876 = arith.index_cast %swap3A_874 : i32 to index
      %swap3A_877 = arith.constant 48 : index
      %swap3A_878 = tpu.vector_load %arg10[%swap3A_875, %swap3A_876, %swap3A_877] {strides = array<i32>} : memref<3x16x128xf32, #tpu.memory_space<vmem>>, vector<16xf32>,
      tpu.vector_store %arg10[%swap3A_875, %swap3A_876, %swap3A_877], %gather3A_873 {strides = array<i32>} : memref<3x16x128xf32, #tpu.memory_space<vmem>>, vector<16xf32>,
      %get3A_879 = arith.constant 7 : i32
      %get3A_880 = arith.index_cast %rem3A_75 : i32 to index
      %get3A_881 = arith.index_cast %get3A_879 : i32 to index
      %get3A_882 = arith.constant 64 : index
      %get3A_883 = tpu.vector_load %arg8[%get3A_880, %get3A_881, %get3A_882] {strides = array<i32>} : memref<2x16x128xi32, #tpu.memory_space<vmem>>, vector<16xi32>,
      %gather3A_884 = tpu.vector_load_idx %arg7[%get3A_883] : memref<100352xf32, #tpu.memory_space<vmem>>[vector<16xi32>], vector<16xf32>,
      %swap3A_885 = arith.constant 7 : i32
      %swap3A_886 = arith.index_cast %rem3A_77 : i32 to index
      %swap3A_887 = arith.index_cast %swap3A_885 : i32 to index
      %swap3A_888 = arith.constant 64 : index
      %swap3A_889 = tpu.vector_load %arg10[%swap3A_886, %swap3A_887, %swap3A_888] {strides = array<i32>} : memref<3x16x128xf32, #tpu.memory_space<vmem>>, vector<16xf32>,
      tpu.vector_store %arg10[%swap3A_886, %swap3A_887, %swap3A_888], %gather3A_884 {strides = array<i32>} : memref<3x16x128xf32, #tpu.memory_space<vmem>>, vector<16xf32>,
      %get3A_890 = arith.constant 7 : i32
      %get3A_891 = arith.index_cast %rem3A_75 : i32 to index
      %get3A_892 = arith.index_cast %get3A_890 : i32 to index
      %get3A_893 = arith.constant 80 : index
      %get3A_894 = tpu.vector_load %arg8[%get3A_891, %get3A_892, %get3A_893] {strides = array<i32>} : memref<2x16x128xi32, #tpu.memory_space<vmem>>, vector<16xi32>,
      %gather3A_895 = tpu.vector_load_idx %arg7[%get3A_894] : memref<100352xf32, #tpu.memory_space<vmem>>[vector<16xi32>], vector<16xf32>,
      %swap3A_896 = arith.constant 7 : i32
      %swap3A_897 = arith.index_cast %rem3A_77 : i32 to index
      %swap3A_898 = arith.index_cast %swap3A_896 : i32 to index
      %swap3A_899 = arith.constant 80 : index
      %swap3A_900 = tpu.vector_load %arg10[%swap3A_897, %swap3A_898, %swap3A_899] {strides = array<i32>} : memref<3x16x128xf32, #tpu.memory_space<vmem>>, vector<16xf32>,
      tpu.vector_store %arg10[%swap3A_897, %swap3A_898, %swap3A_899], %gather3A_895 {strides = array<i32>} : memref<3x16x128xf32, #tpu.memory_space<vmem>>, vector<16xf32>,
      %get3A_901 = arith.constant 7 : i32
      %get3A_902 = arith.index_cast %rem3A_75 : i32 to index
      %get3A_903 = arith.index_cast %get3A_901 : i32 to index
      %get3A_904 = arith.constant 96 : index
      %get3A_905 = tpu.vector_load %arg8[%get3A_902, %get3A_903, %get3A_904] {strides = array<i32>} : memref<2x16x128xi32, #tpu.memory_space<vmem>>, vector<16xi32>,
      %gather3A_906 = tpu.vector_load_idx %arg7[%get3A_905] : memref<100352xf32, #tpu.memory_space<vmem>>[vector<16xi32>], vector<16xf32>,
      %swap3A_907 = arith.constant 7 : i32
      %swap3A_908 = arith.index_cast %rem3A_77 : i32 to index
      %swap3A_909 = arith.index_cast %swap3A_907 : i32 to index
      %swap3A_910 = arith.constant 96 : index
      %swap3A_911 = tpu.vector_load %arg10[%swap3A_908, %swap3A_909, %swap3A_910] {strides = array<i32>} : memref<3x16x128xf32, #tpu.memory_space<vmem>>, vector<16xf32>,
      tpu.vector_store %arg10[%swap3A_908, %swap3A_909, %swap3A_910], %gather3A_906 {strides = array<i32>} : memref<3x16x128xf32, #tpu.memory_space<vmem>>, vector<16xf32>,
      %get3A_912 = arith.constant 7 : i32
      %get3A_913 = arith.index_cast %rem3A_75 : i32 to index
      %get3A_914 = arith.index_cast %get3A_912 : i32 to index
      %get3A_915 = arith.constant 112 : index
      %get3A_916 = tpu.vector_load %arg8[%get3A_913, %get3A_914, %get3A_915] {strides = array<i32>} : memref<2x16x128xi32, #tpu.memory_space<vmem>>, vector<16xi32>,
      %gather3A_917 = tpu.vector_load_idx %arg7[%get3A_916] : memref<100352xf32, #tpu.memory_space<vmem>>[vector<16xi32>], vector<16xf32>,
      %swap3A_918 = arith.constant 7 : i32
      %swap3A_919 = arith.index_cast %rem3A_77 : i32 to index
      %swap3A_920 = arith.index_cast %swap3A_918 : i32 to index
      %swap3A_921 = arith.constant 112 : index
      %swap3A_922 = tpu.vector_load %arg10[%swap3A_919, %swap3A_920, %swap3A_921] {strides = array<i32>} : memref<3x16x128xf32, #tpu.memory_space<vmem>>, vector<16xf32>,
      tpu.vector_store %arg10[%swap3A_919, %swap3A_920, %swap3A_921], %gather3A_917 {strides = array<i32>} : memref<3x16x128xf32, #tpu.memory_space<vmem>>, vector<16xf32>,
      %dma_start3A_923 = arith.constant 7 : i32
      %dma_start3A_924 = arith.constant 7 : i32
      %dma_start3A_925 = arith.constant 0 : i32
      %dma_start3A_926 = tpu.memref_slice %arg10[%rem3A_77, %dma_start3A_923, %dma_start3A_925] : memref<3x16x128xf32, #tpu.memory_space<vmem>> -> memref<1x1x128xf32, #tpu.memory_space<vmem>>
      %dma_start3A_927 = tpu.memref_squeeze %dma_start3A_926 : memref<1x1x128xf32, #tpu.memory_space<vmem>> -> memref<128xf32, #tpu.memory_space<vmem>>
      %dma_start3A_928 = arith.constant 0 : i32
      %dma_start3A_929 = tpu.memref_slice %arg9[%rem3A_77, %dma_start3A_924, %dma_start3A_928] : memref<3x16x128xi32, #tpu.memory_space<vmem>> -> memref<1x1x128xi32, #tpu.memory_space<vmem>>
      %dma_start3A_930 = tpu.memref_squeeze %dma_start3A_929 : memref<1x1x128xi32, #tpu.memory_space<vmem>> -> memref<128xi32, #tpu.memory_space<vmem>>
      %dma_start3A_931 = arith.constant 0 : i32
      %dma_start3A_932 = tpu.memref_slice %arg12[%dma_start3A_931] : memref<100352xf32, #tpu.memory_space<vmem_shared>> -> memref<100352xf32, #tpu.memory_space<vmem_shared>>
      tpu.enqueue_indirect_dma source(%dma_start3A_927 : memref<128xf32, #tpu.memory_space<vmem>>) target(%dma_start3A_932 : memref<100352xf32, #tpu.memory_space<vmem_shared>>) offsets(%dma_start3A_930 : memref<128xi32, #tpu.memory_space<vmem>>) semaphore(%arg15 : memref<!tpu.dma_semaphore, #tpu.memory_space<semaphore_mem>>) {add = true}
      %dma_start3A_933 = arith.constant 7 : i32
      %dma_start3A_934 = arith.constant 0 : i32
      %dma_start3A_935 = tpu.memref_slice %arg9[%rem3A_77, %dma_start3A_933, %dma_start3A_934] : memref<3x16x128xi32, #tpu.memory_space<vmem>> -> memref<1x1x128xi32, #tpu.memory_space<vmem>>
      %dma_start3A_936 = tpu.memref_squeeze %dma_start3A_935 : memref<1x1x128xi32, #tpu.memory_space<vmem>> -> memref<128xi32, #tpu.memory_space<vmem>>
      %dma_start3A_937 = arith.constant 0 : i32
      %dma_start3A_938 = tpu.memref_slice %arg13[%dma_start3A_937] : memref<100352xf32, #tpu.memory_space<vmem_shared>> -> memref<100352xf32, #tpu.memory_space<vmem_shared>>
      tpu.enqueue_indirect_dma source(%arg11 : memref<128xf32, #tpu.memory_space<vmem>>) target(%dma_start3A_938 : memref<100352xf32, #tpu.memory_space<vmem_shared>>) offsets(%dma_start3A_936 : memref<128xi32, #tpu.memory_space<vmem>>) semaphore(%arg15 : memref<!tpu.dma_semaphore, #tpu.memory_space<semaphore_mem>>) {add = true}
    } else {
    }
    %sub3A = arith.constant 2 : i32
    %sub3A_80 = arith.subi %select_n3A, %sub3A : i32
    %rem3A_81 = arith.constant 3 : i32
    %rem3A_82 = arith.remsi %sub3A_80, %rem3A_81 : i32
    %scan3A = arith.constant 0 : i32
    %scan3A_83 = arith.constant 0 : i32
    %scan3A_84 = arith.constant 2 : i32
    %scan3A_85 = arith.addi %scan3A_83, %scan3A_84 : i32
    %scan3A_86 = arith.constant 1 : i32
    scf.for %scan3A_104 = %scan3A_83 to %scan3A_85 step %scan3A_86  : i32 {
      %mul3A_105 = arith.constant 8 : i32
      %mul3A_106 = arith.muli %scan3A_104, %mul3A_105 : i32
      %add3A_107 = arith.constant 0 : i32
      %add3A_108 = arith.addi %mul3A_106, %add3A_107 : i32
      %dma_wait3A = arith.constant 0 : i32
      %dma_wait3A_109 = tpu.memref_slice %arg10[%rem3A_82, %add3A_108, %dma_wait3A] : memref<3x16x128xf32, #tpu.memory_space<vmem>> -> memref<1x1x128xf32, #tpu.memory_space<vmem>>
      %dma_wait3A_110 = tpu.memref_squeeze %dma_wait3A_109 : memref<1x1x128xf32, #tpu.memory_space<vmem>> -> memref<128xf32, #tpu.memory_space<vmem>>
      %dma_wait3A_111 = arith.constant 0 : i32
      %dma_wait3A_112 = tpu.memref_slice %arg9[%rem3A_82, %add3A_108, %dma_wait3A_111] : memref<3x16x128xi32, #tpu.memory_space<vmem>> -> memref<1x1x128xi32, #tpu.memory_space<vmem>>
      %dma_wait3A_113 = tpu.memref_squeeze %dma_wait3A_112 : memref<1x1x128xi32, #tpu.memory_space<vmem>> -> memref<128xi32, #tpu.memory_space<vmem>>
      %dma_wait3A_114 = arith.constant 0 : i32
      %dma_wait3A_115 = tpu.memref_slice %arg12[%dma_wait3A_114] : memref<100352xf32, #tpu.memory_space<vmem_shared>> -> memref<100352xf32, #tpu.memory_space<vmem_shared>>
      tpu.wait_indirect_dma semaphore(%arg15 : memref<!tpu.dma_semaphore, #tpu.memory_space<semaphore_mem>>) src(%dma_wait3A_110 : memref<128xf32, #tpu.memory_space<vmem>>) dst(%dma_wait3A_115 : memref<100352xf32, #tpu.memory_space<vmem_shared>>)
      %dma_wait3A_116 = arith.constant 0 : i32
      %dma_wait3A_117 = tpu.memref_slice %arg9[%rem3A_82, %add3A_108, %dma_wait3A_116] : memref<3x16x128xi32, #tpu.memory_space<vmem>> -> memref<1x1x128xi32, #tpu.memory_space<vmem>>
      %dma_wait3A_118 = tpu.memref_squeeze %dma_wait3A_117 : memref<1x1x128xi32, #tpu.memory_space<vmem>> -> memref<128xi32, #tpu.memory_space<vmem>>
      %dma_wait3A_119 = arith.constant 0 : i32
      %dma_wait3A_120 = tpu.memref_slice %arg13[%dma_wait3A_119] : memref<100352xf32, #tpu.memory_space<vmem_shared>> -> memref<100352xf32, #tpu.memory_space<vmem_shared>>
      tpu.wait_indirect_dma semaphore(%arg15 : memref<!tpu.dma_semaphore, #tpu.memory_space<semaphore_mem>>) src(%arg11 : memref<128xf32, #tpu.memory_space<vmem>>) dst(%dma_wait3A_120 : memref<100352xf32, #tpu.memory_space<vmem_shared>>)
      %mul3A_121 = arith.constant 8 : i32
      %mul3A_122 = arith.muli %scan3A_104, %mul3A_121 : i32
      %add3A_123 = arith.constant 1 : i32
      %add3A_124 = arith.addi %mul3A_122, %add3A_123 : i32
      %dma_wait3A_125 = arith.constant 0 : i32
      %dma_wait3A_126 = tpu.memref_slice %arg10[%rem3A_82, %add3A_124, %dma_wait3A_125] : memref<3x16x128xf32, #tpu.memory_space<vmem>> -> memref<1x1x128xf32, #tpu.memory_space<vmem>>
      %dma_wait3A_127 = tpu.memref_squeeze %dma_wait3A_126 : memref<1x1x128xf32, #tpu.memory_space<vmem>> -> memref<128xf32, #tpu.memory_space<vmem>>
      %dma_wait3A_128 = arith.constant 0 : i32
      %dma_wait3A_129 = tpu.memref_slice %arg9[%rem3A_82, %add3A_124, %dma_wait3A_128] : memref<3x16x128xi32, #tpu.memory_space<vmem>> -> memref<1x1x128xi32, #tpu.memory_space<vmem>>
      %dma_wait3A_130 = tpu.memref_squeeze %dma_wait3A_129 : memref<1x1x128xi32, #tpu.memory_space<vmem>> -> memref<128xi32, #tpu.memory_space<vmem>>
      %dma_wait3A_131 = arith.constant 0 : i32
      %dma_wait3A_132 = tpu.memref_slice %arg12[%dma_wait3A_131] : memref<100352xf32, #tpu.memory_space<vmem_shared>> -> memref<100352xf32, #tpu.memory_space<vmem_shared>>
      tpu.wait_indirect_dma semaphore(%arg15 : memref<!tpu.dma_semaphore, #tpu.memory_space<semaphore_mem>>) src(%dma_wait3A_127 : memref<128xf32, #tpu.memory_space<vmem>>) dst(%dma_wait3A_132 : memref<100352xf32, #tpu.memory_space<vmem_shared>>)
      %dma_wait3A_133 = arith.constant 0 : i32
      %dma_wait3A_134 = tpu.memref_slice %arg9[%rem3A_82, %add3A_124, %dma_wait3A_133] : memref<3x16x128xi32, #tpu.memory_space<vmem>> -> memref<1x1x128xi32, #tpu.memory_space<vmem>>
      %dma_wait3A_135 = tpu.memref_squeeze %dma_wait3A_134 : memref<1x1x128xi32, #tpu.memory_space<vmem>> -> memref<128xi32, #tpu.memory_space<vmem>>
      %dma_wait3A_136 = arith.constant 0 : i32
      %dma_wait3A_137 = tpu.memref_slice %arg13[%dma_wait3A_136] : memref<100352xf32, #tpu.memory_space<vmem_shared>> -> memref<100352xf32, #tpu.memory_space<vmem_shared>>
      tpu.wait_indirect_dma semaphore(%arg15 : memref<!tpu.dma_semaphore, #tpu.memory_space<semaphore_mem>>) src(%arg11 : memref<128xf32, #tpu.memory_space<vmem>>) dst(%dma_wait3A_137 : memref<100352xf32, #tpu.memory_space<vmem_shared>>)
      %mul3A_138 = arith.constant 8 : i32
      %mul3A_139 = arith.muli %scan3A_104, %mul3A_138 : i32
      %add3A_140 = arith.constant 2 : i32
      %add3A_141 = arith.addi %mul3A_139, %add3A_140 : i32
      %dma_wait3A_142 = arith.constant 0 : i32
      %dma_wait3A_143 = tpu.memref_slice %arg10[%rem3A_82, %add3A_141, %dma_wait3A_142] : memref<3x16x128xf32, #tpu.memory_space<vmem>> -> memref<1x1x128xf32, #tpu.memory_space<vmem>>
      %dma_wait3A_144 = tpu.memref_squeeze %dma_wait3A_143 : memref<1x1x128xf32, #tpu.memory_space<vmem>> -> memref<128xf32, #tpu.memory_space<vmem>>
      %dma_wait3A_145 = arith.constant 0 : i32
      %dma_wait3A_146 = tpu.memref_slice %arg9[%rem3A_82, %add3A_141, %dma_wait3A_145] : memref<3x16x128xi32, #tpu.memory_space<vmem>> -> memref<1x1x128xi32, #tpu.memory_space<vmem>>
      %dma_wait3A_147 = tpu.memref_squeeze %dma_wait3A_146 : memref<1x1x128xi32, #tpu.memory_space<vmem>> -> memref<128xi32, #tpu.memory_space<vmem>>
      %dma_wait3A_148 = arith.constant 0 : i32
      %dma_wait3A_149 = tpu.memref_slice %arg12[%dma_wait3A_148] : memref<100352xf32, #tpu.memory_space<vmem_shared>> -> memref<100352xf32, #tpu.memory_space<vmem_shared>>
      tpu.wait_indirect_dma semaphore(%arg15 : memref<!tpu.dma_semaphore, #tpu.memory_space<semaphore_mem>>) src(%dma_wait3A_144 : memref<128xf32, #tpu.memory_space<vmem>>) dst(%dma_wait3A_149 : memref<100352xf32, #tpu.memory_space<vmem_shared>>)
      %dma_wait3A_150 = arith.constant 0 : i32
      %dma_wait3A_151 = tpu.memref_slice %arg9[%rem3A_82, %add3A_141, %dma_wait3A_150] : memref<3x16x128xi32, #tpu.memory_space<vmem>> -> memref<1x1x128xi32, #tpu.memory_space<vmem>>
      %dma_wait3A_152 = tpu.memref_squeeze %dma_wait3A_151 : memref<1x1x128xi32, #tpu.memory_space<vmem>> -> memref<128xi32, #tpu.memory_space<vmem>>
      %dma_wait3A_153 = arith.constant 0 : i32
      %dma_wait3A_154 = tpu.memref_slice %arg13[%dma_wait3A_153] : memref<100352xf32, #tpu.memory_space<vmem_shared>> -> memref<100352xf32, #tpu.memory_space<vmem_shared>>
      tpu.wait_indirect_dma semaphore(%arg15 : memref<!tpu.dma_semaphore, #tpu.memory_space<semaphore_mem>>) src(%arg11 : memref<128xf32, #tpu.memory_space<vmem>>) dst(%dma_wait3A_154 : memref<100352xf32, #tpu.memory_space<vmem_shared>>)
      %mul3A_155 = arith.constant 8 : i32
      %mul3A_156 = arith.muli %scan3A_104, %mul3A_155 : i32
      %add3A_157 = arith.constant 3 : i32
      %add3A_158 = arith.addi %mul3A_156, %add3A_157 : i32
      %dma_wait3A_159 = arith.constant 0 : i32
      %dma_wait3A_160 = tpu.memref_slice %arg10[%rem3A_82, %add3A_158, %dma_wait3A_159] : memref<3x16x128xf32, #tpu.memory_space<vmem>> -> memref<1x1x128xf32, #tpu.memory_space<vmem>>
      %dma_wait3A_161 = tpu.memref_squeeze %dma_wait3A_160 : memref<1x1x128xf32, #tpu.memory_space<vmem>> -> memref<128xf32, #tpu.memory_space<vmem>>
      %dma_wait3A_162 = arith.constant 0 : i32
      %dma_wait3A_163 = tpu.memref_slice %arg9[%rem3A_82, %add3A_158, %dma_wait3A_162] : memref<3x16x128xi32, #tpu.memory_space<vmem>> -> memref<1x1x128xi32, #tpu.memory_space<vmem>>
      %dma_wait3A_164 = tpu.memref_squeeze %dma_wait3A_163 : memref<1x1x128xi32, #tpu.memory_space<vmem>> -> memref<128xi32, #tpu.memory_space<vmem>>
      %dma_wait3A_165 = arith.constant 0 : i32
      %dma_wait3A_166 = tpu.memref_slice %arg12[%dma_wait3A_165] : memref<100352xf32, #tpu.memory_space<vmem_shared>> -> memref<100352xf32, #tpu.memory_space<vmem_shared>>
      tpu.wait_indirect_dma semaphore(%arg15 : memref<!tpu.dma_semaphore, #tpu.memory_space<semaphore_mem>>) src(%dma_wait3A_161 : memref<128xf32, #tpu.memory_space<vmem>>) dst(%dma_wait3A_166 : memref<100352xf32, #tpu.memory_space<vmem_shared>>)
      %dma_wait3A_167 = arith.constant 0 : i32
      %dma_wait3A_168 = tpu.memref_slice %arg9[%rem3A_82, %add3A_158, %dma_wait3A_167] : memref<3x16x128xi32, #tpu.memory_space<vmem>> -> memref<1x1x128xi32, #tpu.memory_space<vmem>>
      %dma_wait3A_169 = tpu.memref_squeeze %dma_wait3A_168 : memref<1x1x128xi32, #tpu.memory_space<vmem>> -> memref<128xi32, #tpu.memory_space<vmem>>
      %dma_wait3A_170 = arith.constant 0 : i32
      %dma_wait3A_171 = tpu.memref_slice %arg13[%dma_wait3A_170] : memref<100352xf32, #tpu.memory_space<vmem_shared>> -> memref<100352xf32, #tpu.memory_space<vmem_shared>>
      tpu.wait_indirect_dma semaphore(%arg15 : memref<!tpu.dma_semaphore, #tpu.memory_space<semaphore_mem>>) src(%arg11 : memref<128xf32, #tpu.memory_space<vmem>>) dst(%dma_wait3A_171 : memref<100352xf32, #tpu.memory_space<vmem_shared>>)
      %mul3A_172 = arith.constant 8 : i32
      %mul3A_173 = arith.muli %scan3A_104, %mul3A_172 : i32
      %add3A_174 = arith.constant 4 : i32
      %add3A_175 = arith.addi %mul3A_173, %add3A_174 : i32
      %dma_wait3A_176 = arith.constant 0 : i32
      %dma_wait3A_177 = tpu.memref_slice %arg10[%rem3A_82, %add3A_175, %dma_wait3A_176] : memref<3x16x128xf32, #tpu.memory_space<vmem>> -> memref<1x1x128xf32, #tpu.memory_space<vmem>>
      %dma_wait3A_178 = tpu.memref_squeeze %dma_wait3A_177 : memref<1x1x128xf32, #tpu.memory_space<vmem>> -> memref<128xf32, #tpu.memory_space<vmem>>
      %dma_wait3A_179 = arith.constant 0 : i32
      %dma_wait3A_180 = tpu.memref_slice %arg9[%rem3A_82, %add3A_175, %dma_wait3A_179] : memref<3x16x128xi32, #tpu.memory_space<vmem>> -> memref<1x1x128xi32, #tpu.memory_space<vmem>>
      %dma_wait3A_181 = tpu.memref_squeeze %dma_wait3A_180 : memref<1x1x128xi32, #tpu.memory_space<vmem>> -> memref<128xi32, #tpu.memory_space<vmem>>
      %dma_wait3A_182 = arith.constant 0 : i32
      %dma_wait3A_183 = tpu.memref_slice %arg12[%dma_wait3A_182] : memref<100352xf32, #tpu.memory_space<vmem_shared>> -> memref<100352xf32, #tpu.memory_space<vmem_shared>>
      tpu.wait_indirect_dma semaphore(%arg15 : memref<!tpu.dma_semaphore, #tpu.memory_space<semaphore_mem>>) src(%dma_wait3A_178 : memref<128xf32, #tpu.memory_space<vmem>>) dst(%dma_wait3A_183 : memref<100352xf32, #tpu.memory_space<vmem_shared>>)
      %dma_wait3A_184 = arith.constant 0 : i32
      %dma_wait3A_185 = tpu.memref_slice %arg9[%rem3A_82, %add3A_175, %dma_wait3A_184] : memref<3x16x128xi32, #tpu.memory_space<vmem>> -> memref<1x1x128xi32, #tpu.memory_space<vmem>>
      %dma_wait3A_186 = tpu.memref_squeeze %dma_wait3A_185 : memref<1x1x128xi32, #tpu.memory_space<vmem>> -> memref<128xi32, #tpu.memory_space<vmem>>
      %dma_wait3A_187 = arith.constant 0 : i32
      %dma_wait3A_188 = tpu.memref_slice %arg13[%dma_wait3A_187] : memref<100352xf32, #tpu.memory_space<vmem_shared>> -> memref<100352xf32, #tpu.memory_space<vmem_shared>>
      tpu.wait_indirect_dma semaphore(%arg15 : memref<!tpu.dma_semaphore, #tpu.memory_space<semaphore_mem>>) src(%arg11 : memref<128xf32, #tpu.memory_space<vmem>>) dst(%dma_wait3A_188 : memref<100352xf32, #tpu.memory_space<vmem_shared>>)
      %mul3A_189 = arith.constant 8 : i32
      %mul3A_190 = arith.muli %scan3A_104, %mul3A_189 : i32
      %add3A_191 = arith.constant 5 : i32
      %add3A_192 = arith.addi %mul3A_190, %add3A_191 : i32
      %dma_wait3A_193 = arith.constant 0 : i32
      %dma_wait3A_194 = tpu.memref_slice %arg10[%rem3A_82, %add3A_192, %dma_wait3A_193] : memref<3x16x128xf32, #tpu.memory_space<vmem>> -> memref<1x1x128xf32, #tpu.memory_space<vmem>>
      %dma_wait3A_195 = tpu.memref_squeeze %dma_wait3A_194 : memref<1x1x128xf32, #tpu.memory_space<vmem>> -> memref<128xf32, #tpu.memory_space<vmem>>
      %dma_wait3A_196 = arith.constant 0 : i32
      %dma_wait3A_197 = tpu.memref_slice %arg9[%rem3A_82, %add3A_192, %dma_wait3A_196] : memref<3x16x128xi32, #tpu.memory_space<vmem>> -> memref<1x1x128xi32, #tpu.memory_space<vmem>>
      %dma_wait3A_198 = tpu.memref_squeeze %dma_wait3A_197 : memref<1x1x128xi32, #tpu.memory_space<vmem>> -> memref<128xi32, #tpu.memory_space<vmem>>
      %dma_wait3A_199 = arith.constant 0 : i32
      %dma_wait3A_200 = tpu.memref_slice %arg12[%dma_wait3A_199] : memref<100352xf32, #tpu.memory_space<vmem_shared>> -> memref<100352xf32, #tpu.memory_space<vmem_shared>>
      tpu.wait_indirect_dma semaphore(%arg15 : memref<!tpu.dma_semaphore, #tpu.memory_space<semaphore_mem>>) src(%dma_wait3A_195 : memref<128xf32, #tpu.memory_space<vmem>>) dst(%dma_wait3A_200 : memref<100352xf32, #tpu.memory_space<vmem_shared>>)
      %dma_wait3A_201 = arith.constant 0 : i32
      %dma_wait3A_202 = tpu.memref_slice %arg9[%rem3A_82, %add3A_192, %dma_wait3A_201] : memref<3x16x128xi32, #tpu.memory_space<vmem>> -> memref<1x1x128xi32, #tpu.memory_space<vmem>>
      %dma_wait3A_203 = tpu.memref_squeeze %dma_wait3A_202 : memref<1x1x128xi32, #tpu.memory_space<vmem>> -> memref<128xi32, #tpu.memory_space<vmem>>
      %dma_wait3A_204 = arith.constant 0 : i32
      %dma_wait3A_205 = tpu.memref_slice %arg13[%dma_wait3A_204] : memref<100352xf32, #tpu.memory_space<vmem_shared>> -> memref<100352xf32, #tpu.memory_space<vmem_shared>>
      tpu.wait_indirect_dma semaphore(%arg15 : memref<!tpu.dma_semaphore, #tpu.memory_space<semaphore_mem>>) src(%arg11 : memref<128xf32, #tpu.memory_space<vmem>>) dst(%dma_wait3A_205 : memref<100352xf32, #tpu.memory_space<vmem_shared>>)
      %mul3A_206 = arith.constant 8 : i32
      %mul3A_207 = arith.muli %scan3A_104, %mul3A_206 : i32
      %add3A_208 = arith.constant 6 : i32
      %add3A_209 = arith.addi %mul3A_207, %add3A_208 : i32
      %dma_wait3A_210 = arith.constant 0 : i32
      %dma_wait3A_211 = tpu.memref_slice %arg10[%rem3A_82, %add3A_209, %dma_wait3A_210] : memref<3x16x128xf32, #tpu.memory_space<vmem>> -> memref<1x1x128xf32, #tpu.memory_space<vmem>>
      %dma_wait3A_212 = tpu.memref_squeeze %dma_wait3A_211 : memref<1x1x128xf32, #tpu.memory_space<vmem>> -> memref<128xf32, #tpu.memory_space<vmem>>
      %dma_wait3A_213 = arith.constant 0 : i32
      %dma_wait3A_214 = tpu.memref_slice %arg9[%rem3A_82, %add3A_209, %dma_wait3A_213] : memref<3x16x128xi32, #tpu.memory_space<vmem>> -> memref<1x1x128xi32, #tpu.memory_space<vmem>>
      %dma_wait3A_215 = tpu.memref_squeeze %dma_wait3A_214 : memref<1x1x128xi32, #tpu.memory_space<vmem>> -> memref<128xi32, #tpu.memory_space<vmem>>
      %dma_wait3A_216 = arith.constant 0 : i32
      %dma_wait3A_217 = tpu.memref_slice %arg12[%dma_wait3A_216] : memref<100352xf32, #tpu.memory_space<vmem_shared>> -> memref<100352xf32, #tpu.memory_space<vmem_shared>>
      tpu.wait_indirect_dma semaphore(%arg15 : memref<!tpu.dma_semaphore, #tpu.memory_space<semaphore_mem>>) src(%dma_wait3A_212 : memref<128xf32, #tpu.memory_space<vmem>>) dst(%dma_wait3A_217 : memref<100352xf32, #tpu.memory_space<vmem_shared>>)
      %dma_wait3A_218 = arith.constant 0 : i32
      %dma_wait3A_219 = tpu.memref_slice %arg9[%rem3A_82, %add3A_209, %dma_wait3A_218] : memref<3x16x128xi32, #tpu.memory_space<vmem>> -> memref<1x1x128xi32, #tpu.memory_space<vmem>>
      %dma_wait3A_220 = tpu.memref_squeeze %dma_wait3A_219 : memref<1x1x128xi32, #tpu.memory_space<vmem>> -> memref<128xi32, #tpu.memory_space<vmem>>
      %dma_wait3A_221 = arith.constant 0 : i32
      %dma_wait3A_222 = tpu.memref_slice %arg13[%dma_wait3A_221] : memref<100352xf32, #tpu.memory_space<vmem_shared>> -> memref<100352xf32, #tpu.memory_space<vmem_shared>>
      tpu.wait_indirect_dma semaphore(%arg15 : memref<!tpu.dma_semaphore, #tpu.memory_space<semaphore_mem>>) src(%arg11 : memref<128xf32, #tpu.memory_space<vmem>>) dst(%dma_wait3A_222 : memref<100352xf32, #tpu.memory_space<vmem_shared>>)
      %mul3A_223 = arith.constant 8 : i32
      %mul3A_224 = arith.muli %scan3A_104, %mul3A_223 : i32
      %add3A_225 = arith.constant 7 : i32
      %add3A_226 = arith.addi %mul3A_224, %add3A_225 : i32
      %dma_wait3A_227 = arith.constant 0 : i32
      %dma_wait3A_228 = tpu.memref_slice %arg10[%rem3A_82, %add3A_226, %dma_wait3A_227] : memref<3x16x128xf32, #tpu.memory_space<vmem>> -> memref<1x1x128xf32, #tpu.memory_space<vmem>>
      %dma_wait3A_229 = tpu.memref_squeeze %dma_wait3A_228 : memref<1x1x128xf32, #tpu.memory_space<vmem>> -> memref<128xf32, #tpu.memory_space<vmem>>
      %dma_wait3A_230 = arith.constant 0 : i32
      %dma_wait3A_231 = tpu.memref_slice %arg9[%rem3A_82, %add3A_226, %dma_wait3A_230] : memref<3x16x128xi32, #tpu.memory_space<vmem>> -> memref<1x1x128xi32, #tpu.memory_space<vmem>>
      %dma_wait3A_232 = tpu.memref_squeeze %dma_wait3A_231 : memref<1x1x128xi32, #tpu.memory_space<vmem>> -> memref<128xi32, #tpu.memory_space<vmem>>
      %dma_wait3A_233 = arith.constant 0 : i32
      %dma_wait3A_234 = tpu.memref_slice %arg12[%dma_wait3A_233] : memref<100352xf32, #tpu.memory_space<vmem_shared>> -> memref<100352xf32, #tpu.memory_space<vmem_shared>>
      tpu.wait_indirect_dma semaphore(%arg15 : memref<!tpu.dma_semaphore, #tpu.memory_space<semaphore_mem>>) src(%dma_wait3A_229 : memref<128xf32, #tpu.memory_space<vmem>>) dst(%dma_wait3A_234 : memref<100352xf32, #tpu.memory_space<vmem_shared>>)
      %dma_wait3A_235 = arith.constant 0 : i32
      %dma_wait3A_236 = tpu.memref_slice %arg9[%rem3A_82, %add3A_226, %dma_wait3A_235] : memref<3x16x128xi32, #tpu.memory_space<vmem>> -> memref<1x1x128xi32, #tpu.memory_space<vmem>>
      %dma_wait3A_237 = tpu.memref_squeeze %dma_wait3A_236 : memref<1x1x128xi32, #tpu.memory_space<vmem>> -> memref<128xi32, #tpu.memory_space<vmem>>
      %dma_wait3A_238 = arith.constant 0 : i32
      %dma_wait3A_239 = tpu.memref_slice %arg13[%dma_wait3A_238] : memref<100352xf32, #tpu.memory_space<vmem_shared>> -> memref<100352xf32, #tpu.memory_space<vmem_shared>>
      tpu.wait_indirect_dma semaphore(%arg15 : memref<!tpu.dma_semaphore, #tpu.memory_space<semaphore_mem>>) src(%arg11 : memref<128xf32, #tpu.memory_space<vmem>>) dst(%dma_wait3A_239 : memref<100352xf32, #tpu.memory_space<vmem_shared>>)
    }
    %scan3A_87 = arith.constant 2 : i32
    %sub3A_88 = arith.constant 1 : i32
    %sub3A_89 = arith.subi %select_n3A, %sub3A_88 : i32
    %rem3A_90 = arith.constant 3 : i32
    %rem3A_91 = arith.remsi %sub3A_89, %rem3A_90 : i32
    %scan3A_92 = arith.constant 0 : i32
    %scan3A_93 = arith.constant 0 : i32
    %scan3A_94 = arith.constant 2 : i32
    %scan3A_95 = arith.addi %scan3A_93, %scan3A_94 : i32
    %scan3A_96 = arith.constant 1 : i32
    scf.for %scan3A_104 = %scan3A_93 to %scan3A_95 step %scan3A_96  : i32 {
      %mul3A_105 = arith.constant 8 : i32
      %mul3A_106 = arith.muli %scan3A_104, %mul3A_105 : i32
      %add3A_107 = arith.constant 0 : i32
      %add3A_108 = arith.addi %mul3A_106, %add3A_107 : i32
      %dma_wait3A = arith.constant 0 : i32
      %dma_wait3A_109 = tpu.memref_slice %arg10[%rem3A_91, %add3A_108, %dma_wait3A] : memref<3x16x128xf32, #tpu.memory_space<vmem>> -> memref<1x1x128xf32, #tpu.memory_space<vmem>>
      %dma_wait3A_110 = tpu.memref_squeeze %dma_wait3A_109 : memref<1x1x128xf32, #tpu.memory_space<vmem>> -> memref<128xf32, #tpu.memory_space<vmem>>
      %dma_wait3A_111 = arith.constant 0 : i32
      %dma_wait3A_112 = tpu.memref_slice %arg9[%rem3A_91, %add3A_108, %dma_wait3A_111] : memref<3x16x128xi32, #tpu.memory_space<vmem>> -> memref<1x1x128xi32, #tpu.memory_space<vmem>>
      %dma_wait3A_113 = tpu.memref_squeeze %dma_wait3A_112 : memref<1x1x128xi32, #tpu.memory_space<vmem>> -> memref<128xi32, #tpu.memory_space<vmem>>
      %dma_wait3A_114 = arith.constant 0 : i32
      %dma_wait3A_115 = tpu.memref_slice %arg12[%dma_wait3A_114] : memref<100352xf32, #tpu.memory_space<vmem_shared>> -> memref<100352xf32, #tpu.memory_space<vmem_shared>>
      tpu.wait_indirect_dma semaphore(%arg15 : memref<!tpu.dma_semaphore, #tpu.memory_space<semaphore_mem>>) src(%dma_wait3A_110 : memref<128xf32, #tpu.memory_space<vmem>>) dst(%dma_wait3A_115 : memref<100352xf32, #tpu.memory_space<vmem_shared>>)
      %dma_wait3A_116 = arith.constant 0 : i32
      %dma_wait3A_117 = tpu.memref_slice %arg9[%rem3A_91, %add3A_108, %dma_wait3A_116] : memref<3x16x128xi32, #tpu.memory_space<vmem>> -> memref<1x1x128xi32, #tpu.memory_space<vmem>>
      %dma_wait3A_118 = tpu.memref_squeeze %dma_wait3A_117 : memref<1x1x128xi32, #tpu.memory_space<vmem>> -> memref<128xi32, #tpu.memory_space<vmem>>
      %dma_wait3A_119 = arith.constant 0 : i32
      %dma_wait3A_120 = tpu.memref_slice %arg13[%dma_wait3A_119] : memref<100352xf32, #tpu.memory_space<vmem_shared>> -> memref<100352xf32, #tpu.memory_space<vmem_shared>>
      tpu.wait_indirect_dma semaphore(%arg15 : memref<!tpu.dma_semaphore, #tpu.memory_space<semaphore_mem>>) src(%arg11 : memref<128xf32, #tpu.memory_space<vmem>>) dst(%dma_wait3A_120 : memref<100352xf32, #tpu.memory_space<vmem_shared>>)
      %mul3A_121 = arith.constant 8 : i32
      %mul3A_122 = arith.muli %scan3A_104, %mul3A_121 : i32
      %add3A_123 = arith.constant 1 : i32
      %add3A_124 = arith.addi %mul3A_122, %add3A_123 : i32
      %dma_wait3A_125 = arith.constant 0 : i32
      %dma_wait3A_126 = tpu.memref_slice %arg10[%rem3A_91, %add3A_124, %dma_wait3A_125] : memref<3x16x128xf32, #tpu.memory_space<vmem>> -> memref<1x1x128xf32, #tpu.memory_space<vmem>>
      %dma_wait3A_127 = tpu.memref_squeeze %dma_wait3A_126 : memref<1x1x128xf32, #tpu.memory_space<vmem>> -> memref<128xf32, #tpu.memory_space<vmem>>
      %dma_wait3A_128 = arith.constant 0 : i32
      %dma_wait3A_129 = tpu.memref_slice %arg9[%rem3A_91, %add3A_124, %dma_wait3A_128] : memref<3x16x128xi32, #tpu.memory_space<vmem>> -> memref<1x1x128xi32, #tpu.memory_space<vmem>>
      %dma_wait3A_130 = tpu.memref_squeeze %dma_wait3A_129 : memref<1x1x128xi32, #tpu.memory_space<vmem>> -> memref<128xi32, #tpu.memory_space<vmem>>
      %dma_wait3A_131 = arith.constant 0 : i32
      %dma_wait3A_132 = tpu.memref_slice %arg12[%dma_wait3A_131] : memref<100352xf32, #tpu.memory_space<vmem_shared>> -> memref<100352xf32, #tpu.memory_space<vmem_shared>>
      tpu.wait_indirect_dma semaphore(%arg15 : memref<!tpu.dma_semaphore, #tpu.memory_space<semaphore_mem>>) src(%dma_wait3A_127 : memref<128xf32, #tpu.memory_space<vmem>>) dst(%dma_wait3A_132 : memref<100352xf32, #tpu.memory_space<vmem_shared>>)
      %dma_wait3A_133 = arith.constant 0 : i32
      %dma_wait3A_134 = tpu.memref_slice %arg9[%rem3A_91, %add3A_124, %dma_wait3A_133] : memref<3x16x128xi32, #tpu.memory_space<vmem>> -> memref<1x1x128xi32, #tpu.memory_space<vmem>>
      %dma_wait3A_135 = tpu.memref_squeeze %dma_wait3A_134 : memref<1x1x128xi32, #tpu.memory_space<vmem>> -> memref<128xi32, #tpu.memory_space<vmem>>
      %dma_wait3A_136 = arith.constant 0 : i32
      %dma_wait3A_137 = tpu.memref_slice %arg13[%dma_wait3A_136] : memref<100352xf32, #tpu.memory_space<vmem_shared>> -> memref<100352xf32, #tpu.memory_space<vmem_shared>>
      tpu.wait_indirect_dma semaphore(%arg15 : memref<!tpu.dma_semaphore, #tpu.memory_space<semaphore_mem>>) src(%arg11 : memref<128xf32, #tpu.memory_space<vmem>>) dst(%dma_wait3A_137 : memref<100352xf32, #tpu.memory_space<vmem_shared>>)
      %mul3A_138 = arith.constant 8 : i32
      %mul3A_139 = arith.muli %scan3A_104, %mul3A_138 : i32
      %add3A_140 = arith.constant 2 : i32
      %add3A_141 = arith.addi %mul3A_139, %add3A_140 : i32
      %dma_wait3A_142 = arith.constant 0 : i32
      %dma_wait3A_143 = tpu.memref_slice %arg10[%rem3A_91, %add3A_141, %dma_wait3A_142] : memref<3x16x128xf32, #tpu.memory_space<vmem>> -> memref<1x1x128xf32, #tpu.memory_space<vmem>>
      %dma_wait3A_144 = tpu.memref_squeeze %dma_wait3A_143 : memref<1x1x128xf32, #tpu.memory_space<vmem>> -> memref<128xf32, #tpu.memory_space<vmem>>
      %dma_wait3A_145 = arith.constant 0 : i32
      %dma_wait3A_146 = tpu.memref_slice %arg9[%rem3A_91, %add3A_141, %dma_wait3A_145] : memref<3x16x128xi32, #tpu.memory_space<vmem>> -> memref<1x1x128xi32, #tpu.memory_space<vmem>>
      %dma_wait3A_147 = tpu.memref_squeeze %dma_wait3A_146 : memref<1x1x128xi32, #tpu.memory_space<vmem>> -> memref<128xi32, #tpu.memory_space<vmem>>
      %dma_wait3A_148 = arith.constant 0 : i32
      %dma_wait3A_149 = tpu.memref_slice %arg12[%dma_wait3A_148] : memref<100352xf32, #tpu.memory_space<vmem_shared>> -> memref<100352xf32, #tpu.memory_space<vmem_shared>>
      tpu.wait_indirect_dma semaphore(%arg15 : memref<!tpu.dma_semaphore, #tpu.memory_space<semaphore_mem>>) src(%dma_wait3A_144 : memref<128xf32, #tpu.memory_space<vmem>>) dst(%dma_wait3A_149 : memref<100352xf32, #tpu.memory_space<vmem_shared>>)
      %dma_wait3A_150 = arith.constant 0 : i32
      %dma_wait3A_151 = tpu.memref_slice %arg9[%rem3A_91, %add3A_141, %dma_wait3A_150] : memref<3x16x128xi32, #tpu.memory_space<vmem>> -> memref<1x1x128xi32, #tpu.memory_space<vmem>>
      %dma_wait3A_152 = tpu.memref_squeeze %dma_wait3A_151 : memref<1x1x128xi32, #tpu.memory_space<vmem>> -> memref<128xi32, #tpu.memory_space<vmem>>
      %dma_wait3A_153 = arith.constant 0 : i32
      %dma_wait3A_154 = tpu.memref_slice %arg13[%dma_wait3A_153] : memref<100352xf32, #tpu.memory_space<vmem_shared>> -> memref<100352xf32, #tpu.memory_space<vmem_shared>>
      tpu.wait_indirect_dma semaphore(%arg15 : memref<!tpu.dma_semaphore, #tpu.memory_space<semaphore_mem>>) src(%arg11 : memref<128xf32, #tpu.memory_space<vmem>>) dst(%dma_wait3A_154 : memref<100352xf32, #tpu.memory_space<vmem_shared>>)
      %mul3A_155 = arith.constant 8 : i32
      %mul3A_156 = arith.muli %scan3A_104, %mul3A_155 : i32
      %add3A_157 = arith.constant 3 : i32
      %add3A_158 = arith.addi %mul3A_156, %add3A_157 : i32
      %dma_wait3A_159 = arith.constant 0 : i32
      %dma_wait3A_160 = tpu.memref_slice %arg10[%rem3A_91, %add3A_158, %dma_wait3A_159] : memref<3x16x128xf32, #tpu.memory_space<vmem>> -> memref<1x1x128xf32, #tpu.memory_space<vmem>>
      %dma_wait3A_161 = tpu.memref_squeeze %dma_wait3A_160 : memref<1x1x128xf32, #tpu.memory_space<vmem>> -> memref<128xf32, #tpu.memory_space<vmem>>
      %dma_wait3A_162 = arith.constant 0 : i32
      %dma_wait3A_163 = tpu.memref_slice %arg9[%rem3A_91, %add3A_158, %dma_wait3A_162] : memref<3x16x128xi32, #tpu.memory_space<vmem>> -> memref<1x1x128xi32, #tpu.memory_space<vmem>>
      %dma_wait3A_164 = tpu.memref_squeeze %dma_wait3A_163 : memref<1x1x128xi32, #tpu.memory_space<vmem>> -> memref<128xi32, #tpu.memory_space<vmem>>
      %dma_wait3A_165 = arith.constant 0 : i32
      %dma_wait3A_166 = tpu.memref_slice %arg12[%dma_wait3A_165] : memref<100352xf32, #tpu.memory_space<vmem_shared>> -> memref<100352xf32, #tpu.memory_space<vmem_shared>>
      tpu.wait_indirect_dma semaphore(%arg15 : memref<!tpu.dma_semaphore, #tpu.memory_space<semaphore_mem>>) src(%dma_wait3A_161 : memref<128xf32, #tpu.memory_space<vmem>>) dst(%dma_wait3A_166 : memref<100352xf32, #tpu.memory_space<vmem_shared>>)
      %dma_wait3A_167 = arith.constant 0 : i32
      %dma_wait3A_168 = tpu.memref_slice %arg9[%rem3A_91, %add3A_158, %dma_wait3A_167] : memref<3x16x128xi32, #tpu.memory_space<vmem>> -> memref<1x1x128xi32, #tpu.memory_space<vmem>>
      %dma_wait3A_169 = tpu.memref_squeeze %dma_wait3A_168 : memref<1x1x128xi32, #tpu.memory_space<vmem>> -> memref<128xi32, #tpu.memory_space<vmem>>
      %dma_wait3A_170 = arith.constant 0 : i32
      %dma_wait3A_171 = tpu.memref_slice %arg13[%dma_wait3A_170] : memref<100352xf32, #tpu.memory_space<vmem_shared>> -> memref<100352xf32, #tpu.memory_space<vmem_shared>>
      tpu.wait_indirect_dma semaphore(%arg15 : memref<!tpu.dma_semaphore, #tpu.memory_space<semaphore_mem>>) src(%arg11 : memref<128xf32, #tpu.memory_space<vmem>>) dst(%dma_wait3A_171 : memref<100352xf32, #tpu.memory_space<vmem_shared>>)
      %mul3A_172 = arith.constant 8 : i32
      %mul3A_173 = arith.muli %scan3A_104, %mul3A_172 : i32
      %add3A_174 = arith.constant 4 : i32
      %add3A_175 = arith.addi %mul3A_173, %add3A_174 : i32
      %dma_wait3A_176 = arith.constant 0 : i32
      %dma_wait3A_177 = tpu.memref_slice %arg10[%rem3A_91, %add3A_175, %dma_wait3A_176] : memref<3x16x128xf32, #tpu.memory_space<vmem>> -> memref<1x1x128xf32, #tpu.memory_space<vmem>>
      %dma_wait3A_178 = tpu.memref_squeeze %dma_wait3A_177 : memref<1x1x128xf32, #tpu.memory_space<vmem>> -> memref<128xf32, #tpu.memory_space<vmem>>
      %dma_wait3A_179 = arith.constant 0 : i32
      %dma_wait3A_180 = tpu.memref_slice %arg9[%rem3A_91, %add3A_175, %dma_wait3A_179] : memref<3x16x128xi32, #tpu.memory_space<vmem>> -> memref<1x1x128xi32, #tpu.memory_space<vmem>>
      %dma_wait3A_181 = tpu.memref_squeeze %dma_wait3A_180 : memref<1x1x128xi32, #tpu.memory_space<vmem>> -> memref<128xi32, #tpu.memory_space<vmem>>
      %dma_wait3A_182 = arith.constant 0 : i32
      %dma_wait3A_183 = tpu.memref_slice %arg12[%dma_wait3A_182] : memref<100352xf32, #tpu.memory_space<vmem_shared>> -> memref<100352xf32, #tpu.memory_space<vmem_shared>>
      tpu.wait_indirect_dma semaphore(%arg15 : memref<!tpu.dma_semaphore, #tpu.memory_space<semaphore_mem>>) src(%dma_wait3A_178 : memref<128xf32, #tpu.memory_space<vmem>>) dst(%dma_wait3A_183 : memref<100352xf32, #tpu.memory_space<vmem_shared>>)
      %dma_wait3A_184 = arith.constant 0 : i32
      %dma_wait3A_185 = tpu.memref_slice %arg9[%rem3A_91, %add3A_175, %dma_wait3A_184] : memref<3x16x128xi32, #tpu.memory_space<vmem>> -> memref<1x1x128xi32, #tpu.memory_space<vmem>>
      %dma_wait3A_186 = tpu.memref_squeeze %dma_wait3A_185 : memref<1x1x128xi32, #tpu.memory_space<vmem>> -> memref<128xi32, #tpu.memory_space<vmem>>
      %dma_wait3A_187 = arith.constant 0 : i32
      %dma_wait3A_188 = tpu.memref_slice %arg13[%dma_wait3A_187] : memref<100352xf32, #tpu.memory_space<vmem_shared>> -> memref<100352xf32, #tpu.memory_space<vmem_shared>>
      tpu.wait_indirect_dma semaphore(%arg15 : memref<!tpu.dma_semaphore, #tpu.memory_space<semaphore_mem>>) src(%arg11 : memref<128xf32, #tpu.memory_space<vmem>>) dst(%dma_wait3A_188 : memref<100352xf32, #tpu.memory_space<vmem_shared>>)
      %mul3A_189 = arith.constant 8 : i32
      %mul3A_190 = arith.muli %scan3A_104, %mul3A_189 : i32
      %add3A_191 = arith.constant 5 : i32
      %add3A_192 = arith.addi %mul3A_190, %add3A_191 : i32
      %dma_wait3A_193 = arith.constant 0 : i32
      %dma_wait3A_194 = tpu.memref_slice %arg10[%rem3A_91, %add3A_192, %dma_wait3A_193] : memref<3x16x128xf32, #tpu.memory_space<vmem>> -> memref<1x1x128xf32, #tpu.memory_space<vmem>>
      %dma_wait3A_195 = tpu.memref_squeeze %dma_wait3A_194 : memref<1x1x128xf32, #tpu.memory_space<vmem>> -> memref<128xf32, #tpu.memory_space<vmem>>
      %dma_wait3A_196 = arith.constant 0 : i32
      %dma_wait3A_197 = tpu.memref_slice %arg9[%rem3A_91, %add3A_192, %dma_wait3A_196] : memref<3x16x128xi32, #tpu.memory_space<vmem>> -> memref<1x1x128xi32, #tpu.memory_space<vmem>>
      %dma_wait3A_198 = tpu.memref_squeeze %dma_wait3A_197 : memref<1x1x128xi32, #tpu.memory_space<vmem>> -> memref<128xi32, #tpu.memory_space<vmem>>
      %dma_wait3A_199 = arith.constant 0 : i32
      %dma_wait3A_200 = tpu.memref_slice %arg12[%dma_wait3A_199] : memref<100352xf32, #tpu.memory_space<vmem_shared>> -> memref<100352xf32, #tpu.memory_space<vmem_shared>>
      tpu.wait_indirect_dma semaphore(%arg15 : memref<!tpu.dma_semaphore, #tpu.memory_space<semaphore_mem>>) src(%dma_wait3A_195 : memref<128xf32, #tpu.memory_space<vmem>>) dst(%dma_wait3A_200 : memref<100352xf32, #tpu.memory_space<vmem_shared>>)
      %dma_wait3A_201 = arith.constant 0 : i32
      %dma_wait3A_202 = tpu.memref_slice %arg9[%rem3A_91, %add3A_192, %dma_wait3A_201] : memref<3x16x128xi32, #tpu.memory_space<vmem>> -> memref<1x1x128xi32, #tpu.memory_space<vmem>>
      %dma_wait3A_203 = tpu.memref_squeeze %dma_wait3A_202 : memref<1x1x128xi32, #tpu.memory_space<vmem>> -> memref<128xi32, #tpu.memory_space<vmem>>
      %dma_wait3A_204 = arith.constant 0 : i32
      %dma_wait3A_205 = tpu.memref_slice %arg13[%dma_wait3A_204] : memref<100352xf32, #tpu.memory_space<vmem_shared>> -> memref<100352xf32, #tpu.memory_space<vmem_shared>>
      tpu.wait_indirect_dma semaphore(%arg15 : memref<!tpu.dma_semaphore, #tpu.memory_space<semaphore_mem>>) src(%arg11 : memref<128xf32, #tpu.memory_space<vmem>>) dst(%dma_wait3A_205 : memref<100352xf32, #tpu.memory_space<vmem_shared>>)
      %mul3A_206 = arith.constant 8 : i32
      %mul3A_207 = arith.muli %scan3A_104, %mul3A_206 : i32
      %add3A_208 = arith.constant 6 : i32
      %add3A_209 = arith.addi %mul3A_207, %add3A_208 : i32
      %dma_wait3A_210 = arith.constant 0 : i32
      %dma_wait3A_211 = tpu.memref_slice %arg10[%rem3A_91, %add3A_209, %dma_wait3A_210] : memref<3x16x128xf32, #tpu.memory_space<vmem>> -> memref<1x1x128xf32, #tpu.memory_space<vmem>>
      %dma_wait3A_212 = tpu.memref_squeeze %dma_wait3A_211 : memref<1x1x128xf32, #tpu.memory_space<vmem>> -> memref<128xf32, #tpu.memory_space<vmem>>
      %dma_wait3A_213 = arith.constant 0 : i32
      %dma_wait3A_214 = tpu.memref_slice %arg9[%rem3A_91, %add3A_209, %dma_wait3A_213] : memref<3x16x128xi32, #tpu.memory_space<vmem>> -> memref<1x1x128xi32, #tpu.memory_space<vmem>>
      %dma_wait3A_215 = tpu.memref_squeeze %dma_wait3A_214 : memref<1x1x128xi32, #tpu.memory_space<vmem>> -> memref<128xi32, #tpu.memory_space<vmem>>
      %dma_wait3A_216 = arith.constant 0 : i32
      %dma_wait3A_217 = tpu.memref_slice %arg12[%dma_wait3A_216] : memref<100352xf32, #tpu.memory_space<vmem_shared>> -> memref<100352xf32, #tpu.memory_space<vmem_shared>>
      tpu.wait_indirect_dma semaphore(%arg15 : memref<!tpu.dma_semaphore, #tpu.memory_space<semaphore_mem>>) src(%dma_wait3A_212 : memref<128xf32, #tpu.memory_space<vmem>>) dst(%dma_wait3A_217 : memref<100352xf32, #tpu.memory_space<vmem_shared>>)
      %dma_wait3A_218 = arith.constant 0 : i32
      %dma_wait3A_219 = tpu.memref_slice %arg9[%rem3A_91, %add3A_209, %dma_wait3A_218] : memref<3x16x128xi32, #tpu.memory_space<vmem>> -> memref<1x1x128xi32, #tpu.memory_space<vmem>>
      %dma_wait3A_220 = tpu.memref_squeeze %dma_wait3A_219 : memref<1x1x128xi32, #tpu.memory_space<vmem>> -> memref<128xi32, #tpu.memory_space<vmem>>
      %dma_wait3A_221 = arith.constant 0 : i32
      %dma_wait3A_222 = tpu.memref_slice %arg13[%dma_wait3A_221] : memref<100352xf32, #tpu.memory_space<vmem_shared>> -> memref<100352xf32, #tpu.memory_space<vmem_shared>>
      tpu.wait_indirect_dma semaphore(%arg15 : memref<!tpu.dma_semaphore, #tpu.memory_space<semaphore_mem>>) src(%arg11 : memref<128xf32, #tpu.memory_space<vmem>>) dst(%dma_wait3A_222 : memref<100352xf32, #tpu.memory_space<vmem_shared>>)
      %mul3A_223 = arith.constant 8 : i32
      %mul3A_224 = arith.muli %scan3A_104, %mul3A_223 : i32
      %add3A_225 = arith.constant 7 : i32
      %add3A_226 = arith.addi %mul3A_224, %add3A_225 : i32
      %dma_wait3A_227 = arith.constant 0 : i32
      %dma_wait3A_228 = tpu.memref_slice %arg10[%rem3A_91, %add3A_226, %dma_wait3A_227] : memref<3x16x128xf32, #tpu.memory_space<vmem>> -> memref<1x1x128xf32, #tpu.memory_space<vmem>>
      %dma_wait3A_229 = tpu.memref_squeeze %dma_wait3A_228 : memref<1x1x128xf32, #tpu.memory_space<vmem>> -> memref<128xf32, #tpu.memory_space<vmem>>
      %dma_wait3A_230 = arith.constant 0 : i32
      %dma_wait3A_231 = tpu.memref_slice %arg9[%rem3A_91, %add3A_226, %dma_wait3A_230] : memref<3x16x128xi32, #tpu.memory_space<vmem>> -> memref<1x1x128xi32, #tpu.memory_space<vmem>>
      %dma_wait3A_232 = tpu.memref_squeeze %dma_wait3A_231 : memref<1x1x128xi32, #tpu.memory_space<vmem>> -> memref<128xi32, #tpu.memory_space<vmem>>
      %dma_wait3A_233 = arith.constant 0 : i32
      %dma_wait3A_234 = tpu.memref_slice %arg12[%dma_wait3A_233] : memref<100352xf32, #tpu.memory_space<vmem_shared>> -> memref<100352xf32, #tpu.memory_space<vmem_shared>>
      tpu.wait_indirect_dma semaphore(%arg15 : memref<!tpu.dma_semaphore, #tpu.memory_space<semaphore_mem>>) src(%dma_wait3A_229 : memref<128xf32, #tpu.memory_space<vmem>>) dst(%dma_wait3A_234 : memref<100352xf32, #tpu.memory_space<vmem_shared>>)
      %dma_wait3A_235 = arith.constant 0 : i32
      %dma_wait3A_236 = tpu.memref_slice %arg9[%rem3A_91, %add3A_226, %dma_wait3A_235] : memref<3x16x128xi32, #tpu.memory_space<vmem>> -> memref<1x1x128xi32, #tpu.memory_space<vmem>>
      %dma_wait3A_237 = tpu.memref_squeeze %dma_wait3A_236 : memref<1x1x128xi32, #tpu.memory_space<vmem>> -> memref<128xi32, #tpu.memory_space<vmem>>
      %dma_wait3A_238 = arith.constant 0 : i32
      %dma_wait3A_239 = tpu.memref_slice %arg13[%dma_wait3A_238] : memref<100352xf32, #tpu.memory_space<vmem_shared>> -> memref<100352xf32, #tpu.memory_space<vmem_shared>>
      tpu.wait_indirect_dma semaphore(%arg15 : memref<!tpu.dma_semaphore, #tpu.memory_space<semaphore_mem>>) src(%arg11 : memref<128xf32, #tpu.memory_space<vmem>>) dst(%dma_wait3A_239 : memref<100352xf32, #tpu.memory_space<vmem_shared>>)
    }
    %scan3A_97 = arith.constant 2 : i32
    %ge3A_98 = arith.constant 10 : i32
    %ge3A_99 = arith.cmpi sge, %add3A, %ge3A_98 : i32
    %convert_element_type3A_100 = arith.extui %ge3A_99 : i1 to i32
    %cond3A_101 = arith.constant 0 : i32
    %cond3A_102 = arith.cmpi ne, %convert_element_type3A_100, %cond3A_101 : i32
    scf.if %cond3A_102 {
      %dma_wait3A = arith.constant 0 : i32
      %dma_wait3A_104 = arith.constant 0 : i32
      %dma_wait3A_105 = arith.constant 0 : i32
      %dma_wait3A_106 = tpu.memref_slice %arg10[%rem3A_77, %dma_wait3A, %dma_wait3A_105] : memref<3x16x128xf32, #tpu.memory_space<vmem>> -> memref<1x1x128xf32, #tpu.memory_space<vmem>>
      %dma_wait3A_107 = tpu.memref_squeeze %dma_wait3A_106 : memref<1x1x128xf32, #tpu.memory_space<vmem>> -> memref<128xf32, #tpu.memory_space<vmem>>
      %dma_wait3A_108 = arith.constant 0 : i32
      %dma_wait3A_109 = tpu.memref_slice %arg9[%rem3A_77, %dma_wait3A_104, %dma_wait3A_108] : memref<3x16x128xi32, #tpu.memory_space<vmem>> -> memref<1x1x128xi32, #tpu.memory_space<vmem>>
      %dma_wait3A_110 = tpu.memref_squeeze %dma_wait3A_109 : memref<1x1x128xi32, #tpu.memory_space<vmem>> -> memref<128xi32, #tpu.memory_space<vmem>>
      %dma_wait3A_111 = arith.constant 0 : i32
      %dma_wait3A_112 = tpu.memref_slice %arg12[%dma_wait3A_111] : memref<100352xf32, #tpu.memory_space<vmem_shared>> -> memref<100352xf32, #tpu.memory_space<vmem_shared>>
      tpu.wait_indirect_dma semaphore(%arg15 : memref<!tpu.dma_semaphore, #tpu.memory_space<semaphore_mem>>) src(%dma_wait3A_107 : memref<128xf32, #tpu.memory_space<vmem>>) dst(%dma_wait3A_112 : memref<100352xf32, #tpu.memory_space<vmem_shared>>)
      %dma_wait3A_113 = arith.constant 0 : i32
      %dma_wait3A_114 = arith.constant 0 : i32
      %dma_wait3A_115 = tpu.memref_slice %arg9[%rem3A_77, %dma_wait3A_113, %dma_wait3A_114] : memref<3x16x128xi32, #tpu.memory_space<vmem>> -> memref<1x1x128xi32, #tpu.memory_space<vmem>>
      %dma_wait3A_116 = tpu.memref_squeeze %dma_wait3A_115 : memref<1x1x128xi32, #tpu.memory_space<vmem>> -> memref<128xi32, #tpu.memory_space<vmem>>
      %dma_wait3A_117 = arith.constant 0 : i32
      %dma_wait3A_118 = tpu.memref_slice %arg13[%dma_wait3A_117] : memref<100352xf32, #tpu.memory_space<vmem_shared>> -> memref<100352xf32, #tpu.memory_space<vmem_shared>>
      tpu.wait_indirect_dma semaphore(%arg15 : memref<!tpu.dma_semaphore, #tpu.memory_space<semaphore_mem>>) src(%arg11 : memref<128xf32, #tpu.memory_space<vmem>>) dst(%dma_wait3A_118 : memref<100352xf32, #tpu.memory_space<vmem_shared>>)
      %dma_wait3A_119 = arith.constant 1 : i32
      %dma_wait3A_120 = arith.constant 1 : i32
      %dma_wait3A_121 = arith.constant 0 : i32
      %dma_wait3A_122 = tpu.memref_slice %arg10[%rem3A_77, %dma_wait3A_119, %dma_wait3A_121] : memref<3x16x128xf32, #tpu.memory_space<vmem>> -> memref<1x1x128xf32, #tpu.memory_space<vmem>>
      %dma_wait3A_123 = tpu.memref_squeeze %dma_wait3A_122 : memref<1x1x128xf32, #tpu.memory_space<vmem>> -> memref<128xf32, #tpu.memory_space<vmem>>
      %dma_wait3A_124 = arith.constant 0 : i32
      %dma_wait3A_125 = tpu.memref_slice %arg9[%rem3A_77, %dma_wait3A_120, %dma_wait3A_124] : memref<3x16x128xi32, #tpu.memory_space<vmem>> -> memref<1x1x128xi32, #tpu.memory_space<vmem>>
      %dma_wait3A_126 = tpu.memref_squeeze %dma_wait3A_125 : memref<1x1x128xi32, #tpu.memory_space<vmem>> -> memref<128xi32, #tpu.memory_space<vmem>>
      %dma_wait3A_127 = arith.constant 0 : i32
      %dma_wait3A_128 = tpu.memref_slice %arg12[%dma_wait3A_127] : memref<100352xf32, #tpu.memory_space<vmem_shared>> -> memref<100352xf32, #tpu.memory_space<vmem_shared>>
      tpu.wait_indirect_dma semaphore(%arg15 : memref<!tpu.dma_semaphore, #tpu.memory_space<semaphore_mem>>) src(%dma_wait3A_123 : memref<128xf32, #tpu.memory_space<vmem>>) dst(%dma_wait3A_128 : memref<100352xf32, #tpu.memory_space<vmem_shared>>)
      %dma_wait3A_129 = arith.constant 1 : i32
      %dma_wait3A_130 = arith.constant 0 : i32
      %dma_wait3A_131 = tpu.memref_slice %arg9[%rem3A_77, %dma_wait3A_129, %dma_wait3A_130] : memref<3x16x128xi32, #tpu.memory_space<vmem>> -> memref<1x1x128xi32, #tpu.memory_space<vmem>>
      %dma_wait3A_132 = tpu.memref_squeeze %dma_wait3A_131 : memref<1x1x128xi32, #tpu.memory_space<vmem>> -> memref<128xi32, #tpu.memory_space<vmem>>
      %dma_wait3A_133 = arith.constant 0 : i32
      %dma_wait3A_134 = tpu.memref_slice %arg13[%dma_wait3A_133] : memref<100352xf32, #tpu.memory_space<vmem_shared>> -> memref<100352xf32, #tpu.memory_space<vmem_shared>>
      tpu.wait_indirect_dma semaphore(%arg15 : memref<!tpu.dma_semaphore, #tpu.memory_space<semaphore_mem>>) src(%arg11 : memref<128xf32, #tpu.memory_space<vmem>>) dst(%dma_wait3A_134 : memref<100352xf32, #tpu.memory_space<vmem_shared>>)
      %dma_wait3A_135 = arith.constant 2 : i32
      %dma_wait3A_136 = arith.constant 2 : i32
      %dma_wait3A_137 = arith.constant 0 : i32
      %dma_wait3A_138 = tpu.memref_slice %arg10[%rem3A_77, %dma_wait3A_135, %dma_wait3A_137] : memref<3x16x128xf32, #tpu.memory_space<vmem>> -> memref<1x1x128xf32, #tpu.memory_space<vmem>>
      %dma_wait3A_139 = tpu.memref_squeeze %dma_wait3A_138 : memref<1x1x128xf32, #tpu.memory_space<vmem>> -> memref<128xf32, #tpu.memory_space<vmem>>
      %dma_wait3A_140 = arith.constant 0 : i32
      %dma_wait3A_141 = tpu.memref_slice %arg9[%rem3A_77, %dma_wait3A_136, %dma_wait3A_140] : memref<3x16x128xi32, #tpu.memory_space<vmem>> -> memref<1x1x128xi32, #tpu.memory_space<vmem>>
      %dma_wait3A_142 = tpu.memref_squeeze %dma_wait3A_141 : memref<1x1x128xi32, #tpu.memory_space<vmem>> -> memref<128xi32, #tpu.memory_space<vmem>>
      %dma_wait3A_143 = arith.constant 0 : i32
      %dma_wait3A_144 = tpu.memref_slice %arg12[%dma_wait3A_143] : memref<100352xf32, #tpu.memory_space<vmem_shared>> -> memref<100352xf32, #tpu.memory_space<vmem_shared>>
      tpu.wait_indirect_dma semaphore(%arg15 : memref<!tpu.dma_semaphore, #tpu.memory_space<semaphore_mem>>) src(%dma_wait3A_139 : memref<128xf32, #tpu.memory_space<vmem>>) dst(%dma_wait3A_144 : memref<100352xf32, #tpu.memory_space<vmem_shared>>)
      %dma_wait3A_145 = arith.constant 2 : i32
      %dma_wait3A_146 = arith.constant 0 : i32
      %dma_wait3A_147 = tpu.memref_slice %arg9[%rem3A_77, %dma_wait3A_145, %dma_wait3A_146] : memref<3x16x128xi32, #tpu.memory_space<vmem>> -> memref<1x1x128xi32, #tpu.memory_space<vmem>>
      %dma_wait3A_148 = tpu.memref_squeeze %dma_wait3A_147 : memref<1x1x128xi32, #tpu.memory_space<vmem>> -> memref<128xi32, #tpu.memory_space<vmem>>
      %dma_wait3A_149 = arith.constant 0 : i32
      %dma_wait3A_150 = tpu.memref_slice %arg13[%dma_wait3A_149] : memref<100352xf32, #tpu.memory_space<vmem_shared>> -> memref<100352xf32, #tpu.memory_space<vmem_shared>>
      tpu.wait_indirect_dma semaphore(%arg15 : memref<!tpu.dma_semaphore, #tpu.memory_space<semaphore_mem>>) src(%arg11 : memref<128xf32, #tpu.memory_space<vmem>>) dst(%dma_wait3A_150 : memref<100352xf32, #tpu.memory_space<vmem_shared>>)
      %dma_wait3A_151 = arith.constant 3 : i32
      %dma_wait3A_152 = arith.constant 3 : i32
      %dma_wait3A_153 = arith.constant 0 : i32
      %dma_wait3A_154 = tpu.memref_slice %arg10[%rem3A_77, %dma_wait3A_151, %dma_wait3A_153] : memref<3x16x128xf32, #tpu.memory_space<vmem>> -> memref<1x1x128xf32, #tpu.memory_space<vmem>>
      %dma_wait3A_155 = tpu.memref_squeeze %dma_wait3A_154 : memref<1x1x128xf32, #tpu.memory_space<vmem>> -> memref<128xf32, #tpu.memory_space<vmem>>
      %dma_wait3A_156 = arith.constant 0 : i32
      %dma_wait3A_157 = tpu.memref_slice %arg9[%rem3A_77, %dma_wait3A_152, %dma_wait3A_156] : memref<3x16x128xi32, #tpu.memory_space<vmem>> -> memref<1x1x128xi32, #tpu.memory_space<vmem>>
      %dma_wait3A_158 = tpu.memref_squeeze %dma_wait3A_157 : memref<1x1x128xi32, #tpu.memory_space<vmem>> -> memref<128xi32, #tpu.memory_space<vmem>>
      %dma_wait3A_159 = arith.constant 0 : i32
      %dma_wait3A_160 = tpu.memref_slice %arg12[%dma_wait3A_159] : memref<100352xf32, #tpu.memory_space<vmem_shared>> -> memref<100352xf32, #tpu.memory_space<vmem_shared>>
      tpu.wait_indirect_dma semaphore(%arg15 : memref<!tpu.dma_semaphore, #tpu.memory_space<semaphore_mem>>) src(%dma_wait3A_155 : memref<128xf32, #tpu.memory_space<vmem>>) dst(%dma_wait3A_160 : memref<100352xf32, #tpu.memory_space<vmem_shared>>)
      %dma_wait3A_161 = arith.constant 3 : i32
      %dma_wait3A_162 = arith.constant 0 : i32
      %dma_wait3A_163 = tpu.memref_slice %arg9[%rem3A_77, %dma_wait3A_161, %dma_wait3A_162] : memref<3x16x128xi32, #tpu.memory_space<vmem>> -> memref<1x1x128xi32, #tpu.memory_space<vmem>>
      %dma_wait3A_164 = tpu.memref_squeeze %dma_wait3A_163 : memref<1x1x128xi32, #tpu.memory_space<vmem>> -> memref<128xi32, #tpu.memory_space<vmem>>
      %dma_wait3A_165 = arith.constant 0 : i32
      %dma_wait3A_166 = tpu.memref_slice %arg13[%dma_wait3A_165] : memref<100352xf32, #tpu.memory_space<vmem_shared>> -> memref<100352xf32, #tpu.memory_space<vmem_shared>>
      tpu.wait_indirect_dma semaphore(%arg15 : memref<!tpu.dma_semaphore, #tpu.memory_space<semaphore_mem>>) src(%arg11 : memref<128xf32, #tpu.memory_space<vmem>>) dst(%dma_wait3A_166 : memref<100352xf32, #tpu.memory_space<vmem_shared>>)
      %dma_wait3A_167 = arith.constant 4 : i32
      %dma_wait3A_168 = arith.constant 4 : i32
      %dma_wait3A_169 = arith.constant 0 : i32
      %dma_wait3A_170 = tpu.memref_slice %arg10[%rem3A_77, %dma_wait3A_167, %dma_wait3A_169] : memref<3x16x128xf32, #tpu.memory_space<vmem>> -> memref<1x1x128xf32, #tpu.memory_space<vmem>>
      %dma_wait3A_171 = tpu.memref_squeeze %dma_wait3A_170 : memref<1x1x128xf32, #tpu.memory_space<vmem>> -> memref<128xf32, #tpu.memory_space<vmem>>
      %dma_wait3A_172 = arith.constant 0 : i32
      %dma_wait3A_173 = tpu.memref_slice %arg9[%rem3A_77, %dma_wait3A_168, %dma_wait3A_172] : memref<3x16x128xi32, #tpu.memory_space<vmem>> -> memref<1x1x128xi32, #tpu.memory_space<vmem>>
      %dma_wait3A_174 = tpu.memref_squeeze %dma_wait3A_173 : memref<1x1x128xi32, #tpu.memory_space<vmem>> -> memref<128xi32, #tpu.memory_space<vmem>>
      %dma_wait3A_175 = arith.constant 0 : i32
      %dma_wait3A_176 = tpu.memref_slice %arg12[%dma_wait3A_175] : memref<100352xf32, #tpu.memory_space<vmem_shared>> -> memref<100352xf32, #tpu.memory_space<vmem_shared>>
      tpu.wait_indirect_dma semaphore(%arg15 : memref<!tpu.dma_semaphore, #tpu.memory_space<semaphore_mem>>) src(%dma_wait3A_171 : memref<128xf32, #tpu.memory_space<vmem>>) dst(%dma_wait3A_176 : memref<100352xf32, #tpu.memory_space<vmem_shared>>)
      %dma_wait3A_177 = arith.constant 4 : i32
      %dma_wait3A_178 = arith.constant 0 : i32
      %dma_wait3A_179 = tpu.memref_slice %arg9[%rem3A_77, %dma_wait3A_177, %dma_wait3A_178] : memref<3x16x128xi32, #tpu.memory_space<vmem>> -> memref<1x1x128xi32, #tpu.memory_space<vmem>>
      %dma_wait3A_180 = tpu.memref_squeeze %dma_wait3A_179 : memref<1x1x128xi32, #tpu.memory_space<vmem>> -> memref<128xi32, #tpu.memory_space<vmem>>
      %dma_wait3A_181 = arith.constant 0 : i32
      %dma_wait3A_182 = tpu.memref_slice %arg13[%dma_wait3A_181] : memref<100352xf32, #tpu.memory_space<vmem_shared>> -> memref<100352xf32, #tpu.memory_space<vmem_shared>>
      tpu.wait_indirect_dma semaphore(%arg15 : memref<!tpu.dma_semaphore, #tpu.memory_space<semaphore_mem>>) src(%arg11 : memref<128xf32, #tpu.memory_space<vmem>>) dst(%dma_wait3A_182 : memref<100352xf32, #tpu.memory_space<vmem_shared>>)
      %dma_wait3A_183 = arith.constant 5 : i32
      %dma_wait3A_184 = arith.constant 5 : i32
      %dma_wait3A_185 = arith.constant 0 : i32
      %dma_wait3A_186 = tpu.memref_slice %arg10[%rem3A_77, %dma_wait3A_183, %dma_wait3A_185] : memref<3x16x128xf32, #tpu.memory_space<vmem>> -> memref<1x1x128xf32, #tpu.memory_space<vmem>>
      %dma_wait3A_187 = tpu.memref_squeeze %dma_wait3A_186 : memref<1x1x128xf32, #tpu.memory_space<vmem>> -> memref<128xf32, #tpu.memory_space<vmem>>
      %dma_wait3A_188 = arith.constant 0 : i32
      %dma_wait3A_189 = tpu.memref_slice %arg9[%rem3A_77, %dma_wait3A_184, %dma_wait3A_188] : memref<3x16x128xi32, #tpu.memory_space<vmem>> -> memref<1x1x128xi32, #tpu.memory_space<vmem>>
      %dma_wait3A_190 = tpu.memref_squeeze %dma_wait3A_189 : memref<1x1x128xi32, #tpu.memory_space<vmem>> -> memref<128xi32, #tpu.memory_space<vmem>>
      %dma_wait3A_191 = arith.constant 0 : i32
      %dma_wait3A_192 = tpu.memref_slice %arg12[%dma_wait3A_191] : memref<100352xf32, #tpu.memory_space<vmem_shared>> -> memref<100352xf32, #tpu.memory_space<vmem_shared>>
      tpu.wait_indirect_dma semaphore(%arg15 : memref<!tpu.dma_semaphore, #tpu.memory_space<semaphore_mem>>) src(%dma_wait3A_187 : memref<128xf32, #tpu.memory_space<vmem>>) dst(%dma_wait3A_192 : memref<100352xf32, #tpu.memory_space<vmem_shared>>)
      %dma_wait3A_193 = arith.constant 5 : i32
      %dma_wait3A_194 = arith.constant 0 : i32
      %dma_wait3A_195 = tpu.memref_slice %arg9[%rem3A_77, %dma_wait3A_193, %dma_wait3A_194] : memref<3x16x128xi32, #tpu.memory_space<vmem>> -> memref<1x1x128xi32, #tpu.memory_space<vmem>>
      %dma_wait3A_196 = tpu.memref_squeeze %dma_wait3A_195 : memref<1x1x128xi32, #tpu.memory_space<vmem>> -> memref<128xi32, #tpu.memory_space<vmem>>
      %dma_wait3A_197 = arith.constant 0 : i32
      %dma_wait3A_198 = tpu.memref_slice %arg13[%dma_wait3A_197] : memref<100352xf32, #tpu.memory_space<vmem_shared>> -> memref<100352xf32, #tpu.memory_space<vmem_shared>>
      tpu.wait_indirect_dma semaphore(%arg15 : memref<!tpu.dma_semaphore, #tpu.memory_space<semaphore_mem>>) src(%arg11 : memref<128xf32, #tpu.memory_space<vmem>>) dst(%dma_wait3A_198 : memref<100352xf32, #tpu.memory_space<vmem_shared>>)
      %dma_wait3A_199 = arith.constant 6 : i32
      %dma_wait3A_200 = arith.constant 6 : i32
      %dma_wait3A_201 = arith.constant 0 : i32
      %dma_wait3A_202 = tpu.memref_slice %arg10[%rem3A_77, %dma_wait3A_199, %dma_wait3A_201] : memref<3x16x128xf32, #tpu.memory_space<vmem>> -> memref<1x1x128xf32, #tpu.memory_space<vmem>>
      %dma_wait3A_203 = tpu.memref_squeeze %dma_wait3A_202 : memref<1x1x128xf32, #tpu.memory_space<vmem>> -> memref<128xf32, #tpu.memory_space<vmem>>
      %dma_wait3A_204 = arith.constant 0 : i32
      %dma_wait3A_205 = tpu.memref_slice %arg9[%rem3A_77, %dma_wait3A_200, %dma_wait3A_204] : memref<3x16x128xi32, #tpu.memory_space<vmem>> -> memref<1x1x128xi32, #tpu.memory_space<vmem>>
      %dma_wait3A_206 = tpu.memref_squeeze %dma_wait3A_205 : memref<1x1x128xi32, #tpu.memory_space<vmem>> -> memref<128xi32, #tpu.memory_space<vmem>>
      %dma_wait3A_207 = arith.constant 0 : i32
      %dma_wait3A_208 = tpu.memref_slice %arg12[%dma_wait3A_207] : memref<100352xf32, #tpu.memory_space<vmem_shared>> -> memref<100352xf32, #tpu.memory_space<vmem_shared>>
      tpu.wait_indirect_dma semaphore(%arg15 : memref<!tpu.dma_semaphore, #tpu.memory_space<semaphore_mem>>) src(%dma_wait3A_203 : memref<128xf32, #tpu.memory_space<vmem>>) dst(%dma_wait3A_208 : memref<100352xf32, #tpu.memory_space<vmem_shared>>)
      %dma_wait3A_209 = arith.constant 6 : i32
      %dma_wait3A_210 = arith.constant 0 : i32
      %dma_wait3A_211 = tpu.memref_slice %arg9[%rem3A_77, %dma_wait3A_209, %dma_wait3A_210] : memref<3x16x128xi32, #tpu.memory_space<vmem>> -> memref<1x1x128xi32, #tpu.memory_space<vmem>>
      %dma_wait3A_212 = tpu.memref_squeeze %dma_wait3A_211 : memref<1x1x128xi32, #tpu.memory_space<vmem>> -> memref<128xi32, #tpu.memory_space<vmem>>
      %dma_wait3A_213 = arith.constant 0 : i32
      %dma_wait3A_214 = tpu.memref_slice %arg13[%dma_wait3A_213] : memref<100352xf32, #tpu.memory_space<vmem_shared>> -> memref<100352xf32, #tpu.memory_space<vmem_shared>>
      tpu.wait_indirect_dma semaphore(%arg15 : memref<!tpu.dma_semaphore, #tpu.memory_space<semaphore_mem>>) src(%arg11 : memref<128xf32, #tpu.memory_space<vmem>>) dst(%dma_wait3A_214 : memref<100352xf32, #tpu.memory_space<vmem_shared>>)
      %dma_wait3A_215 = arith.constant 7 : i32
      %dma_wait3A_216 = arith.constant 7 : i32
      %dma_wait3A_217 = arith.constant 0 : i32
      %dma_wait3A_218 = tpu.memref_slice %arg10[%rem3A_77, %dma_wait3A_215, %dma_wait3A_217] : memref<3x16x128xf32, #tpu.memory_space<vmem>> -> memref<1x1x128xf32, #tpu.memory_space<vmem>>
      %dma_wait3A_219 = tpu.memref_squeeze %dma_wait3A_218 : memref<1x1x128xf32, #tpu.memory_space<vmem>> -> memref<128xf32, #tpu.memory_space<vmem>>
      %dma_wait3A_220 = arith.constant 0 : i32
      %dma_wait3A_221 = tpu.memref_slice %arg9[%rem3A_77, %dma_wait3A_216, %dma_wait3A_220] : memref<3x16x128xi32, #tpu.memory_space<vmem>> -> memref<1x1x128xi32, #tpu.memory_space<vmem>>
      %dma_wait3A_222 = tpu.memref_squeeze %dma_wait3A_221 : memref<1x1x128xi32, #tpu.memory_space<vmem>> -> memref<128xi32, #tpu.memory_space<vmem>>
      %dma_wait3A_223 = arith.constant 0 : i32
      %dma_wait3A_224 = tpu.memref_slice %arg12[%dma_wait3A_223] : memref<100352xf32, #tpu.memory_space<vmem_shared>> -> memref<100352xf32, #tpu.memory_space<vmem_shared>>
      tpu.wait_indirect_dma semaphore(%arg15 : memref<!tpu.dma_semaphore, #tpu.memory_space<semaphore_mem>>) src(%dma_wait3A_219 : memref<128xf32, #tpu.memory_space<vmem>>) dst(%dma_wait3A_224 : memref<100352xf32, #tpu.memory_space<vmem_shared>>)
      %dma_wait3A_225 = arith.constant 7 : i32
      %dma_wait3A_226 = arith.constant 0 : i32
      %dma_wait3A_227 = tpu.memref_slice %arg9[%rem3A_77, %dma_wait3A_225, %dma_wait3A_226] : memref<3x16x128xi32, #tpu.memory_space<vmem>> -> memref<1x1x128xi32, #tpu.memory_space<vmem>>
      %dma_wait3A_228 = tpu.memref_squeeze %dma_wait3A_227 : memref<1x1x128xi32, #tpu.memory_space<vmem>> -> memref<128xi32, #tpu.memory_space<vmem>>
      %dma_wait3A_229 = arith.constant 0 : i32
      %dma_wait3A_230 = tpu.memref_slice %arg13[%dma_wait3A_229] : memref<100352xf32, #tpu.memory_space<vmem_shared>> -> memref<100352xf32, #tpu.memory_space<vmem_shared>>
      tpu.wait_indirect_dma semaphore(%arg15 : memref<!tpu.dma_semaphore, #tpu.memory_space<semaphore_mem>>) src(%arg11 : memref<128xf32, #tpu.memory_space<vmem>>) dst(%dma_wait3A_230 : memref<100352xf32, #tpu.memory_space<vmem_shared>>)
    } else {
    }
    %barrier3A_103 = arith.constant 0 : index
    tpu.barrier barrier_id(%barrier3A_103)
    "tpu.region"() ({
      %run_scoped3A = tpu.sem_alloc : memref<!tpu.dma_semaphore, #tpu.memory_space<semaphore_mem>>
      %dma_start3A_104 = tpu.memref_slice %arg5[%arg0, %mul3A_2] : memref<2x100352xf32, #tpu.memory_space<hbm>> -> memref<1x6272xf32, #tpu.memory_space<hbm>>
      %dma_start3A_105 = tpu.memref_squeeze %dma_start3A_104 : memref<1x6272xf32, #tpu.memory_space<hbm>> -> memref<6272xf32, #tpu.memory_space<hbm>>
      %dma_start3A_106 = tpu.memref_slice %arg12[%mul3A_2] : memref<100352xf32, #tpu.memory_space<vmem_shared>> -> memref<6272xf32, #tpu.memory_space<vmem_shared>>
      tpu.enqueue_dma source(%dma_start3A_106 : memref<6272xf32, #tpu.memory_space<vmem_shared>>) target(%dma_start3A_105 : memref<6272xf32, #tpu.memory_space<hbm>>) target_semaphore(%run_scoped3A : memref<!tpu.dma_semaphore, #tpu.memory_space<semaphore_mem>>)
      %dma_wait3A = tpu.memref_slice %arg5[%arg0, %mul3A_2] : memref<2x100352xf32, #tpu.memory_space<hbm>> -> memref<1x6272xf32, #tpu.memory_space<hbm>>
      %dma_wait3A_107 = tpu.memref_squeeze %dma_wait3A : memref<1x6272xf32, #tpu.memory_space<hbm>> -> memref<6272xf32, #tpu.memory_space<hbm>>
      %dma_wait3A_108 = tpu.memref_slice %arg12[%mul3A_2] : memref<100352xf32, #tpu.memory_space<vmem_shared>> -> memref<6272xf32, #tpu.memory_space<vmem_shared>>
      tpu.wait_dma2 semaphore(%run_scoped3A : memref<!tpu.dma_semaphore, #tpu.memory_space<semaphore_mem>>) src(%dma_wait3A_108 : memref<6272xf32, #tpu.memory_space<vmem_shared>>) dst(%dma_wait3A_107 : memref<6272xf32, #tpu.memory_space<hbm>>)
      tpu.yield
    }) : () -> ()
    "tpu.region"() ({
      %run_scoped3A = tpu.sem_alloc : memref<!tpu.dma_semaphore, #tpu.memory_space<semaphore_mem>>
      %dma_start3A_104 = tpu.memref_slice %arg6[%arg0, %mul3A_2] : memref<2x100352xf32, #tpu.memory_space<hbm>> -> memref<1x6272xf32, #tpu.memory_space<hbm>>
      %dma_start3A_105 = tpu.memref_squeeze %dma_start3A_104 : memref<1x6272xf32, #tpu.memory_space<hbm>> -> memref<6272xf32, #tpu.memory_space<hbm>>
      %dma_start3A_106 = tpu.memref_slice %arg13[%mul3A_2] : memref<100352xf32, #tpu.memory_space<vmem_shared>> -> memref<6272xf32, #tpu.memory_space<vmem_shared>>
      tpu.enqueue_dma source(%dma_start3A_106 : memref<6272xf32, #tpu.memory_space<vmem_shared>>) target(%dma_start3A_105 : memref<6272xf32, #tpu.memory_space<hbm>>) target_semaphore(%run_scoped3A : memref<!tpu.dma_semaphore, #tpu.memory_space<semaphore_mem>>)
      %dma_wait3A = tpu.memref_slice %arg6[%arg0, %mul3A_2] : memref<2x100352xf32, #tpu.memory_space<hbm>> -> memref<1x6272xf32, #tpu.memory_space<hbm>>
      %dma_wait3A_107 = tpu.memref_squeeze %dma_wait3A : memref<1x6272xf32, #tpu.memory_space<hbm>> -> memref<6272xf32, #tpu.memory_space<hbm>>
      %dma_wait3A_108 = tpu.memref_slice %arg13[%mul3A_2] : memref<100352xf32, #tpu.memory_space<vmem_shared>> -> memref<6272xf32, #tpu.memory_space<vmem_shared>>
      tpu.wait_dma2 semaphore(%run_scoped3A : memref<!tpu.dma_semaphore, #tpu.memory_space<semaphore_mem>>) src(%dma_wait3A_108 : memref<6272xf32, #tpu.memory_space<vmem_shared>>) dst(%dma_wait3A_107 : memref<6272xf32, #tpu.memory_space<hbm>>)
      tpu.yield
    }) : () -> ()
    return
  }
}

module attributes {stable_mosaic.version = 14 : i64} {
  func.func @_mlp_body(%arg0: memref<784x128xf32, #tpu.memory_space<vmem>>, %arg1: memref<4xf32, #tpu.memory_space<smem>>, %arg2: memref<4xf32, #tpu.memory_space<smem>>, %arg3: memref<4xf32, #tpu.memory_space<smem>>, %arg4: memref<1xf32, #tpu.memory_space<smem>>, %arg5: memref<784x128xf32, #tpu.memory_space<vmem>>) attributes {dimension_semantics = [], scalar_prefetch = 0 : i64, scratch_operands = 0 : i64, tpu.core_type = #tpu.core_type<tc>} {
    %get3A = arith.constant 0 : index
    %get3A_0 = arith.constant 0 : index
    %get3A_1 = vector.load %arg0[%get3A, %get3A_0] : memref<784x128xf32, #tpu.memory_space<vmem>>, vector<784x128xf32>
    %broadcast_in_dim3A = arith.constant 0.000000e+00 : f32
    %broadcast_in_dim3A_2 = vector.broadcast %broadcast_in_dim3A : f32 to vector<784x128xf32>
    %get3A_3 = arith.constant 0 : index
    %get3A_4 = memref.load %arg4[%get3A_3] : memref<1xf32, #tpu.memory_space<smem>>
    %add3A = vector.broadcast %get3A_4 : f32 to vector<784x128xf32>
    %add3A_5 = arith.addf %broadcast_in_dim3A_2, %add3A : vector<784x128xf32>
    %get3A_6 = arith.constant 0 : index
    %get3A_7 = memref.load %arg3[%get3A_6] : memref<4xf32, #tpu.memory_space<smem>>
    %get3A_8 = arith.constant 0 : index
    %get3A_9 = memref.load %arg1[%get3A_8] : memref<4xf32, #tpu.memory_space<smem>>
    %mul3A = vector.broadcast %get3A_9 : f32 to vector<784x128xf32>
    %mul3A_10 = arith.mulf %mul3A, %get3A_1 : vector<784x128xf32>
    %get3A_11 = arith.constant 0 : index
    %get3A_12 = memref.load %arg2[%get3A_11] : memref<4xf32, #tpu.memory_space<smem>>
    %add3A_13 = vector.broadcast %get3A_12 : f32 to vector<784x128xf32>
    %add3A_14 = arith.addf %mul3A_10, %add3A_13 : vector<784x128xf32>
    %max3A = arith.constant 0.000000e+00 : f32
    %max3A_15 = vector.broadcast %max3A : f32 to vector<784x128xf32>
    %max3A_16 = arith.maximumf %add3A_14, %max3A_15 : vector<784x128xf32>
    %mul3A_17 = vector.broadcast %get3A_7 : f32 to vector<784x128xf32>
    %mul3A_18 = arith.mulf %mul3A_17, %max3A_16 : vector<784x128xf32>
    %add3A_19 = arith.addf %add3A_5, %mul3A_18 : vector<784x128xf32>
    %get3A_20 = arith.constant 1 : index
    %get3A_21 = memref.load %arg3[%get3A_20] : memref<4xf32, #tpu.memory_space<smem>>
    %get3A_22 = arith.constant 1 : index
    %get3A_23 = memref.load %arg1[%get3A_22] : memref<4xf32, #tpu.memory_space<smem>>
    %mul3A_24 = vector.broadcast %get3A_23 : f32 to vector<784x128xf32>
    %mul3A_25 = arith.mulf %mul3A_24, %get3A_1 : vector<784x128xf32>
    %get3A_26 = arith.constant 1 : index
    %get3A_27 = memref.load %arg2[%get3A_26] : memref<4xf32, #tpu.memory_space<smem>>
    %add3A_28 = vector.broadcast %get3A_27 : f32 to vector<784x128xf32>
    %add3A_29 = arith.addf %mul3A_25, %add3A_28 : vector<784x128xf32>
    %max3A_30 = arith.constant 0.000000e+00 : f32
    %max3A_31 = vector.broadcast %max3A_30 : f32 to vector<784x128xf32>
    %max3A_32 = arith.maximumf %add3A_29, %max3A_31 : vector<784x128xf32>
    %mul3A_33 = vector.broadcast %get3A_21 : f32 to vector<784x128xf32>
    %mul3A_34 = arith.mulf %mul3A_33, %max3A_32 : vector<784x128xf32>
    %add3A_35 = arith.addf %add3A_19, %mul3A_34 : vector<784x128xf32>
    %get3A_36 = arith.constant 2 : index
    %get3A_37 = memref.load %arg3[%get3A_36] : memref<4xf32, #tpu.memory_space<smem>>
    %get3A_38 = arith.constant 2 : index
    %get3A_39 = memref.load %arg1[%get3A_38] : memref<4xf32, #tpu.memory_space<smem>>
    %mul3A_40 = vector.broadcast %get3A_39 : f32 to vector<784x128xf32>
    %mul3A_41 = arith.mulf %mul3A_40, %get3A_1 : vector<784x128xf32>
    %get3A_42 = arith.constant 2 : index
    %get3A_43 = memref.load %arg2[%get3A_42] : memref<4xf32, #tpu.memory_space<smem>>
    %add3A_44 = vector.broadcast %get3A_43 : f32 to vector<784x128xf32>
    %add3A_45 = arith.addf %mul3A_41, %add3A_44 : vector<784x128xf32>
    %max3A_46 = arith.constant 0.000000e+00 : f32
    %max3A_47 = vector.broadcast %max3A_46 : f32 to vector<784x128xf32>
    %max3A_48 = arith.maximumf %add3A_45, %max3A_47 : vector<784x128xf32>
    %mul3A_49 = vector.broadcast %get3A_37 : f32 to vector<784x128xf32>
    %mul3A_50 = arith.mulf %mul3A_49, %max3A_48 : vector<784x128xf32>
    %add3A_51 = arith.addf %add3A_35, %mul3A_50 : vector<784x128xf32>
    %get3A_52 = arith.constant 3 : index
    %get3A_53 = memref.load %arg3[%get3A_52] : memref<4xf32, #tpu.memory_space<smem>>
    %get3A_54 = arith.constant 3 : index
    %get3A_55 = memref.load %arg1[%get3A_54] : memref<4xf32, #tpu.memory_space<smem>>
    %mul3A_56 = vector.broadcast %get3A_55 : f32 to vector<784x128xf32>
    %mul3A_57 = arith.mulf %mul3A_56, %get3A_1 : vector<784x128xf32>
    %get3A_58 = arith.constant 3 : index
    %get3A_59 = memref.load %arg2[%get3A_58] : memref<4xf32, #tpu.memory_space<smem>>
    %add3A_60 = vector.broadcast %get3A_59 : f32 to vector<784x128xf32>
    %add3A_61 = arith.addf %mul3A_57, %add3A_60 : vector<784x128xf32>
    %max3A_62 = arith.constant 0.000000e+00 : f32
    %max3A_63 = vector.broadcast %max3A_62 : f32 to vector<784x128xf32>
    %max3A_64 = arith.maximumf %add3A_61, %max3A_63 : vector<784x128xf32>
    %mul3A_65 = vector.broadcast %get3A_53 : f32 to vector<784x128xf32>
    %mul3A_66 = arith.mulf %mul3A_65, %max3A_64 : vector<784x128xf32>
    %add3A_67 = arith.addf %add3A_51, %mul3A_66 : vector<784x128xf32>
    %swap3A = arith.constant 0 : index
    %swap3A_68 = arith.constant 0 : index
    %swap3A_69 = vector.load %arg5[%swap3A, %swap3A_68] : memref<784x128xf32, #tpu.memory_space<vmem>>, vector<784x128xf32>
    tpu.vector_store %arg5[%swap3A, %swap3A_68], %add3A_67 {strides = array<i32>} : memref<784x128xf32, #tpu.memory_space<vmem>>, vector<784x128xf32>,
    return
  }
}

module attributes {stable_mosaic.version = 14 : i64} {
  func.func @_combine_body(%arg0: memref<2x784x128xf32, #tpu.memory_space<vmem>>, %arg1: memref<2x784x128xf32, #tpu.memory_space<vmem>>, %arg2: memref<1xf32, #tpu.memory_space<smem>>, %arg3: memref<784x128xf32, #tpu.memory_space<vmem>>) attributes {dimension_semantics = [], scalar_prefetch = 0 : i64, scratch_operands = 0 : i64, tpu.core_type = #tpu.core_type<tc>} {
    %get3A = arith.constant 0 : index
    %get3A_0 = arith.constant 0 : index
    %get3A_1 = arith.constant 0 : index
    %get3A_2 = vector.load %arg0[%get3A, %get3A_0, %get3A_1] : memref<2x784x128xf32, #tpu.memory_space<vmem>>, vector<1x784x128xf32>
    %get3A_3 = vector.shape_cast %get3A_2 : vector<1x784x128xf32> to vector<784x128xf32>
    %get3A_4 = arith.constant 1 : index
    %get3A_5 = arith.constant 0 : index
    %get3A_6 = arith.constant 0 : index
    %get3A_7 = vector.load %arg0[%get3A_4, %get3A_5, %get3A_6] : memref<2x784x128xf32, #tpu.memory_space<vmem>>, vector<1x784x128xf32>
    %get3A_8 = vector.shape_cast %get3A_7 : vector<1x784x128xf32> to vector<784x128xf32>
    %add3A = arith.addf %get3A_3, %get3A_8 : vector<784x128xf32>
    %get3A_9 = arith.constant 0 : index
    %get3A_10 = arith.constant 0 : index
    %get3A_11 = arith.constant 0 : index
    %get3A_12 = vector.load %arg1[%get3A_9, %get3A_10, %get3A_11] : memref<2x784x128xf32, #tpu.memory_space<vmem>>, vector<1x784x128xf32>
    %get3A_13 = vector.shape_cast %get3A_12 : vector<1x784x128xf32> to vector<784x128xf32>
    %get3A_14 = arith.constant 1 : index
    %get3A_15 = arith.constant 0 : index
    %get3A_16 = arith.constant 0 : index
    %get3A_17 = vector.load %arg1[%get3A_14, %get3A_15, %get3A_16] : memref<2x784x128xf32, #tpu.memory_space<vmem>>, vector<1x784x128xf32>
    %get3A_18 = vector.shape_cast %get3A_17 : vector<1x784x128xf32> to vector<784x128xf32>
    %add3A_19 = arith.addf %get3A_13, %get3A_18 : vector<784x128xf32>
    %max3A = arith.constant 1.000000e+00 : f32
    %max3A_20 = vector.broadcast %max3A : f32 to vector<784x128xf32>
    %max3A_21 = arith.maximumf %add3A_19, %max3A_20 : vector<784x128xf32>
    %div3A = arith.divf %add3A, %max3A_21 : vector<784x128xf32>
    %get3A_22 = arith.constant 0 : index
    %get3A_23 = memref.load %arg2[%get3A_22] : memref<1xf32, #tpu.memory_space<smem>>
    %mul3A = vector.broadcast %get3A_23 : f32 to vector<784x128xf32>
    %mul3A_24 = arith.mulf %div3A, %mul3A : vector<784x128xf32>
    %swap3A = arith.constant 0 : index
    %swap3A_25 = arith.constant 0 : index
    %swap3A_26 = vector.load %arg3[%swap3A, %swap3A_25] : memref<784x128xf32, #tpu.memory_space<vmem>>, vector<784x128xf32>
    tpu.vector_store %arg3[%swap3A, %swap3A_25], %mul3A_24 {strides = array<i32>} : memref<784x128xf32, #tpu.memory_space<vmem>>, vector<784x128xf32>,
    return
  }
}

</mosaic_0001>

<sc_bundles>
// kernel: kernel.5.cloned.1.call-start
scs
__scs_entry_jumppad:
0x0: {  	(pc) =	sbr.rel $0x88, $3  }
0x1: {  	(tag) =	ssettag $0x0;
	lr =	simm.s32 $0x1  }
0x2: {  	[smem:$0x3F9A] =	sst lr;
	_ =	strace $0xD0000000  }
0x3: {  	_ = 	snop  }
0x4: {  	_ = 	snop  }
0x5: {  	_ = 	snop  }
0x6: {  	_ = 	snop  }
0x7: {  	_ = 	snop  }
__scs_overlays_trampoline_lowered:
0x8: {  	[smem:$0x3FA9] =	sst s0  }
0x9: {  	[smem:$0x3FAA] =	sst s1  }
0xa: {  	[smem:$0x3FAB] =	sst s2  }
0xb: {  	[smem:$0x3FAC] =	sst s3  }
0xc: {  	[smem:$0x3FAD] =	sst s4  }
0xd: {  	[smem:$0x3FAE] =	sst s5  }
0xe: {  	[smem:$0x3FAF] =	sst s6  }
0xf: {  	[smem:$0x3FB0] =	sst s7  }
0x10: {  	[smem:$0x3FB1] =	sst s8  }
0x11: {  	[smem:$0x3FB2] =	sst s9;
	s0 =	simm.s32 @!p0 $0x0  }
0x12: {  	s1 =	sld [smem:$0x3F98];
	s0 =	simm.s32 @p0 $0x1  }
0x13: {  	[smem:$0x3FB3] =	sst s0;
	s0 =	simm.s32 @!p1 $0x0  }
0x14: {  	s2 =	sld [smem:$0x3F97];
	s0 =	simm.s32 @p1 $0x1  }
0x15: {  	[smem:$0x3FB4] =	sst s0;
	s0 =	simm.s32 @!p2 $0x0  }
0x16: {  	s3 =	sld [smem:$0x3FDB];
	s0 =	simm.s32 @p2 $0x1  }
0x17: {  	s4 =	simm.s32 $0x1BF5;
	[smem:$0x3FB6] =	sst s0  }
0x18: {  	s0 =	sld [smem:$0x3F99];
	_ =	swait.ge [sflag:s4], $0x0  }
0x19: {  	s7 =	sld [smem:$0x3F9A]  }
0x1a: {  	s8 =	sadd.s32 $0xFFFFE003, lr  }
0x1b: {  	s9 =	sadd.s32 $0xFFFFFEF7, lr;
	s5 =	simm.s32 $0xFFFFFFFF;
	p2 =	slt.u32 s8, $0xFFFFF086  }
0x1c: {  	p1 =	slt.u32 s9, $0xF7A;
	s5 =	simm.s32 @!p2 $0x0  }
0x1d: {  	s5 =	simm.s32 @p1 $0x1;
	p0 =	seq.s32 s7, s2  }
0x1e: {  	s7 =	smul.u32 @!p0 $0xF7A, s2;
	p2 =	seq.s32 @!p0 s5, $0x0  }
0x1f: {  	s9 =	smul.u32 $0xF7A, s1;
	s8 =	simm.s32 @!p0 $0x1BF5;
	p2 =	por !p2, p0  }
0x20: {  	[sflag:s8] =	ssyncset.s32 @!p0 $0xFFFFF086;
	s6 =	sadd.s32 @!p0 s3, s7;
	s7 =	simm.s32 @!p0 $0x108  }
0x21: {  	s3 =	sadd.s32 s3, s9;
	s6 =	sadd.s32 @!p0 $0x88, s6;
	s7 =	simm.s32 @p2 $0x1082  }
0x22: {  	[simem:s7], [sflag:s8] =	dma.local @!p0 [hbm:s6], $0xF7A  }
0x23: {  	s9 =	sor.u32 $0xD0000000, s2;
	s6 =	simm.s32 $0x108;
	_ =	swait.ge @!p0 [sflag:s8], $0x0  }
0x24: {  	s3 =	sadd.s32 $0x88, s3;
	s6 =	simm.s32 @!p1 $0x1082;
	[sflag:s4] =	ssyncset.s32 $0xFFFFF086  }
0x25: {  	[simem:s6], [sflag:s4] =	dma.local [hbm:s3], $0xF7A  }
0x26: {  	[smem:$0x3F9A] =	sst s1;
	(tag) =	ssettag s2;
	_ =	strace s9  }
0x27: {  	s1 =	sld [smem:$0x3FAA]  }
0x28: {  	s2 =	sld [smem:$0x3FAB]  }
0x29: {  	s4 =	sld [smem:$0x3FAD]  }
0x2a: {  	p0 =	seq.s32 s5, $0x0;
	s5 =	sld [smem:$0x3FAE]  }
0x2b: {  	s6 =	sld [smem:$0x3FAF]  }
0x2c: {  	s7 =	sld [smem:$0x3FB0]  }
0x2d: {  	s3 =	simm.s32 $0x108;
	s8 =	sld [smem:$0x3FB1]  }
0x2e: {  	s3 =	simm.s32 @!p0 $0x1082;
	s9 =	sld [smem:$0x3FB2]  }
0x2f: {  	lr =	sadd.s32 s0, s3;
	s0 =	sld [smem:$0x3FA9]  }
0x30: {  	s3 =	sld [smem:$0x3FAC]  }
0x31: {  	[smem:$0x3FB5] =	sst s10  }
0x32: {  	s10 =	sld [smem:$0x3FB3];
	_ =	sdelay $0x3  }
0x33: {  	p0 =	seq.s32 s10, $0x1;
	s10 =	sld [smem:$0x3FB5];
	_ =	sdelay $0x3  }
0x34: {  	[smem:$0x3FB5] =	sst s10  }
0x35: {  	s10 =	sld [smem:$0x3FB4];
	_ =	sdelay $0x3  }
0x36: {  	p1 =	seq.s32 s10, $0x1;
	s10 =	sld [smem:$0x3FB5];
	_ =	sdelay $0x3  }
0x37: {  	[smem:$0x3FB5] =	sst s10  }
0x38: {  	s10 =	sld [smem:$0x3FB6]  }
0x39: {  	_ = 	snop;
	(pc) =	sbr.ind lr, $3  }
0x3a: {  	_ = 	snop  }
0x3b: {  	_ = 	snop  }
0x3c: {  	p2 =	seq.s32 s10, $0x1;
	s10 =	sld [smem:$0x3FB5]  }
0x3d: {  	_ =	shalt  }
0x3e: {  	_ =	shalt  }
0x3f: {  	_ =	shalt  }
0x40: {  	_ =	shalt  }
0x41: {  	_ =	shalt  }
0x42: {  	_ =	shalt  }
0x43: {  	_ =	shalt  }
0x44: {  	_ =	shalt  }
0x45: {  	_ =	shalt  }
0x46: {  	_ =	shalt  }
0x47: {  	_ =	shalt  }
0x48: {  	_ =	shalt  }
0x49: {  	_ =	shalt  }
0x4a: {  	_ =	shalt  }
0x4b: {  	_ =	shalt  }
0x4c: {  	_ =	shalt  }
0x4d: {  	_ =	shalt  }
0x4e: {  	_ =	shalt  }
0x4f: {  	_ =	shalt  }
0x50: {  	_ =	shalt  }
0x51: {  	_ =	shalt  }
0x52: {  	_ =	shalt  }
0x53: {  	_ =	shalt  }
0x54: {  	_ =	shalt  }
0x55: {  	_ =	shalt  }
0x56: {  	_ =	shalt  }
0x57: {  	_ =	shalt  }
0x58: {  	_ =	shalt  }
0x59: {  	_ =	shalt  }
0x5a: {  	_ =	shalt  }
0x5b: {  	_ =	shalt  }
0x5c: {  	_ =	shalt  }
0x5d: {  	_ =	shalt  }
0x5e: {  	_ =	shalt  }
0x5f: {  	_ =	shalt  }
0x60: {  	_ =	shalt  }
0x61: {  	_ =	shalt  }
0x62: {  	_ =	shalt  }
0x63: {  	_ =	shalt  }
0x64: {  	_ =	shalt  }
0x65: {  	_ =	shalt  }
0x66: {  	_ =	shalt  }
0x67: {  	_ =	shalt  }
0x68: {  	_ =	shalt  }
0x69: {  	_ =	shalt  }
0x6a: {  	_ =	shalt  }
0x6b: {  	_ =	shalt  }
0x6c: {  	_ =	shalt  }
0x6d: {  	_ =	shalt  }
0x6e: {  	_ =	shalt  }
0x6f: {  	_ =	shalt  }
0x70: {  	_ =	shalt  }
0x71: {  	_ =	shalt  }
0x72: {  	_ =	shalt  }
0x73: {  	_ =	shalt  }
0x74: {  	_ =	shalt  }
0x75: {  	_ =	shalt  }
0x76: {  	_ =	shalt  }
0x77: {  	_ =	shalt  }
0x78: {  	_ =	shalt  }
0x79: {  	_ =	shalt  }
0x7a: {  	_ =	shalt  }
0x7b: {  	_ =	shalt  }
0x7c: {  	_ =	shalt  }
0x7d: {  	_ =	shalt  }
0x7e: {  	_ =	shalt  }
0x7f: {  	_ =	shalt  }
0x80: {  	_ =	shalt  }
0x81: {  	_ =	shalt  }
0x82: {  	_ =	shalt  }
0x83: {  	_ =	shalt  }
0x84: {  	_ =	shalt  }
0x85: {  	_ =	shalt  }
0x86: {  	_ =	shalt  }
0x87: {  	_ =	shalt  }
.Lfunc_end0:
.L_simem_size_0:
called_computation.1_lowered:
.L_overlay_start_0:
0x88: {  	s2 =	sld [smem:$0x3FD9]  }
0x89: {  	s3 =	sld [smem:$0x3FFE];
	_ =	sdelay $0x1  }
0x8a: {  	s1 =	srdreg.scid  }
0x8b: {  	s0 =	sand.u32 $0x1, s1  }
0x8c: {  	s16 =	sshll.u32 s0, $0xA;
	s2 =	sadd.s32 s3, s2  }
0x8d: {  	s2 =	sadd.s32 s2, s16  }
0x8e: {  	[smem:$0x3FC1] =	sst s2  }
0x8f: {  	_ = 	snop  }
0x90: {  	(tm) =	ssettm $0x1  }
0x91: {  	s17 =	sld [smem:$0x3FFB];
	_ =	sdelay $0x3  }
0x92: {  	_ =	strace s17  }
0x93: {  	s2 =	sld [smem:$0x3FFC];
	_ =	sdelay $0x3  }
0x94: {  	_ =	strace s2  }
0x95: {  	s2 =	sld [smem:$0x3FFD];
	_ =	sdelay $0x3  }
0x96: {  	_ =	strace s2  }
0x97: {  	_ =	strace $0x8FFFFFFF  }
0x98: {  	s18 =	sld [smem:$0x3FDB];
	_ =	sdelay $0x1  }
0x99: {  	s19 =	simm.s32 $_scs_section_size  }
0x9a: {  	s4 =	simm.s32 $_size__tile_overlayer_lowered;
	s5 =	simm.s32 $_tile_overlayer_lowered  }
0x9b: {  	s22 =	simm.s32 $0x1BFF;
	s21 =	sshll.u32 s5, $0x1;
	s2 =	sadd.s32 s19, s18  }
0x9c: {  	s6 =	simm.s32 $0x0;
	s20 =	sshll.u32 s4, $0x1;
	s4 =	sadd.s32 s21, s2  }
0x9d: {  	[timem:s6], [sflag:s22] =	dma.local [hbm:s4], s20  }
0x9e: {  	_ =	swait.ge [sflag:s22], s20  }
0x9f: {  	s3 =	ssub.s32 $0x0, s20;
	[sflag:s22] =	ssyncset.done $0x0  }
0xa0: {  	[sflag:s22] =	ssyncadd.s32 s3;
	_ =	sdelay $0x1  }
0xa1: {  	s23 =	simm.s32 $0x1B8B  }
0xa2: {  	_ =	swait.ge [sflag:s23], $0x1  }
0xa3: {  	[sflag:s23] =	ssyncset.done $0x0  }
0xa4: {  	s25 =	simm.s32 $0x1B8E;
	s24 =	sld [smem:$0x3FFE];
	[sflag:s23] =	ssyncadd.s32 $0xFFFFFFFF  }
0xa5: {  	s26 =	simm.s32 $execute0_lowered;
	[smem:$0x3FD2] =	sst s25  }
0xa6: {  	s4 =	sshll.u32 s26, $0x1;
	_ =	strace $0x80000049;
	[dreg:$0x1] =	wrdreg $0xFFFFFFFF  }
0xa7: {  	s28 =	simm.s32 $_size_execute0_lowered;
	s2 =	sadd.s32 s2, s4;
	[dreg:$0x0] =	wrdreg $0x0  }
0xa8: {  	s4 =	sshll.u32 s28, $0x1;
	[dreg:$0x2] =	wrdreg s2  }
0xa9: {  	[dreg:$0x3] =	wrdreg s4  }
0xaa: {  	[dreg:$0x4] =	wrdreg $0xC0  }
0xab: {  	_ =	task [dreg:s6], $0x5FFFF  }
0xac: {  	[dreg:$0x1] =	wrdreg $0xFFFFFFFF  }
0xad: {  	[dreg:$0x0] =	wrdreg $0x60  }
0xae: {  	[dreg:$0x2] =	wrdreg s24  }
0xaf: {  	[dreg:$0x3] =	wrdreg $0x1C8800  }
0xb0: {  	[dreg:$0x4] =	wrdreg $0x1E1000  }
0xb1: {  	[dreg:$0x5] =	wrdreg $0x9  }
0xb2: {  	_ =	task.clear_ibuf [dreg:s6], $0x6FFFF;
	_ =	strace $0x90000049  }
0xb3: {  	s29 =	simm.s32 $0x9;
	_ =	strace $0x8000004B  }
0xb4: {  	_ =	swait.ge [sflag:s29], $0x1  }
0xb5: {  	[sflag:s29] =	ssyncadd.s32 $0xFFFFFFFF  }
0xb6: {  	_ =	strace $0x9000004B  }
0xb7: {  	_ =	sfence  }
0xb8: {  	s30 =	sld [smem:$0x0];
	_ =	sdelay $0x2  }
0xb9: {  	s31 =	sshll.u32 s1, $0xD;
	s1 =	sshrl.u32 s1, $0x2  }
0xba: {  	s3 =	sand.u32 $0x4000, s31;
	s1 =	sadd.s32 s1, s30  }
0xbb: {  	s0 =	sor.u32 s3, s0;
	s1 =	sshll.u32 s1, $0x11  }
0xbc: {  	s0 =	sor.u32 s1, s0  }
0xbd: {  	s0 =	sadd.s32 $0x8F2B, s0  }
0xbe: {  	[sflag:s0] =	ssyncadd.remote.s32 $0x1  }
0xbf: {  	_ =	sfence.sel $0xFFFF  }
0xc0: {  	[dreg:$0x0] =	wrdreg $0xFFFFFFFF;
	(pc) =	sbr.abs _section_cstart, $3  }
0xc1: {  	[dreg:$0x1] =	wrdreg $0xFFFFFFFF  }
0xc2: {  	_ =	task.clear_ibuf [dreg:s6], $0x2FFFF;
	_ =	strace $0x9FFFFFFF  }
0xc3: {  	(tm) =	ssettm $0x7FFFFFFF  }
tec
execute0_lowered:
.L_overlay_start_1:
0x0: {  	(tag) =	ssettag $0x1  }
0x1: {  	s0 =	rddreg [dreg:$0x0]  }
0x2: {  	s1 =	rddreg [dreg:$0x1]  }
0x3: {  	s3 =	rddreg [dreg:$0x2];
	s4 =	simm.s32 $0x0;
	s10 =	stileid.u32  }
0x4: {  	s2 =	srdreg.scid;
	[smem:$0x7FF] =	sst s4  }
0x5: {  	s5 =	smul.u32 $0x1880, s10;
	s2 =	sand.u32 $0x1, s2;
	s6 =	sadd.s32 $0x187E00, s0  }
0x6: {  	s16 =	smul.u32 $0x3100, s10;
	_ =	strace $0x8000004A;
	[dreg:$0x4] =	wrdreg s6  }
0x7: {  	s7 =	sshll.u32 s2, $0x4;
	s9 =	sshll.u32 s2, $0x7;
	s6 =	simm.s32 $0x62  }
0x8: {  	s2 =	ssub.s32 $0x2, s2;
	s8 =	sshrl.u32 s5, $0x3;
	s10 =	sor.u32 s10, s7  }
0x9: {  	s17 =	sor.u32 s9, s16;
	s7 =	sadd.s32 $0x1400, s0;
	s12 =	sshrl.u32 s2, $0x1  }
0xa: {  	s20 =	sadd.s32 s5, s1;
	s5 =	sadd.s32 s5, s3;
	p0 =	slt.u32 s10, $0xA  }
0xb: {  	s8 =	sadd.s32 s8, s0;
	s9 =	sshrl.u32 s17, $0x3;
	s11 =	smul.u32 $0x618, s10  }
0xc: {  	s10 =	smin.u32 s10, $0xA;
	s2 =	ssub.s32 s2, s12;
	s6 =	simm.s32 @!p0 $0x61  }
0xd: {  	[dreg:$0x5] =	wrdreg s20;
	s10 =	sshll.u32 s10, $0x3;
	s18 =	smul.u32 $0x56, s6  }
0xe: {  	[dreg:$0x6] =	wrdreg s5;
	s0 =	sadd.s32 s9, s0;
	s11 =	sadd.s32 s11, s10  }
0xf: {  	s10 =	sshll.u32 s11, $0x7;
	s11 =	sshll.u32 s11, $0x4;
	s9 =	sshrl.u32 s18, $0x8  }
0x10: {  	s21 =	sshrl.u32 s10, $0x3;
	s11 =	sadd.s32 s7, s11;
	s19 =	smul.u32 $0x3, s9  }
0x11: {  	s5 =	sadd.s32 s7, s21;
	[dreg:$0x7] =	wrdreg s11;
	s11 =	smax.u32 s2, $0x1  }
0x12: {  	s9 =	sadd.s32 $0x18B000, s8;
	s23 =	sadd.s32 $0xC3500, s5;
	[dreg:$0x12] =	wrdreg s11  }
0x13: {  	s24 =	sadd.s32 $0x6100, s5;
	s22 =	ssub.s32 s6, s19;
	[dreg:$0x8] =	wrdreg s23  }
0x14: {  	s5 =	sadd.s32 $0xC9600, s5;
	[dreg:$0x9] =	wrdreg s24;
	s8 =	sand.u32 $0xFF, s22  }
0x15: {  	[dreg:$0xa] =	wrdreg s5;
	s14 =	sshll.u32 s8, $0xB;
	s8 =	sadd.s32 $0x18E200, s0  }
0x16: {  	s0 =	sadd.s32 $0x194400, s0;
	[dreg:$0x10] =	wrdreg s8  }
0x17: {  	s25 =	sadd.s32 $0x1B000, s14;
	[dreg:$0x11] =	wrdreg s0  }
0x18: {  	s26 =	sor.u32 $0x80, s14;
	[dreg:$0xb] =	wrdreg s25  }
0x19: {  	s28 =	sadd.s32 $0x1B080, s14;
	[dreg:$0xc] =	wrdreg s26  }
0x1a: {  	s29 =	sadd.s32 $0x19880, s14;
	[dreg:$0xd] =	wrdreg s28  }
0x1b: {  	s31 =	sor.u32 $0x100, s14;
	[dreg:$0xe] =	wrdreg s29  }
0x1c: {  	s12 =	sadd.s32 $0x1B100, s14;
	[dreg:$0xf] =	wrdreg s31  }
0x1d: {  	s13 =	sadd.s32 $0x19900, s14;
	[dreg:$0x13] =	wrdreg s12  }
0x1e: {  	s15 =	sor.u32 $0x180, s14;
	[dreg:$0x14] =	wrdreg s13  }
0x1f: {  	s17 =	sadd.s32 $0x1B180, s14;
	[dreg:$0x15] =	wrdreg s15  }
0x20: {  	s18 =	sadd.s32 $0x19980, s14;
	[dreg:$0x16] =	wrdreg s17  }
0x21: {  	s19 =	sor.u32 $0x200, s14;
	[dreg:$0x17] =	wrdreg s18  }
0x22: {  	s20 =	sadd.s32 $0x1B200, s14;
	[dreg:$0x18] =	wrdreg s19  }
0x23: {  	s21 =	sadd.s32 $0x19A00, s14;
	[dreg:$0x19] =	wrdreg s20  }
0x24: {  	s22 =	sor.u32 $0x280, s14;
	[dreg:$0x1a] =	wrdreg s21  }
0x25: {  	s30 =	simm.s32 $0x1C800;
	s23 =	sadd.s32 $0x1B280, s14;
	[dreg:$0x1b] =	wrdreg s22  }
0x26: {  	s5 =	simm.s32 $0x0;
	s24 =	sadd.s32 $0x19A80, s14;
	[dreg:$0x1c] =	wrdreg s23  }
0x27: {  	s16 =	sadd.s32 $0x19800, s14;
	[dreg:$0x1d] =	wrdreg s24;
	s25 =	sor.u32 $0x300, s14  }
.Ltmp0:
0x28: {  	s26 =	sadd.s32 $0x1B300, s14;
	[dreg:$0x1e] =	wrdreg s25;
	(pc) =	sbr.rel .LBB2_1-.Ltmp0, $4  }
0x29: {  	s28 =	sadd.s32 $0x19B00, s14;
	s29 =	sor.u32 $0x380, s14;
	[dreg:$0x1f] =	wrdreg s26  }
0x2a: {  	s31 =	sadd.s32 $0x1B380, s14;
	s15 =	sadd.s32 $0x19B80, s14;
	[smem:$0x7FB] =	sst s28  }
0x2b: {  	s18 =	simm.s32 $0x3;
	s19 =	simm.s32 $0x1;
	[smem:$0x7FC] =	sst s29  }
0x2c: {  	v0 =	vimm.f32 $1.000000000e+00;
	s22 =	simm.s32 $0x2;
	[smem:$0x7FD] =	sst s31;
	s26 =	simm.s32 $0x80  }
.LBB2_9:
0x2d: {  	_ =	swait.ge [sflag:s22], $0x80  }
0x2e: {  	[sflag:s22] =	ssyncset.done $0x0  }
0x2f: {  	[sflag:s22] =	ssyncadd.s32 $0xFFFFFF80  }
0x30: {  	_ =	swait.ge [sflag:s22], $0x80  }
0x31: {  	[sflag:s22] =	ssyncset.done $0x0  }
0x32: {  	[sflag:s22] =	ssyncadd.s32 $0xFFFFFF80  }
0x33: {  	_ =	swait.ge [sflag:s22], $0x80  }
0x34: {  	[sflag:s22] =	ssyncset.done $0x0  }
0x35: {  	[sflag:s22] =	ssyncadd.s32 $0xFFFFFF80  }
0x36: {  	_ =	swait.ge [sflag:s22], $0x80  }
0x37: {  	[sflag:s22] =	ssyncset.done $0x0  }
0x38: {  	[sflag:s22] =	ssyncadd.s32 $0xFFFFFF80  }
0x39: {  	_ =	swait.ge [sflag:s22], $0x80  }
0x3a: {  	[sflag:s22] =	ssyncset.done $0x0  }
0x3b: {  	[sflag:s22] =	ssyncadd.s32 $0xFFFFFF80  }
0x3c: {  	_ =	swait.ge [sflag:s22], $0x80  }
0x3d: {  	[sflag:s22] =	ssyncset.done $0x0  }
0x3e: {  	[sflag:s22] =	ssyncadd.s32 $0xFFFFFF80  }
0x3f: {  	_ =	swait.ge [sflag:s22], $0x80  }
0x40: {  	[sflag:s22] =	ssyncset.done $0x0  }
0x41: {  	[sflag:s22] =	ssyncadd.s32 $0xFFFFFF80  }
0x42: {  	_ =	swait.ge [sflag:s22], $0x80  }
0x43: {  	[sflag:s22] =	ssyncset.done $0x0  }
0x44: {  	[sflag:s22] =	ssyncadd.s32 $0xFFFFFF80  }
0x45: {  	_ =	swait.ge [sflag:s22], $0x80  }
0x46: {  	[sflag:s22] =	ssyncset.done $0x0  }
0x47: {  	[sflag:s22] =	ssyncadd.s32 $0xFFFFFF80  }
0x48: {  	_ =	swait.ge [sflag:s22], $0x80  }
0x49: {  	[sflag:s22] =	ssyncset.done $0x0  }
0x4a: {  	[sflag:s22] =	ssyncadd.s32 $0xFFFFFF80  }
0x4b: {  	_ =	swait.ge [sflag:s22], $0x80  }
0x4c: {  	[sflag:s22] =	ssyncset.done $0x0  }
0x4d: {  	[sflag:s22] =	ssyncadd.s32 $0xFFFFFF80  }
0x4e: {  	_ =	swait.ge [sflag:s22], $0x80  }
0x4f: {  	[sflag:s22] =	ssyncset.done $0x0  }
0x50: {  	[sflag:s22] =	ssyncadd.s32 $0xFFFFFF80  }
0x51: {  	_ =	swait.ge [sflag:s22], $0x80  }
0x52: {  	[sflag:s22] =	ssyncset.done $0x0  }
0x53: {  	[sflag:s22] =	ssyncadd.s32 $0xFFFFFF80  }
0x54: {  	_ =	swait.ge [sflag:s22], $0x80  }
0x55: {  	[sflag:s22] =	ssyncset.done $0x0  }
0x56: {  	[sflag:s22] =	ssyncadd.s32 $0xFFFFFF80  }
0x57: {  	_ =	swait.ge [sflag:s22], $0x80  }
0x58: {  	[sflag:s22] =	ssyncset.done $0x0  }
0x59: {  	[sflag:s22] =	ssyncadd.s32 $0xFFFFFF80  }
0x5a: {  	_ =	swait.ge [sflag:s22], $0x80  }
0x5b: {  	[sflag:s22] =	ssyncset.done $0x0  }
0x5c: {  	[sflag:s22] =	ssyncadd.s32 $0xFFFFFF80  }
0x5d: {  	_ =	swait.ge [sflag:s22], $0x80  }
0x5e: {  	[sflag:s22] =	ssyncset.done $0x0  }
0x5f: {  	[sflag:s22] =	ssyncadd.s32 $0xFFFFFF80  }
0x60: {  	_ =	swait.ge [sflag:s22], $0x80  }
0x61: {  	[sflag:s22] =	ssyncset.done $0x0  }
0x62: {  	[sflag:s22] =	ssyncadd.s32 $0xFFFFFF80  }
0x63: {  	_ =	swait.ge [sflag:s22], $0x80  }
0x64: {  	[sflag:s22] =	ssyncset.done $0x0  }
0x65: {  	[sflag:s22] =	ssyncadd.s32 $0xFFFFFF80  }
0x66: {  	_ =	swait.ge [sflag:s22], $0x80  }
0x67: {  	[sflag:s22] =	ssyncset.done $0x0  }
0x68: {  	[sflag:s22] =	ssyncadd.s32 $0xFFFFFF80  }
0x69: {  	_ =	swait.ge [sflag:s22], $0x80  }
0x6a: {  	[sflag:s22] =	ssyncset.done $0x0  }
0x6b: {  	[sflag:s22] =	ssyncadd.s32 $0xFFFFFF80  }
0x6c: {  	_ =	swait.ge [sflag:s22], $0x80  }
0x6d: {  	[sflag:s22] =	ssyncset.done $0x0  }
0x6e: {  	[sflag:s22] =	ssyncadd.s32 $0xFFFFFF80  }
0x6f: {  	_ =	swait.ge [sflag:s22], $0x80  }
0x70: {  	[sflag:s22] =	ssyncset.done $0x0  }
0x71: {  	[sflag:s22] =	ssyncadd.s32 $0xFFFFFF80  }
0x72: {  	_ =	swait.ge [sflag:s22], $0x80  }
0x73: {  	[sflag:s22] =	ssyncset.done $0x0  }
0x74: {  	[sflag:s22] =	ssyncadd.s32 $0xFFFFFF80  }
0x75: {  	_ =	swait.ge [sflag:s22], $0x80  }
0x76: {  	[sflag:s22] =	ssyncset.done $0x0  }
0x77: {  	[sflag:s22] =	ssyncadd.s32 $0xFFFFFF80  }
0x78: {  	_ =	swait.ge [sflag:s22], $0x80  }
0x79: {  	[sflag:s22] =	ssyncset.done $0x0  }
0x7a: {  	[sflag:s22] =	ssyncadd.s32 $0xFFFFFF80  }
0x7b: {  	_ =	swait.ge [sflag:s22], $0x80  }
0x7c: {  	[sflag:s22] =	ssyncset.done $0x0  }
0x7d: {  	[sflag:s22] =	ssyncadd.s32 $0xFFFFFF80  }
0x7e: {  	_ =	swait.ge [sflag:s22], $0x80  }
0x7f: {  	[sflag:s22] =	ssyncset.done $0x0  }
0x80: {  	[sflag:s22] =	ssyncadd.s32 $0xFFFFFF80  }
0x81: {  	_ =	swait.ge [sflag:s22], $0x80  }
0x82: {  	[sflag:s22] =	ssyncset.done $0x0  }
0x83: {  	[sflag:s22] =	ssyncadd.s32 $0xFFFFFF80  }
0x84: {  	_ =	swait.ge [sflag:s22], $0x80  }
0x85: {  	[sflag:s22] =	ssyncset.done $0x0  }
0x86: {  	[sflag:s22] =	ssyncadd.s32 $0xFFFFFF80  }
0x87: {  	_ =	swait.ge [sflag:s22], $0x80  }
0x88: {  	[sflag:s22] =	ssyncset.done $0x0  }
0x89: {  	[sflag:s22] =	ssyncadd.s32 $0xFFFFFF80  }
0x8a: {  	_ =	swait.ge [sflag:s22], $0x80  }
0x8b: {  	[sflag:s22] =	ssyncset.done $0x0  }
0x8c: {  	[sflag:s22] =	ssyncadd.s32 $0xFFFFFF80  }
0x8d: {  	_ =	swait.ge [sflag:s22], $0x80  }
0x8e: {  	[sflag:s22] =	ssyncset.done $0x0  }
0x8f: {  	[sflag:s22] =	ssyncadd.s32 $0xFFFFFF80  }
0x90: {  	_ =	swait.ge [sflag:s22], $0x80  }
0x91: {  	[sflag:s22] =	ssyncset.done $0x0  }
0x92: {  	[sflag:s22] =	ssyncadd.s32 $0xFFFFFF80  }
0x93: {  	_ =	swait.ge [sflag:s22], $0x80  }
0x94: {  	[sflag:s22] =	ssyncset.done $0x0  }
0x95: {  	[sflag:s22] =	ssyncadd.s32 $0xFFFFFF80  }
0x96: {  	_ =	swait.ge [sflag:s22], $0x80  }
0x97: {  	[sflag:s22] =	ssyncset.done $0x0  }
0x98: {  	[sflag:s22] =	ssyncadd.s32 $0xFFFFFF80  }
0x99: {  	_ =	swait.ge [sflag:s22], $0x80  }
0x9a: {  	[sflag:s22] =	ssyncset.done $0x0  }
0x9b: {  	[sflag:s22] =	ssyncadd.s32 $0xFFFFFF80  }
0x9c: {  	_ =	swait.ge [sflag:s22], $0x80  }
0x9d: {  	[sflag:s22] =	ssyncset.done $0x0  }
0x9e: {  	[sflag:s22] =	ssyncadd.s32 $0xFFFFFF80  }
0x9f: {  	_ =	swait.ge [sflag:s22], $0x80  }
0xa0: {  	[sflag:s22] =	ssyncset.done $0x0  }
0xa1: {  	[sflag:s22] =	ssyncadd.s32 $0xFFFFFF80  }
0xa2: {  	_ =	swait.ge [sflag:s22], $0x80  }
0xa3: {  	[sflag:s22] =	ssyncset.done $0x0  }
0xa4: {  	[sflag:s22] =	ssyncadd.s32 $0xFFFFFF80  }
0xa5: {  	_ =	swait.ge [sflag:s22], $0x80  }
0xa6: {  	[sflag:s22] =	ssyncset.done $0x0  }
0xa7: {  	[sflag:s22] =	ssyncadd.s32 $0xFFFFFF80  }
0xa8: {  	_ =	swait.ge [sflag:s22], $0x80  }
0xa9: {  	[sflag:s22] =	ssyncset.done $0x0  }
0xaa: {  	[sflag:s22] =	ssyncadd.s32 $0xFFFFFF80  }
0xab: {  	_ =	swait.ge [sflag:s22], $0x80  }
0xac: {  	[sflag:s22] =	ssyncset.done $0x0  }
0xad: {  	[sflag:s22] =	ssyncadd.s32 $0xFFFFFF80  }
0xae: {  	_ =	swait.ge [sflag:s22], $0x80  }
0xaf: {  	[sflag:s22] =	ssyncset.done $0x0  }
0xb0: {  	[sflag:s22] =	ssyncadd.s32 $0xFFFFFF80  }
0xb1: {  	_ =	swait.ge [sflag:s22], $0x80  }
0xb2: {  	[sflag:s22] =	ssyncset.done $0x0  }
0xb3: {  	[sflag:s22] =	ssyncadd.s32 $0xFFFFFF80  }
0xb4: {  	_ =	swait.ge [sflag:s22], $0x80  }
0xb5: {  	[sflag:s22] =	ssyncset.done $0x0  }
0xb6: {  	[sflag:s22] =	ssyncadd.s32 $0xFFFFFF80  }
0xb7: {  	_ =	swait.ge [sflag:s22], $0x80  }
0xb8: {  	[sflag:s22] =	ssyncset.done $0x0  }
0xb9: {  	[sflag:s22] =	ssyncadd.s32 $0xFFFFFF80  }
0xba: {  	_ =	swait.ge [sflag:s22], $0x80  }
0xbb: {  	[sflag:s22] =	ssyncset.done $0x0  }
0xbc: {  	[sflag:s22] =	ssyncadd.s32 $0xFFFFFF80  }
0xbd: {  	_ =	swait.ge [sflag:s22], $0x80  }
0xbe: {  	[sflag:s22] =	ssyncset.done $0x0  }
0xbf: {  	[sflag:s22] =	ssyncadd.s32 $0xFFFFFF80  }
0xc0: {  	_ =	swait.ge [sflag:s22], $0x80  }
0xc1: {  	[sflag:s22] =	ssyncset.done $0x0  }
0xc2: {  	[sflag:s22] =	ssyncadd.s32 $0xFFFFFF80  }
0xc3: {  	_ =	swait.ge [sflag:s22], $0x80  }
0xc4: {  	[sflag:s22] =	ssyncset.done $0x0  }
0xc5: {  	[sflag:s22] =	ssyncadd.s32 $0xFFFFFF80  }
0xc6: {  	_ =	swait.ge [sflag:s22], $0x80  }
0xc7: {  	[sflag:s22] =	ssyncset.done $0x0  }
0xc8: {  	[sflag:s22] =	ssyncadd.s32 $0xFFFFFF80  }
0xc9: {  	_ =	swait.ge [sflag:s22], $0x80  }
0xca: {  	[sflag:s22] =	ssyncset.done $0x0  }
0xcb: {  	[sflag:s22] =	ssyncadd.s32 $0xFFFFFF80  }
0xcc: {  	_ =	swait.ge [sflag:s22], $0x80  }
0xcd: {  	[sflag:s22] =	ssyncset.done $0x0  }
0xce: {  	[sflag:s22] =	ssyncadd.s32 $0xFFFFFF80  }
0xcf: {  	_ =	swait.ge [sflag:s22], $0x80  }
0xd0: {  	[sflag:s22] =	ssyncset.done $0x0  }
0xd1: {  	[sflag:s22] =	ssyncadd.s32 $0xFFFFFF80  }
0xd2: {  	_ =	swait.ge [sflag:s22], $0x80  }
0xd3: {  	[sflag:s22] =	ssyncset.done $0x0  }
0xd4: {  	[sflag:s22] =	ssyncadd.s32 $0xFFFFFF80  }
0xd5: {  	_ =	swait.ge [sflag:s22], $0x80  }
0xd6: {  	[sflag:s22] =	ssyncset.done $0x0  }
0xd7: {  	[sflag:s22] =	ssyncadd.s32 $0xFFFFFF80  }
0xd8: {  	_ =	swait.ge [sflag:s22], $0x80  }
0xd9: {  	[sflag:s22] =	ssyncset.done $0x0  }
0xda: {  	[sflag:s22] =	ssyncadd.s32 $0xFFFFFF80  }
0xdb: {  	_ =	swait.ge [sflag:s22], $0x80  }
0xdc: {  	[sflag:s22] =	ssyncset.done $0x0  }
0xdd: {  	[sflag:s22] =	ssyncadd.s32 $0xFFFFFF80  }
0xde: {  	_ =	swait.ge [sflag:s22], $0x80  }
0xdf: {  	[sflag:s22] =	ssyncset.done $0x0  }
0xe0: {  	[sflag:s22] =	ssyncadd.s32 $0xFFFFFF80  }
0xe1: {  	_ =	swait.ge [sflag:s22], $0x80  }
0xe2: {  	[sflag:s22] =	ssyncset.done $0x0  }
0xe3: {  	[sflag:s22] =	ssyncadd.s32 $0xFFFFFF80  }
0xe4: {  	_ =	swait.ge [sflag:s22], $0x80  }
0xe5: {  	[sflag:s22] =	ssyncset.done $0x0  }
0xe6: {  	[sflag:s22] =	ssyncadd.s32 $0xFFFFFF80  }
0xe7: {  	_ =	swait.ge [sflag:s22], $0x80  }
0xe8: {  	[sflag:s22] =	ssyncset.done $0x0  }
0xe9: {  	[sflag:s22] =	ssyncadd.s32 $0xFFFFFF80  }
0xea: {  	_ =	swait.ge [sflag:s22], $0x80  }
0xeb: {  	[sflag:s22] =	ssyncset.done $0x0  }
0xec: {  	s0 =	simm.s32 @!p0 $0x2;
	[sflag:s22] =	ssyncadd.s32 $0xFFFFFF80  }
0xed: {  	_ =	swait.ge @!p0 [sflag:s0], $0x80  }
0xee: {  	[sflag:s0] =	ssyncset.done @!p0 $0x0  }
0xef: {  	[sflag:s0] =	ssyncadd.s32 @!p0 $0xFFFFFF80  }
0xf0: {  	_ =	swait.ge @!p0 [sflag:s0], $0x80  }
0xf1: {  	[sflag:s0] =	ssyncset.done @!p0 $0x0  }
0xf2: {  	[sflag:s0] =	ssyncadd.s32 @!p0 $0xFFFFFF80  }
0xf3: {  	_ =	swait.ge @!p0 [sflag:s0], $0x80  }
0xf4: {  	[sflag:s0] =	ssyncset.done @!p0 $0x0  }
0xf5: {  	[sflag:s0] =	ssyncadd.s32 @!p0 $0xFFFFFF80  }
0xf6: {  	_ =	swait.ge @!p0 [sflag:s0], $0x80  }
0xf7: {  	[sflag:s0] =	ssyncset.done @!p0 $0x0  }
0xf8: {  	[sflag:s0] =	ssyncadd.s32 @!p0 $0xFFFFFF80  }
0xf9: {  	_ =	swait.ge @!p0 [sflag:s0], $0x80  }
0xfa: {  	[sflag:s0] =	ssyncset.done @!p0 $0x0  }
0xfb: {  	[sflag:s0] =	ssyncadd.s32 @!p0 $0xFFFFFF80  }
0xfc: {  	_ =	swait.ge @!p0 [sflag:s0], $0x80  }
0xfd: {  	[sflag:s0] =	ssyncset.done @!p0 $0x0  }
0xfe: {  	[sflag:s0] =	ssyncadd.s32 @!p0 $0xFFFFFF80  }
0xff: {  	_ =	swait.ge @!p0 [sflag:s0], $0x80  }
0x100: {  	[sflag:s0] =	ssyncset.done @!p0 $0x0  }
0x101: {  	[sflag:s0] =	ssyncadd.s32 @!p0 $0xFFFFFF80  }
0x102: {  	_ =	swait.ge @!p0 [sflag:s0], $0x80  }
0x103: {  	[sflag:s0] =	ssyncset.done @!p0 $0x0  }
0x104: {  	[sflag:s0] =	ssyncadd.s32 @!p0 $0xFFFFFF80  }
0x105: {  	_ =	swait.ge @!p0 [sflag:s0], $0x80  }
0x106: {  	[sflag:s0] =	ssyncset.done @!p0 $0x0  }
0x107: {  	[sflag:s0] =	ssyncadd.s32 @!p0 $0xFFFFFF80  }
0x108: {  	_ =	swait.ge @!p0 [sflag:s0], $0x80  }
0x109: {  	[sflag:s0] =	ssyncset.done @!p0 $0x0  }
0x10a: {  	[sflag:s0] =	ssyncadd.s32 @!p0 $0xFFFFFF80  }
0x10b: {  	_ =	swait.ge @!p0 [sflag:s0], $0x80  }
0x10c: {  	[sflag:s0] =	ssyncset.done @!p0 $0x0  }
0x10d: {  	[sflag:s0] =	ssyncadd.s32 @!p0 $0xFFFFFF80  }
0x10e: {  	_ =	swait.ge @!p0 [sflag:s0], $0x80  }
0x10f: {  	[sflag:s0] =	ssyncset.done @!p0 $0x0  }
0x110: {  	[sflag:s0] =	ssyncadd.s32 @!p0 $0xFFFFFF80  }
0x111: {  	_ =	swait.ge @!p0 [sflag:s0], $0x80  }
0x112: {  	[sflag:s0] =	ssyncset.done @!p0 $0x0  }
0x113: {  	[sflag:s0] =	ssyncadd.s32 @!p0 $0xFFFFFF80  }
0x114: {  	_ =	swait.ge @!p0 [sflag:s0], $0x80  }
0x115: {  	[sflag:s0] =	ssyncset.done @!p0 $0x0  }
0x116: {  	[sflag:s0] =	ssyncadd.s32 @!p0 $0xFFFFFF80  }
0x117: {  	_ =	swait.ge @!p0 [sflag:s0], $0x80  }
0x118: {  	[sflag:s0] =	ssyncset.done @!p0 $0x0  }
0x119: {  	[sflag:s0] =	ssyncadd.s32 @!p0 $0xFFFFFF80  }
0x11a: {  	_ =	swait.ge @!p0 [sflag:s0], $0x80  }
0x11b: {  	[sflag:s0] =	ssyncset.done @!p0 $0x0  }
0x11c: {  	[sflag:s0] =	ssyncadd.s32 @!p0 $0xFFFFFF80  }
0x11d: {  	[bflag:$0x0] =	sbarrier.arrive $0xFFFF  }
0x11e: {  	s2 =	simm.s32 $0x20;
	s13 =	simm.s32 $0x10;
	s28 =	rddreg [dreg:$0x10]  }
0x11f: {  	[hbm:s28@s2], [sflag:s8] =	dma.strided [spmem:s11@s13], $0x310, s19, $0x10   }
0x120: {  	_ =	swait.ge [sflag:s18], $0x310  }
0x121: {  	[sflag:s18] =	ssyncset.done $0x0  }
0x122: {  	s29 =	rddreg [dreg:$0x11];
	[sflag:s18] =	ssyncadd.s32 $0xFFFFFCF0  }
0x123: {  	[hbm:s29@s2], [sflag:s8] =	dma.strided [spmem:s12@s13], $0x310, s19, $0x10   }
0x124: {  	_ =	swait.ge [sflag:s18], $0x310  }
0x125: {  	s5 =	sadd.s32 $0x1, s5;
	s31 =	rddreg [dreg:$0x12]  }
0x126: {  	p1 =	sne.s32 s5, s31  }
.Ltmp1:
0x127: {  	_ = 	snop;
	(pc) =	sbr.rel @!p1 .LBB2_10-.Ltmp1, $3  }
0x128: {  	_ =	sdelay $0x1  }
0x129: {  	[sflag:s18] =	ssyncset.done $0x0  }
0x12a: {  	[sflag:s18] =	ssyncadd.s32 $0xFFFFFCF0  }
.LBB2_1:
0x12b: {  	s0 =	rddreg [dreg:$0x4]  }
0x12c: {  	[tilespmem:s4], [sflag:$0x3] =	stream.linear.gather [hbm4b:s0+s4], $0x18800, $0x38;
	[tilespmem:$0x1F980] =	vst v63  }
0x12d: {  	s23 =	stileid.u32;
	_ =	swait.ge [sflag:s18], $0x18800  }
0x12e: {  	s0 =	sshll.u32 s23, $0x6;
	[sflag:s18] =	ssyncset.done $0x0;
	s24 =	rddreg [dreg:$0x5]  }
0x12f: {  	s8 =	sor.u32 $0x1C03, s0;
	[sflag:s18] =	ssyncadd.s32 $0xFFFE7800;
	s11 =	sshrl.u32 s24, $0x3  }
0x130: {  	[spmem:s11], [sflag:s8] =	dma.local [hbm:s9], $0x310  }
0x131: {  	_ =	swait.ge [sflag:s18], $0x310  }
0x132: {  	[sflag:s18] =	ssyncset.done $0x0;
	s25 =	rddreg [dreg:$0x6]  }
0x133: {  	[sflag:s18] =	ssyncadd.s32 $0xFFFFFCF0;
	s12 =	sshrl.u32 s25, $0x3  }
0x134: {  	[spmem:s12], [sflag:s8] =	dma.local [hbm:s9], $0x310  }
0x135: {  	_ =	swait.ge [sflag:s18], $0x310  }
0x136: {  	[sflag:s18] =	ssyncset.done $0x0  }
0x137: {  	[sflag:s18] =	ssyncadd.s32 $0xFFFFFCF0  }
0x138: {  	[tilespmem:$0x1C800] =	vst v0  }
0x139: {  	[tilespmem:$0x1C810] =	vst v0  }
0x13a: {  	[tilespmem:$0x1C820] =	vst v0  }
0x13b: {  	[tilespmem:$0x1C830] =	vst v0  }
0x13c: {  	[tilespmem:$0x1C840] =	vst v0  }
0x13d: {  	[tilespmem:$0x1C850] =	vst v0  }
0x13e: {  	[tilespmem:$0x1C860] =	vst v0  }
0x13f: {  	[tilespmem:$0x1C870] =	vst v0  }
0x140: {  	s2 =	simm.s32 $0x18800;
	[bflag:$0x0] =	sbarrier.arrive $0xFFFF  }
0x141: {  	s31 =	simm.s32 $0x19800;
	s13 =	simm.s32 $0x1B000;
	s28 =	rddreg [dreg:$0x7]  }
0x142: {  	[tilespmem:s2], [sflag:$0x1] =	stream.linear.gather [hbm4b:s28+s4], $0x800, $0x38;
	[tilespmem:$0x1F980] =	vst v63  }
0x143: {  	p1 =	por $0x0, $0x0;
	s21 =	simm.s32 $0x0;
	s29 =	rddreg [dreg:$0x8]  }
0x144: {  	[tilespmem:s31], [sflag:$0x1] =	stream.linear.gather [hbm4b:s29+s4], $0x800, $0x38;
	[tilespmem:$0x1F980] =	vst v63  }
.LBB2_2:
0x145: {  	_ =	swait.ge [sflag:s19], $0x800;
	p2 =	slt.u32 s21, $0x2  }
.Ltmp2:
0x146: {  	[sflag:s19] =	ssyncset.done $0x0;
	(pc) =	sbr.rel @p2 .LBB2_4-.Ltmp2, $4  }
0x147: {  	[sflag:s19] =	ssyncadd.s32 $0xFFFFF800  }
0x148: {  	_ =	swait.ge [sflag:s19], $0x800  }
0x149: {  	[sflag:s19] =	ssyncset.done $0x0  }
0x14a: {  	[sflag:s19] =	ssyncadd.s32 $0xFFFFF800  }
0x14b: {  	_ =	swait.ge [sflag:s22], $0x80  }
0x14c: {  	[sflag:s22] =	ssyncset.done $0x0  }
0x14d: {  	[sflag:s22] =	ssyncadd.s32 $0xFFFFFF80  }
0x14e: {  	_ =	swait.ge [sflag:s22], $0x80  }
0x14f: {  	[sflag:s22] =	ssyncset.done $0x0  }
0x150: {  	[sflag:s22] =	ssyncadd.s32 $0xFFFFFF80  }
0x151: {  	_ =	swait.ge [sflag:s22], $0x80  }
0x152: {  	[sflag:s22] =	ssyncset.done $0x0  }
0x153: {  	[sflag:s22] =	ssyncadd.s32 $0xFFFFFF80  }
0x154: {  	_ =	swait.ge [sflag:s22], $0x80  }
0x155: {  	[sflag:s22] =	ssyncset.done $0x0  }
0x156: {  	[sflag:s22] =	ssyncadd.s32 $0xFFFFFF80  }
0x157: {  	_ =	swait.ge [sflag:s22], $0x80  }
0x158: {  	[sflag:s22] =	ssyncset.done $0x0  }
0x159: {  	[sflag:s22] =	ssyncadd.s32 $0xFFFFFF80  }
0x15a: {  	_ =	swait.ge [sflag:s22], $0x80  }
0x15b: {  	[sflag:s22] =	ssyncset.done $0x0  }
0x15c: {  	[sflag:s22] =	ssyncadd.s32 $0xFFFFFF80  }
0x15d: {  	_ =	swait.ge [sflag:s22], $0x80  }
0x15e: {  	[sflag:s22] =	ssyncset.done $0x0  }
0x15f: {  	[sflag:s22] =	ssyncadd.s32 $0xFFFFFF80  }
0x160: {  	_ =	swait.ge [sflag:s22], $0x80  }
0x161: {  	[sflag:s22] =	ssyncset.done $0x0  }
0x162: {  	[sflag:s22] =	ssyncadd.s32 $0xFFFFFF80  }
0x163: {  	_ =	swait.ge [sflag:s22], $0x80  }
0x164: {  	[sflag:s22] =	ssyncset.done $0x0  }
0x165: {  	[sflag:s22] =	ssyncadd.s32 $0xFFFFFF80  }
0x166: {  	_ =	swait.ge [sflag:s22], $0x80  }
0x167: {  	[sflag:s22] =	ssyncset.done $0x0  }
0x168: {  	[sflag:s22] =	ssyncadd.s32 $0xFFFFFF80  }
0x169: {  	_ =	swait.ge [sflag:s22], $0x80  }
0x16a: {  	[sflag:s22] =	ssyncset.done $0x0  }
0x16b: {  	[sflag:s22] =	ssyncadd.s32 $0xFFFFFF80  }
0x16c: {  	_ =	swait.ge [sflag:s22], $0x80  }
0x16d: {  	[sflag:s22] =	ssyncset.done $0x0  }
0x16e: {  	[sflag:s22] =	ssyncadd.s32 $0xFFFFFF80  }
0x16f: {  	_ =	swait.ge [sflag:s22], $0x80  }
0x170: {  	[sflag:s22] =	ssyncset.done $0x0  }
0x171: {  	[sflag:s22] =	ssyncadd.s32 $0xFFFFFF80  }
0x172: {  	_ =	swait.ge [sflag:s22], $0x80  }
0x173: {  	[sflag:s22] =	ssyncset.done $0x0  }
0x174: {  	[sflag:s22] =	ssyncadd.s32 $0xFFFFFF80  }
0x175: {  	_ =	swait.ge [sflag:s22], $0x80  }
0x176: {  	[sflag:s22] =	ssyncset.done $0x0  }
0x177: {  	[sflag:s22] =	ssyncadd.s32 $0xFFFFFF80  }
0x178: {  	_ =	swait.ge [sflag:s22], $0x80  }
0x179: {  	[sflag:s22] =	ssyncset.done $0x0  }
0x17a: {  	[sflag:s22] =	ssyncadd.s32 $0xFFFFFF80  }
0x17b: {  	_ =	swait.ge [sflag:s22], $0x80  }
0x17c: {  	[sflag:s22] =	ssyncset.done $0x0  }
0x17d: {  	[sflag:s22] =	ssyncadd.s32 $0xFFFFFF80  }
0x17e: {  	_ =	swait.ge [sflag:s22], $0x80  }
0x17f: {  	[sflag:s22] =	ssyncset.done $0x0  }
0x180: {  	[sflag:s22] =	ssyncadd.s32 $0xFFFFFF80  }
0x181: {  	_ =	swait.ge [sflag:s22], $0x80  }
0x182: {  	[sflag:s22] =	ssyncset.done $0x0  }
0x183: {  	[sflag:s22] =	ssyncadd.s32 $0xFFFFFF80  }
0x184: {  	_ =	swait.ge [sflag:s22], $0x80  }
0x185: {  	[sflag:s22] =	ssyncset.done $0x0  }
0x186: {  	[sflag:s22] =	ssyncadd.s32 $0xFFFFFF80  }
0x187: {  	_ =	swait.ge [sflag:s22], $0x80  }
0x188: {  	[sflag:s22] =	ssyncset.done $0x0  }
0x189: {  	[sflag:s22] =	ssyncadd.s32 $0xFFFFFF80  }
0x18a: {  	_ =	swait.ge [sflag:s22], $0x80  }
0x18b: {  	[sflag:s22] =	ssyncset.done $0x0  }
0x18c: {  	[sflag:s22] =	ssyncadd.s32 $0xFFFFFF80  }
0x18d: {  	_ =	swait.ge [sflag:s22], $0x80  }
0x18e: {  	[sflag:s22] =	ssyncset.done $0x0  }
0x18f: {  	[sflag:s22] =	ssyncadd.s32 $0xFFFFFF80  }
0x190: {  	_ =	swait.ge [sflag:s22], $0x80  }
0x191: {  	[sflag:s22] =	ssyncset.done $0x0  }
0x192: {  	[sflag:s22] =	ssyncadd.s32 $0xFFFFFF80  }
0x193: {  	_ =	swait.ge [sflag:s22], $0x80  }
0x194: {  	[sflag:s22] =	ssyncset.done $0x0  }
0x195: {  	[sflag:s22] =	ssyncadd.s32 $0xFFFFFF80  }
0x196: {  	_ =	swait.ge [sflag:s22], $0x80  }
0x197: {  	[sflag:s22] =	ssyncset.done $0x0  }
0x198: {  	[sflag:s22] =	ssyncadd.s32 $0xFFFFFF80  }
0x199: {  	_ =	swait.ge [sflag:s22], $0x80  }
0x19a: {  	[sflag:s22] =	ssyncset.done $0x0  }
0x19b: {  	[sflag:s22] =	ssyncadd.s32 $0xFFFFFF80  }
0x19c: {  	_ =	swait.ge [sflag:s22], $0x80  }
0x19d: {  	[sflag:s22] =	ssyncset.done $0x0  }
0x19e: {  	[sflag:s22] =	ssyncadd.s32 $0xFFFFFF80  }
0x19f: {  	_ =	swait.ge [sflag:s22], $0x80  }
0x1a0: {  	[sflag:s22] =	ssyncset.done $0x0  }
0x1a1: {  	[sflag:s22] =	ssyncadd.s32 $0xFFFFFF80  }
0x1a2: {  	_ =	swait.ge [sflag:s22], $0x80  }
0x1a3: {  	[sflag:s22] =	ssyncset.done $0x0  }
0x1a4: {  	[sflag:s22] =	ssyncadd.s32 $0xFFFFFF80  }
0x1a5: {  	_ =	swait.ge [sflag:s22], $0x80  }
0x1a6: {  	[sflag:s22] =	ssyncset.done $0x0  }
0x1a7: {  	[sflag:s22] =	ssyncadd.s32 $0xFFFFFF80  }
0x1a8: {  	_ =	swait.ge [sflag:s22], $0x80  }
0x1a9: {  	[sflag:s22] =	ssyncset.done $0x0  }
0x1aa: {  	[sflag:s22] =	ssyncadd.s32 $0xFFFFFF80  }
.LBB2_4:
0x1ab: {  	s0 =	smulhi.u32 $0xAAAAAAAB, s21;
	_ =	sdelay $0x1  }
0x1ac: {  	s0 =	sshrl.u32 s0, $0x1  }
0x1ad: {  	s2 =	smul.u32 $0x3, s0;
	_ =	sdelay $0x1  }
0x1ae: {  	s2 =	ssub.s32 s21, s2;
	s21 =	sadd.s32 $0x1, s21  }
0x1af: {  	p2 =	sge.u32 s21, s6  }
0x1b0: {  	s17 =	sshll.u32 @!p2 s21, $0xB  }
0x1b1: {  	s23 =	sadd.s32 @!p2 s10, s17  }
0x1b2: {  	s17 =	sand.u32 @!p2 $0x800, s17;
	s23 =	sshrl.u32 @!p2 s23, $0x3  }
0x1b3: {  	s24 =	simm.s32 @!p2 $0x0;
	s17 =	sadd.s32 @!p2 $0x18800, s17;
	s23 =	sadd.s32 @!p2 s7, s23  }
0x1b4: {  	[tilespmem:s17], [sflag:$0x1] =	stream.linear.gather @!p2 [hbm4b:s23+s24], $0x800, $0x38;
	[tilespmem:$0x1F980] =	vst v63  }
0x1b5: {  	s20 =	smulhi.u32 @!p2 $0xAAAAAAAB, s21;
	s17 =	simm.s32 $0x1  }
0x1b6: {  	s17 =	simm.s32 @!p1 $0x0  }
0x1b7: {  	s20 =	sshrl.u32 @!p2 s20, $0x1;
	s17 =	sshll.u32 s17, $0xB  }
0x1b8: {  	s20 =	smul.u32 @!p2 $0x3, s20;
	s17 =	sadd.s32 $0x18800, s17  }
0x1b9: {  	v2 =	vmov s17  }
0x1ba: {  	s20 =	ssub.s32 @!p2 s21, s20  }
0x1bb: {  	s20 =	sshll.u32 @!p2 s20, $0xB  }
0x1bc: {  	s25 =	simm.s32 $0x0;
	s23 =	sadd.s32 @!p2 $0xC3500, s23;
	s20 =	sadd.s32 @!p2 $0x19800, s20  }
0x1bd: {  	[tilespmem:s20], [sflag:$0x1] =	stream.linear.gather @!p2 [hbm4b:s23+s24], $0x800, $0x38;
	[tilespmem:$0x1F980] =	vst v63  }
0x1be: {  	v3 =	vld.idx.msk [tilespmem:v2+s25+$0x80 ss:$0x1], $0xffff;
	_ =	sdelay $0x2  }
0x1bf: {  	v4 =	vld.idx.msk [tilespmem:v2+s25+$0x0 ss:$0x1], $0xffff  }
0x1c0: {  	s0 =	smul.u32 $0xFFFFA000, s0;
	_ =	sdelay $0x1  }
0x1c1: {  	s0 =	sshra.s32 s0, $0x2  }
0x1c2: {  	s0 =	sadd.s32 s0, s13  }
0x1c3: {  	v1 =	vmov s0;
	v3 =	vld.idx.msk [tilespmem:v3+s4+$0x0], $0xffff;
	_ =	sdelay $0x2  }
0x1c4: {  	v4 =	vld.idx.msk [tilespmem:v4+s4+$0x0], $0xffff;
	_ =	sdelay $0x1  }
0x1c5: {  	[tilespmem:v1+s25+$0x80 ss:$0x1] =	vst.idx.msk $0xffff, v3  }
0x1c6: {  	v3 =	vld.idx.msk [tilespmem:v2+s25+$0x90 ss:$0x1], $0xffff;
	_ =	sdelay $0x1  }
0x1c7: {  	[tilespmem:v1+s25+$0x0 ss:$0x1] =	vst.idx.msk $0xffff, v4  }
0x1c8: {  	v4 =	vld.idx.msk [tilespmem:v2+s25+$0x10 ss:$0x1], $0xffff;
	_ =	sdelay $0x2  }
0x1c9: {  	s28 =	simm.s32 $0x100  }
0x1ca: {  	v5 =	vld.idx.msk [tilespmem:v2+s28+$0x80 ss:$0x1], $0xffff  }
0x1cb: {  	v3 =	vld.idx.msk [tilespmem:v3+s4+$0x0], $0xffff;
	_ =	sdelay $0x2  }
0x1cc: {  	v4 =	vld.idx.msk [tilespmem:v4+s4+$0x0], $0xffff;
	_ =	sdelay $0x1  }
0x1cd: {  	[tilespmem:v1+s25+$0x90 ss:$0x1] =	vst.idx.msk $0xffff, v3  }
0x1ce: {  	v3 =	vld.idx.msk [tilespmem:v2+s25+$0xA0 ss:$0x1], $0xffff;
	_ =	sdelay $0x1  }
0x1cf: {  	[tilespmem:v1+s25+$0x10 ss:$0x1] =	vst.idx.msk $0xffff, v4;
	v4 =	vld.idx.msk [tilespmem:v5+s4+$0x0], $0xffff  }
0x1d0: {  	v5 =	vld.idx.msk [tilespmem:v2+s25+$0x20 ss:$0x1], $0xffff;
	_ =	sdelay $0x1  }
0x1d1: {  	v6 =	vld.idx.msk [tilespmem:v2+s28+$0x0 ss:$0x1], $0xffff;
	_ =	sdelay $0x2  }
0x1d2: {  	v3 =	vld.idx.msk [tilespmem:v3+s4+$0x0], $0xffff;
	_ =	sdelay $0x2  }
0x1d3: {  	[tilespmem:v1+s28+$0x80 ss:$0x1] =	vst.idx.msk $0xffff, v4;
	v5 =	vld.idx.msk [tilespmem:v5+s4+$0x0], $0xffff  }
0x1d4: {  	v4 =	vld.idx.msk [tilespmem:v2+s28+$0x90 ss:$0x1], $0xffff  }
0x1d5: {  	v6 =	vld.idx.msk [tilespmem:v6+s4+$0x0], $0xffff;
	[tilespmem:v1+s25+$0xA0 ss:$0x1] =	vst.idx.msk $0xffff, v3  }
0x1d6: {  	v3 =	vld.idx.msk [tilespmem:v2+s25+$0xB0 ss:$0x1], $0xffff  }
0x1d7: {  	s31 =	simm.s32 $0x200  }
0x1d8: {  	v7 =	vld.idx.msk [tilespmem:v2+s31+$0x80 ss:$0x1], $0xffff;
	[tilespmem:v1+s25+$0x20 ss:$0x1] =	vst.idx.msk $0xffff, v5  }
0x1d9: {  	v5 =	vld.idx.msk [tilespmem:v2+s25+$0x30 ss:$0x1], $0xffff  }
0x1da: {  	[tilespmem:v1+s28+$0x0 ss:$0x1] =	vst.idx.msk $0xffff, v6  }
0x1db: {  	v6 =	vld.idx.msk [tilespmem:v2+s28+$0x10 ss:$0x1], $0xffff  }
0x1dc: {  	v4 =	vld.idx.msk [tilespmem:v4+s4+$0x0], $0xffff  }
0x1dd: {  	v8 =	vld.idx.msk [tilespmem:v2+s31+$0x0 ss:$0x1], $0xffff  }
0x1de: {  	v3 =	vld.idx.msk [tilespmem:v3+s4+$0x0], $0xffff;
	_ =	sdelay $0x1  }
0x1df: {  	v7 =	vld.idx.msk [tilespmem:v7+s4+$0x0], $0xffff  }
0x1e0: {  	[tilespmem:v1+s28+$0x90 ss:$0x1] =	vst.idx.msk $0xffff, v4;
	v5 =	vld.idx.msk [tilespmem:v5+s4+$0x0], $0xffff  }
0x1e1: {  	v4 =	vld.idx.msk [tilespmem:v2+s28+$0xA0 ss:$0x1], $0xffff  }
0x1e2: {  	v6 =	vld.idx.msk [tilespmem:v6+s4+$0x0], $0xffff;
	[tilespmem:v1+s25+$0xB0 ss:$0x1] =	vst.idx.msk $0xffff, v3  }
0x1e3: {  	v3 =	vld.idx.msk [tilespmem:v2+s25+$0xC0 ss:$0x1], $0xffff  }
0x1e4: {  	v8 =	vld.idx.msk [tilespmem:v8+s4+$0x0], $0xffff;
	[tilespmem:v1+s31+$0x80 ss:$0x1] =	vst.idx.msk $0xffff, v7  }
0x1e5: {  	v7 =	vld.idx.msk [tilespmem:v2+s31+$0x90 ss:$0x1], $0xffff;
	[tilespmem:v1+s25+$0x30 ss:$0x1] =	vst.idx.msk $0xffff, v5  }
0x1e6: {  	v5 =	vld.idx.msk [tilespmem:v2+s25+$0x40 ss:$0x1], $0xffff  }
0x1e7: {  	[tilespmem:v1+s28+$0x10 ss:$0x1] =	vst.idx.msk $0xffff, v6  }
0x1e8: {  	v6 =	vld.idx.msk [tilespmem:v2+s28+$0x20 ss:$0x1], $0xffff  }
0x1e9: {  	[tilespmem:v1+s31+$0x0 ss:$0x1] =	vst.idx.msk $0xffff, v8;
	v4 =	vld.idx.msk [tilespmem:v4+s4+$0x0], $0xffff  }
0x1ea: {  	v8 =	vld.idx.msk [tilespmem:v2+s31+$0x10 ss:$0x1], $0xffff  }
0x1eb: {  	v3 =	vld.idx.msk [tilespmem:v3+s4+$0x0], $0xffff;
	_ =	sdelay $0x1  }
0x1ec: {  	v7 =	vld.idx.msk [tilespmem:v7+s4+$0x0], $0xffff  }
0x1ed: {  	[tilespmem:v1+s28+$0xA0 ss:$0x1] =	vst.idx.msk $0xffff, v4;
	v5 =	vld.idx.msk [tilespmem:v5+s4+$0x0], $0xffff  }
0x1ee: {  	v4 =	vld.idx.msk [tilespmem:v2+s28+$0xB0 ss:$0x1], $0xffff  }
0x1ef: {  	v6 =	vld.idx.msk [tilespmem:v6+s4+$0x0], $0xffff;
	[tilespmem:v1+s25+$0xC0 ss:$0x1] =	vst.idx.msk $0xffff, v3  }
0x1f0: {  	v3 =	vld.idx.msk [tilespmem:v2+s25+$0xD0 ss:$0x1], $0xffff  }
0x1f1: {  	s17 =	simm.s32 $0x300;
	v8 =	vld.idx.msk [tilespmem:v8+s4+$0x0], $0xffff  }
0x1f2: {  	v9 =	vld.idx.msk [tilespmem:v2+s17+$0x80 ss:$0x1], $0xffff;
	[tilespmem:v1+s25+$0x40 ss:$0x1] =	vst.idx.msk $0xffff, v5  }
0x1f3: {  	[tilespmem:v1+s31+$0x90 ss:$0x1] =	vst.idx.msk $0xffff, v7;
	v5 =	vld.idx.msk [tilespmem:v2+s25+$0x50 ss:$0x1], $0xffff  }
0x1f4: {  	v7 =	vld.idx.msk [tilespmem:v2+s31+$0xA0 ss:$0x1], $0xffff;
	[tilespmem:v1+s28+$0x20 ss:$0x1] =	vst.idx.msk $0xffff, v6  }
0x1f5: {  	v6 =	vld.idx.msk [tilespmem:v2+s28+$0x30 ss:$0x1], $0xffff  }
0x1f6: {  	[tilespmem:v1+s31+$0x10 ss:$0x1] =	vst.idx.msk $0xffff, v8;
	v4 =	vld.idx.msk [tilespmem:v4+s4+$0x0], $0xffff  }
0x1f7: {  	v8 =	vld.idx.msk [tilespmem:v2+s31+$0x20 ss:$0x1], $0xffff  }
0x1f8: {  	v3 =	vld.idx.msk [tilespmem:v3+s4+$0x0], $0xffff;
	_ =	sdelay $0x1  }
0x1f9: {  	v9 =	vld.idx.msk [tilespmem:v9+s4+$0x0], $0xffff  }
0x1fa: {  	[tilespmem:v1+s28+$0xB0 ss:$0x1] =	vst.idx.msk $0xffff, v4;
	v5 =	vld.idx.msk [tilespmem:v5+s4+$0x0], $0xffff  }
0x1fb: {  	v4 =	vld.idx.msk [tilespmem:v2+s28+$0xC0 ss:$0x1], $0xffff  }
0x1fc: {  	v6 =	vld.idx.msk [tilespmem:v6+s4+$0x0], $0xffff;
	[tilespmem:v1+s25+$0xD0 ss:$0x1] =	vst.idx.msk $0xffff, v3  }
0x1fd: {  	v3 =	vld.idx.msk [tilespmem:v2+s25+$0xE0 ss:$0x1], $0xffff  }
0x1fe: {  	v8 =	vld.idx.msk [tilespmem:v8+s4+$0x0], $0xffff  }
0x1ff: {  	[tilespmem:v1+s25+$0x50 ss:$0x1] =	vst.idx.msk $0xffff, v5;
	v5 =	vld.idx.msk [tilespmem:v7+s4+$0x0], $0xffff  }
0x200: {  	v7 =	vld.idx.msk [tilespmem:v2+s25+$0x60 ss:$0x1], $0xffff  }
0x201: {  	v10 =	vld.idx.msk [tilespmem:v2+s17+$0x0 ss:$0x1], $0xffff;
	[tilespmem:v1+s28+$0x30 ss:$0x1] =	vst.idx.msk $0xffff, v6  }
0x202: {  	v6 =	vld.idx.msk [tilespmem:v2+s28+$0x40 ss:$0x1], $0xffff  }
0x203: {  	[tilespmem:v1+s17+$0x80 ss:$0x1] =	vst.idx.msk $0xffff, v9;
	v4 =	vld.idx.msk [tilespmem:v4+s4+$0x0], $0xffff  }
0x204: {  	v9 =	vld.idx.msk [tilespmem:v2+s17+$0x90 ss:$0x1], $0xffff  }
0x205: {  	[tilespmem:v1+s31+$0x20 ss:$0x1] =	vst.idx.msk $0xffff, v8;
	v3 =	vld.idx.msk [tilespmem:v3+s4+$0x0], $0xffff  }
0x206: {  	v8 =	vld.idx.msk [tilespmem:v2+s31+$0x30 ss:$0x1], $0xffff;
	[tilespmem:v1+s31+$0xA0 ss:$0x1] =	vst.idx.msk $0xffff, v5  }
0x207: {  	v5 =	vld.idx.msk [tilespmem:v2+s31+$0xB0 ss:$0x1], $0xffff  }
0x208: {  	[tilespmem:v1+s28+$0xC0 ss:$0x1] =	vst.idx.msk $0xffff, v4;
	v7 =	vld.idx.msk [tilespmem:v7+s4+$0x0], $0xffff  }
0x209: {  	v4 =	vld.idx.msk [tilespmem:v2+s28+$0xD0 ss:$0x1], $0xffff  }
0x20a: {  	v6 =	vld.idx.msk [tilespmem:v6+s4+$0x0], $0xffff;
	[tilespmem:v1+s25+$0xE0 ss:$0x1] =	vst.idx.msk $0xffff, v3  }
0x20b: {  	s0 =	simm.s32 $0x400;
	v3 =	vld.idx.msk [tilespmem:v2+s25+$0xF0 ss:$0x1], $0xffff  }
0x20c: {  	v11 =	vld.idx.msk [tilespmem:v2+s0+$0x80 ss:$0x1], $0xffff  }
0x20d: {  	[tilespmem:v1+s25+$0x60 ss:$0x1] =	vst.idx.msk $0xffff, v7;
	v7 =	vld.idx.msk [tilespmem:v9+s4+$0x0], $0xffff  }
0x20e: {  	v10 =	vld.idx.msk [tilespmem:v10+s4+$0x0], $0xffff  }
0x20f: {  	[tilespmem:v1+s28+$0x40 ss:$0x1] =	vst.idx.msk $0xffff, v6;
	v5 =	vld.idx.msk [tilespmem:v5+s4+$0x0], $0xffff  }
0x210: {  	v6 =	vld.idx.msk [tilespmem:v2+s28+$0x50 ss:$0x1], $0xffff  }
0x211: {  	v4 =	vld.idx.msk [tilespmem:v4+s4+$0x0], $0xffff  }
0x212: {  	[tilespmem:v1+s17+$0x90 ss:$0x1] =	vst.idx.msk $0xffff, v7;
	v7 =	vld.idx.msk [tilespmem:v8+s4+$0x0], $0xffff  }
0x213: {  	[tilespmem:v1+s17+$0x0 ss:$0x1] =	vst.idx.msk $0xffff, v10;
	v10 =	vld.idx.msk [tilespmem:v3+s4+$0x0], $0xffff  }
0x214: {  	[tilespmem:v1+s31+$0xB0 ss:$0x1] =	vst.idx.msk $0xffff, v5;
	v3 =	vld.idx.msk [tilespmem:v2+s17+$0x10 ss:$0x1], $0xffff  }
0x215: {  	v5 =	vld.idx.msk [tilespmem:v2+s31+$0xC0 ss:$0x1], $0xffff  }
0x216: {  	v8 =	vld.idx.msk [tilespmem:v2+s17+$0xA0 ss:$0x1], $0xffff;
	_ =	sdelay $0x1  }
0x217: {  	v6 =	vld.idx.msk [tilespmem:v6+s4+$0x0], $0xffff;
	[tilespmem:v1+s28+$0xD0 ss:$0x1] =	vst.idx.msk $0xffff, v4  }
0x218: {  	v4 =	vld.idx.msk [tilespmem:v2+s28+$0xE0 ss:$0x1], $0xffff  }
0x219: {  	v12 =	vld.idx.msk [tilespmem:v2+s0+$0x0 ss:$0x1], $0xffff  }
0x21a: {  	v11 =	vld.idx.msk [tilespmem:v11+s4+$0x0], $0xffff  }
0x21b: {  	v3 =	vld.idx.msk [tilespmem:v3+s4+$0x0], $0xffff  }
0x21c: {  	v5 =	vld.idx.msk [tilespmem:v5+s4+$0x0], $0xffff  }
0x21d: {  	[tilespmem:v1+s28+$0x50 ss:$0x1] =	vst.idx.msk $0xffff, v6;
	v6 =	vld.idx.msk [tilespmem:v8+s4+$0x0], $0xffff  }
0x21e: {  	[tilespmem:v1+s31+$0x30 ss:$0x1] =	vst.idx.msk $0xffff, v7;
	v8 =	vld.idx.msk [tilespmem:v2+s28+$0x60 ss:$0x1], $0xffff  }
0x21f: {  	v7 =	vld.idx.msk [tilespmem:v2+s31+$0x40 ss:$0x1], $0xffff  }
0x220: {  	[tilespmem:v1+s17+$0x10 ss:$0x1] =	vst.idx.msk $0xffff, v3;
	v3 =	vld.idx.msk [tilespmem:v4+s4+$0x0], $0xffff  }
0x221: {  	v4 =	vld.idx.msk [tilespmem:v2+s17+$0x20 ss:$0x1], $0xffff  }
0x222: {  	v12 =	vld.idx.msk [tilespmem:v12+s4+$0x0], $0xffff;
	[tilespmem:v1+s0+$0x80 ss:$0x1] =	vst.idx.msk $0xffff, v11  }
0x223: {  	v11 =	vld.idx.msk [tilespmem:v2+s0+$0x90 ss:$0x1], $0xffff;
	[tilespmem:v1+s31+$0xC0 ss:$0x1] =	vst.idx.msk $0xffff, v5  }
0x224: {  	[tilespmem:v1+s17+$0xA0 ss:$0x1] =	vst.idx.msk $0xffff, v6;
	v5 =	vld.idx.msk [tilespmem:v2+s31+$0xD0 ss:$0x1], $0xffff  }
0x225: {  	v6 =	vld.idx.msk [tilespmem:v2+s17+$0xB0 ss:$0x1], $0xffff  }
0x226: {  	v8 =	vld.idx.msk [tilespmem:v8+s4+$0x0], $0xffff  }
0x227: {  	v9 =	vld.idx.msk [tilespmem:v2+s25+$0x70 ss:$0x1], $0xffff  }
0x228: {  	v7 =	vld.idx.msk [tilespmem:v7+s4+$0x0], $0xffff  }
0x229: {  	[tilespmem:v1+s28+$0xE0 ss:$0x1] =	vst.idx.msk $0xffff, v3;
	v4 =	vld.idx.msk [tilespmem:v4+s4+$0x0], $0xffff  }
0x22a: {  	[tilespmem:v1+s0+$0x0 ss:$0x1] =	vst.idx.msk $0xffff, v12;
	v3 =	vld.idx.msk [tilespmem:v2+s28+$0xF0 ss:$0x1], $0xffff  }
0x22b: {  	[tilespmem:v1+s28+$0x60 ss:$0x1] =	vst.idx.msk $0xffff, v8;
	v8 =	vld.idx.msk [tilespmem:v11+s4+$0x0], $0xffff  }
0x22c: {  	v13 =	vld.idx.msk [tilespmem:v2+s0+$0x10 ss:$0x1], $0xffff  }
0x22d: {  	[tilespmem:v1+s31+$0x40 ss:$0x1] =	vst.idx.msk $0xffff, v7;
	v7 =	vld.idx.msk [tilespmem:v6+s4+$0x0], $0xffff  }
0x22e: {  	[tilespmem:v1+s17+$0x20 ss:$0x1] =	vst.idx.msk $0xffff, v4;
	v4 =	vld.idx.msk [tilespmem:v5+s4+$0x0], $0xffff  }
0x22f: {  	v6 =	vld.idx.msk [tilespmem:v2+s31+$0x50 ss:$0x1], $0xffff  }
0x230: {  	[tilespmem:v1+s0+$0x90 ss:$0x1] =	vst.idx.msk $0xffff, v8;
	v14 =	vld.idx.msk [tilespmem:v2+s17+$0x30 ss:$0x1], $0xffff  }
0x231: {  	[tilespmem:v1+s25+$0xF0 ss:$0x1] =	vst.idx.msk $0xffff, v10;
	v10 =	vld.idx.msk [tilespmem:v2+s0+$0xA0 ss:$0x1], $0xffff  }
0x232: {  	v63 =	vld.idx.msk [tilespmem:v3+s4+$0x0], $0xffff  }
0x233: {  	[tilespmem:v1+s31+$0xD0 ss:$0x1] =	vst.idx.msk $0xffff, v4;
	v4 =	vld.idx.msk [tilespmem:v9+s4+$0x0], $0xffff  }
0x234: {  	[tilespmem:v1+s17+$0xB0 ss:$0x1] =	vst.idx.msk $0xffff, v7;
	v5 =	vld.idx.msk [tilespmem:v2+s31+$0xE0 ss:$0x1], $0xffff  }
0x235: {  	v7 =	vld.idx.msk [tilespmem:v2+s17+$0xC0 ss:$0x1], $0xffff  }
0x236: {  	v9 =	vld.idx.msk [tilespmem:v13+s4+$0x0], $0xffff  }
0x237: {  	s23 =	sshll.u32 s2, $0xB;
	v3 =	vld.idx.msk [tilespmem:v2+s28+$0x70 ss:$0x1], $0xffff  }
0x238: {  	s20 =	simm.s32 $0x8;
	s2 =	simm.s32 $0x1400;
	s24 =	sadd.s32 $0x1B000, s23;
	[tilespmem:v1+s28+$0xF0 ss:$0x1] =	vst.idx.msk $0xffff, v63;
	v8 =	vld.idx.msk [tilespmem:v14+s4+$0x0], $0xffff  }
.LBB2_5:
0x239: {  	s29 =	sshra.s32 s2, $0x2;
	s20 =	sadd.s32 $0x2, s20;
	v6 =	vld.idx.msk [tilespmem:v6+s4+$0x0], $0xffff;
	[tilespmem:v1+s25+$0x70 ss:$0x1] =	vst.idx.msk $0xffff, v4;
	s25 =	smov.u32 s28  }
0x23a: {  	s28 =	smov.u32 s31;
	s31 =	smov.u32 s17;
	v4 =	vld.idx.msk [tilespmem:v2+s29+$0x80 ss:$0x1], $0xffff;
	p2 =	slt.u32 s20, $0xE  }
0x23b: {  	s17 =	smov.u32 s0;
	v11 =	vld.idx.msk [tilespmem:v2+s29+$0x0 ss:$0x1], $0xffff;
	[tilespmem:v1+s0+$0x10 ss:$0x1] =	vst.idx.msk $0xffff, v9;
	s0 =	smov.u32 s29  }
0x23c: {  	v5 =	vld.idx.msk [tilespmem:v5+s4+$0x0], $0xffff  }
0x23d: {  	v9 =	vld.idx.msk [tilespmem:v2+s17+$0x20 ss:$0x1], $0xffff;
	[tilespmem:v1+s31+$0x30 ss:$0x1] =	vst.idx.msk $0xffff, v8  }
0x23e: {  	v7 =	vld.idx.msk [tilespmem:v7+s4+$0x0], $0xffff  }
0x23f: {  	v8 =	vld.idx.msk [tilespmem:v2+s31+$0x40 ss:$0x1], $0xffff;
	[tilespmem:v1+s28+$0x50 ss:$0x1] =	vst.idx.msk $0xffff, v6  }
0x240: {  	v6 =	vld.idx.msk [tilespmem:v10+s4+$0x0], $0xffff  }
0x241: {  	v10 =	vld.idx.msk [tilespmem:v2+s28+$0x60 ss:$0x1], $0xffff  }
0x242: {  	v4 =	vld.idx.msk [tilespmem:v4+s4+$0x0], $0xffff;
	[tilespmem:v1+s28+$0xE0 ss:$0x1] =	vst.idx.msk $0xffff, v5  }
0x243: {  	v5 =	vld.idx.msk [tilespmem:v2+s28+$0xF0 ss:$0x1], $0xffff  }
0x244: {  	v11 =	vld.idx.msk [tilespmem:v11+s4+$0x0], $0xffff;
	[tilespmem:v1+s31+$0xC0 ss:$0x1] =	vst.idx.msk $0xffff, v7  }
0x245: {  	v7 =	vld.idx.msk [tilespmem:v2+s31+$0xD0 ss:$0x1], $0xffff  }
0x246: {  	v9 =	vld.idx.msk [tilespmem:v9+s4+$0x0], $0xffff;
	[tilespmem:v1+s17+$0xA0 ss:$0x1] =	vst.idx.msk $0xffff, v6  }
0x247: {  	v6 =	vld.idx.msk [tilespmem:v2+s17+$0xB0 ss:$0x1], $0xffff  }
0x248: {  	[tilespmem:v1+s0+$0x80 ss:$0x1] =	vst.idx.msk $0xffff, v4;
	v4 =	vld.idx.msk [tilespmem:v8+s4+$0x0], $0xffff  }
0x249: {  	v8 =	vld.idx.msk [tilespmem:v2+s0+$0x90 ss:$0x1], $0xffff  }
0x24a: {  	[tilespmem:v1+s0+$0x0 ss:$0x1] =	vst.idx.msk $0xffff, v11;
	v10 =	vld.idx.msk [tilespmem:v10+s4+$0x0], $0xffff  }
0x24b: {  	v5 =	vld.idx.msk [tilespmem:v5+s4+$0x0], $0xffff  }
0x24c: {  	v11 =	vld.idx.msk [tilespmem:v2+s0+$0x10 ss:$0x1], $0xffff;
	[tilespmem:v1+s17+$0x20 ss:$0x1] =	vst.idx.msk $0xffff, v9  }
0x24d: {  	v7 =	vld.idx.msk [tilespmem:v7+s4+$0x0], $0xffff  }
0x24e: {  	v12 =	vld.idx.msk [tilespmem:v2+s17+$0x30 ss:$0x1], $0xffff;
	[tilespmem:v1+s31+$0x40 ss:$0x1] =	vst.idx.msk $0xffff, v4  }
0x24f: {  	v13 =	vld.idx.msk [tilespmem:v6+s4+$0x0], $0xffff  }
0x250: {  	v6 =	vld.idx.msk [tilespmem:v2+s31+$0x50 ss:$0x1], $0xffff;
	[tilespmem:v1+s28+$0x60 ss:$0x1] =	vst.idx.msk $0xffff, v10  }
0x251: {  	v8 =	vld.idx.msk [tilespmem:v8+s4+$0x0], $0xffff;
	[tilespmem:v1+s28+$0xF0 ss:$0x1] =	vst.idx.msk $0xffff, v5  }
0x252: {  	v10 =	vld.idx.msk [tilespmem:v2+s28+$0x70 ss:$0x1], $0xffff  }
0x253: {  	[tilespmem:v1+s31+$0xD0 ss:$0x1] =	vst.idx.msk $0xffff, v7;
	v4 =	vld.idx.msk [tilespmem:v3+s4+$0x0], $0xffff  }
.Ltmp3:
0x254: {  	v5 =	vld.idx.msk [tilespmem:v2+s31+$0xE0 ss:$0x1], $0xffff;
	(pc) =	sbr.rel @p2 .LBB2_5-.Ltmp3, $4  }
0x255: {  	v9 =	vld.idx.msk [tilespmem:v11+s4+$0x0], $0xffff;
	[tilespmem:v1+s17+$0xB0 ss:$0x1] =	vst.idx.msk $0xffff, v13  }
0x256: {  	v7 =	vld.idx.msk [tilespmem:v2+s17+$0xC0 ss:$0x1], $0xffff  }
0x257: {  	[tilespmem:v1+s0+$0x90 ss:$0x1] =	vst.idx.msk $0xffff, v8;
	v8 =	vld.idx.msk [tilespmem:v12+s4+$0x0], $0xffff;
	v3 =	vmov v10  }
0x258: {  	s2 =	sadd.s32 $0x400, s2;
	v10 =	vld.idx.msk [tilespmem:v2+s0+$0xA0 ss:$0x1], $0xffff  }
0x259: {  	_ =	sdelay $0x3  }
0x25a: {  	[tilespmem:v1+s0+$0x10 ss:$0x1] =	vst.idx.msk $0xffff, v9  }
0x25b: {  	v9 =	vld.idx.msk [tilespmem:v2+s0+$0x20 ss:$0x1], $0xffff;
	_ =	sdelay $0x6  }
0x25c: {  	v10 =	vld.idx.msk [tilespmem:v10+s4+$0x0], $0xffff  }
0x25d: {  	v9 =	vld.idx.msk [tilespmem:v9+s4+$0x0], $0xffff;
	_ =	sdelay $0x3  }
0x25e: {  	[tilespmem:v1+s0+$0xA0 ss:$0x1] =	vst.idx.msk $0xffff, v10  }
0x25f: {  	v10 =	vld.idx.msk [tilespmem:v2+s0+$0xB0 ss:$0x1], $0xffff;
	[tilespmem:v1+s0+$0x20 ss:$0x1] =	vst.idx.msk $0xffff, v9  }
0x260: {  	v9 =	vld.idx.msk [tilespmem:v2+s0+$0x30 ss:$0x1], $0xffff;
	_ =	sdelay $0x6  }
0x261: {  	v10 =	vld.idx.msk [tilespmem:v10+s4+$0x0], $0xffff  }
0x262: {  	v9 =	vld.idx.msk [tilespmem:v9+s4+$0x0], $0xffff;
	_ =	sdelay $0x2  }
0x263: {  	[tilespmem:v1+s17+$0x30 ss:$0x1] =	vst.idx.msk $0xffff, v8  }
0x264: {  	v59 =	vld.idx.msk [tilespmem:v2+s17+$0x40 ss:$0x1], $0xffff;
	[tilespmem:v1+s0+$0xB0 ss:$0x1] =	vst.idx.msk $0xffff, v10  }
0x265: {  	v58 =	vld.idx.msk [tilespmem:v2+s0+$0xC0 ss:$0x1], $0xffff;
	[tilespmem:v1+s0+$0x30 ss:$0x1] =	vst.idx.msk $0xffff, v9  }
0x266: {  	v9 =	vld.idx.msk [tilespmem:v2+s0+$0x40 ss:$0x1], $0xffff;
	_ =	sdelay $0x4  }
0x267: {  	v7 =	vld.idx.msk [tilespmem:v7+s4+$0x0], $0xffff  }
0x268: {  	v10 =	vld.idx.msk [tilespmem:v59+s4+$0x0], $0xffff  }
0x269: {  	v8 =	vld.idx.msk [tilespmem:v58+s4+$0x0], $0xffff  }
0x26a: {  	v9 =	vld.idx.msk [tilespmem:v9+s4+$0x0], $0xffff;
	_ =	sdelay $0x1  }
0x26b: {  	[tilespmem:v1+s17+$0xC0 ss:$0x1] =	vst.idx.msk $0xffff, v7  }
0x26c: {  	v7 =	vld.idx.msk [tilespmem:v2+s17+$0xD0 ss:$0x1], $0xffff;
	[tilespmem:v1+s17+$0x40 ss:$0x1] =	vst.idx.msk $0xffff, v10  }
0x26d: {  	v10 =	vld.idx.msk [tilespmem:v2+s17+$0x50 ss:$0x1], $0xffff;
	[tilespmem:v1+s0+$0xC0 ss:$0x1] =	vst.idx.msk $0xffff, v8  }
0x26e: {  	v8 =	vld.idx.msk [tilespmem:v2+s0+$0xD0 ss:$0x1], $0xffff;
	[tilespmem:v1+s0+$0x40 ss:$0x1] =	vst.idx.msk $0xffff, v9  }
0x26f: {  	v9 =	vld.idx.msk [tilespmem:v2+s0+$0x50 ss:$0x1], $0xffff;
	_ =	sdelay $0x3  }
0x270: {  	v6 =	vld.idx.msk [tilespmem:v6+s4+$0x0], $0xffff  }
0x271: {  	v7 =	vld.idx.msk [tilespmem:v7+s4+$0x0], $0xffff  }
0x272: {  	v10 =	vld.idx.msk [tilespmem:v10+s4+$0x0], $0xffff  }
0x273: {  	v8 =	vld.idx.msk [tilespmem:v8+s4+$0x0], $0xffff  }
0x274: {  	v9 =	vld.idx.msk [tilespmem:v9+s4+$0x0], $0xffff  }
0x275: {  	[tilespmem:v1+s31+$0x50 ss:$0x1] =	vst.idx.msk $0xffff, v6  }
0x276: {  	v61 =	vld.idx.msk [tilespmem:v2+s31+$0x60 ss:$0x1], $0xffff;
	[tilespmem:v1+s17+$0xD0 ss:$0x1] =	vst.idx.msk $0xffff, v7  }
0x277: {  	v60 =	vld.idx.msk [tilespmem:v2+s17+$0xE0 ss:$0x1], $0xffff;
	[tilespmem:v1+s17+$0x50 ss:$0x1] =	vst.idx.msk $0xffff, v10  }
0x278: {  	v10 =	vld.idx.msk [tilespmem:v2+s17+$0x60 ss:$0x1], $0xffff;
	[tilespmem:v1+s0+$0xD0 ss:$0x1] =	vst.idx.msk $0xffff, v8  }
0x279: {  	v8 =	vld.idx.msk [tilespmem:v2+s0+$0xE0 ss:$0x1], $0xffff;
	[tilespmem:v1+s0+$0x50 ss:$0x1] =	vst.idx.msk $0xffff, v9  }
0x27a: {  	v9 =	vld.idx.msk [tilespmem:v2+s0+$0x60 ss:$0x1], $0xffff;
	_ =	sdelay $0x2  }
0x27b: {  	v5 =	vld.idx.msk [tilespmem:v5+s4+$0x0], $0xffff  }
0x27c: {  	v7 =	vld.idx.msk [tilespmem:v61+s4+$0x0], $0xffff  }
0x27d: {  	v6 =	vld.idx.msk [tilespmem:v60+s4+$0x0], $0xffff  }
0x27e: {  	v10 =	vld.idx.msk [tilespmem:v10+s4+$0x0], $0xffff  }
0x27f: {  	v8 =	vld.idx.msk [tilespmem:v8+s4+$0x0], $0xffff  }
0x280: {  	[tilespmem:v1+s31+$0xE0 ss:$0x1] =	vst.idx.msk $0xffff, v5;
	v9 =	vld.idx.msk [tilespmem:v9+s4+$0x0], $0xffff  }
0x281: {  	v5 =	vld.idx.msk [tilespmem:v2+s31+$0xF0 ss:$0x1], $0xffff;
	[tilespmem:v1+s31+$0x60 ss:$0x1] =	vst.idx.msk $0xffff, v7  }
0x282: {  	v7 =	vld.idx.msk [tilespmem:v2+s31+$0x70 ss:$0x1], $0xffff;
	[tilespmem:v1+s17+$0xE0 ss:$0x1] =	vst.idx.msk $0xffff, v6  }
0x283: {  	v6 =	vld.idx.msk [tilespmem:v2+s17+$0xF0 ss:$0x1], $0xffff;
	[tilespmem:v1+s17+$0x60 ss:$0x1] =	vst.idx.msk $0xffff, v10  }
0x284: {  	v10 =	vld.idx.msk [tilespmem:v2+s17+$0x70 ss:$0x1], $0xffff;
	[tilespmem:v1+s0+$0xE0 ss:$0x1] =	vst.idx.msk $0xffff, v8  }
0x285: {  	v8 =	vld.idx.msk [tilespmem:v2+s0+$0xF0 ss:$0x1], $0xffff;
	[tilespmem:v1+s0+$0x60 ss:$0x1] =	vst.idx.msk $0xffff, v9  }
0x286: {  	v2 =	vld.idx.msk [tilespmem:v2+s0+$0x70 ss:$0x1], $0xffff;
	_ =	sdelay $0x1  }
0x287: {  	v3 =	vld.idx.msk [tilespmem:v3+s4+$0x0], $0xffff  }
0x288: {  	v5 =	vld.idx.msk [tilespmem:v5+s4+$0x0], $0xffff  }
0x289: {  	v7 =	vld.idx.msk [tilespmem:v7+s4+$0x0], $0xffff  }
0x28a: {  	v6 =	vld.idx.msk [tilespmem:v6+s4+$0x0], $0xffff  }
0x28b: {  	[tilespmem:v1+s25+$0x70 ss:$0x1] =	vst.idx.msk $0xffff, v4;
	v63 =	vld.idx.msk [tilespmem:v10+s4+$0x0], $0xffff  }
0x28c: {  	[tilespmem:v1+s28+$0x70 ss:$0x1] =	vst.idx.msk $0xffff, v3;
	v62 =	vld.idx.msk [tilespmem:v8+s4+$0x0], $0xffff  }
0x28d: {  	[tilespmem:v1+s31+$0xF0 ss:$0x1] =	vst.idx.msk $0xffff, v5;
	v2 =	vld.idx.msk [tilespmem:v2+s4+$0x0], $0xffff  }
0x28e: {  	[tilespmem:v1+s31+$0x70 ss:$0x1] =	vst.idx.msk $0xffff, v7  }
0x28f: {  	[tilespmem:v1+s17+$0xF0 ss:$0x1] =	vst.idx.msk $0xffff, v6  }
0x290: {  	[tilespmem:v1+s17+$0x70 ss:$0x1] =	vst.idx.msk $0xffff, v63  }
0x291: {  	[tilespmem:v1+s0+$0xF0 ss:$0x1] =	vst.idx.msk $0xffff, v62  }
0x292: {  	s20 =	sadd.s32 $0x19800, s23;
	[tilespmem:v1+s0+$0x70 ss:$0x1] =	vst.idx.msk $0xffff, v2  }
0x293: {  	[spmem:s1] =	stream.indirect.scatter.add.f32 [tilespmem:s24], [sflag:$0x2], $0x1, s20, s26, $0xb8;
	[tilespmem:$0x1F980] =	vst v63  }
0x294: {  	_ = 	snop  }
0x295: {  	[spmem:s3] =	stream.indirect.scatter.add.f32 [tilespmem:s30], [sflag:$0x2], $0x1, s20, s26, $0xb8;
	[tilespmem:$0x1F980] =	vst v63  }
0x296: {  	s2 =	sadd.s32 $0x19880, s23;
	s24 =	sadd.s32 $0x1B080, s23  }
0x297: {  	[spmem:s1] =	stream.indirect.scatter.add.f32 [tilespmem:s24], [sflag:$0x2], $0x1, s2, s26, $0xb8;
	[tilespmem:$0x1F980] =	vst v63  }
0x298: {  	_ = 	snop  }
0x299: {  	[spmem:s3] =	stream.indirect.scatter.add.f32 [tilespmem:s30], [sflag:$0x2], $0x1, s2, s26, $0xb8;
	[tilespmem:$0x1F980] =	vst v63  }
0x29a: {  	s25 =	sadd.s32 $0x1B100, s23;
	s28 =	sadd.s32 $0x19900, s23  }
0x29b: {  	[spmem:s1] =	stream.indirect.scatter.add.f32 [tilespmem:s25], [sflag:$0x2], $0x1, s28, s26, $0xb8;
	[tilespmem:$0x1F980] =	vst v63  }
0x29c: {  	_ = 	snop  }
0x29d: {  	[spmem:s3] =	stream.indirect.scatter.add.f32 [tilespmem:s30], [sflag:$0x2], $0x1, s28, s26, $0xb8;
	[tilespmem:$0x1F980] =	vst v63  }
0x29e: {  	s29 =	sadd.s32 $0x1B180, s23;
	s31 =	sadd.s32 $0x19980, s23  }
0x29f: {  	[spmem:s1] =	stream.indirect.scatter.add.f32 [tilespmem:s29], [sflag:$0x2], $0x1, s31, s26, $0xb8;
	[tilespmem:$0x1F980] =	vst v63  }
0x2a0: {  	_ = 	snop  }
0x2a1: {  	[spmem:s3] =	stream.indirect.scatter.add.f32 [tilespmem:s30], [sflag:$0x2], $0x1, s31, s26, $0xb8;
	[tilespmem:$0x1F980] =	vst v63  }
0x2a2: {  	s17 =	sadd.s32 $0x19A00, s23;
	s2 =	sadd.s32 $0x1B200, s23  }
0x2a3: {  	[spmem:s1] =	stream.indirect.scatter.add.f32 [tilespmem:s2], [sflag:$0x2], $0x1, s17, s26, $0xb8;
	[tilespmem:$0x1F980] =	vst v63  }
0x2a4: {  	_ = 	snop  }
0x2a5: {  	[spmem:s3] =	stream.indirect.scatter.add.f32 [tilespmem:s30], [sflag:$0x2], $0x1, s17, s26, $0xb8;
	[tilespmem:$0x1F980] =	vst v63  }
0x2a6: {  	s20 =	sadd.s32 $0x1B280, s23;
	s24 =	sadd.s32 $0x19A80, s23  }
0x2a7: {  	[spmem:s1] =	stream.indirect.scatter.add.f32 [tilespmem:s20], [sflag:$0x2], $0x1, s24, s26, $0xb8;
	[tilespmem:$0x1F980] =	vst v63  }
0x2a8: {  	_ = 	snop  }
0x2a9: {  	[spmem:s3] =	stream.indirect.scatter.add.f32 [tilespmem:s30], [sflag:$0x2], $0x1, s24, s26, $0xb8;
	[tilespmem:$0x1F980] =	vst v63  }
0x2aa: {  	s25 =	sadd.s32 $0x1B300, s23;
	s28 =	sadd.s32 $0x19B00, s23  }
0x2ab: {  	[spmem:s1] =	stream.indirect.scatter.add.f32 [tilespmem:s25], [sflag:$0x2], $0x1, s28, s26, $0xb8;
	[tilespmem:$0x1F980] =	vst v63  }
0x2ac: {  	_ = 	snop  }
0x2ad: {  	[spmem:s3] =	stream.indirect.scatter.add.f32 [tilespmem:s30], [sflag:$0x2], $0x1, s28, s26, $0xb8;
	[tilespmem:$0x1F980] =	vst v63  }
0x2ae: {  	s29 =	sadd.s32 $0x1B380, s23;
	s31 =	sadd.s32 $0x19B80, s23  }
0x2af: {  	[spmem:s1] =	stream.indirect.scatter.add.f32 [tilespmem:s29], [sflag:$0x2], $0x1, s31, s26, $0xb8;
	[tilespmem:$0x1F980] =	vst v63  }
0x2b0: {  	_ = 	snop  }
0x2b1: {  	[spmem:s3] =	stream.indirect.scatter.add.f32 [tilespmem:s30], [sflag:$0x2], $0x1, s31, s26, $0xb8;
	[tilespmem:$0x1F980] =	vst v63  }
0x2b2: {  	s2 =	sadd.s32 $0x1B400, s23;
	s17 =	sadd.s32 $0x19C00, s23  }
0x2b3: {  	[spmem:s1] =	stream.indirect.scatter.add.f32 [tilespmem:s2], [sflag:$0x2], $0x1, s17, s26, $0xb8;
	[tilespmem:$0x1F980] =	vst v63  }
0x2b4: {  	_ = 	snop  }
0x2b5: {  	[spmem:s3] =	stream.indirect.scatter.add.f32 [tilespmem:s30], [sflag:$0x2], $0x1, s17, s26, $0xb8;
	[tilespmem:$0x1F980] =	vst v63  }
0x2b6: {  	s20 =	sadd.s32 $0x1B480, s23;
	s24 =	sadd.s32 $0x19C80, s23  }
0x2b7: {  	[spmem:s1] =	stream.indirect.scatter.add.f32 [tilespmem:s20], [sflag:$0x2], $0x1, s24, s26, $0xb8;
	[tilespmem:$0x1F980] =	vst v63  }
0x2b8: {  	_ = 	snop  }
0x2b9: {  	[spmem:s3] =	stream.indirect.scatter.add.f32 [tilespmem:s30], [sflag:$0x2], $0x1, s24, s26, $0xb8;
	[tilespmem:$0x1F980] =	vst v63  }
0x2ba: {  	s25 =	sadd.s32 $0x1B500, s23;
	s28 =	sadd.s32 $0x19D00, s23  }
0x2bb: {  	[spmem:s1] =	stream.indirect.scatter.add.f32 [tilespmem:s25], [sflag:$0x2], $0x1, s28, s26, $0xb8;
	[tilespmem:$0x1F980] =	vst v63  }
0x2bc: {  	_ = 	snop  }
0x2bd: {  	[spmem:s3] =	stream.indirect.scatter.add.f32 [tilespmem:s30], [sflag:$0x2], $0x1, s28, s26, $0xb8;
	[tilespmem:$0x1F980] =	vst v63  }
0x2be: {  	s29 =	sadd.s32 $0x1B580, s23;
	s31 =	sadd.s32 $0x19D80, s23  }
0x2bf: {  	[spmem:s1] =	stream.indirect.scatter.add.f32 [tilespmem:s29], [sflag:$0x2], $0x1, s31, s26, $0xb8;
	[tilespmem:$0x1F980] =	vst v63  }
0x2c0: {  	_ = 	snop  }
0x2c1: {  	[spmem:s3] =	stream.indirect.scatter.add.f32 [tilespmem:s30], [sflag:$0x2], $0x1, s31, s26, $0xb8;
	[tilespmem:$0x1F980] =	vst v63  }
0x2c2: {  	s2 =	sadd.s32 $0x1B600, s23;
	s17 =	sadd.s32 $0x19E00, s23  }
0x2c3: {  	[spmem:s1] =	stream.indirect.scatter.add.f32 [tilespmem:s2], [sflag:$0x2], $0x1, s17, s26, $0xb8;
	[tilespmem:$0x1F980] =	vst v63  }
0x2c4: {  	_ = 	snop  }
0x2c5: {  	[spmem:s3] =	stream.indirect.scatter.add.f32 [tilespmem:s30], [sflag:$0x2], $0x1, s17, s26, $0xb8;
	[tilespmem:$0x1F980] =	vst v63  }
0x2c6: {  	s20 =	sadd.s32 $0x1B680, s23;
	s24 =	sadd.s32 $0x19E80, s23  }
0x2c7: {  	[spmem:s1] =	stream.indirect.scatter.add.f32 [tilespmem:s20], [sflag:$0x2], $0x1, s24, s26, $0xb8;
	[tilespmem:$0x1F980] =	vst v63  }
0x2c8: {  	_ = 	snop  }
0x2c9: {  	[spmem:s3] =	stream.indirect.scatter.add.f32 [tilespmem:s30], [sflag:$0x2], $0x1, s24, s26, $0xb8;
	[tilespmem:$0x1F980] =	vst v63  }
0x2ca: {  	s25 =	sadd.s32 $0x1B700, s23;
	s28 =	sadd.s32 $0x19F00, s23  }
0x2cb: {  	[spmem:s1] =	stream.indirect.scatter.add.f32 [tilespmem:s25], [sflag:$0x2], $0x1, s28, s26, $0xb8;
	[tilespmem:$0x1F980] =	vst v63  }
0x2cc: {  	p2 =	seq.s32 s21, s6  }
0x2cd: {  	[spmem:s3] =	stream.indirect.scatter.add.f32 [tilespmem:s30], [sflag:$0x2], $0x1, s28, s26, $0xb8;
	[tilespmem:$0x1F980] =	vst v63  }
.Ltmp4:
0x2ce: {  	_ = 	snop;
	(pc) =	sbr.rel @!p2 .LBB2_2-.Ltmp4, $4  }
0x2cf: {  	s29 =	sadd.s32 $0x1B780, s23;
	s31 =	sadd.s32 $0x19F80, s23  }
0x2d0: {  	[spmem:s1] =	stream.indirect.scatter.add.f32 [tilespmem:s29], [sflag:$0x2], $0x1, s31, s26, $0xb8;
	[tilespmem:$0x1F980] =	vst v63  }
0x2d1: {  	s13 =	sadd.s32 $0x800, s13;
	p1 =	por !p1, !p1  }
0x2d2: {  	[spmem:s3] =	stream.indirect.scatter.add.f32 [tilespmem:s30], [sflag:$0x2], $0x1, s31, s26, $0xb8;
	[tilespmem:$0x1F980] =	vst v63  }
.Ltmp5:
0x2d3: {  	(pc) =	sbr.rel @p0 .LBB2_9-.Ltmp5, $1  }
0x2d4: {  	_ =	sdelay $0x3  }
0x2d5: {  	s0 =	rddreg [dreg:$0x9];
	s2 =	simm.s32 $0x19000  }
0x2d6: {  	[tilespmem:s2], [sflag:$0x3] =	stream.linear.gather [hbm4b:s0+s4], $0x400, $0x38;
	[tilespmem:$0x1F980] =	vst v63  }
0x2d7: {  	_ =	swait.ge [sflag:s18], $0x400  }
0x2d8: {  	[sflag:s18] =	ssyncset.done $0x0  }
0x2d9: {  	s2 =	rddreg [dreg:$0xa];
	[sflag:s18] =	ssyncadd.s32 $0xFFFFFC00  }
0x2da: {  	[tilespmem:s16], [sflag:$0x3] =	stream.linear.gather [hbm4b:s2+s4], $0x400, $0x38;
	[tilespmem:$0x1F980] =	vst v63  }
0x2db: {  	_ =	swait.ge [sflag:s18], $0x400  }
0x2dc: {  	[sflag:s18] =	ssyncset.done $0x0  }
0x2dd: {  	[sflag:s18] =	ssyncadd.s32 $0xFFFFFC00  }
0x2de: {  	v1 =	vld [tilespmem:$0x19000];
	_ =	sdelay $0x7  }
0x2df: {  	v1 =	vld.idx.msk [tilespmem:v1+s4+$0x0], $0xffff;
	_ =	sdelay $0x4  }
0x2e0: {  	[tilespmem:s14+$0x1B000] =	vst v1  }
0x2e1: {  	v1 =	vld [tilespmem:$0x19010];
	_ =	sdelay $0x7  }
0x2e2: {  	v1 =	vld.idx.msk [tilespmem:v1+s4+$0x0], $0xffff;
	_ =	sdelay $0x4  }
0x2e3: {  	[tilespmem:s14+$0x1B010] =	vst v1  }
0x2e4: {  	v1 =	vld [tilespmem:$0x19020];
	_ =	sdelay $0x7  }
0x2e5: {  	v1 =	vld.idx.msk [tilespmem:v1+s4+$0x0], $0xffff;
	_ =	sdelay $0x4  }
0x2e6: {  	[tilespmem:s14+$0x1B020] =	vst v1  }
0x2e7: {  	v1 =	vld [tilespmem:$0x19030];
	_ =	sdelay $0x7  }
0x2e8: {  	v1 =	vld.idx.msk [tilespmem:v1+s4+$0x0], $0xffff;
	_ =	sdelay $0x4  }
0x2e9: {  	[tilespmem:s14+$0x1B030] =	vst v1  }
0x2ea: {  	v1 =	vld [tilespmem:$0x19040];
	_ =	sdelay $0x7  }
0x2eb: {  	v1 =	vld.idx.msk [tilespmem:v1+s4+$0x0], $0xffff;
	_ =	sdelay $0x4  }
0x2ec: {  	[tilespmem:s14+$0x1B040] =	vst v1  }
0x2ed: {  	v1 =	vld [tilespmem:$0x19050];
	_ =	sdelay $0x7  }
0x2ee: {  	v1 =	vld.idx.msk [tilespmem:v1+s4+$0x0], $0xffff;
	_ =	sdelay $0x4  }
0x2ef: {  	[tilespmem:s14+$0x1B050] =	vst v1  }
0x2f0: {  	v1 =	vld [tilespmem:$0x19060];
	_ =	sdelay $0x7  }
0x2f1: {  	v1 =	vld.idx.msk [tilespmem:v1+s4+$0x0], $0xffff;
	_ =	sdelay $0x4  }
0x2f2: {  	[tilespmem:s14+$0x1B060] =	vst v1  }
0x2f3: {  	v1 =	vld [tilespmem:$0x19070];
	_ =	sdelay $0x7  }
0x2f4: {  	v1 =	vld.idx.msk [tilespmem:v1+s4+$0x0], $0xffff;
	_ =	sdelay $0x4  }
0x2f5: {  	s13 =	rddreg [dreg:$0xb];
	[tilespmem:s14+$0x1B070] =	vst v1  }
0x2f6: {  	[spmem:s1] =	stream.indirect.scatter.add.f32 [tilespmem:s13], [sflag:$0x2], $0x1, s16, s26, $0xb8;
	[tilespmem:$0x1F980] =	vst v63  }
0x2f7: {  	_ = 	snop  }
0x2f8: {  	[spmem:s3] =	stream.indirect.scatter.add.f32 [tilespmem:s30], [sflag:$0x2], $0x1, s16, s26, $0xb8;
	[tilespmem:$0x1F980] =	vst v63  }
0x2f9: {  	v1 =	vld [tilespmem:$0x19080];
	_ =	sdelay $0x7  }
0x2fa: {  	v1 =	vld.idx.msk [tilespmem:v1+s4+$0x0], $0xffff;
	_ =	sdelay $0x3  }
0x2fb: {  	s17 =	rddreg [dreg:$0xc]  }
0x2fc: {  	[tilespmem:s17+$0x1B000] =	vst v1  }
0x2fd: {  	v1 =	vld [tilespmem:$0x19090];
	_ =	sdelay $0x7  }
0x2fe: {  	v1 =	vld.idx.msk [tilespmem:v1+s4+$0x0], $0xffff;
	_ =	sdelay $0x4  }
0x2ff: {  	[tilespmem:s14+$0x1B090] =	vst v1  }
0x300: {  	v1 =	vld [tilespmem:$0x190A0];
	_ =	sdelay $0x7  }
0x301: {  	v1 =	vld.idx.msk [tilespmem:v1+s4+$0x0], $0xffff;
	_ =	sdelay $0x4  }
0x302: {  	[tilespmem:s14+$0x1B0A0] =	vst v1  }
0x303: {  	v1 =	vld [tilespmem:$0x190B0];
	_ =	sdelay $0x7  }
0x304: {  	v1 =	vld.idx.msk [tilespmem:v1+s4+$0x0], $0xffff;
	_ =	sdelay $0x4  }
0x305: {  	[tilespmem:s14+$0x1B0B0] =	vst v1  }
0x306: {  	v1 =	vld [tilespmem:$0x190C0];
	_ =	sdelay $0x7  }
0x307: {  	v1 =	vld.idx.msk [tilespmem:v1+s4+$0x0], $0xffff;
	_ =	sdelay $0x4  }
0x308: {  	[tilespmem:s14+$0x1B0C0] =	vst v1  }
0x309: {  	v1 =	vld [tilespmem:$0x190D0];
	_ =	sdelay $0x7  }
0x30a: {  	v1 =	vld.idx.msk [tilespmem:v1+s4+$0x0], $0xffff;
	_ =	sdelay $0x4  }
0x30b: {  	[tilespmem:s14+$0x1B0D0] =	vst v1  }
0x30c: {  	v1 =	vld [tilespmem:$0x190E0];
	_ =	sdelay $0x7  }
0x30d: {  	v1 =	vld.idx.msk [tilespmem:v1+s4+$0x0], $0xffff;
	_ =	sdelay $0x4  }
0x30e: {  	[tilespmem:s14+$0x1B0E0] =	vst v1  }
0x30f: {  	v1 =	vld [tilespmem:$0x190F0];
	_ =	sdelay $0x7  }
0x310: {  	v1 =	vld.idx.msk [tilespmem:v1+s4+$0x0], $0xffff;
	_ =	sdelay $0x3  }
0x311: {  	s20 =	rddreg [dreg:$0xd]  }
0x312: {  	s21 =	rddreg [dreg:$0xe];
	[tilespmem:s14+$0x1B0F0] =	vst v1  }
0x313: {  	[spmem:s1] =	stream.indirect.scatter.add.f32 [tilespmem:s20], [sflag:$0x2], $0x1, s21, s26, $0xb8;
	[tilespmem:$0x1F980] =	vst v63  }
0x314: {  	_ = 	snop  }
0x315: {  	[spmem:s3] =	stream.indirect.scatter.add.f32 [tilespmem:s30], [sflag:$0x2], $0x1, s21, s26, $0xb8;
	[tilespmem:$0x1F980] =	vst v63  }
0x316: {  	v1 =	vld [tilespmem:$0x19100];
	_ =	sdelay $0x7  }
0x317: {  	v1 =	vld.idx.msk [tilespmem:v1+s4+$0x0], $0xffff;
	_ =	sdelay $0x3  }
0x318: {  	s23 =	rddreg [dreg:$0xf]  }
0x319: {  	[tilespmem:s23+$0x1B000] =	vst v1  }
0x31a: {  	v1 =	vld [tilespmem:$0x19110];
	_ =	sdelay $0x7  }
0x31b: {  	v1 =	vld.idx.msk [tilespmem:v1+s4+$0x0], $0xffff;
	_ =	sdelay $0x4  }
0x31c: {  	[tilespmem:s14+$0x1B110] =	vst v1  }
0x31d: {  	v1 =	vld [tilespmem:$0x19120];
	_ =	sdelay $0x7  }
0x31e: {  	v1 =	vld.idx.msk [tilespmem:v1+s4+$0x0], $0xffff;
	_ =	sdelay $0x4  }
0x31f: {  	[tilespmem:s14+$0x1B120] =	vst v1  }
0x320: {  	v1 =	vld [tilespmem:$0x19130];
	_ =	sdelay $0x7  }
0x321: {  	v1 =	vld.idx.msk [tilespmem:v1+s4+$0x0], $0xffff;
	_ =	sdelay $0x4  }
0x322: {  	[tilespmem:s14+$0x1B130] =	vst v1  }
0x323: {  	v1 =	vld [tilespmem:$0x19140];
	_ =	sdelay $0x7  }
0x324: {  	v1 =	vld.idx.msk [tilespmem:v1+s4+$0x0], $0xffff;
	_ =	sdelay $0x4  }
0x325: {  	[tilespmem:s14+$0x1B140] =	vst v1  }
0x326: {  	v1 =	vld [tilespmem:$0x19150];
	_ =	sdelay $0x7  }
0x327: {  	v1 =	vld.idx.msk [tilespmem:v1+s4+$0x0], $0xffff;
	_ =	sdelay $0x4  }
0x328: {  	[tilespmem:s14+$0x1B150] =	vst v1  }
0x329: {  	v1 =	vld [tilespmem:$0x19160];
	_ =	sdelay $0x7  }
0x32a: {  	v1 =	vld.idx.msk [tilespmem:v1+s4+$0x0], $0xffff;
	_ =	sdelay $0x4  }
0x32b: {  	[tilespmem:s14+$0x1B160] =	vst v1  }
0x32c: {  	v1 =	vld [tilespmem:$0x19170];
	_ =	sdelay $0x7  }
0x32d: {  	v1 =	vld.idx.msk [tilespmem:v1+s4+$0x0], $0xffff;
	_ =	sdelay $0x3  }
0x32e: {  	s24 =	rddreg [dreg:$0x13]  }
0x32f: {  	s25 =	rddreg [dreg:$0x14];
	[tilespmem:s14+$0x1B170] =	vst v1  }
0x330: {  	[spmem:s1] =	stream.indirect.scatter.add.f32 [tilespmem:s24], [sflag:$0x2], $0x1, s25, s26, $0xb8;
	[tilespmem:$0x1F980] =	vst v63  }
0x331: {  	_ = 	snop  }
0x332: {  	[spmem:s3] =	stream.indirect.scatter.add.f32 [tilespmem:s30], [sflag:$0x2], $0x1, s25, s26, $0xb8;
	[tilespmem:$0x1F980] =	vst v63  }
0x333: {  	v1 =	vld [tilespmem:$0x19180];
	_ =	sdelay $0x7  }
0x334: {  	v1 =	vld.idx.msk [tilespmem:v1+s4+$0x0], $0xffff;
	_ =	sdelay $0x3  }
0x335: {  	s28 =	rddreg [dreg:$0x15]  }
0x336: {  	[tilespmem:s28+$0x1B000] =	vst v1  }
0x337: {  	v1 =	vld [tilespmem:$0x19190];
	_ =	sdelay $0x7  }
0x338: {  	v1 =	vld.idx.msk [tilespmem:v1+s4+$0x0], $0xffff;
	_ =	sdelay $0x4  }
0x339: {  	[tilespmem:s14+$0x1B190] =	vst v1  }
0x33a: {  	v1 =	vld [tilespmem:$0x191A0];
	_ =	sdelay $0x7  }
0x33b: {  	v1 =	vld.idx.msk [tilespmem:v1+s4+$0x0], $0xffff;
	_ =	sdelay $0x4  }
0x33c: {  	[tilespmem:s14+$0x1B1A0] =	vst v1  }
0x33d: {  	v1 =	vld [tilespmem:$0x191B0];
	_ =	sdelay $0x7  }
0x33e: {  	v1 =	vld.idx.msk [tilespmem:v1+s4+$0x0], $0xffff;
	_ =	sdelay $0x4  }
0x33f: {  	[tilespmem:s14+$0x1B1B0] =	vst v1  }
0x340: {  	v1 =	vld [tilespmem:$0x191C0];
	_ =	sdelay $0x7  }
0x341: {  	v1 =	vld.idx.msk [tilespmem:v1+s4+$0x0], $0xffff;
	_ =	sdelay $0x4  }
0x342: {  	[tilespmem:s14+$0x1B1C0] =	vst v1  }
0x343: {  	v1 =	vld [tilespmem:$0x191D0];
	_ =	sdelay $0x7  }
0x344: {  	v1 =	vld.idx.msk [tilespmem:v1+s4+$0x0], $0xffff;
	_ =	sdelay $0x4  }
0x345: {  	[tilespmem:s14+$0x1B1D0] =	vst v1  }
0x346: {  	v1 =	vld [tilespmem:$0x191E0];
	_ =	sdelay $0x7  }
0x347: {  	v1 =	vld.idx.msk [tilespmem:v1+s4+$0x0], $0xffff;
	_ =	sdelay $0x4  }
0x348: {  	[tilespmem:s14+$0x1B1E0] =	vst v1  }
0x349: {  	v1 =	vld [tilespmem:$0x191F0];
	_ =	sdelay $0x7  }
0x34a: {  	v1 =	vld.idx.msk [tilespmem:v1+s4+$0x0], $0xffff;
	_ =	sdelay $0x3  }
0x34b: {  	s29 =	rddreg [dreg:$0x16]  }
0x34c: {  	s31 =	rddreg [dreg:$0x17];
	[tilespmem:s14+$0x1B1F0] =	vst v1  }
0x34d: {  	[spmem:s1] =	stream.indirect.scatter.add.f32 [tilespmem:s29], [sflag:$0x2], $0x1, s31, s26, $0xb8;
	[tilespmem:$0x1F980] =	vst v63  }
0x34e: {  	_ = 	snop  }
0x34f: {  	[spmem:s3] =	stream.indirect.scatter.add.f32 [tilespmem:s30], [sflag:$0x2], $0x1, s31, s26, $0xb8;
	[tilespmem:$0x1F980] =	vst v63  }
0x350: {  	v1 =	vld [tilespmem:$0x19200];
	_ =	sdelay $0x7  }
0x351: {  	v1 =	vld.idx.msk [tilespmem:v1+s4+$0x0], $0xffff;
	_ =	sdelay $0x3  }
0x352: {  	s2 =	rddreg [dreg:$0x18]  }
0x353: {  	[tilespmem:s2+$0x1B000] =	vst v1  }
0x354: {  	v1 =	vld [tilespmem:$0x19210];
	_ =	sdelay $0x7  }
0x355: {  	v1 =	vld.idx.msk [tilespmem:v1+s4+$0x0], $0xffff;
	_ =	sdelay $0x4  }
0x356: {  	[tilespmem:s14+$0x1B210] =	vst v1  }
0x357: {  	v1 =	vld [tilespmem:$0x19220];
	_ =	sdelay $0x7  }
0x358: {  	v1 =	vld.idx.msk [tilespmem:v1+s4+$0x0], $0xffff;
	_ =	sdelay $0x4  }
0x359: {  	[tilespmem:s14+$0x1B220] =	vst v1  }
0x35a: {  	v1 =	vld [tilespmem:$0x19230];
	_ =	sdelay $0x7  }
0x35b: {  	v1 =	vld.idx.msk [tilespmem:v1+s4+$0x0], $0xffff;
	_ =	sdelay $0x4  }
0x35c: {  	[tilespmem:s14+$0x1B230] =	vst v1  }
0x35d: {  	v1 =	vld [tilespmem:$0x19240];
	_ =	sdelay $0x7  }
0x35e: {  	v1 =	vld.idx.msk [tilespmem:v1+s4+$0x0], $0xffff;
	_ =	sdelay $0x4  }
0x35f: {  	[tilespmem:s14+$0x1B240] =	vst v1  }
0x360: {  	v1 =	vld [tilespmem:$0x19250];
	_ =	sdelay $0x7  }
0x361: {  	v1 =	vld.idx.msk [tilespmem:v1+s4+$0x0], $0xffff;
	_ =	sdelay $0x4  }
0x362: {  	[tilespmem:s14+$0x1B250] =	vst v1  }
0x363: {  	v1 =	vld [tilespmem:$0x19260];
	_ =	sdelay $0x7  }
0x364: {  	v1 =	vld.idx.msk [tilespmem:v1+s4+$0x0], $0xffff;
	_ =	sdelay $0x4  }
0x365: {  	[tilespmem:s14+$0x1B260] =	vst v1  }
0x366: {  	v1 =	vld [tilespmem:$0x19270];
	_ =	sdelay $0x7  }
0x367: {  	v1 =	vld.idx.msk [tilespmem:v1+s4+$0x0], $0xffff;
	_ =	sdelay $0x3  }
0x368: {  	s13 =	rddreg [dreg:$0x19]  }
0x369: {  	s17 =	rddreg [dreg:$0x1a];
	[tilespmem:s14+$0x1B270] =	vst v1  }
0x36a: {  	[spmem:s1] =	stream.indirect.scatter.add.f32 [tilespmem:s13], [sflag:$0x2], $0x1, s17, s26, $0xb8;
	[tilespmem:$0x1F980] =	vst v63  }
0x36b: {  	_ = 	snop  }
0x36c: {  	[spmem:s3] =	stream.indirect.scatter.add.f32 [tilespmem:s30], [sflag:$0x2], $0x1, s17, s26, $0xb8;
	[tilespmem:$0x1F980] =	vst v63  }
0x36d: {  	v1 =	vld [tilespmem:$0x19280];
	_ =	sdelay $0x7  }
0x36e: {  	v1 =	vld.idx.msk [tilespmem:v1+s4+$0x0], $0xffff;
	_ =	sdelay $0x3  }
0x36f: {  	s20 =	rddreg [dreg:$0x1b]  }
0x370: {  	[tilespmem:s20+$0x1B000] =	vst v1  }
0x371: {  	v1 =	vld [tilespmem:$0x19290];
	_ =	sdelay $0x7  }
0x372: {  	v1 =	vld.idx.msk [tilespmem:v1+s4+$0x0], $0xffff;
	_ =	sdelay $0x4  }
0x373: {  	[tilespmem:s14+$0x1B290] =	vst v1  }
0x374: {  	v1 =	vld [tilespmem:$0x192A0];
	_ =	sdelay $0x7  }
0x375: {  	v1 =	vld.idx.msk [tilespmem:v1+s4+$0x0], $0xffff;
	_ =	sdelay $0x4  }
0x376: {  	[tilespmem:s14+$0x1B2A0] =	vst v1  }
0x377: {  	v1 =	vld [tilespmem:$0x192B0];
	_ =	sdelay $0x7  }
0x378: {  	v1 =	vld.idx.msk [tilespmem:v1+s4+$0x0], $0xffff;
	_ =	sdelay $0x4  }
0x379: {  	[tilespmem:s14+$0x1B2B0] =	vst v1  }
0x37a: {  	v1 =	vld [tilespmem:$0x192C0];
	_ =	sdelay $0x7  }
0x37b: {  	v1 =	vld.idx.msk [tilespmem:v1+s4+$0x0], $0xffff;
	_ =	sdelay $0x4  }
0x37c: {  	[tilespmem:s14+$0x1B2C0] =	vst v1  }
0x37d: {  	v1 =	vld [tilespmem:$0x192D0];
	_ =	sdelay $0x7  }
0x37e: {  	v1 =	vld.idx.msk [tilespmem:v1+s4+$0x0], $0xffff;
	_ =	sdelay $0x4  }
0x37f: {  	[tilespmem:s14+$0x1B2D0] =	vst v1  }
0x380: {  	v1 =	vld [tilespmem:$0x192E0];
	_ =	sdelay $0x7  }
0x381: {  	v1 =	vld.idx.msk [tilespmem:v1+s4+$0x0], $0xffff;
	_ =	sdelay $0x4  }
0x382: {  	[tilespmem:s14+$0x1B2E0] =	vst v1  }
0x383: {  	v1 =	vld [tilespmem:$0x192F0];
	_ =	sdelay $0x7  }
0x384: {  	v1 =	vld.idx.msk [tilespmem:v1+s4+$0x0], $0xffff;
	_ =	sdelay $0x3  }
0x385: {  	s21 =	rddreg [dreg:$0x1c]  }
0x386: {  	s23 =	rddreg [dreg:$0x1d];
	[tilespmem:s14+$0x1B2F0] =	vst v1  }
0x387: {  	[spmem:s1] =	stream.indirect.scatter.add.f32 [tilespmem:s21], [sflag:$0x2], $0x1, s23, s26, $0xb8;
	[tilespmem:$0x1F980] =	vst v63  }
0x388: {  	_ = 	snop  }
0x389: {  	[spmem:s3] =	stream.indirect.scatter.add.f32 [tilespmem:s30], [sflag:$0x2], $0x1, s23, s26, $0xb8;
	[tilespmem:$0x1F980] =	vst v63  }
0x38a: {  	v1 =	vld [tilespmem:$0x19300];
	_ =	sdelay $0x7  }
0x38b: {  	v1 =	vld.idx.msk [tilespmem:v1+s4+$0x0], $0xffff;
	_ =	sdelay $0x3  }
0x38c: {  	s24 =	rddreg [dreg:$0x1e]  }
0x38d: {  	[tilespmem:s24+$0x1B000] =	vst v1  }
0x38e: {  	v1 =	vld [tilespmem:$0x19310];
	_ =	sdelay $0x7  }
0x38f: {  	v1 =	vld.idx.msk [tilespmem:v1+s4+$0x0], $0xffff;
	_ =	sdelay $0x4  }
0x390: {  	[tilespmem:s14+$0x1B310] =	vst v1  }
0x391: {  	v1 =	vld [tilespmem:$0x19320];
	_ =	sdelay $0x7  }
0x392: {  	v1 =	vld.idx.msk [tilespmem:v1+s4+$0x0], $0xffff;
	_ =	sdelay $0x4  }
0x393: {  	[tilespmem:s14+$0x1B320] =	vst v1  }
0x394: {  	v1 =	vld [tilespmem:$0x19330];
	_ =	sdelay $0x7  }
0x395: {  	v1 =	vld.idx.msk [tilespmem:v1+s4+$0x0], $0xffff;
	_ =	sdelay $0x4  }
0x396: {  	[tilespmem:s14+$0x1B330] =	vst v1  }
0x397: {  	v1 =	vld [tilespmem:$0x19340];
	_ =	sdelay $0x7  }
0x398: {  	v1 =	vld.idx.msk [tilespmem:v1+s4+$0x0], $0xffff;
	_ =	sdelay $0x4  }
0x399: {  	[tilespmem:s14+$0x1B340] =	vst v1  }
0x39a: {  	v1 =	vld [tilespmem:$0x19350];
	_ =	sdelay $0x7  }
0x39b: {  	v1 =	vld.idx.msk [tilespmem:v1+s4+$0x0], $0xffff;
	_ =	sdelay $0x4  }
0x39c: {  	[tilespmem:s14+$0x1B350] =	vst v1  }
0x39d: {  	v1 =	vld [tilespmem:$0x19360];
	_ =	sdelay $0x7  }
0x39e: {  	v1 =	vld.idx.msk [tilespmem:v1+s4+$0x0], $0xffff;
	_ =	sdelay $0x4  }
0x39f: {  	[tilespmem:s14+$0x1B360] =	vst v1  }
0x3a0: {  	v1 =	vld [tilespmem:$0x19370];
	_ =	sdelay $0x7  }
0x3a1: {  	v1 =	vld.idx.msk [tilespmem:v1+s4+$0x0], $0xffff;
	_ =	sdelay $0x2  }
0x3a2: {  	s28 =	sld [smem:$0x7FB];
	_ =	sdelay $0x1  }
0x3a3: {  	s25 =	rddreg [dreg:$0x1f];
	[tilespmem:s14+$0x1B370] =	vst v1  }
0x3a4: {  	[spmem:s1] =	stream.indirect.scatter.add.f32 [tilespmem:s25], [sflag:$0x2], $0x1, s28, s26, $0xb8;
	[tilespmem:$0x1F980] =	vst v63  }
0x3a5: {  	_ = 	snop  }
0x3a6: {  	[spmem:s3] =	stream.indirect.scatter.add.f32 [tilespmem:s30], [sflag:$0x2], $0x1, s28, s26, $0xb8;
	[tilespmem:$0x1F980] =	vst v63  }
0x3a7: {  	v1 =	vld [tilespmem:$0x19380];
	_ =	sdelay $0x7  }
0x3a8: {  	v1 =	vld.idx.msk [tilespmem:v1+s4+$0x0], $0xffff;
	_ =	sdelay $0x1  }
0x3a9: {  	s29 =	sld [smem:$0x7FC];
	_ =	sdelay $0x2  }
0x3aa: {  	[tilespmem:s29+$0x1B000] =	vst v1  }
0x3ab: {  	v1 =	vld [tilespmem:$0x19390];
	_ =	sdelay $0x7  }
0x3ac: {  	v1 =	vld.idx.msk [tilespmem:v1+s4+$0x0], $0xffff;
	_ =	sdelay $0x4  }
0x3ad: {  	[tilespmem:s14+$0x1B390] =	vst v1  }
0x3ae: {  	v1 =	vld [tilespmem:$0x193A0];
	_ =	sdelay $0x7  }
0x3af: {  	v1 =	vld.idx.msk [tilespmem:v1+s4+$0x0], $0xffff;
	_ =	sdelay $0x4  }
0x3b0: {  	[tilespmem:s14+$0x1B3A0] =	vst v1  }
0x3b1: {  	v1 =	vld [tilespmem:$0x193B0];
	_ =	sdelay $0x7  }
0x3b2: {  	v1 =	vld.idx.msk [tilespmem:v1+s4+$0x0], $0xffff;
	_ =	sdelay $0x4  }
0x3b3: {  	[tilespmem:s14+$0x1B3B0] =	vst v1  }
0x3b4: {  	v1 =	vld [tilespmem:$0x193C0];
	_ =	sdelay $0x7  }
0x3b5: {  	v1 =	vld.idx.msk [tilespmem:v1+s4+$0x0], $0xffff;
	_ =	sdelay $0x4  }
0x3b6: {  	[tilespmem:s14+$0x1B3C0] =	vst v1  }
0x3b7: {  	v1 =	vld [tilespmem:$0x193D0];
	_ =	sdelay $0x7  }
0x3b8: {  	v1 =	vld.idx.msk [tilespmem:v1+s4+$0x0], $0xffff;
	_ =	sdelay $0x4  }
0x3b9: {  	[tilespmem:s14+$0x1B3D0] =	vst v1  }
0x3ba: {  	v1 =	vld [tilespmem:$0x193E0];
	_ =	sdelay $0x7  }
0x3bb: {  	v1 =	vld.idx.msk [tilespmem:v1+s4+$0x0], $0xffff;
	_ =	sdelay $0x4  }
0x3bc: {  	[tilespmem:s14+$0x1B3E0] =	vst v1  }
0x3bd: {  	v1 =	vld [tilespmem:$0x193F0];
	_ =	sdelay $0x7  }
0x3be: {  	v1 =	vld.idx.msk [tilespmem:v1+s4+$0x0], $0xffff;
	_ =	sdelay $0x2  }
0x3bf: {  	s31 =	sld [smem:$0x7FD]  }
.Ltmp6:
0x3c0: {  	_ = 	snop;
	(pc) =	sbr.rel .LBB2_9-.Ltmp6, $4  }
0x3c1: {  	[tilespmem:s14+$0x1B3F0] =	vst v1  }
0x3c2: {  	[spmem:s1] =	stream.indirect.scatter.add.f32 [tilespmem:s31], [sflag:$0x2], $0x1, s15, s26, $0xb8;
	[tilespmem:$0x1F980] =	vst v63  }
0x3c3: {  	_ = 	snop  }
0x3c4: {  	[spmem:s3] =	stream.indirect.scatter.add.f32 [tilespmem:s30], [sflag:$0x2], $0x1, s15, s26, $0xb8;
	[tilespmem:$0x1F980] =	vst v63  }
.LBB2_10:
0x3c5: {  	_ =	sfence.sel $0x180000  }
0x3c6: {  	[bflag:$0x0] =	sbarrier.arrive $0xFFFF  }
0x3c7: {  	_ =	strace $0x9000004A  }
0x3c8: {  	s0 =	stileid.u32;
	[bflag:$0x2] =	sbarrier.arrive $0xFFFF  }
0x3c9: {  	p0 =	sne.s32 s0, $0x0;
	s0 =	rddreg [dreg:$0x3]  }
0x3ca: {  	s0 =	sadd.s32 @!p0 $0x100000, s0  }
0x3cb: {  	[sflag:s0] =	ssyncadd.tile.s32 @!p0 $0x1;
	_ =	shalt  }
.Lfunc_end2:
_tile_overlayer_lowered:
.L_overlay_start_2:
0x3cc: {  	(tag) =	ssettag $0x2  }
0x3cd: {  	s0 =	rddreg [dreg:$0x0];
	s2 =	stileid.u32  }
0x3ce: {  	s1 =	rddreg [dreg:$0x1];
	p0 =	sne.s32 s2, $0x0  }
0x3cf: {  	s3 =	rddreg [dreg:$0x2];
	[bflag:$0x3] =	sbarrier.arrive $0xFFFF;
	s2 =	simm.s32 @!p0 $0x1C03  }
0x3d0: {  	[timem:s3], [sflag:s2] =	dma.local @!p0 [hbm:s0], s1  }
0x3d1: {  	s0 =	simm.s32 @!p0 $0x3  }
0x3d2: {  	_ =	swait.ge @!p0 [sflag:s0], s1  }
0x3d3: {  	s1 =	ssub.s32 @!p0 $0x0, s1;
	[sflag:s0] =	ssyncset.done @!p0 $0x0  }
0x3d4: {  	[sflag:s0] =	ssyncadd.s32 @!p0 s1  }
0x3d5: {  	[bflag:$0x3] =	sbarrier.arrive $0xFFFF  }
0x3d6: {  	_ =	shalt  }

// kernel: sparse-core-data-format-call.cloned.1.call-start
scs
called_computation_lowered:
.L_overlay_start_0:
0x0: {  	s2 =	sld [smem:$0x3FD9]  }
0x1: {  	s3 =	sld [smem:$0x3FFE];
	_ =	sdelay $0x1  }
0x2: {  	s1 =	srdreg.scid  }
0x3: {  	s0 =	sand.u32 $0x1, s1  }
0x4: {  	s18 =	sshll.u32 s0, $0xA;
	s2 =	sadd.s32 s3, s2  }
0x5: {  	s2 =	sadd.s32 s2, s18  }
0x6: {  	[smem:$0x3FC1] =	sst s2  }
0x7: {  	_ = 	snop  }
0x8: {  	s2 =	sld [smem:$0x3FC8];
	(tm) =	ssettm $0x1  }
0x9: {  	s19 =	sld [smem:$0x3FFB];
	_ =	sdelay $0x3  }
0xa: {  	_ =	strace s19  }
0xb: {  	s3 =	sld [smem:$0x3FFC];
	_ =	sdelay $0x3  }
0xc: {  	_ =	strace s3  }
0xd: {  	s3 =	sld [smem:$0x3FFD];
	_ =	sdelay $0x3  }
0xe: {  	_ =	strace s3  }
0xf: {  	_ =	strace $0x8FFFFFFF  }
0x10: {  	s20 =	sld [smem:$0x3FDB];
	_ =	sdelay $0x1  }
0x11: {  	s4 =	simm.s32 $_scs_section_size  }
0x12: {  	s5 =	simm.s32 $_size__tile_overlayer_lowered;
	s6 =	simm.s32 $_tile_overlayer_lowered  }
0x13: {  	s23 =	simm.s32 $0x1BFF;
	s22 =	sshll.u32 s6, $0x1;
	s3 =	sadd.s32 s4, s20  }
0x14: {  	s7 =	simm.s32 $0x0;
	s21 =	sshll.u32 s5, $0x1;
	s5 =	sadd.s32 s22, s3  }
0x15: {  	[timem:s7], [sflag:s23] =	dma.local [hbm:s5], s21  }
0x16: {  	_ =	swait.ge [sflag:s23], s21  }
0x17: {  	s4 =	ssub.s32 $0x0, s21;
	[sflag:s23] =	ssyncset.done $0x0  }
0x18: {  	[sflag:s23] =	ssyncadd.s32 s4;
	_ =	sdelay $0x1  }
0x19: {  	s24 =	simm.s32 $0x1B8B  }
0x1a: {  	_ =	swait.ge [sflag:s24], $0x1  }
0x1b: {  	[sflag:s24] =	ssyncset.done $0x0  }
0x1c: {  	s26 =	simm.s32 $0x1B8E;
	s25 =	sld [smem:$0x3FFE];
	[sflag:s24] =	ssyncadd.s32 $0xFFFFFFFF  }
0x1d: {  	s27 =	simm.s32 $execute0_lowered;
	[smem:$0x3FD2] =	sst s26  }
0x1e: {  	s5 =	sshll.u32 s27, $0x1;
	_ =	strace $0x80000046;
	[dreg:$0x1] =	wrdreg $0xFFFFFFFF  }
0x1f: {  	s28 =	simm.s32 $_size_execute0_lowered;
	s3 =	sadd.s32 s3, s5;
	[dreg:$0x0] =	wrdreg $0x0  }
0x20: {  	s5 =	sshll.u32 s28, $0x1;
	[dreg:$0x2] =	wrdreg s3  }
0x21: {  	[dreg:$0x3] =	wrdreg s5  }
0x22: {  	[dreg:$0x4] =	wrdreg $0xC0  }
0x23: {  	_ =	task [dreg:s7], $0x5FFFF  }
0x24: {  	[dreg:$0x1] =	wrdreg $0xFFFFFFFF  }
0x25: {  	[dreg:$0x0] =	wrdreg $0x60  }
0x26: {  	[dreg:$0x2] =	wrdreg s2  }
0x27: {  	[dreg:$0x3] =	wrdreg s25  }
0x28: {  	[dreg:$0x4] =	wrdreg $0x9  }
0x29: {  	_ =	task.clear_ibuf [dreg:s7], $0x5FFFF;
	_ =	strace $0x90000046  }
0x2a: {  	s29 =	simm.s32 $0x9;
	_ =	strace $0x80000048  }
0x2b: {  	_ =	swait.ge [sflag:s29], $0x1  }
0x2c: {  	[sflag:s29] =	ssyncadd.s32 $0xFFFFFFFF  }
0x2d: {  	_ =	strace $0x90000048  }
0x2e: {  	_ =	sfence  }
0x2f: {  	s30 =	sld [smem:$0x0];
	_ =	sdelay $0x2  }
0x30: {  	s31 =	sshll.u32 s1, $0xD;
	s1 =	sshrl.u32 s1, $0x2  }
0x31: {  	s3 =	sand.u32 $0x4000, s31;
	s1 =	sadd.s32 s1, s30  }
0x32: {  	s0 =	sor.u32 s3, s0;
	s1 =	sshll.u32 s1, $0x11  }
0x33: {  	s0 =	sor.u32 s1, s0  }
0x34: {  	s0 =	sadd.s32 $0x8F2B, s0  }
0x35: {  	[sflag:s0] =	ssyncadd.remote.s32 $0x1  }
0x36: {  	_ =	sfence.sel $0xFFFF  }
0x37: {  	[dreg:$0x0] =	wrdreg $0xFFFFFFFF;
	(pc) =	sbr.abs _section_cstart, $3  }
0x38: {  	[dreg:$0x1] =	wrdreg $0xFFFFFFFF  }
0x39: {  	_ =	task.clear_ibuf [dreg:s7], $0x2FFFF;
	_ =	strace $0x9FFFFFFF  }
0x3a: {  	(tm) =	ssettm $0x7FFFFFFF  }
0x3b: {  	_ =	shalt  }
tec
execute0_lowered:
.L_overlay_start_1:
0x0: {  	(tag) =	ssettag $0x1  }
0x1: {  	s0 =	stileid.u32;
	s7 =	rddreg [dreg:$0x0]  }
0x2: {  	s1 =	srdreg.scid;
	s4 =	rddreg [dreg:$0x1]  }
0x3: {  	s30 =	simm.s32 $0x2;
	s10 =	simm.s32 $0x0;
	s14 =	simm.s32 $0x0  }
0x4: {  	s15 =	simm.s32 $0x0;
	s11 =	simm.s32 $0x0;
	s13 =	simm.s32 $0x0  }
0x5: {  	s2 =	sand.u32 $0x1, s1;
	s3 =	sshll.u32 s0, $0x7;
	s1 =	rddreg [dreg:$0x2]  }
0x6: {  	_ =	strace $0x80000047;
	s5 =	ssub.s32 $0xC300, s3;
	s6 =	ssub.s32 $0x2, s2  }
.Ltmp0:
0x7: {  	s5 =	sshrl.u32 s5, $0xB;
	s8 =	sshrl.u32 s6, $0x1;
	(pc) =	sbr.rel .LBB1_1-.Ltmp0, $4  }
0x8: {  	s4 =	sadd.s32 $0x1400, s4;
	s9 =	sadd.s32 $0x1, s5;
	s6 =	ssub.s32 s6, s8  }
0x9: {  	s31 =	sshll.u32 s2, $0x4;
	s5 =	simm.s32 $0x1;
	s6 =	smul.u32 s9, s6  }
0xa: {  	s12 =	smov.u32 s3;
	s7 =	sadd.s32 s7, s31;
	[sflag:s5] =	ssyncpa.u1 $0x0  }
0xb: {  	s9 =	simm.s32 $0x0;
	[sflag:s30] =	ssyncpa.u1 $0x0;
	s8 =	sadd.s32 $0x1, s6  }
.LBB1_4:
0xc: {  	s21 =	simm.s32 $0x0  }
.LBB1_8:
0xd: {  	_ =	sdelay $0x3  }
0xe: {  	v6 =	vld [tilespmem:s18+$0xFFFFFFC0];
	[tilespmem:v0+s20+$0x30 ss:$0x1] =	vst.idx.msk @p0 $0xffff, v2  }
0xf: {  	v58 =	vld [tilespmem:s18+$0xFFFFFFD0];
	[tilespmem:v0+s20+$0x40 ss:$0x1] =	vst.idx.msk @p0 $0xffff, v3;
	s21 =	sadd.s32 @p0 $0x80, s21  }
0x10: {  	v59 =	vld [tilespmem:s18+$0xFFFFFFE0];
	[tilespmem:v0+s20+$0x50 ss:$0x1] =	vst.idx.msk @p0 $0xffff, v5;
	s19 =	smov.u32 @p0 s21  }
0x11: {  	v60 =	vld [tilespmem:s18+$0xFFFFFFF0];
	[tilespmem:v0+s20+$0x60 ss:$0x1] =	vst.idx.msk @p0 $0xffff, v4;
	s19 =	sand.u32 $0x3F80, s19  }
0x12: {  	v61 =	vld [tilespmem:s18+$0x0];
	[tilespmem:v0+s19+$0x70 ss:$0x1] =	vst.idx.msk $0xffff, v1  }
0x13: {  	v62 =	vld [tilespmem:s18+$0x10];
	[tilespmem:v0+s19+$0x0 ss:$0x1] =	vst.idx.msk $0xffff, v6  }
0x14: {  	v63 =	vld [tilespmem:s18+$0x20];
	[tilespmem:v0+s19+$0x10 ss:$0x1] =	vst.idx.msk $0xffff, v58  }
0x15: {  	[tilespmem:v0+s19+$0x20 ss:$0x1] =	vst.idx.msk $0xffff, v59  }
0x16: {  	[tilespmem:v0+s19+$0x30 ss:$0x1] =	vst.idx.msk $0xffff, v60  }
0x17: {  	[tilespmem:v0+s19+$0x40 ss:$0x1] =	vst.idx.msk $0xffff, v61  }
0x18: {  	[tilespmem:v0+s19+$0x50 ss:$0x1] =	vst.idx.msk $0xffff, v62  }
0x19: {  	[tilespmem:v0+s19+$0x60 ss:$0x1] =	vst.idx.msk $0xffff, v63  }
.LBB1_9:
0x1a: {  	s18 =	sand.u32 $0x1FFFFFF, s11  }
0x1b: {  	s19 =	smulhi.u32 $0x14F8B59, s18;
	_ =	sdelay $0x1  }
0x1c: {  	s19 =	sshrl.u32 s19, $0x8  }
0x1d: {  	s19 =	smul.u32 $0xC350, s19  }
0x1e: {  	s15 =	smul.u32 $0xC3500, s15  }
0x1f: {  	s18 =	ssub.s32 s18, s19  }
0x20: {  	s15 =	sadd.s32 s4, s15;
	s18 =	sshll.u32 s18, $0x4  }
0x21: {  	s15 =	sadd.s32 s18, s15  }
0x22: {  	[hbm4b:s15+s9] =	stream.linear.scatter [tilespmem:s17], [sflag:$0x2], s16, $0x38;
	[tilespmem:$0x10000] =	vst v63  }
.LBB1_10:
0x23: {  	p0 =	slt.u32 s13, $0x2  }
0x24: {  	p1 =	sgt.s32 @!p0 s14, $0xC2D0  }
0x25: {  	s15 =	smov.u32 s14;
	s16 =	sshra.s32 @!p0 s14, $0x1F;
	p1 =	por !p1, p0  }
0x26: {  	s14 =	sand.u32 @!p0 s16, s14;
	s15 =	simm.s32 @p1 $0xC2D0  }
0x27: {  	s14 =	ssub.s32 @!p0 s15, s14  }
0x28: {  	s14 =	sadd.s32 @!p0 $0xFFFF3D30, s14  }
0x29: {  	s15 =	sshll.u32 @!p0 s14, $0x7  }
0x2a: {  	p1 =	sgt.s32 @!p0 s14, $0x7F;
	s14 =	ssub.s32 @!p0 $0x4000, s15  }
0x2b: {  	s16 =	sadd.s32 $0x800, s12;
	p1 =	por !p1, p0;
	s14 =	sand.u32 @!p0 $0x3FFFFF80, s14  }
0x2c: {  	s14 =	simm.s32 @!p1 $0x0;
	p1 =	sgt.s32 s16, $0xC34F  }
0x2d: {  	s16 =	smov.u32 @p1 s3;
	p1 =	sne.s32 s13, s8  }
.Ltmp1:
0x2e: {  	_ = 	snop;
	(pc) =	sbr.rel @!p1 .LBB1_11-.Ltmp1, $4  }
0x2f: {  	s10 =	sadd.s32 $0x4000, s10;
	s15 =	simm.s32 @!p0 $0x2  }
0x30: {  	_ =	swait.ge @!p0 [sflag:s15], s14;
	s17 =	ssub.s32 @!p0 $0x0, s14;
	s14 =	smov.u32 s11  }
0x31: {  	s13 =	sadd.s32 $0x1, s13;
	s11 =	smov.u32 s12;
	[sflag:s15] =	ssyncset.done @!p0 $0x0  }
0x32: {  	s12 =	smov.u32 s16;
	[sflag:s15] =	ssyncadd.s32 @!p0 s17;
	s15 =	smov.u32 s2  }
.LBB1_1:
0x33: {  	p0 =	sge.u32 s13, s6  }
0x34: {  	p1 =	sgt.s32 @!p0 s12, $0xC2D0  }
0x35: {  	s16 =	smov.u32 s12;
	s17 =	sshra.s32 @!p0 s12, $0x1F;
	p1 =	por !p1, p0  }
0x36: {  	s17 =	sand.u32 @!p0 s17, s12;
	s16 =	simm.s32 @p1 $0xC2D0  }
0x37: {  	s16 =	ssub.s32 @!p0 s16, s17  }
0x38: {  	s31 =	sadd.s32 $0xFFFFFFFF, s13;
	s18 =	sxor.u32 @!p0 $0xFFFFFFFF, s13;
	s16 =	sadd.s32 @!p0 $0xFFFF3D30, s16  }
0x39: {  	s19 =	simm.s32 @!p0 $0x80;
	s20 =	simm.s32 @!p0 $0x100;
	s17 =	sshll.u32 @!p0 s16, $0x7  }
0x3a: {  	p1 =	sgt.s32 @!p0 s16, $0x7F;
	s16 =	ssub.s32 @!p0 $0x4000, s17;
	s17 =	sshll.u32 @!p0 s18, $0xE  }
0x3b: {  	p1 =	por !p1, p0;
	s18 =	sshll.u32 @!p0 s12, $0x5;
	s16 =	sand.u32 @!p0 $0x3FFFFF80, s16  }
0x3c: {  	s17 =	sand.u32 @!p0 $0x4000, s17;
	s18 =	sadd.s32 @!p0 s18, s7;
	s16 =	simm.s32 @!p1 $0x0  }
0x3d: {  	[tilespmem:s17], [sflag:$0x1] =	stream.strided.gather @!p0 [hbm4b:s18+s19], s16, s20, s19, $0x38;
	[tilespmem:$0x10000] =	vst v63  }
0x3e: {  	p0 =	sge.u32 s31, s6  }
.Ltmp2:
0x3f: {  	_ = 	snop;
	(pc) =	sbr.rel @p0 .LBB1_10-.Ltmp2, $1  }
0x40: {  	_ =	sdelay $0x3  }
0x41: {  	p0 =	sgt.s32 s11, $0xC2D0;
	s16 =	smov.u32 s11;
	s17 =	sshra.s32 s11, $0x1F  }
0x42: {  	s16 =	simm.s32 @!p0 $0xC2D0;
	s17 =	sand.u32 s17, s11  }
0x43: {  	s16 =	ssub.s32 s16, s17  }
0x44: {  	s16 =	sadd.s32 $0xFFFF3D30, s16  }
0x45: {  	s30 =	sshll.u32 s16, $0x7  }
0x46: {  	s17 =	ssub.s32 $0x4000, s30  }
0x47: {  	p0 =	sgt.s32 s16, $0x7F;
	s16 =	sand.u32 $0x3FFFFF80, s17;
	s17 =	sadd.s32 $0x80, s11  }
0x48: {  	s16 =	simm.s32 @p0 $0x0;
	p0 =	slt.s32 s17, $0xC350  }
0x49: {  	s17 =	simm.s32 @!p0 $0xC350  }
0x4a: {  	s20 =	ssub.s32 s17, s11  }
0x4b: {  	p0 =	slt.s32 s20, $0x1  }
.Ltmp3:
0x4c: {  	_ = 	snop;
	(pc) =	sbr.rel @p0 .LBB1_9-.Ltmp3, $4  }
0x4d: {  	_ = 	snop  }
0x4e: {  	s19 =	sshll.u32 s13, $0xE;
	_ =	swait.ge [sflag:s5], s16  }
0x4f: {  	s31 =	sand.u32 $0x4000, s19;
	s18 =	ssub.s32 $0x0, s16;
	[sflag:s5] =	ssyncset.done $0x0  }
0x50: {  	s17 =	sor.u32 $0x8000, s31;
	[sflag:s5] =	ssyncadd.s32 s18  }
0x51: {  	p1 =	sne.s32 s20, $0x1  }
.Ltmp4:
0x52: {  	v0 =	vmov s17;
	(pc) =	sbr.rel @!p1 .LBB1_4-.Ltmp4, $4  }
0x53: {  	_ = 	snop  }
0x54: {  	s18 =	sand.u32 $0x4000, s10  }
0x55: {  	s18 =	sor.u32 $0x40, s18  }
0x56: {  	s19 =	simm.s32 $0x0;
	s21 =	sadd.s32 $0xFFFFFFFF, s20;
	p0 =	por $0x0, $0x0;
	v1 =	vld [tilespmem:s18+$0x30]  }
0x57: {  	v4 =	vld [tilespmem:s18+$0xFFFFFFC0]  }
0x58: {  	v6 =	vld [tilespmem:s18+$0xFFFFFFD0]  }
0x59: {  	v7 =	vld [tilespmem:s18+$0xFFFFFFE0];
	p1 =	sne.s32 s21, $0x1  }
.Ltmp5:
0x5a: {  	v2 =	vld [tilespmem:s18+$0xFFFFFFF0];
	s20 =	sand.u32 $0x3F80, s19;
	(pc) =	sbr.rel @!p1 .LBB1_6-.Ltmp5, $4  }
0x5b: {  	v3 =	vld [tilespmem:s18+$0x0];
	[tilespmem:v0+s20+$0x70 ss:$0x1] =	vst.idx.msk $0xffff, v1  }
0x5c: {  	v5 =	vld [tilespmem:s18+$0x10];
	[tilespmem:v0+s20+$0x0 ss:$0x1] =	vst.idx.msk $0xffff, v4  }
0x5d: {  	v4 =	vld [tilespmem:s18+$0x20];
	[tilespmem:v0+s20+$0x10 ss:$0x1] =	vst.idx.msk $0xffff, v6;
	s18 =	sadd.s32 $0x80, s18  }
0x5e: {  	s22 =	sadd.s32 $0xFFFFFFFF, s21;
	p0 =	por $0x1, $0x1;
	s21 =	simm.s32 $0x0;
	[tilespmem:v0+s20+$0x20 ss:$0x1] =	vst.idx.msk $0xffff, v7;
	v1 =	vld [tilespmem:s18+$0x30]  }
.LBB1_7:
0x5f: {  	p1 =	sne.s32 s22, $0x1;
	v6 =	vld [tilespmem:s18+$0xFFFFFFC0];
	[tilespmem:v0+s20+$0x30 ss:$0x1] =	vst.idx.msk $0xffff, v2  }
0x60: {  	v7 =	vld [tilespmem:s18+$0xFFFFFFD0];
	[tilespmem:v0+s20+$0x40 ss:$0x1] =	vst.idx.msk $0xffff, v3  }
0x61: {  	s21 =	sadd.s32 $0x80, s21;
	v8 =	vld [tilespmem:s18+$0xFFFFFFE0];
	[tilespmem:v0+s20+$0x50 ss:$0x1] =	vst.idx.msk $0xffff, v5  }
.Ltmp6:
0x62: {  	v2 =	vld [tilespmem:s18+$0xFFFFFFF0];
	[tilespmem:v0+s20+$0x60 ss:$0x1] =	vst.idx.msk $0xffff, v4;
	s20 =	sand.u32 $0x3F80, s21;
	(pc) =	sbr.rel @p1 .LBB1_7-.Ltmp6, $4  }
0x63: {  	v3 =	vld [tilespmem:s18+$0x0];
	[tilespmem:v0+s20+$0x70 ss:$0x1] =	vst.idx.msk $0xffff, v1  }
0x64: {  	[tilespmem:v0+s20+$0x0 ss:$0x1] =	vst.idx.msk $0xffff, v6;
	v5 =	vld [tilespmem:s18+$0x10]  }
0x65: {  	[tilespmem:v0+s20+$0x10 ss:$0x1] =	vst.idx.msk $0xffff, v7;
	v4 =	vld [tilespmem:s18+$0x20];
	s18 =	sadd.s32 $0x80, s18  }
0x66: {  	s22 =	sadd.s32 $0xFFFFFFFF, s22;
	v1 =	vld [tilespmem:s18+$0x30];
	[tilespmem:v0+s20+$0x20 ss:$0x1] =	vst.idx.msk $0xffff, v8  }
.Ltmp7:
0x67: {  	_ = 	snop;
	(pc) =	sbr.rel .LBB1_8-.Ltmp7, $1  }
0x68: {  	_ =	sdelay $0x3  }
.LBB1_6:
.Ltmp8:
0x69: {  	(pc) =	sbr.rel .LBB1_8-.Ltmp8, $2  }
0x6a: {  	_ =	sdelay $0x2  }
0x6b: {  	s21 =	simm.s32 $0x0  }
.LBB1_11:
0x6c: {  	_ =	sfence.sel $0x180000  }
0x6d: {  	s2 =	simm.s32 $0x1;
	[bflag:$0x0] =	sbarrier.arrive $0xFFFF  }
0x6e: {  	s31 =	simm.s32 $0x2;
	[sflag:s2] =	ssyncpa.u1 $0x1  }
0x6f: {  	[sflag:s31] =	ssyncpa.u1 $0x1  }
0x70: {  	p0 =	sne.s32 s0, $0x0;
	_ =	strace $0x90000047  }
0x71: {  	s0 =	sadd.s32 @!p0 $0x100000, s1;
	[bflag:$0x2] =	sbarrier.arrive $0xFFFF  }
0x72: {  	[sflag:s0] =	ssyncadd.tile.s32 @!p0 $0x1;
	_ =	shalt  }
.Lfunc_end1:
_tile_overlayer_lowered:
.L_overlay_start_2:
0x73: {  	(tag) =	ssettag $0x2  }
0x74: {  	s0 =	rddreg [dreg:$0x0];
	s2 =	stileid.u32  }
0x75: {  	s1 =	rddreg [dreg:$0x1];
	p0 =	sne.s32 s2, $0x0  }
0x76: {  	s3 =	rddreg [dreg:$0x2];
	[bflag:$0x3] =	sbarrier.arrive $0xFFFF;
	s2 =	simm.s32 @!p0 $0x1C01  }
0x77: {  	[timem:s3], [sflag:s2] =	dma.local @!p0 [hbm:s0], s1  }
0x78: {  	s0 =	simm.s32 @!p0 $0x1  }
0x79: {  	_ =	swait.ge @!p0 [sflag:s0], s1  }
0x7a: {  	s1 =	ssub.s32 @!p0 $0x0, s1;
	[sflag:s0] =	ssyncset.done @!p0 $0x0  }
0x7b: {  	[sflag:s0] =	ssyncadd.s32 @!p0 s1  }
0x7c: {  	[bflag:$0x3] =	sbarrier.arrive $0xFFFF  }
0x7d: {  	_ =	shalt  }

</sc_bundles>
